<compile_context>
chip_gen: v7x
topology: tpu7x:2x2x1
jax: 0.10.2.dev20260603
libtpu: 0.0.44.dev20260713+nightly
codegen_flags: <defaults>
</compile_context>

<pallas_src>
import jax
import jax.numpy as jnp
from jax import lax
from jax.experimental import pallas as pl
from jax.experimental.pallas import tpu as pltpu
from jax.experimental.pallas import tpu_sc as plsc

N = 10000
E = 320000
D_IN = 128
D_H = 128
D_OUT = 64

NC = 2
NS = 16
NW = NC * NS
CHUNK = 128
IDX_ROWS = (E + CHUNK - 1) // CHUNK
IDX_ROWS_PAD = ((IDX_ROWS + 8 * NW - 1) // (8 * NW)) * (8 * NW)
E_PAD = IDX_ROWS_PAD * CHUNK
R_PER_W = IDX_ROWS_PAD // NW
IDX_BLK = 16
N_PAD = 10240
ROWS_PER_TILE = N_PAD // NS


def _make_seg_sum(d, gather, untiled=False):
    out_type = [jax.ShapeDtypeStruct((NC * N_PAD, d), jnp.float32)]

    scratch = [
        pltpu.VMEM((IDX_BLK, CHUNK), jnp.int32),
        pltpu.VMEM((IDX_BLK, CHUNK), jnp.int32),
        pltpu.VMEM((CHUNK, d), jnp.float32),
        pltpu.VMEM((CHUNK, d), jnp.float32),
        pltpu.VMEM_SHARED((N_PAD, d), jnp.float32),
        pltpu.SemaphoreType.DMA,
        pltpu.SemaphoreType.DMA,
    ]

    def body(x_hbm, src_hbm, dst_hbm, z_hbm, out_hbm,
             srcv, dstv, rows, rows1, acc_sh, sem, ssem):
        c = lax.axis_index("c")
        s = lax.axis_index("s")
        w = s * NC + c

        pltpu.sync_copy(z_hbm, rows)

        def zero_body(k, carry):
            r0 = s * ROWS_PER_TILE + k * CHUNK
            pltpu.sync_copy(rows, acc_sh.at[pl.ds(r0, CHUNK)])
            return carry
        lax.fori_loop(0, ROWS_PER_TILE // CHUNK, zero_body, 0)
        plsc.subcore_barrier()

        if not gather:
            pltpu.sync_copy(x_hbm, rows)

        bufs = (rows, rows1)

        def blk_body(b, carry):
            r0 = w * R_PER_W + b * IDX_BLK
            if gather:
                pltpu.sync_copy(src_hbm.at[pl.ds(r0, IDX_BLK)], srcv)
            pltpu.sync_copy(dst_hbm.at[pl.ds(r0, IDX_BLK)], dstv)

            if gather:
                scat = []
                for j in range(IDX_BLK):
                    buf = bufs[j % 2]
                    if j >= 2:
                        scat[j - 2].wait()
                    pltpu.async_copy(x_hbm.at[srcv.at[j]], buf, sem).wait()
                    scat.append(pltpu.async_copy(
                        buf, acc_sh.at[dstv.at[j]], ssem, add=True))
                scat[IDX_BLK - 2].wait()
                scat[IDX_BLK - 1].wait()
            else:
                for j in range(IDX_BLK):
                    pltpu.sync_copy(rows, acc_sh.at[dstv.at[j]], add=True)
            return carry
        lax.fori_loop(0, R_PER_W // IDX_BLK, blk_body, 0)
        plsc.subcore_barrier()

        def out_body(k, carry):
            r0 = s * ROWS_PER_TILE + k * CHUNK
            pltpu.sync_copy(acc_sh.at[pl.ds(r0, CHUNK)], rows)
            pltpu.sync_copy(rows, out_hbm.at[pl.ds(c * N_PAD + r0, CHUNK)])
            return carry
        lax.fori_loop(0, ROWS_PER_TILE // CHUNK, out_body, 0)

    def call(*args):
        mesh = plsc.VectorSubcoreMesh(
            core_axis_name="c", subcore_axis_name="s",
            num_cores=NC, num_subcores=NS,
        )
        params = (pltpu.CompilerParams(use_tc_tiling_on_sc=False)
                  if untiled else None)
        return pl.kernel(
            body, out_type=out_type, mesh=mesh, scratch_types=scratch,
            compiler_params=params,
        )(*args)

    return call


_seg_sum = _make_seg_sum(D_IN, gather=True, untiled=True)
_seg_sum_64 = _make_seg_sum(D_OUT, gather=True, untiled=True)
_seg_deg = _make_seg_sum(D_OUT, gather=False, untiled=True)

ROW_BLK = 2000
GRID = N // ROW_BLK


def _tc1_body(x_ref, agg_ref, deg_ref, w1t_ref, b1_ref, w2t_ref, p_ref):
    agg = agg_ref[0] + agg_ref[1] + x_ref[...]
    deg = deg_ref[0, :, 0:1] + deg_ref[1, :, 0:1]
    hn = agg * (1.0 / (deg + 1.0))
    h = jnp.dot(hn, w1t_ref[...], preferred_element_type=jnp.float32)
    h = h + b1_ref[...]
    h = jnp.where(h >= 0.0, h, 0.01 * h)
    p_ref[...] = jnp.dot(h, w2t_ref[...], preferred_element_type=jnp.float32)


def _tc2_body(p_ref, agg_ref, deg_ref, b2_ref, o_ref):
    agg = agg_ref[0] + agg_ref[1] + p_ref[...]
    deg = deg_ref[0, :, 0:1] + deg_ref[1, :, 0:1]
    o_ref[...] = agg * (1.0 / (deg + 1.0)) + b2_ref[...]


_tc1 = pl.pallas_call(
    _tc1_body,
    grid=(GRID,),
    in_specs=[
        pl.BlockSpec((ROW_BLK, D_IN), lambda i: (i, 0)),
        pl.BlockSpec((NC, ROW_BLK, D_IN), lambda i: (0, i, 0)),
        pl.BlockSpec((NC, ROW_BLK, D_OUT), lambda i: (0, i, 0)),
        pl.BlockSpec((D_IN, D_H), lambda i: (0, 0)),
        pl.BlockSpec((1, D_H), lambda i: (0, 0)),
        pl.BlockSpec((D_H, D_OUT), lambda i: (0, 0)),
    ],
    out_specs=pl.BlockSpec((ROW_BLK, D_OUT), lambda i: (i, 0)),
    out_shape=jax.ShapeDtypeStruct((N, D_OUT), jnp.float32),
)

_tc2 = pl.pallas_call(
    _tc2_body,
    grid=(GRID,),
    in_specs=[
        pl.BlockSpec((ROW_BLK, D_OUT), lambda i: (i, 0)),
        pl.BlockSpec((NC, ROW_BLK, D_OUT), lambda i: (0, i, 0)),
        pl.BlockSpec((NC, ROW_BLK, D_OUT), lambda i: (0, i, 0)),
        pl.BlockSpec((1, D_OUT), lambda i: (0, 0)),
    ],
    out_specs=pl.BlockSpec((ROW_BLK, D_OUT), lambda i: (i, 0)),
    out_shape=jax.ShapeDtypeStruct((N, D_OUT), jnp.float32),
)


def kernel(in_feat, edge_index, W1, b1, W2, b2):
    src = edge_index[0]
    dst = edge_index[1]
    pad = E_PAD - E
    srcp = jnp.concatenate([src, jnp.zeros((pad,), jnp.int32)])
    srcp = srcp.reshape(IDX_ROWS_PAD, CHUNK)
    dstp = jnp.concatenate([dst, jnp.full((pad,), N, jnp.int32)])
    dstp = dstp.reshape(IDX_ROWS_PAD, CHUNK)

    zrows = jnp.zeros((CHUNK, D_IN), jnp.float32)
    ones = jnp.ones((CHUNK, D_IN), jnp.float32)

    (degf,) = _seg_deg(ones[:, :D_OUT], srcp, dstp, zrows[:, :D_OUT])
    degp = degf.reshape(NC, N_PAD, D_OUT)
    (agg1f,) = _seg_sum(in_feat, srcp, dstp, zrows)
    agg1p = agg1f.reshape(NC, N_PAD, D_IN)
    p = _tc1(in_feat, agg1p, degp, W1.T, b1.reshape(1, D_H), W2.T)
    (agg2f,) = _seg_sum_64(p, srcp, dstp, zrows[:, :D_OUT])
    agg2p = agg2f.reshape(NC, N_PAD, D_OUT)
    return _tc2(p, agg2p, degp, b2.reshape(1, D_OUT))

# --- scband reference (transcript-rebuilt; emitter-appended) ---
"""Pipeline reference for scband-gnn-25847113187709 (READ-ONLY COPY).

The authoritative reference and input builder live on the scoring server;
editing this copy changes nothing except your own understanding.
"""

import jax, jax.numpy as jnp
import numpy as np

N = 10000
E = 320000
D_IN = 128
D_H = 128
D_OUT = 64


def setup_inputs(seed: int = 0) -> dict:
    key = jax.random.key(seed)
    k1, k2, k3, k4, k5, k6 = jax.random.split(key, 6)
    x = jax.random.normal(k1, (N, D_IN), dtype=jnp.float32)
    edge_index = jax.random.randint(k2, (2, E), 0, N, dtype=jnp.int32)
    # SAGEConv layer 1 (aggregator 'gcn'): only fc_neigh is used, plus bias
    W1 = jax.random.normal(k3, (D_H, D_IN), dtype=jnp.float32) / np.sqrt(D_IN)
    b1 = jnp.zeros((D_H,), dtype=jnp.float32)
    # SAGEConv layer 2
    W2 = jax.random.normal(k4, (D_OUT, D_H), dtype=jnp.float32) / np.sqrt(D_H)
    b2 = jnp.zeros((D_OUT,), dtype=jnp.float32)
    return {"in_feat": x, "edge_index": edge_index, "W1": W1, "b1": b1, "W2": W2, "b2": b2}


def _sage_gcn(h, src, dst, W, b):
    # DGL SAGEConv with aggregator_type='gcn':
    # h_i = fc_neigh( (sum_{j in N(i)} h_j + h_i) / (in_deg_i + 1) ) + bias
    msg = jnp.take(h, src, axis=0)                      # gather  [E, d]
    agg = jax.ops.segment_sum(msg, dst, num_segments=N) # scatter-add [N, d]
    deg = jax.ops.segment_sum(jnp.ones((src.shape[0],), dtype=h.dtype), dst, num_segments=N)
    h_norm = (agg + h) / (deg[:, None] + 1.0)
    return h_norm @ W.T + b


def reference(in_feat, edge_index, W1, b1, W2, b2):
    src = edge_index[0]
    dst = edge_index[1]
    h = _sage_gcn(in_feat, src, dst, W1, b1)
    h = jax.nn.leaky_relu(h, negative_slope=0.01)
    h = _sage_gcn(h, src, dst, W2, b2)
    return h

if __name__ == "__main__":
    import jax
    _d = setup_inputs()
    print(jax.jit(kernel)(*tuple(_d.values())))

</pallas_src>

<mosaic_0001>
#map = affine_map<(d0, d1) -> (0, 0)>
module attributes {stable_mosaic.version = 14 : i64} {
  func.func @body(%arg0: i32, %arg1: i32, %arg2: memref<128x64xf32, #tpu.memory_space<hbm>>, %arg3: memref<2560x128xi32, #tpu.memory_space<hbm>>, %arg4: memref<2560x128xi32, #tpu.memory_space<hbm>>, %arg5: memref<128x64xf32, #tpu.memory_space<hbm>>, %arg6: memref<20480x64xf32, #tpu.memory_space<hbm>>, %arg7: memref<16x128xi32, #tpu.memory_space<vmem>>, %arg8: memref<16x128xi32, #tpu.memory_space<vmem>>, %arg9: memref<128x64xf32, #tpu.memory_space<vmem>>, %arg10: memref<128x64xf32, #tpu.memory_space<vmem>>, %arg11: memref<10240x64xf32, #tpu.memory_space<vmem_shared>>, %arg12: memref<!tpu.dma_semaphore, #tpu.memory_space<semaphore_mem>>, %arg13: memref<!tpu.dma_semaphore, #tpu.memory_space<semaphore_mem>>) attributes {dimension_semantics = [#tpu.dimension_semantics<core_parallel>, #tpu.dimension_semantics<subcore_parallel>], iteration_bounds = array<i64: 2, 16>, scalar_prefetch = 0 : i64, scratch_operands = 7 : i64, tpu.core_type = #tpu.core_type<sc_vector_subcore>, window_params = [{transform_indices = #map}, {transform_indices = #map}, {transform_indices = #map}, {transform_indices = #map}, {transform_indices = #map}]} {
    %mul3A = arith.constant 2 : i32
    %mul3A_0 = arith.muli %arg1, %mul3A : i32
    %add3A = arith.addi %mul3A_0, %arg0 : i32
    "tpu.region"() ({
      %run_scoped3A = tpu.sem_alloc : memref<!tpu.dma_semaphore, #tpu.memory_space<semaphore_mem>>
      tpu.enqueue_dma source(%arg5 : memref<128x64xf32, #tpu.memory_space<hbm>>) target(%arg9 : memref<128x64xf32, #tpu.memory_space<vmem>>) target_semaphore(%run_scoped3A : memref<!tpu.dma_semaphore, #tpu.memory_space<semaphore_mem>>)
      tpu.wait_dma2 semaphore(%run_scoped3A : memref<!tpu.dma_semaphore, #tpu.memory_space<semaphore_mem>>) src(%arg5 : memref<128x64xf32, #tpu.memory_space<hbm>>) dst(%arg9 : memref<128x64xf32, #tpu.memory_space<vmem>>)
      tpu.yield
    }) : () -> ()
    %scan3A = arith.constant 0 : i32
    %scan3A_1 = arith.constant 0 : i32
    %scan3A_2 = arith.constant 5 : i32
    %scan3A_3 = arith.addi %scan3A_1, %scan3A_2 : i32
    %scan3A_4 = arith.constant 1 : i32
    scf.for %scan3A_19 = %scan3A_1 to %scan3A_3 step %scan3A_4  : i32 {
      %mul3A_20 = arith.constant 640 : i32
      %mul3A_21 = arith.muli %arg1, %mul3A_20 : i32
      %mul3A_22 = arith.constant 128 : i32
      %mul3A_23 = arith.muli %scan3A_19, %mul3A_22 : i32
      %add3A_24 = arith.addi %mul3A_21, %mul3A_23 : i32
      "tpu.region"() ({
        %run_scoped3A = tpu.sem_alloc : memref<!tpu.dma_semaphore, #tpu.memory_space<semaphore_mem>>
        %dma_start3A = arith.constant 0 : i32
        %dma_start3A_25 = tpu.memref_slice %arg11[%add3A_24, %dma_start3A] : memref<10240x64xf32, #tpu.memory_space<vmem_shared>> -> memref<128x64xf32, #tpu.memory_space<vmem_shared>>
        %dma_start3A_26 = arith.constant 0 : i32
        %dma_start3A_27 = tpu.memref_slice %arg11[%add3A_24, %dma_start3A_26] : memref<10240x64xf32, #tpu.memory_space<vmem_shared>> -> memref<128x64xf32, #tpu.memory_space<vmem_shared>>
        tpu.enqueue_dma source(%arg9 : memref<128x64xf32, #tpu.memory_space<vmem>>) target(%dma_start3A_27 : memref<128x64xf32, #tpu.memory_space<vmem_shared>>) target_semaphore(%run_scoped3A : memref<!tpu.dma_semaphore, #tpu.memory_space<semaphore_mem>>)
        %dma_wait3A = arith.constant 0 : i32
        %dma_wait3A_28 = tpu.memref_slice %arg11[%add3A_24, %dma_wait3A] : memref<10240x64xf32, #tpu.memory_space<vmem_shared>> -> memref<128x64xf32, #tpu.memory_space<vmem_shared>>
        %dma_wait3A_29 = arith.constant 0 : i32
        %dma_wait3A_30 = tpu.memref_slice %arg11[%add3A_24, %dma_wait3A_29] : memref<10240x64xf32, #tpu.memory_space<vmem_shared>> -> memref<128x64xf32, #tpu.memory_space<vmem_shared>>
        tpu.wait_dma2 semaphore(%run_scoped3A : memref<!tpu.dma_semaphore, #tpu.memory_space<semaphore_mem>>) src(%arg9 : memref<128x64xf32, #tpu.memory_space<vmem>>) dst(%dma_wait3A_30 : memref<128x64xf32, #tpu.memory_space<vmem_shared>>)
        tpu.yield
      }) : () -> ()
    }
    %scan3A_5 = arith.constant 5 : i32
    %barrier3A = arith.constant 0 : index
    tpu.barrier barrier_id(%barrier3A)
    "tpu.region"() ({
      %run_scoped3A = tpu.sem_alloc : memref<!tpu.dma_semaphore, #tpu.memory_space<semaphore_mem>>
      tpu.enqueue_dma source(%arg2 : memref<128x64xf32, #tpu.memory_space<hbm>>) target(%arg9 : memref<128x64xf32, #tpu.memory_space<vmem>>) target_semaphore(%run_scoped3A : memref<!tpu.dma_semaphore, #tpu.memory_space<semaphore_mem>>)
      tpu.wait_dma2 semaphore(%run_scoped3A : memref<!tpu.dma_semaphore, #tpu.memory_space<semaphore_mem>>) src(%arg2 : memref<128x64xf32, #tpu.memory_space<hbm>>) dst(%arg9 : memref<128x64xf32, #tpu.memory_space<vmem>>)
      tpu.yield
    }) : () -> ()
    %scan3A_6 = arith.constant 0 : i32
    %scan3A_7 = arith.constant 0 : i32
    %scan3A_8 = arith.constant 5 : i32
    %scan3A_9 = arith.addi %scan3A_7, %scan3A_8 : i32
    %scan3A_10 = arith.constant 1 : i32
    scf.for %scan3A_19 = %scan3A_7 to %scan3A_9 step %scan3A_10  : i32 {
      %mul3A_20 = arith.constant 80 : i32
      %mul3A_21 = arith.muli %add3A, %mul3A_20 : i32
      %mul3A_22 = arith.constant 16 : i32
      %mul3A_23 = arith.muli %scan3A_19, %mul3A_22 : i32
      %add3A_24 = arith.addi %mul3A_21, %mul3A_23 : i32
      "tpu.region"() ({
        %run_scoped3A_40 = tpu.sem_alloc : memref<!tpu.dma_semaphore, #tpu.memory_space<semaphore_mem>>
        %dma_start3A = arith.constant 0 : i32
        %dma_start3A_41 = tpu.memref_slice %arg4[%add3A_24, %dma_start3A] : memref<2560x128xi32, #tpu.memory_space<hbm>> -> memref<16x128xi32, #tpu.memory_space<hbm>>
        %dma_start3A_42 = arith.constant 0 : i32
        %dma_start3A_43 = tpu.memref_slice %arg4[%add3A_24, %dma_start3A_42] : memref<2560x128xi32, #tpu.memory_space<hbm>> -> memref<16x128xi32, #tpu.memory_space<hbm>>
        tpu.enqueue_dma source(%dma_start3A_43 : memref<16x128xi32, #tpu.memory_space<hbm>>) target(%arg8 : memref<16x128xi32, #tpu.memory_space<vmem>>) target_semaphore(%run_scoped3A_40 : memref<!tpu.dma_semaphore, #tpu.memory_space<semaphore_mem>>)
        %dma_wait3A = arith.constant 0 : i32
        %dma_wait3A_44 = tpu.memref_slice %arg4[%add3A_24, %dma_wait3A] : memref<2560x128xi32, #tpu.memory_space<hbm>> -> memref<16x128xi32, #tpu.memory_space<hbm>>
        %dma_wait3A_45 = arith.constant 0 : i32
        %dma_wait3A_46 = tpu.memref_slice %arg4[%add3A_24, %dma_wait3A_45] : memref<2560x128xi32, #tpu.memory_space<hbm>> -> memref<16x128xi32, #tpu.memory_space<hbm>>
        tpu.wait_dma2 semaphore(%run_scoped3A_40 : memref<!tpu.dma_semaphore, #tpu.memory_space<semaphore_mem>>) src(%dma_wait3A_46 : memref<16x128xi32, #tpu.memory_space<hbm>>) dst(%arg8 : memref<16x128xi32, #tpu.memory_space<vmem>>)
        tpu.yield
      }) : () -> ()
      %run_scoped3A = arith.constant 0 : i32
      "tpu.region"() ({
        %run_scoped3A_40 = tpu.sem_alloc : memref<!tpu.dma_semaphore, #tpu.memory_space<semaphore_mem>>
        %dma_start3A = arith.constant 0 : i32
        %dma_start3A_41 = tpu.memref_slice %arg8[%run_scoped3A, %dma_start3A] : memref<16x128xi32, #tpu.memory_space<vmem>> -> memref<1x128xi32, #tpu.memory_space<vmem>>
        %dma_start3A_42 = tpu.memref_squeeze %dma_start3A_41 : memref<1x128xi32, #tpu.memory_space<vmem>> -> memref<128xi32, #tpu.memory_space<vmem>>
        %dma_start3A_43 = arith.constant 0 : i32
        %dma_start3A_44 = arith.constant 0 : i32
        %dma_start3A_45 = tpu.memref_slice %arg11[%dma_start3A_43, %dma_start3A_44] : memref<10240x64xf32, #tpu.memory_space<vmem_shared>> -> memref<10240x64xf32, #tpu.memory_space<vmem_shared>>
        tpu.enqueue_indirect_dma source(%arg9 : memref<128x64xf32, #tpu.memory_space<vmem>>) target(%dma_start3A_45 : memref<10240x64xf32, #tpu.memory_space<vmem_shared>>) offsets(%dma_start3A_42 : memref<128xi32, #tpu.memory_space<vmem>>) semaphore(%run_scoped3A_40 : memref<!tpu.dma_semaphore, #tpu.memory_space<semaphore_mem>>) {add = true}
        %dma_wait3A = arith.constant 0 : i32
        %dma_wait3A_46 = tpu.memref_slice %arg8[%run_scoped3A, %dma_wait3A] : memref<16x128xi32, #tpu.memory_space<vmem>> -> memref<1x128xi32, #tpu.memory_space<vmem>>
        %dma_wait3A_47 = tpu.memref_squeeze %dma_wait3A_46 : memref<1x128xi32, #tpu.memory_space<vmem>> -> memref<128xi32, #tpu.memory_space<vmem>>
        %dma_wait3A_48 = arith.constant 0 : i32
        %dma_wait3A_49 = arith.constant 0 : i32
        %dma_wait3A_50 = tpu.memref_slice %arg11[%dma_wait3A_48, %dma_wait3A_49] : memref<10240x64xf32, #tpu.memory_space<vmem_shared>> -> memref<10240x64xf32, #tpu.memory_space<vmem_shared>>
        tpu.wait_indirect_dma semaphore(%run_scoped3A_40 : memref<!tpu.dma_semaphore, #tpu.memory_space<semaphore_mem>>) src(%arg9 : memref<128x64xf32, #tpu.memory_space<vmem>>) dst(%dma_wait3A_50 : memref<10240x64xf32, #tpu.memory_space<vmem_shared>>)
        tpu.yield
      }) : () -> ()
      %run_scoped3A_25 = arith.constant 1 : i32
      "tpu.region"() ({
        %run_scoped3A_40 = tpu.sem_alloc : memref<!tpu.dma_semaphore, #tpu.memory_space<semaphore_mem>>
        %dma_start3A = arith.constant 0 : i32
        %dma_start3A_41 = tpu.memref_slice %arg8[%run_scoped3A_25, %dma_start3A] : memref<16x128xi32, #tpu.memory_space<vmem>> -> memref<1x128xi32, #tpu.memory_space<vmem>>
        %dma_start3A_42 = tpu.memref_squeeze %dma_start3A_41 : memref<1x128xi32, #tpu.memory_space<vmem>> -> memref<128xi32, #tpu.memory_space<vmem>>
        %dma_start3A_43 = arith.constant 0 : i32
        %dma_start3A_44 = arith.constant 0 : i32
        %dma_start3A_45 = tpu.memref_slice %arg11[%dma_start3A_43, %dma_start3A_44] : memref<10240x64xf32, #tpu.memory_space<vmem_shared>> -> memref<10240x64xf32, #tpu.memory_space<vmem_shared>>
        tpu.enqueue_indirect_dma source(%arg9 : memref<128x64xf32, #tpu.memory_space<vmem>>) target(%dma_start3A_45 : memref<10240x64xf32, #tpu.memory_space<vmem_shared>>) offsets(%dma_start3A_42 : memref<128xi32, #tpu.memory_space<vmem>>) semaphore(%run_scoped3A_40 : memref<!tpu.dma_semaphore, #tpu.memory_space<semaphore_mem>>) {add = true}
        %dma_wait3A = arith.constant 0 : i32
        %dma_wait3A_46 = tpu.memref_slice %arg8[%run_scoped3A_25, %dma_wait3A] : memref<16x128xi32, #tpu.memory_space<vmem>> -> memref<1x128xi32, #tpu.memory_space<vmem>>
        %dma_wait3A_47 = tpu.memref_squeeze %dma_wait3A_46 : memref<1x128xi32, #tpu.memory_space<vmem>> -> memref<128xi32, #tpu.memory_space<vmem>>
        %dma_wait3A_48 = arith.constant 0 : i32
        %dma_wait3A_49 = arith.constant 0 : i32
        %dma_wait3A_50 = tpu.memref_slice %arg11[%dma_wait3A_48, %dma_wait3A_49] : memref<10240x64xf32, #tpu.memory_space<vmem_shared>> -> memref<10240x64xf32, #tpu.memory_space<vmem_shared>>
        tpu.wait_indirect_dma semaphore(%run_scoped3A_40 : memref<!tpu.dma_semaphore, #tpu.memory_space<semaphore_mem>>) src(%arg9 : memref<128x64xf32, #tpu.memory_space<vmem>>) dst(%dma_wait3A_50 : memref<10240x64xf32, #tpu.memory_space<vmem_shared>>)
        tpu.yield
      }) : () -> ()
      %run_scoped3A_26 = arith.constant 2 : i32
      "tpu.region"() ({
        %run_scoped3A_40 = tpu.sem_alloc : memref<!tpu.dma_semaphore, #tpu.memory_space<semaphore_mem>>
        %dma_start3A = arith.constant 0 : i32
        %dma_start3A_41 = tpu.memref_slice %arg8[%run_scoped3A_26, %dma_start3A] : memref<16x128xi32, #tpu.memory_space<vmem>> -> memref<1x128xi32, #tpu.memory_space<vmem>>
        %dma_start3A_42 = tpu.memref_squeeze %dma_start3A_41 : memref<1x128xi32, #tpu.memory_space<vmem>> -> memref<128xi32, #tpu.memory_space<vmem>>
        %dma_start3A_43 = arith.constant 0 : i32
        %dma_start3A_44 = arith.constant 0 : i32
        %dma_start3A_45 = tpu.memref_slice %arg11[%dma_start3A_43, %dma_start3A_44] : memref<10240x64xf32, #tpu.memory_space<vmem_shared>> -> memref<10240x64xf32, #tpu.memory_space<vmem_shared>>
        tpu.enqueue_indirect_dma source(%arg9 : memref<128x64xf32, #tpu.memory_space<vmem>>) target(%dma_start3A_45 : memref<10240x64xf32, #tpu.memory_space<vmem_shared>>) offsets(%dma_start3A_42 : memref<128xi32, #tpu.memory_space<vmem>>) semaphore(%run_scoped3A_40 : memref<!tpu.dma_semaphore, #tpu.memory_space<semaphore_mem>>) {add = true}
        %dma_wait3A = arith.constant 0 : i32
        %dma_wait3A_46 = tpu.memref_slice %arg8[%run_scoped3A_26, %dma_wait3A] : memref<16x128xi32, #tpu.memory_space<vmem>> -> memref<1x128xi32, #tpu.memory_space<vmem>>
        %dma_wait3A_47 = tpu.memref_squeeze %dma_wait3A_46 : memref<1x128xi32, #tpu.memory_space<vmem>> -> memref<128xi32, #tpu.memory_space<vmem>>
        %dma_wait3A_48 = arith.constant 0 : i32
        %dma_wait3A_49 = arith.constant 0 : i32
        %dma_wait3A_50 = tpu.memref_slice %arg11[%dma_wait3A_48, %dma_wait3A_49] : memref<10240x64xf32, #tpu.memory_space<vmem_shared>> -> memref<10240x64xf32, #tpu.memory_space<vmem_shared>>
        tpu.wait_indirect_dma semaphore(%run_scoped3A_40 : memref<!tpu.dma_semaphore, #tpu.memory_space<semaphore_mem>>) src(%arg9 : memref<128x64xf32, #tpu.memory_space<vmem>>) dst(%dma_wait3A_50 : memref<10240x64xf32, #tpu.memory_space<vmem_shared>>)
        tpu.yield
      }) : () -> ()
      %run_scoped3A_27 = arith.constant 3 : i32
      "tpu.region"() ({
        %run_scoped3A_40 = tpu.sem_alloc : memref<!tpu.dma_semaphore, #tpu.memory_space<semaphore_mem>>
        %dma_start3A = arith.constant 0 : i32
        %dma_start3A_41 = tpu.memref_slice %arg8[%run_scoped3A_27, %dma_start3A] : memref<16x128xi32, #tpu.memory_space<vmem>> -> memref<1x128xi32, #tpu.memory_space<vmem>>
        %dma_start3A_42 = tpu.memref_squeeze %dma_start3A_41 : memref<1x128xi32, #tpu.memory_space<vmem>> -> memref<128xi32, #tpu.memory_space<vmem>>
        %dma_start3A_43 = arith.constant 0 : i32
        %dma_start3A_44 = arith.constant 0 : i32
        %dma_start3A_45 = tpu.memref_slice %arg11[%dma_start3A_43, %dma_start3A_44] : memref<10240x64xf32, #tpu.memory_space<vmem_shared>> -> memref<10240x64xf32, #tpu.memory_space<vmem_shared>>
        tpu.enqueue_indirect_dma source(%arg9 : memref<128x64xf32, #tpu.memory_space<vmem>>) target(%dma_start3A_45 : memref<10240x64xf32, #tpu.memory_space<vmem_shared>>) offsets(%dma_start3A_42 : memref<128xi32, #tpu.memory_space<vmem>>) semaphore(%run_scoped3A_40 : memref<!tpu.dma_semaphore, #tpu.memory_space<semaphore_mem>>) {add = true}
        %dma_wait3A = arith.constant 0 : i32
        %dma_wait3A_46 = tpu.memref_slice %arg8[%run_scoped3A_27, %dma_wait3A] : memref<16x128xi32, #tpu.memory_space<vmem>> -> memref<1x128xi32, #tpu.memory_space<vmem>>
        %dma_wait3A_47 = tpu.memref_squeeze %dma_wait3A_46 : memref<1x128xi32, #tpu.memory_space<vmem>> -> memref<128xi32, #tpu.memory_space<vmem>>
        %dma_wait3A_48 = arith.constant 0 : i32
        %dma_wait3A_49 = arith.constant 0 : i32
        %dma_wait3A_50 = tpu.memref_slice %arg11[%dma_wait3A_48, %dma_wait3A_49] : memref<10240x64xf32, #tpu.memory_space<vmem_shared>> -> memref<10240x64xf32, #tpu.memory_space<vmem_shared>>
        tpu.wait_indirect_dma semaphore(%run_scoped3A_40 : memref<!tpu.dma_semaphore, #tpu.memory_space<semaphore_mem>>) src(%arg9 : memref<128x64xf32, #tpu.memory_space<vmem>>) dst(%dma_wait3A_50 : memref<10240x64xf32, #tpu.memory_space<vmem_shared>>)
        tpu.yield
      }) : () -> ()
      %run_scoped3A_28 = arith.constant 4 : i32
      "tpu.region"() ({
        %run_scoped3A_40 = tpu.sem_alloc : memref<!tpu.dma_semaphore, #tpu.memory_space<semaphore_mem>>
        %dma_start3A = arith.constant 0 : i32
        %dma_start3A_41 = tpu.memref_slice %arg8[%run_scoped3A_28, %dma_start3A] : memref<16x128xi32, #tpu.memory_space<vmem>> -> memref<1x128xi32, #tpu.memory_space<vmem>>
        %dma_start3A_42 = tpu.memref_squeeze %dma_start3A_41 : memref<1x128xi32, #tpu.memory_space<vmem>> -> memref<128xi32, #tpu.memory_space<vmem>>
        %dma_start3A_43 = arith.constant 0 : i32
        %dma_start3A_44 = arith.constant 0 : i32
        %dma_start3A_45 = tpu.memref_slice %arg11[%dma_start3A_43, %dma_start3A_44] : memref<10240x64xf32, #tpu.memory_space<vmem_shared>> -> memref<10240x64xf32, #tpu.memory_space<vmem_shared>>
        tpu.enqueue_indirect_dma source(%arg9 : memref<128x64xf32, #tpu.memory_space<vmem>>) target(%dma_start3A_45 : memref<10240x64xf32, #tpu.memory_space<vmem_shared>>) offsets(%dma_start3A_42 : memref<128xi32, #tpu.memory_space<vmem>>) semaphore(%run_scoped3A_40 : memref<!tpu.dma_semaphore, #tpu.memory_space<semaphore_mem>>) {add = true}
        %dma_wait3A = arith.constant 0 : i32
        %dma_wait3A_46 = tpu.memref_slice %arg8[%run_scoped3A_28, %dma_wait3A] : memref<16x128xi32, #tpu.memory_space<vmem>> -> memref<1x128xi32, #tpu.memory_space<vmem>>
        %dma_wait3A_47 = tpu.memref_squeeze %dma_wait3A_46 : memref<1x128xi32, #tpu.memory_space<vmem>> -> memref<128xi32, #tpu.memory_space<vmem>>
        %dma_wait3A_48 = arith.constant 0 : i32
        %dma_wait3A_49 = arith.constant 0 : i32
        %dma_wait3A_50 = tpu.memref_slice %arg11[%dma_wait3A_48, %dma_wait3A_49] : memref<10240x64xf32, #tpu.memory_space<vmem_shared>> -> memref<10240x64xf32, #tpu.memory_space<vmem_shared>>
        tpu.wait_indirect_dma semaphore(%run_scoped3A_40 : memref<!tpu.dma_semaphore, #tpu.memory_space<semaphore_mem>>) src(%arg9 : memref<128x64xf32, #tpu.memory_space<vmem>>) dst(%dma_wait3A_50 : memref<10240x64xf32, #tpu.memory_space<vmem_shared>>)
        tpu.yield
      }) : () -> ()
      %run_scoped3A_29 = arith.constant 5 : i32
      "tpu.region"() ({
        %run_scoped3A_40 = tpu.sem_alloc : memref<!tpu.dma_semaphore, #tpu.memory_space<semaphore_mem>>
        %dma_start3A = arith.constant 0 : i32
        %dma_start3A_41 = tpu.memref_slice %arg8[%run_scoped3A_29, %dma_start3A] : memref<16x128xi32, #tpu.memory_space<vmem>> -> memref<1x128xi32, #tpu.memory_space<vmem>>
        %dma_start3A_42 = tpu.memref_squeeze %dma_start3A_41 : memref<1x128xi32, #tpu.memory_space<vmem>> -> memref<128xi32, #tpu.memory_space<vmem>>
        %dma_start3A_43 = arith.constant 0 : i32
        %dma_start3A_44 = arith.constant 0 : i32
        %dma_start3A_45 = tpu.memref_slice %arg11[%dma_start3A_43, %dma_start3A_44] : memref<10240x64xf32, #tpu.memory_space<vmem_shared>> -> memref<10240x64xf32, #tpu.memory_space<vmem_shared>>
        tpu.enqueue_indirect_dma source(%arg9 : memref<128x64xf32, #tpu.memory_space<vmem>>) target(%dma_start3A_45 : memref<10240x64xf32, #tpu.memory_space<vmem_shared>>) offsets(%dma_start3A_42 : memref<128xi32, #tpu.memory_space<vmem>>) semaphore(%run_scoped3A_40 : memref<!tpu.dma_semaphore, #tpu.memory_space<semaphore_mem>>) {add = true}
        %dma_wait3A = arith.constant 0 : i32
        %dma_wait3A_46 = tpu.memref_slice %arg8[%run_scoped3A_29, %dma_wait3A] : memref<16x128xi32, #tpu.memory_space<vmem>> -> memref<1x128xi32, #tpu.memory_space<vmem>>
        %dma_wait3A_47 = tpu.memref_squeeze %dma_wait3A_46 : memref<1x128xi32, #tpu.memory_space<vmem>> -> memref<128xi32, #tpu.memory_space<vmem>>
        %dma_wait3A_48 = arith.constant 0 : i32
        %dma_wait3A_49 = arith.constant 0 : i32
        %dma_wait3A_50 = tpu.memref_slice %arg11[%dma_wait3A_48, %dma_wait3A_49] : memref<10240x64xf32, #tpu.memory_space<vmem_shared>> -> memref<10240x64xf32, #tpu.memory_space<vmem_shared>>
        tpu.wait_indirect_dma semaphore(%run_scoped3A_40 : memref<!tpu.dma_semaphore, #tpu.memory_space<semaphore_mem>>) src(%arg9 : memref<128x64xf32, #tpu.memory_space<vmem>>) dst(%dma_wait3A_50 : memref<10240x64xf32, #tpu.memory_space<vmem_shared>>)
        tpu.yield
      }) : () -> ()
      %run_scoped3A_30 = arith.constant 6 : i32
      "tpu.region"() ({
        %run_scoped3A_40 = tpu.sem_alloc : memref<!tpu.dma_semaphore, #tpu.memory_space<semaphore_mem>>
        %dma_start3A = arith.constant 0 : i32
        %dma_start3A_41 = tpu.memref_slice %arg8[%run_scoped3A_30, %dma_start3A] : memref<16x128xi32, #tpu.memory_space<vmem>> -> memref<1x128xi32, #tpu.memory_space<vmem>>
        %dma_start3A_42 = tpu.memref_squeeze %dma_start3A_41 : memref<1x128xi32, #tpu.memory_space<vmem>> -> memref<128xi32, #tpu.memory_space<vmem>>
        %dma_start3A_43 = arith.constant 0 : i32
        %dma_start3A_44 = arith.constant 0 : i32
        %dma_start3A_45 = tpu.memref_slice %arg11[%dma_start3A_43, %dma_start3A_44] : memref<10240x64xf32, #tpu.memory_space<vmem_shared>> -> memref<10240x64xf32, #tpu.memory_space<vmem_shared>>
        tpu.enqueue_indirect_dma source(%arg9 : memref<128x64xf32, #tpu.memory_space<vmem>>) target(%dma_start3A_45 : memref<10240x64xf32, #tpu.memory_space<vmem_shared>>) offsets(%dma_start3A_42 : memref<128xi32, #tpu.memory_space<vmem>>) semaphore(%run_scoped3A_40 : memref<!tpu.dma_semaphore, #tpu.memory_space<semaphore_mem>>) {add = true}
        %dma_wait3A = arith.constant 0 : i32
        %dma_wait3A_46 = tpu.memref_slice %arg8[%run_scoped3A_30, %dma_wait3A] : memref<16x128xi32, #tpu.memory_space<vmem>> -> memref<1x128xi32, #tpu.memory_space<vmem>>
        %dma_wait3A_47 = tpu.memref_squeeze %dma_wait3A_46 : memref<1x128xi32, #tpu.memory_space<vmem>> -> memref<128xi32, #tpu.memory_space<vmem>>
        %dma_wait3A_48 = arith.constant 0 : i32
        %dma_wait3A_49 = arith.constant 0 : i32
        %dma_wait3A_50 = tpu.memref_slice %arg11[%dma_wait3A_48, %dma_wait3A_49] : memref<10240x64xf32, #tpu.memory_space<vmem_shared>> -> memref<10240x64xf32, #tpu.memory_space<vmem_shared>>
        tpu.wait_indirect_dma semaphore(%run_scoped3A_40 : memref<!tpu.dma_semaphore, #tpu.memory_space<semaphore_mem>>) src(%arg9 : memref<128x64xf32, #tpu.memory_space<vmem>>) dst(%dma_wait3A_50 : memref<10240x64xf32, #tpu.memory_space<vmem_shared>>)
        tpu.yield
      }) : () -> ()
      %run_scoped3A_31 = arith.constant 7 : i32
      "tpu.region"() ({
        %run_scoped3A_40 = tpu.sem_alloc : memref<!tpu.dma_semaphore, #tpu.memory_space<semaphore_mem>>
        %dma_start3A = arith.constant 0 : i32
        %dma_start3A_41 = tpu.memref_slice %arg8[%run_scoped3A_31, %dma_start3A] : memref<16x128xi32, #tpu.memory_space<vmem>> -> memref<1x128xi32, #tpu.memory_space<vmem>>
        %dma_start3A_42 = tpu.memref_squeeze %dma_start3A_41 : memref<1x128xi32, #tpu.memory_space<vmem>> -> memref<128xi32, #tpu.memory_space<vmem>>
        %dma_start3A_43 = arith.constant 0 : i32
        %dma_start3A_44 = arith.constant 0 : i32
        %dma_start3A_45 = tpu.memref_slice %arg11[%dma_start3A_43, %dma_start3A_44] : memref<10240x64xf32, #tpu.memory_space<vmem_shared>> -> memref<10240x64xf32, #tpu.memory_space<vmem_shared>>
        tpu.enqueue_indirect_dma source(%arg9 : memref<128x64xf32, #tpu.memory_space<vmem>>) target(%dma_start3A_45 : memref<10240x64xf32, #tpu.memory_space<vmem_shared>>) offsets(%dma_start3A_42 : memref<128xi32, #tpu.memory_space<vmem>>) semaphore(%run_scoped3A_40 : memref<!tpu.dma_semaphore, #tpu.memory_space<semaphore_mem>>) {add = true}
        %dma_wait3A = arith.constant 0 : i32
        %dma_wait3A_46 = tpu.memref_slice %arg8[%run_scoped3A_31, %dma_wait3A] : memref<16x128xi32, #tpu.memory_space<vmem>> -> memref<1x128xi32, #tpu.memory_space<vmem>>
        %dma_wait3A_47 = tpu.memref_squeeze %dma_wait3A_46 : memref<1x128xi32, #tpu.memory_space<vmem>> -> memref<128xi32, #tpu.memory_space<vmem>>
        %dma_wait3A_48 = arith.constant 0 : i32
        %dma_wait3A_49 = arith.constant 0 : i32
        %dma_wait3A_50 = tpu.memref_slice %arg11[%dma_wait3A_48, %dma_wait3A_49] : memref<10240x64xf32, #tpu.memory_space<vmem_shared>> -> memref<10240x64xf32, #tpu.memory_space<vmem_shared>>
        tpu.wait_indirect_dma semaphore(%run_scoped3A_40 : memref<!tpu.dma_semaphore, #tpu.memory_space<semaphore_mem>>) src(%arg9 : memref<128x64xf32, #tpu.memory_space<vmem>>) dst(%dma_wait3A_50 : memref<10240x64xf32, #tpu.memory_space<vmem_shared>>)
        tpu.yield
      }) : () -> ()
      %run_scoped3A_32 = arith.constant 8 : i32
      "tpu.region"() ({
        %run_scoped3A_40 = tpu.sem_alloc : memref<!tpu.dma_semaphore, #tpu.memory_space<semaphore_mem>>
        %dma_start3A = arith.constant 0 : i32
        %dma_start3A_41 = tpu.memref_slice %arg8[%run_scoped3A_32, %dma_start3A] : memref<16x128xi32, #tpu.memory_space<vmem>> -> memref<1x128xi32, #tpu.memory_space<vmem>>
        %dma_start3A_42 = tpu.memref_squeeze %dma_start3A_41 : memref<1x128xi32, #tpu.memory_space<vmem>> -> memref<128xi32, #tpu.memory_space<vmem>>
        %dma_start3A_43 = arith.constant 0 : i32
        %dma_start3A_44 = arith.constant 0 : i32
        %dma_start3A_45 = tpu.memref_slice %arg11[%dma_start3A_43, %dma_start3A_44] : memref<10240x64xf32, #tpu.memory_space<vmem_shared>> -> memref<10240x64xf32, #tpu.memory_space<vmem_shared>>
        tpu.enqueue_indirect_dma source(%arg9 : memref<128x64xf32, #tpu.memory_space<vmem>>) target(%dma_start3A_45 : memref<10240x64xf32, #tpu.memory_space<vmem_shared>>) offsets(%dma_start3A_42 : memref<128xi32, #tpu.memory_space<vmem>>) semaphore(%run_scoped3A_40 : memref<!tpu.dma_semaphore, #tpu.memory_space<semaphore_mem>>) {add = true}
        %dma_wait3A = arith.constant 0 : i32
        %dma_wait3A_46 = tpu.memref_slice %arg8[%run_scoped3A_32, %dma_wait3A] : memref<16x128xi32, #tpu.memory_space<vmem>> -> memref<1x128xi32, #tpu.memory_space<vmem>>
        %dma_wait3A_47 = tpu.memref_squeeze %dma_wait3A_46 : memref<1x128xi32, #tpu.memory_space<vmem>> -> memref<128xi32, #tpu.memory_space<vmem>>
        %dma_wait3A_48 = arith.constant 0 : i32
        %dma_wait3A_49 = arith.constant 0 : i32
        %dma_wait3A_50 = tpu.memref_slice %arg11[%dma_wait3A_48, %dma_wait3A_49] : memref<10240x64xf32, #tpu.memory_space<vmem_shared>> -> memref<10240x64xf32, #tpu.memory_space<vmem_shared>>
        tpu.wait_indirect_dma semaphore(%run_scoped3A_40 : memref<!tpu.dma_semaphore, #tpu.memory_space<semaphore_mem>>) src(%arg9 : memref<128x64xf32, #tpu.memory_space<vmem>>) dst(%dma_wait3A_50 : memref<10240x64xf32, #tpu.memory_space<vmem_shared>>)
        tpu.yield
      }) : () -> ()
      %run_scoped3A_33 = arith.constant 9 : i32
      "tpu.region"() ({
        %run_scoped3A_40 = tpu.sem_alloc : memref<!tpu.dma_semaphore, #tpu.memory_space<semaphore_mem>>
        %dma_start3A = arith.constant 0 : i32
        %dma_start3A_41 = tpu.memref_slice %arg8[%run_scoped3A_33, %dma_start3A] : memref<16x128xi32, #tpu.memory_space<vmem>> -> memref<1x128xi32, #tpu.memory_space<vmem>>
        %dma_start3A_42 = tpu.memref_squeeze %dma_start3A_41 : memref<1x128xi32, #tpu.memory_space<vmem>> -> memref<128xi32, #tpu.memory_space<vmem>>
        %dma_start3A_43 = arith.constant 0 : i32
        %dma_start3A_44 = arith.constant 0 : i32
        %dma_start3A_45 = tpu.memref_slice %arg11[%dma_start3A_43, %dma_start3A_44] : memref<10240x64xf32, #tpu.memory_space<vmem_shared>> -> memref<10240x64xf32, #tpu.memory_space<vmem_shared>>
        tpu.enqueue_indirect_dma source(%arg9 : memref<128x64xf32, #tpu.memory_space<vmem>>) target(%dma_start3A_45 : memref<10240x64xf32, #tpu.memory_space<vmem_shared>>) offsets(%dma_start3A_42 : memref<128xi32, #tpu.memory_space<vmem>>) semaphore(%run_scoped3A_40 : memref<!tpu.dma_semaphore, #tpu.memory_space<semaphore_mem>>) {add = true}
        %dma_wait3A = arith.constant 0 : i32
        %dma_wait3A_46 = tpu.memref_slice %arg8[%run_scoped3A_33, %dma_wait3A] : memref<16x128xi32, #tpu.memory_space<vmem>> -> memref<1x128xi32, #tpu.memory_space<vmem>>
        %dma_wait3A_47 = tpu.memref_squeeze %dma_wait3A_46 : memref<1x128xi32, #tpu.memory_space<vmem>> -> memref<128xi32, #tpu.memory_space<vmem>>
        %dma_wait3A_48 = arith.constant 0 : i32
        %dma_wait3A_49 = arith.constant 0 : i32
        %dma_wait3A_50 = tpu.memref_slice %arg11[%dma_wait3A_48, %dma_wait3A_49] : memref<10240x64xf32, #tpu.memory_space<vmem_shared>> -> memref<10240x64xf32, #tpu.memory_space<vmem_shared>>
        tpu.wait_indirect_dma semaphore(%run_scoped3A_40 : memref<!tpu.dma_semaphore, #tpu.memory_space<semaphore_mem>>) src(%arg9 : memref<128x64xf32, #tpu.memory_space<vmem>>) dst(%dma_wait3A_50 : memref<10240x64xf32, #tpu.memory_space<vmem_shared>>)
        tpu.yield
      }) : () -> ()
      %run_scoped3A_34 = arith.constant 10 : i32
      "tpu.region"() ({
        %run_scoped3A_40 = tpu.sem_alloc : memref<!tpu.dma_semaphore, #tpu.memory_space<semaphore_mem>>
        %dma_start3A = arith.constant 0 : i32
        %dma_start3A_41 = tpu.memref_slice %arg8[%run_scoped3A_34, %dma_start3A] : memref<16x128xi32, #tpu.memory_space<vmem>> -> memref<1x128xi32, #tpu.memory_space<vmem>>
        %dma_start3A_42 = tpu.memref_squeeze %dma_start3A_41 : memref<1x128xi32, #tpu.memory_space<vmem>> -> memref<128xi32, #tpu.memory_space<vmem>>
        %dma_start3A_43 = arith.constant 0 : i32
        %dma_start3A_44 = arith.constant 0 : i32
        %dma_start3A_45 = tpu.memref_slice %arg11[%dma_start3A_43, %dma_start3A_44] : memref<10240x64xf32, #tpu.memory_space<vmem_shared>> -> memref<10240x64xf32, #tpu.memory_space<vmem_shared>>
        tpu.enqueue_indirect_dma source(%arg9 : memref<128x64xf32, #tpu.memory_space<vmem>>) target(%dma_start3A_45 : memref<10240x64xf32, #tpu.memory_space<vmem_shared>>) offsets(%dma_start3A_42 : memref<128xi32, #tpu.memory_space<vmem>>) semaphore(%run_scoped3A_40 : memref<!tpu.dma_semaphore, #tpu.memory_space<semaphore_mem>>) {add = true}
        %dma_wait3A = arith.constant 0 : i32
        %dma_wait3A_46 = tpu.memref_slice %arg8[%run_scoped3A_34, %dma_wait3A] : memref<16x128xi32, #tpu.memory_space<vmem>> -> memref<1x128xi32, #tpu.memory_space<vmem>>
        %dma_wait3A_47 = tpu.memref_squeeze %dma_wait3A_46 : memref<1x128xi32, #tpu.memory_space<vmem>> -> memref<128xi32, #tpu.memory_space<vmem>>
        %dma_wait3A_48 = arith.constant 0 : i32
        %dma_wait3A_49 = arith.constant 0 : i32
        %dma_wait3A_50 = tpu.memref_slice %arg11[%dma_wait3A_48, %dma_wait3A_49] : memref<10240x64xf32, #tpu.memory_space<vmem_shared>> -> memref<10240x64xf32, #tpu.memory_space<vmem_shared>>
        tpu.wait_indirect_dma semaphore(%run_scoped3A_40 : memref<!tpu.dma_semaphore, #tpu.memory_space<semaphore_mem>>) src(%arg9 : memref<128x64xf32, #tpu.memory_space<vmem>>) dst(%dma_wait3A_50 : memref<10240x64xf32, #tpu.memory_space<vmem_shared>>)
        tpu.yield
      }) : () -> ()
      %run_scoped3A_35 = arith.constant 11 : i32
      "tpu.region"() ({
        %run_scoped3A_40 = tpu.sem_alloc : memref<!tpu.dma_semaphore, #tpu.memory_space<semaphore_mem>>
        %dma_start3A = arith.constant 0 : i32
        %dma_start3A_41 = tpu.memref_slice %arg8[%run_scoped3A_35, %dma_start3A] : memref<16x128xi32, #tpu.memory_space<vmem>> -> memref<1x128xi32, #tpu.memory_space<vmem>>
        %dma_start3A_42 = tpu.memref_squeeze %dma_start3A_41 : memref<1x128xi32, #tpu.memory_space<vmem>> -> memref<128xi32, #tpu.memory_space<vmem>>
        %dma_start3A_43 = arith.constant 0 : i32
        %dma_start3A_44 = arith.constant 0 : i32
        %dma_start3A_45 = tpu.memref_slice %arg11[%dma_start3A_43, %dma_start3A_44] : memref<10240x64xf32, #tpu.memory_space<vmem_shared>> -> memref<10240x64xf32, #tpu.memory_space<vmem_shared>>
        tpu.enqueue_indirect_dma source(%arg9 : memref<128x64xf32, #tpu.memory_space<vmem>>) target(%dma_start3A_45 : memref<10240x64xf32, #tpu.memory_space<vmem_shared>>) offsets(%dma_start3A_42 : memref<128xi32, #tpu.memory_space<vmem>>) semaphore(%run_scoped3A_40 : memref<!tpu.dma_semaphore, #tpu.memory_space<semaphore_mem>>) {add = true}
        %dma_wait3A = arith.constant 0 : i32
        %dma_wait3A_46 = tpu.memref_slice %arg8[%run_scoped3A_35, %dma_wait3A] : memref<16x128xi32, #tpu.memory_space<vmem>> -> memref<1x128xi32, #tpu.memory_space<vmem>>
        %dma_wait3A_47 = tpu.memref_squeeze %dma_wait3A_46 : memref<1x128xi32, #tpu.memory_space<vmem>> -> memref<128xi32, #tpu.memory_space<vmem>>
        %dma_wait3A_48 = arith.constant 0 : i32
        %dma_wait3A_49 = arith.constant 0 : i32
        %dma_wait3A_50 = tpu.memref_slice %arg11[%dma_wait3A_48, %dma_wait3A_49] : memref<10240x64xf32, #tpu.memory_space<vmem_shared>> -> memref<10240x64xf32, #tpu.memory_space<vmem_shared>>
        tpu.wait_indirect_dma semaphore(%run_scoped3A_40 : memref<!tpu.dma_semaphore, #tpu.memory_space<semaphore_mem>>) src(%arg9 : memref<128x64xf32, #tpu.memory_space<vmem>>) dst(%dma_wait3A_50 : memref<10240x64xf32, #tpu.memory_space<vmem_shared>>)
        tpu.yield
      }) : () -> ()
      %run_scoped3A_36 = arith.constant 12 : i32
      "tpu.region"() ({
        %run_scoped3A_40 = tpu.sem_alloc : memref<!tpu.dma_semaphore, #tpu.memory_space<semaphore_mem>>
        %dma_start3A = arith.constant 0 : i32
        %dma_start3A_41 = tpu.memref_slice %arg8[%run_scoped3A_36, %dma_start3A] : memref<16x128xi32, #tpu.memory_space<vmem>> -> memref<1x128xi32, #tpu.memory_space<vmem>>
        %dma_start3A_42 = tpu.memref_squeeze %dma_start3A_41 : memref<1x128xi32, #tpu.memory_space<vmem>> -> memref<128xi32, #tpu.memory_space<vmem>>
        %dma_start3A_43 = arith.constant 0 : i32
        %dma_start3A_44 = arith.constant 0 : i32
        %dma_start3A_45 = tpu.memref_slice %arg11[%dma_start3A_43, %dma_start3A_44] : memref<10240x64xf32, #tpu.memory_space<vmem_shared>> -> memref<10240x64xf32, #tpu.memory_space<vmem_shared>>
        tpu.enqueue_indirect_dma source(%arg9 : memref<128x64xf32, #tpu.memory_space<vmem>>) target(%dma_start3A_45 : memref<10240x64xf32, #tpu.memory_space<vmem_shared>>) offsets(%dma_start3A_42 : memref<128xi32, #tpu.memory_space<vmem>>) semaphore(%run_scoped3A_40 : memref<!tpu.dma_semaphore, #tpu.memory_space<semaphore_mem>>) {add = true}
        %dma_wait3A = arith.constant 0 : i32
        %dma_wait3A_46 = tpu.memref_slice %arg8[%run_scoped3A_36, %dma_wait3A] : memref<16x128xi32, #tpu.memory_space<vmem>> -> memref<1x128xi32, #tpu.memory_space<vmem>>
        %dma_wait3A_47 = tpu.memref_squeeze %dma_wait3A_46 : memref<1x128xi32, #tpu.memory_space<vmem>> -> memref<128xi32, #tpu.memory_space<vmem>>
        %dma_wait3A_48 = arith.constant 0 : i32
        %dma_wait3A_49 = arith.constant 0 : i32
        %dma_wait3A_50 = tpu.memref_slice %arg11[%dma_wait3A_48, %dma_wait3A_49] : memref<10240x64xf32, #tpu.memory_space<vmem_shared>> -> memref<10240x64xf32, #tpu.memory_space<vmem_shared>>
        tpu.wait_indirect_dma semaphore(%run_scoped3A_40 : memref<!tpu.dma_semaphore, #tpu.memory_space<semaphore_mem>>) src(%arg9 : memref<128x64xf32, #tpu.memory_space<vmem>>) dst(%dma_wait3A_50 : memref<10240x64xf32, #tpu.memory_space<vmem_shared>>)
        tpu.yield
      }) : () -> ()
      %run_scoped3A_37 = arith.constant 13 : i32
      "tpu.region"() ({
        %run_scoped3A_40 = tpu.sem_alloc : memref<!tpu.dma_semaphore, #tpu.memory_space<semaphore_mem>>
        %dma_start3A = arith.constant 0 : i32
        %dma_start3A_41 = tpu.memref_slice %arg8[%run_scoped3A_37, %dma_start3A] : memref<16x128xi32, #tpu.memory_space<vmem>> -> memref<1x128xi32, #tpu.memory_space<vmem>>
        %dma_start3A_42 = tpu.memref_squeeze %dma_start3A_41 : memref<1x128xi32, #tpu.memory_space<vmem>> -> memref<128xi32, #tpu.memory_space<vmem>>
        %dma_start3A_43 = arith.constant 0 : i32
        %dma_start3A_44 = arith.constant 0 : i32
        %dma_start3A_45 = tpu.memref_slice %arg11[%dma_start3A_43, %dma_start3A_44] : memref<10240x64xf32, #tpu.memory_space<vmem_shared>> -> memref<10240x64xf32, #tpu.memory_space<vmem_shared>>
        tpu.enqueue_indirect_dma source(%arg9 : memref<128x64xf32, #tpu.memory_space<vmem>>) target(%dma_start3A_45 : memref<10240x64xf32, #tpu.memory_space<vmem_shared>>) offsets(%dma_start3A_42 : memref<128xi32, #tpu.memory_space<vmem>>) semaphore(%run_scoped3A_40 : memref<!tpu.dma_semaphore, #tpu.memory_space<semaphore_mem>>) {add = true}
        %dma_wait3A = arith.constant 0 : i32
        %dma_wait3A_46 = tpu.memref_slice %arg8[%run_scoped3A_37, %dma_wait3A] : memref<16x128xi32, #tpu.memory_space<vmem>> -> memref<1x128xi32, #tpu.memory_space<vmem>>
        %dma_wait3A_47 = tpu.memref_squeeze %dma_wait3A_46 : memref<1x128xi32, #tpu.memory_space<vmem>> -> memref<128xi32, #tpu.memory_space<vmem>>
        %dma_wait3A_48 = arith.constant 0 : i32
        %dma_wait3A_49 = arith.constant 0 : i32
        %dma_wait3A_50 = tpu.memref_slice %arg11[%dma_wait3A_48, %dma_wait3A_49] : memref<10240x64xf32, #tpu.memory_space<vmem_shared>> -> memref<10240x64xf32, #tpu.memory_space<vmem_shared>>
        tpu.wait_indirect_dma semaphore(%run_scoped3A_40 : memref<!tpu.dma_semaphore, #tpu.memory_space<semaphore_mem>>) src(%arg9 : memref<128x64xf32, #tpu.memory_space<vmem>>) dst(%dma_wait3A_50 : memref<10240x64xf32, #tpu.memory_space<vmem_shared>>)
        tpu.yield
      }) : () -> ()
      %run_scoped3A_38 = arith.constant 14 : i32
      "tpu.region"() ({
        %run_scoped3A_40 = tpu.sem_alloc : memref<!tpu.dma_semaphore, #tpu.memory_space<semaphore_mem>>
        %dma_start3A = arith.constant 0 : i32
        %dma_start3A_41 = tpu.memref_slice %arg8[%run_scoped3A_38, %dma_start3A] : memref<16x128xi32, #tpu.memory_space<vmem>> -> memref<1x128xi32, #tpu.memory_space<vmem>>
        %dma_start3A_42 = tpu.memref_squeeze %dma_start3A_41 : memref<1x128xi32, #tpu.memory_space<vmem>> -> memref<128xi32, #tpu.memory_space<vmem>>
        %dma_start3A_43 = arith.constant 0 : i32
        %dma_start3A_44 = arith.constant 0 : i32
        %dma_start3A_45 = tpu.memref_slice %arg11[%dma_start3A_43, %dma_start3A_44] : memref<10240x64xf32, #tpu.memory_space<vmem_shared>> -> memref<10240x64xf32, #tpu.memory_space<vmem_shared>>
        tpu.enqueue_indirect_dma source(%arg9 : memref<128x64xf32, #tpu.memory_space<vmem>>) target(%dma_start3A_45 : memref<10240x64xf32, #tpu.memory_space<vmem_shared>>) offsets(%dma_start3A_42 : memref<128xi32, #tpu.memory_space<vmem>>) semaphore(%run_scoped3A_40 : memref<!tpu.dma_semaphore, #tpu.memory_space<semaphore_mem>>) {add = true}
        %dma_wait3A = arith.constant 0 : i32
        %dma_wait3A_46 = tpu.memref_slice %arg8[%run_scoped3A_38, %dma_wait3A] : memref<16x128xi32, #tpu.memory_space<vmem>> -> memref<1x128xi32, #tpu.memory_space<vmem>>
        %dma_wait3A_47 = tpu.memref_squeeze %dma_wait3A_46 : memref<1x128xi32, #tpu.memory_space<vmem>> -> memref<128xi32, #tpu.memory_space<vmem>>
        %dma_wait3A_48 = arith.constant 0 : i32
        %dma_wait3A_49 = arith.constant 0 : i32
        %dma_wait3A_50 = tpu.memref_slice %arg11[%dma_wait3A_48, %dma_wait3A_49] : memref<10240x64xf32, #tpu.memory_space<vmem_shared>> -> memref<10240x64xf32, #tpu.memory_space<vmem_shared>>
        tpu.wait_indirect_dma semaphore(%run_scoped3A_40 : memref<!tpu.dma_semaphore, #tpu.memory_space<semaphore_mem>>) src(%arg9 : memref<128x64xf32, #tpu.memory_space<vmem>>) dst(%dma_wait3A_50 : memref<10240x64xf32, #tpu.memory_space<vmem_shared>>)
        tpu.yield
      }) : () -> ()
      %run_scoped3A_39 = arith.constant 15 : i32
      "tpu.region"() ({
        %run_scoped3A_40 = tpu.sem_alloc : memref<!tpu.dma_semaphore, #tpu.memory_space<semaphore_mem>>
        %dma_start3A = arith.constant 0 : i32
        %dma_start3A_41 = tpu.memref_slice %arg8[%run_scoped3A_39, %dma_start3A] : memref<16x128xi32, #tpu.memory_space<vmem>> -> memref<1x128xi32, #tpu.memory_space<vmem>>
        %dma_start3A_42 = tpu.memref_squeeze %dma_start3A_41 : memref<1x128xi32, #tpu.memory_space<vmem>> -> memref<128xi32, #tpu.memory_space<vmem>>
        %dma_start3A_43 = arith.constant 0 : i32
        %dma_start3A_44 = arith.constant 0 : i32
        %dma_start3A_45 = tpu.memref_slice %arg11[%dma_start3A_43, %dma_start3A_44] : memref<10240x64xf32, #tpu.memory_space<vmem_shared>> -> memref<10240x64xf32, #tpu.memory_space<vmem_shared>>
        tpu.enqueue_indirect_dma source(%arg9 : memref<128x64xf32, #tpu.memory_space<vmem>>) target(%dma_start3A_45 : memref<10240x64xf32, #tpu.memory_space<vmem_shared>>) offsets(%dma_start3A_42 : memref<128xi32, #tpu.memory_space<vmem>>) semaphore(%run_scoped3A_40 : memref<!tpu.dma_semaphore, #tpu.memory_space<semaphore_mem>>) {add = true}
        %dma_wait3A = arith.constant 0 : i32
        %dma_wait3A_46 = tpu.memref_slice %arg8[%run_scoped3A_39, %dma_wait3A] : memref<16x128xi32, #tpu.memory_space<vmem>> -> memref<1x128xi32, #tpu.memory_space<vmem>>
        %dma_wait3A_47 = tpu.memref_squeeze %dma_wait3A_46 : memref<1x128xi32, #tpu.memory_space<vmem>> -> memref<128xi32, #tpu.memory_space<vmem>>
        %dma_wait3A_48 = arith.constant 0 : i32
        %dma_wait3A_49 = arith.constant 0 : i32
        %dma_wait3A_50 = tpu.memref_slice %arg11[%dma_wait3A_48, %dma_wait3A_49] : memref<10240x64xf32, #tpu.memory_space<vmem_shared>> -> memref<10240x64xf32, #tpu.memory_space<vmem_shared>>
        tpu.wait_indirect_dma semaphore(%run_scoped3A_40 : memref<!tpu.dma_semaphore, #tpu.memory_space<semaphore_mem>>) src(%arg9 : memref<128x64xf32, #tpu.memory_space<vmem>>) dst(%dma_wait3A_50 : memref<10240x64xf32, #tpu.memory_space<vmem_shared>>)
        tpu.yield
      }) : () -> ()
    }
    %scan3A_11 = arith.constant 5 : i32
    %barrier3A_12 = arith.constant 0 : index
    tpu.barrier barrier_id(%barrier3A_12)
    %scan3A_13 = arith.constant 0 : i32
    %scan3A_14 = arith.constant 0 : i32
    %scan3A_15 = arith.constant 5 : i32
    %scan3A_16 = arith.addi %scan3A_14, %scan3A_15 : i32
    %scan3A_17 = arith.constant 1 : i32
    scf.for %scan3A_19 = %scan3A_14 to %scan3A_16 step %scan3A_17  : i32 {
      %mul3A_20 = arith.constant 640 : i32
      %mul3A_21 = arith.muli %arg1, %mul3A_20 : i32
      %mul3A_22 = arith.constant 128 : i32
      %mul3A_23 = arith.muli %scan3A_19, %mul3A_22 : i32
      %add3A_24 = arith.addi %mul3A_21, %mul3A_23 : i32
      "tpu.region"() ({
        %run_scoped3A = tpu.sem_alloc : memref<!tpu.dma_semaphore, #tpu.memory_space<semaphore_mem>>
        %dma_start3A = arith.constant 0 : i32
        %dma_start3A_28 = tpu.memref_slice %arg11[%add3A_24, %dma_start3A] : memref<10240x64xf32, #tpu.memory_space<vmem_shared>> -> memref<128x64xf32, #tpu.memory_space<vmem_shared>>
        %dma_start3A_29 = arith.constant 0 : i32
        %dma_start3A_30 = tpu.memref_slice %arg11[%add3A_24, %dma_start3A_29] : memref<10240x64xf32, #tpu.memory_space<vmem_shared>> -> memref<128x64xf32, #tpu.memory_space<vmem_shared>>
        tpu.enqueue_dma source(%dma_start3A_30 : memref<128x64xf32, #tpu.memory_space<vmem_shared>>) target(%arg9 : memref<128x64xf32, #tpu.memory_space<vmem>>) target_semaphore(%run_scoped3A : memref<!tpu.dma_semaphore, #tpu.memory_space<semaphore_mem>>)
        %dma_wait3A = arith.constant 0 : i32
        %dma_wait3A_31 = tpu.memref_slice %arg11[%add3A_24, %dma_wait3A] : memref<10240x64xf32, #tpu.memory_space<vmem_shared>> -> memref<128x64xf32, #tpu.memory_space<vmem_shared>>
        %dma_wait3A_32 = arith.constant 0 : i32
        %dma_wait3A_33 = tpu.memref_slice %arg11[%add3A_24, %dma_wait3A_32] : memref<10240x64xf32, #tpu.memory_space<vmem_shared>> -> memref<128x64xf32, #tpu.memory_space<vmem_shared>>
        tpu.wait_dma2 semaphore(%run_scoped3A : memref<!tpu.dma_semaphore, #tpu.memory_space<semaphore_mem>>) src(%dma_wait3A_33 : memref<128x64xf32, #tpu.memory_space<vmem_shared>>) dst(%arg9 : memref<128x64xf32, #tpu.memory_space<vmem>>)
        tpu.yield
      }) : () -> ()
      %mul3A_25 = arith.constant 10240 : i32
      %mul3A_26 = arith.muli %arg0, %mul3A_25 : i32
      %add3A_27 = arith.addi %mul3A_26, %add3A_24 : i32
      "tpu.region"() ({
        %run_scoped3A = tpu.sem_alloc : memref<!tpu.dma_semaphore, #tpu.memory_space<semaphore_mem>>
        %dma_start3A = arith.constant 0 : i32
        %dma_start3A_28 = tpu.memref_slice %arg6[%add3A_27, %dma_start3A] : memref<20480x64xf32, #tpu.memory_space<hbm>> -> memref<128x64xf32, #tpu.memory_space<hbm>>
        %dma_start3A_29 = arith.constant 0 : i32
        %dma_start3A_30 = tpu.memref_slice %arg6[%add3A_27, %dma_start3A_29] : memref<20480x64xf32, #tpu.memory_space<hbm>> -> memref<128x64xf32, #tpu.memory_space<hbm>>
        tpu.enqueue_dma source(%arg9 : memref<128x64xf32, #tpu.memory_space<vmem>>) target(%dma_start3A_30 : memref<128x64xf32, #tpu.memory_space<hbm>>) target_semaphore(%run_scoped3A : memref<!tpu.dma_semaphore, #tpu.memory_space<semaphore_mem>>)
        %dma_wait3A = arith.constant 0 : i32
        %dma_wait3A_31 = tpu.memref_slice %arg6[%add3A_27, %dma_wait3A] : memref<20480x64xf32, #tpu.memory_space<hbm>> -> memref<128x64xf32, #tpu.memory_space<hbm>>
        %dma_wait3A_32 = arith.constant 0 : i32
        %dma_wait3A_33 = tpu.memref_slice %arg6[%add3A_27, %dma_wait3A_32] : memref<20480x64xf32, #tpu.memory_space<hbm>> -> memref<128x64xf32, #tpu.memory_space<hbm>>
        tpu.wait_dma2 semaphore(%run_scoped3A : memref<!tpu.dma_semaphore, #tpu.memory_space<semaphore_mem>>) src(%arg9 : memref<128x64xf32, #tpu.memory_space<vmem>>) dst(%dma_wait3A_33 : memref<128x64xf32, #tpu.memory_space<hbm>>)
        tpu.yield
      }) : () -> ()
    }
    %scan3A_18 = arith.constant 5 : i32
    return
  }
}

#map = affine_map<(d0, d1) -> (0, 0)>
module attributes {stable_mosaic.version = 14 : i64} {
  func.func @body(%arg0: i32, %arg1: i32, %arg2: memref<10000x128xf32, #tpu.memory_space<hbm>>, %arg3: memref<2560x128xi32, #tpu.memory_space<hbm>>, %arg4: memref<2560x128xi32, #tpu.memory_space<hbm>>, %arg5: memref<128x128xf32, #tpu.memory_space<hbm>>, %arg6: memref<20480x128xf32, #tpu.memory_space<hbm>>, %arg7: memref<16x128xi32, #tpu.memory_space<vmem>>, %arg8: memref<16x128xi32, #tpu.memory_space<vmem>>, %arg9: memref<128x128xf32, #tpu.memory_space<vmem>>, %arg10: memref<128x128xf32, #tpu.memory_space<vmem>>, %arg11: memref<10240x128xf32, #tpu.memory_space<vmem_shared>>, %arg12: memref<!tpu.dma_semaphore, #tpu.memory_space<semaphore_mem>>, %arg13: memref<!tpu.dma_semaphore, #tpu.memory_space<semaphore_mem>>) attributes {dimension_semantics = [#tpu.dimension_semantics<core_parallel>, #tpu.dimension_semantics<subcore_parallel>], iteration_bounds = array<i64: 2, 16>, scalar_prefetch = 0 : i64, scratch_operands = 7 : i64, tpu.core_type = #tpu.core_type<sc_vector_subcore>, window_params = [{transform_indices = #map}, {transform_indices = #map}, {transform_indices = #map}, {transform_indices = #map}, {transform_indices = #map}]} {
    %mul3A = arith.constant 2 : i32
    %mul3A_0 = arith.muli %arg1, %mul3A : i32
    %add3A = arith.addi %mul3A_0, %arg0 : i32
    "tpu.region"() ({
      %run_scoped3A = tpu.sem_alloc : memref<!tpu.dma_semaphore, #tpu.memory_space<semaphore_mem>>
      tpu.enqueue_dma source(%arg5 : memref<128x128xf32, #tpu.memory_space<hbm>>) target(%arg9 : memref<128x128xf32, #tpu.memory_space<vmem>>) target_semaphore(%run_scoped3A : memref<!tpu.dma_semaphore, #tpu.memory_space<semaphore_mem>>)
      tpu.wait_dma2 semaphore(%run_scoped3A : memref<!tpu.dma_semaphore, #tpu.memory_space<semaphore_mem>>) src(%arg5 : memref<128x128xf32, #tpu.memory_space<hbm>>) dst(%arg9 : memref<128x128xf32, #tpu.memory_space<vmem>>)
      tpu.yield
    }) : () -> ()
    %scan3A = arith.constant 0 : i32
    %scan3A_1 = arith.constant 0 : i32
    %scan3A_2 = arith.constant 5 : i32
    %scan3A_3 = arith.addi %scan3A_1, %scan3A_2 : i32
    %scan3A_4 = arith.constant 1 : i32
    scf.for %scan3A_19 = %scan3A_1 to %scan3A_3 step %scan3A_4  : i32 {
      %mul3A_20 = arith.constant 640 : i32
      %mul3A_21 = arith.muli %arg1, %mul3A_20 : i32
      %mul3A_22 = arith.constant 128 : i32
      %mul3A_23 = arith.muli %scan3A_19, %mul3A_22 : i32
      %add3A_24 = arith.addi %mul3A_21, %mul3A_23 : i32
      "tpu.region"() ({
        %run_scoped3A = tpu.sem_alloc : memref<!tpu.dma_semaphore, #tpu.memory_space<semaphore_mem>>
        %dma_start3A = arith.constant 0 : i32
        %dma_start3A_25 = tpu.memref_slice %arg11[%add3A_24, %dma_start3A] : memref<10240x128xf32, #tpu.memory_space<vmem_shared>> -> memref<128x128xf32, #tpu.memory_space<vmem_shared>>
        %dma_start3A_26 = arith.constant 0 : i32
        %dma_start3A_27 = tpu.memref_slice %arg11[%add3A_24, %dma_start3A_26] : memref<10240x128xf32, #tpu.memory_space<vmem_shared>> -> memref<128x128xf32, #tpu.memory_space<vmem_shared>>
        tpu.enqueue_dma source(%arg9 : memref<128x128xf32, #tpu.memory_space<vmem>>) target(%dma_start3A_27 : memref<128x128xf32, #tpu.memory_space<vmem_shared>>) target_semaphore(%run_scoped3A : memref<!tpu.dma_semaphore, #tpu.memory_space<semaphore_mem>>)
        %dma_wait3A = arith.constant 0 : i32
        %dma_wait3A_28 = tpu.memref_slice %arg11[%add3A_24, %dma_wait3A] : memref<10240x128xf32, #tpu.memory_space<vmem_shared>> -> memref<128x128xf32, #tpu.memory_space<vmem_shared>>
        %dma_wait3A_29 = arith.constant 0 : i32
        %dma_wait3A_30 = tpu.memref_slice %arg11[%add3A_24, %dma_wait3A_29] : memref<10240x128xf32, #tpu.memory_space<vmem_shared>> -> memref<128x128xf32, #tpu.memory_space<vmem_shared>>
        tpu.wait_dma2 semaphore(%run_scoped3A : memref<!tpu.dma_semaphore, #tpu.memory_space<semaphore_mem>>) src(%arg9 : memref<128x128xf32, #tpu.memory_space<vmem>>) dst(%dma_wait3A_30 : memref<128x128xf32, #tpu.memory_space<vmem_shared>>)
        tpu.yield
      }) : () -> ()
    }
    %scan3A_5 = arith.constant 5 : i32
    %barrier3A = arith.constant 0 : index
    tpu.barrier barrier_id(%barrier3A)
    %scan3A_6 = arith.constant 0 : i32
    %scan3A_7 = arith.constant 0 : i32
    %scan3A_8 = arith.constant 5 : i32
    %scan3A_9 = arith.addi %scan3A_7, %scan3A_8 : i32
    %scan3A_10 = arith.constant 1 : i32
    scf.for %scan3A_19 = %scan3A_7 to %scan3A_9 step %scan3A_10  : i32 {
      %mul3A_20 = arith.constant 80 : i32
      %mul3A_21 = arith.muli %add3A, %mul3A_20 : i32
      %mul3A_22 = arith.constant 16 : i32
      %mul3A_23 = arith.muli %scan3A_19, %mul3A_22 : i32
      %add3A_24 = arith.addi %mul3A_21, %mul3A_23 : i32
      "tpu.region"() ({
        %run_scoped3A = tpu.sem_alloc : memref<!tpu.dma_semaphore, #tpu.memory_space<semaphore_mem>>
        %dma_start3A_471 = arith.constant 0 : i32
        %dma_start3A_472 = tpu.memref_slice %arg3[%add3A_24, %dma_start3A_471] : memref<2560x128xi32, #tpu.memory_space<hbm>> -> memref<16x128xi32, #tpu.memory_space<hbm>>
        %dma_start3A_473 = arith.constant 0 : i32
        %dma_start3A_474 = tpu.memref_slice %arg3[%add3A_24, %dma_start3A_473] : memref<2560x128xi32, #tpu.memory_space<hbm>> -> memref<16x128xi32, #tpu.memory_space<hbm>>
        tpu.enqueue_dma source(%dma_start3A_474 : memref<16x128xi32, #tpu.memory_space<hbm>>) target(%arg7 : memref<16x128xi32, #tpu.memory_space<vmem>>) target_semaphore(%run_scoped3A : memref<!tpu.dma_semaphore, #tpu.memory_space<semaphore_mem>>)
        %dma_wait3A_475 = arith.constant 0 : i32
        %dma_wait3A_476 = tpu.memref_slice %arg3[%add3A_24, %dma_wait3A_475] : memref<2560x128xi32, #tpu.memory_space<hbm>> -> memref<16x128xi32, #tpu.memory_space<hbm>>
        %dma_wait3A_477 = arith.constant 0 : i32
        %dma_wait3A_478 = tpu.memref_slice %arg3[%add3A_24, %dma_wait3A_477] : memref<2560x128xi32, #tpu.memory_space<hbm>> -> memref<16x128xi32, #tpu.memory_space<hbm>>
        tpu.wait_dma2 semaphore(%run_scoped3A : memref<!tpu.dma_semaphore, #tpu.memory_space<semaphore_mem>>) src(%dma_wait3A_478 : memref<16x128xi32, #tpu.memory_space<hbm>>) dst(%arg7 : memref<16x128xi32, #tpu.memory_space<vmem>>)
        tpu.yield
      }) : () -> ()
      "tpu.region"() ({
        %run_scoped3A = tpu.sem_alloc : memref<!tpu.dma_semaphore, #tpu.memory_space<semaphore_mem>>
        %dma_start3A_471 = arith.constant 0 : i32
        %dma_start3A_472 = tpu.memref_slice %arg4[%add3A_24, %dma_start3A_471] : memref<2560x128xi32, #tpu.memory_space<hbm>> -> memref<16x128xi32, #tpu.memory_space<hbm>>
        %dma_start3A_473 = arith.constant 0 : i32
        %dma_start3A_474 = tpu.memref_slice %arg4[%add3A_24, %dma_start3A_473] : memref<2560x128xi32, #tpu.memory_space<hbm>> -> memref<16x128xi32, #tpu.memory_space<hbm>>
        tpu.enqueue_dma source(%dma_start3A_474 : memref<16x128xi32, #tpu.memory_space<hbm>>) target(%arg8 : memref<16x128xi32, #tpu.memory_space<vmem>>) target_semaphore(%run_scoped3A : memref<!tpu.dma_semaphore, #tpu.memory_space<semaphore_mem>>)
        %dma_wait3A_475 = arith.constant 0 : i32
        %dma_wait3A_476 = tpu.memref_slice %arg4[%add3A_24, %dma_wait3A_475] : memref<2560x128xi32, #tpu.memory_space<hbm>> -> memref<16x128xi32, #tpu.memory_space<hbm>>
        %dma_wait3A_477 = arith.constant 0 : i32
        %dma_wait3A_478 = tpu.memref_slice %arg4[%add3A_24, %dma_wait3A_477] : memref<2560x128xi32, #tpu.memory_space<hbm>> -> memref<16x128xi32, #tpu.memory_space<hbm>>
        tpu.wait_dma2 semaphore(%run_scoped3A : memref<!tpu.dma_semaphore, #tpu.memory_space<semaphore_mem>>) src(%dma_wait3A_478 : memref<16x128xi32, #tpu.memory_space<hbm>>) dst(%arg8 : memref<16x128xi32, #tpu.memory_space<vmem>>)
        tpu.yield
      }) : () -> ()
      %dma_start3A = arith.constant 0 : i32
      %dma_start3A_25 = arith.constant 0 : i32
      %dma_start3A_26 = tpu.memref_slice %arg7[%dma_start3A, %dma_start3A_25] : memref<16x128xi32, #tpu.memory_space<vmem>> -> memref<1x128xi32, #tpu.memory_space<vmem>>
      %dma_start3A_27 = tpu.memref_squeeze %dma_start3A_26 : memref<1x128xi32, #tpu.memory_space<vmem>> -> memref<128xi32, #tpu.memory_space<vmem>>
      %dma_start3A_28 = arith.constant 0 : i32
      %dma_start3A_29 = arith.constant 0 : i32
      %dma_start3A_30 = tpu.memref_slice %arg2[%dma_start3A_28, %dma_start3A_29] : memref<10000x128xf32, #tpu.memory_space<hbm>> -> memref<10000x128xf32, #tpu.memory_space<hbm>>
      tpu.enqueue_indirect_dma source(%dma_start3A_30 : memref<10000x128xf32, #tpu.memory_space<hbm>>) target(%arg9 : memref<128x128xf32, #tpu.memory_space<vmem>>) offsets(%dma_start3A_27 : memref<128xi32, #tpu.memory_space<vmem>>) semaphore(%arg12 : memref<!tpu.dma_semaphore, #tpu.memory_space<semaphore_mem>>)
      %dma_wait3A = arith.constant 0 : i32
      %dma_wait3A_31 = arith.constant 0 : i32
      %dma_wait3A_32 = tpu.memref_slice %arg7[%dma_wait3A, %dma_wait3A_31] : memref<16x128xi32, #tpu.memory_space<vmem>> -> memref<1x128xi32, #tpu.memory_space<vmem>>
      %dma_wait3A_33 = tpu.memref_squeeze %dma_wait3A_32 : memref<1x128xi32, #tpu.memory_space<vmem>> -> memref<128xi32, #tpu.memory_space<vmem>>
      %dma_wait3A_34 = arith.constant 0 : i32
      %dma_wait3A_35 = arith.constant 0 : i32
      %dma_wait3A_36 = tpu.memref_slice %arg2[%dma_wait3A_34, %dma_wait3A_35] : memref<10000x128xf32, #tpu.memory_space<hbm>> -> memref<10000x128xf32, #tpu.memory_space<hbm>>
      tpu.wait_indirect_dma semaphore(%arg12 : memref<!tpu.dma_semaphore, #tpu.memory_space<semaphore_mem>>) src(%dma_wait3A_36 : memref<10000x128xf32, #tpu.memory_space<hbm>>) dst(%arg9 : memref<128x128xf32, #tpu.memory_space<vmem>>)
      %dma_start3A_37 = arith.constant 0 : i32
      %dma_start3A_38 = arith.constant 0 : i32
      %dma_start3A_39 = tpu.memref_slice %arg8[%dma_start3A_37, %dma_start3A_38] : memref<16x128xi32, #tpu.memory_space<vmem>> -> memref<1x128xi32, #tpu.memory_space<vmem>>
      %dma_start3A_40 = tpu.memref_squeeze %dma_start3A_39 : memref<1x128xi32, #tpu.memory_space<vmem>> -> memref<128xi32, #tpu.memory_space<vmem>>
      %dma_start3A_41 = arith.constant 0 : i32
      %dma_start3A_42 = arith.constant 0 : i32
      %dma_start3A_43 = tpu.memref_slice %arg11[%dma_start3A_41, %dma_start3A_42] : memref<10240x128xf32, #tpu.memory_space<vmem_shared>> -> memref<10240x128xf32, #tpu.memory_space<vmem_shared>>
      tpu.enqueue_indirect_dma source(%arg9 : memref<128x128xf32, #tpu.memory_space<vmem>>) target(%dma_start3A_43 : memref<10240x128xf32, #tpu.memory_space<vmem_shared>>) offsets(%dma_start3A_40 : memref<128xi32, #tpu.memory_space<vmem>>) semaphore(%arg13 : memref<!tpu.dma_semaphore, #tpu.memory_space<semaphore_mem>>) {add = true}
      %dma_start3A_44 = arith.constant 1 : i32
      %dma_start3A_45 = arith.constant 0 : i32
      %dma_start3A_46 = tpu.memref_slice %arg7[%dma_start3A_44, %dma_start3A_45] : memref<16x128xi32, #tpu.memory_space<vmem>> -> memref<1x128xi32, #tpu.memory_space<vmem>>
      %dma_start3A_47 = tpu.memref_squeeze %dma_start3A_46 : memref<1x128xi32, #tpu.memory_space<vmem>> -> memref<128xi32, #tpu.memory_space<vmem>>
      %dma_start3A_48 = arith.constant 0 : i32
      %dma_start3A_49 = arith.constant 0 : i32
      %dma_start3A_50 = tpu.memref_slice %arg2[%dma_start3A_48, %dma_start3A_49] : memref<10000x128xf32, #tpu.memory_space<hbm>> -> memref<10000x128xf32, #tpu.memory_space<hbm>>
      tpu.enqueue_indirect_dma source(%dma_start3A_50 : memref<10000x128xf32, #tpu.memory_space<hbm>>) target(%arg10 : memref<128x128xf32, #tpu.memory_space<vmem>>) offsets(%dma_start3A_47 : memref<128xi32, #tpu.memory_space<vmem>>) semaphore(%arg12 : memref<!tpu.dma_semaphore, #tpu.memory_space<semaphore_mem>>)
      %dma_wait3A_51 = arith.constant 1 : i32
      %dma_wait3A_52 = arith.constant 0 : i32
      %dma_wait3A_53 = tpu.memref_slice %arg7[%dma_wait3A_51, %dma_wait3A_52] : memref<16x128xi32, #tpu.memory_space<vmem>> -> memref<1x128xi32, #tpu.memory_space<vmem>>
      %dma_wait3A_54 = tpu.memref_squeeze %dma_wait3A_53 : memref<1x128xi32, #tpu.memory_space<vmem>> -> memref<128xi32, #tpu.memory_space<vmem>>
      %dma_wait3A_55 = arith.constant 0 : i32
      %dma_wait3A_56 = arith.constant 0 : i32
      %dma_wait3A_57 = tpu.memref_slice %arg2[%dma_wait3A_55, %dma_wait3A_56] : memref<10000x128xf32, #tpu.memory_space<hbm>> -> memref<10000x128xf32, #tpu.memory_space<hbm>>
      tpu.wait_indirect_dma semaphore(%arg12 : memref<!tpu.dma_semaphore, #tpu.memory_space<semaphore_mem>>) src(%dma_wait3A_57 : memref<10000x128xf32, #tpu.memory_space<hbm>>) dst(%arg10 : memref<128x128xf32, #tpu.memory_space<vmem>>)
      %dma_start3A_58 = arith.constant 1 : i32
      %dma_start3A_59 = arith.constant 0 : i32
      %dma_start3A_60 = tpu.memref_slice %arg8[%dma_start3A_58, %dma_start3A_59] : memref<16x128xi32, #tpu.memory_space<vmem>> -> memref<1x128xi32, #tpu.memory_space<vmem>>
      %dma_start3A_61 = tpu.memref_squeeze %dma_start3A_60 : memref<1x128xi32, #tpu.memory_space<vmem>> -> memref<128xi32, #tpu.memory_space<vmem>>
      %dma_start3A_62 = arith.constant 0 : i32
      %dma_start3A_63 = arith.constant 0 : i32
      %dma_start3A_64 = tpu.memref_slice %arg11[%dma_start3A_62, %dma_start3A_63] : memref<10240x128xf32, #tpu.memory_space<vmem_shared>> -> memref<10240x128xf32, #tpu.memory_space<vmem_shared>>
      tpu.enqueue_indirect_dma source(%arg10 : memref<128x128xf32, #tpu.memory_space<vmem>>) target(%dma_start3A_64 : memref<10240x128xf32, #tpu.memory_space<vmem_shared>>) offsets(%dma_start3A_61 : memref<128xi32, #tpu.memory_space<vmem>>) semaphore(%arg13 : memref<!tpu.dma_semaphore, #tpu.memory_space<semaphore_mem>>) {add = true}
      %dma_wait3A_65 = arith.constant 0 : i32
      %dma_wait3A_66 = arith.constant 0 : i32
      %dma_wait3A_67 = tpu.memref_slice %arg8[%dma_wait3A_65, %dma_wait3A_66] : memref<16x128xi32, #tpu.memory_space<vmem>> -> memref<1x128xi32, #tpu.memory_space<vmem>>
      %dma_wait3A_68 = tpu.memref_squeeze %dma_wait3A_67 : memref<1x128xi32, #tpu.memory_space<vmem>> -> memref<128xi32, #tpu.memory_space<vmem>>
      %dma_wait3A_69 = arith.constant 0 : i32
      %dma_wait3A_70 = arith.constant 0 : i32
      %dma_wait3A_71 = tpu.memref_slice %arg11[%dma_wait3A_69, %dma_wait3A_70] : memref<10240x128xf32, #tpu.memory_space<vmem_shared>> -> memref<10240x128xf32, #tpu.memory_space<vmem_shared>>
      tpu.wait_indirect_dma semaphore(%arg13 : memref<!tpu.dma_semaphore, #tpu.memory_space<semaphore_mem>>) src(%arg9 : memref<128x128xf32, #tpu.memory_space<vmem>>) dst(%dma_wait3A_71 : memref<10240x128xf32, #tpu.memory_space<vmem_shared>>)
      %dma_start3A_72 = arith.constant 2 : i32
      %dma_start3A_73 = arith.constant 0 : i32
      %dma_start3A_74 = tpu.memref_slice %arg7[%dma_start3A_72, %dma_start3A_73] : memref<16x128xi32, #tpu.memory_space<vmem>> -> memref<1x128xi32, #tpu.memory_space<vmem>>
      %dma_start3A_75 = tpu.memref_squeeze %dma_start3A_74 : memref<1x128xi32, #tpu.memory_space<vmem>> -> memref<128xi32, #tpu.memory_space<vmem>>
      %dma_start3A_76 = arith.constant 0 : i32
      %dma_start3A_77 = arith.constant 0 : i32
      %dma_start3A_78 = tpu.memref_slice %arg2[%dma_start3A_76, %dma_start3A_77] : memref<10000x128xf32, #tpu.memory_space<hbm>> -> memref<10000x128xf32, #tpu.memory_space<hbm>>
      tpu.enqueue_indirect_dma source(%dma_start3A_78 : memref<10000x128xf32, #tpu.memory_space<hbm>>) target(%arg9 : memref<128x128xf32, #tpu.memory_space<vmem>>) offsets(%dma_start3A_75 : memref<128xi32, #tpu.memory_space<vmem>>) semaphore(%arg12 : memref<!tpu.dma_semaphore, #tpu.memory_space<semaphore_mem>>)
      %dma_wait3A_79 = arith.constant 2 : i32
      %dma_wait3A_80 = arith.constant 0 : i32
      %dma_wait3A_81 = tpu.memref_slice %arg7[%dma_wait3A_79, %dma_wait3A_80] : memref<16x128xi32, #tpu.memory_space<vmem>> -> memref<1x128xi32, #tpu.memory_space<vmem>>
      %dma_wait3A_82 = tpu.memref_squeeze %dma_wait3A_81 : memref<1x128xi32, #tpu.memory_space<vmem>> -> memref<128xi32, #tpu.memory_space<vmem>>
      %dma_wait3A_83 = arith.constant 0 : i32
      %dma_wait3A_84 = arith.constant 0 : i32
      %dma_wait3A_85 = tpu.memref_slice %arg2[%dma_wait3A_83, %dma_wait3A_84] : memref<10000x128xf32, #tpu.memory_space<hbm>> -> memref<10000x128xf32, #tpu.memory_space<hbm>>
      tpu.wait_indirect_dma semaphore(%arg12 : memref<!tpu.dma_semaphore, #tpu.memory_space<semaphore_mem>>) src(%dma_wait3A_85 : memref<10000x128xf32, #tpu.memory_space<hbm>>) dst(%arg9 : memref<128x128xf32, #tpu.memory_space<vmem>>)
      %dma_start3A_86 = arith.constant 2 : i32
      %dma_start3A_87 = arith.constant 0 : i32
      %dma_start3A_88 = tpu.memref_slice %arg8[%dma_start3A_86, %dma_start3A_87] : memref<16x128xi32, #tpu.memory_space<vmem>> -> memref<1x128xi32, #tpu.memory_space<vmem>>
      %dma_start3A_89 = tpu.memref_squeeze %dma_start3A_88 : memref<1x128xi32, #tpu.memory_space<vmem>> -> memref<128xi32, #tpu.memory_space<vmem>>
      %dma_start3A_90 = arith.constant 0 : i32
      %dma_start3A_91 = arith.constant 0 : i32
      %dma_start3A_92 = tpu.memref_slice %arg11[%dma_start3A_90, %dma_start3A_91] : memref<10240x128xf32, #tpu.memory_space<vmem_shared>> -> memref<10240x128xf32, #tpu.memory_space<vmem_shared>>
      tpu.enqueue_indirect_dma source(%arg9 : memref<128x128xf32, #tpu.memory_space<vmem>>) target(%dma_start3A_92 : memref<10240x128xf32, #tpu.memory_space<vmem_shared>>) offsets(%dma_start3A_89 : memref<128xi32, #tpu.memory_space<vmem>>) semaphore(%arg13 : memref<!tpu.dma_semaphore, #tpu.memory_space<semaphore_mem>>) {add = true}
      %dma_wait3A_93 = arith.constant 1 : i32
      %dma_wait3A_94 = arith.constant 0 : i32
      %dma_wait3A_95 = tpu.memref_slice %arg8[%dma_wait3A_93, %dma_wait3A_94] : memref<16x128xi32, #tpu.memory_space<vmem>> -> memref<1x128xi32, #tpu.memory_space<vmem>>
      %dma_wait3A_96 = tpu.memref_squeeze %dma_wait3A_95 : memref<1x128xi32, #tpu.memory_space<vmem>> -> memref<128xi32, #tpu.memory_space<vmem>>
      %dma_wait3A_97 = arith.constant 0 : i32
      %dma_wait3A_98 = arith.constant 0 : i32
      %dma_wait3A_99 = tpu.memref_slice %arg11[%dma_wait3A_97, %dma_wait3A_98] : memref<10240x128xf32, #tpu.memory_space<vmem_shared>> -> memref<10240x128xf32, #tpu.memory_space<vmem_shared>>
      tpu.wait_indirect_dma semaphore(%arg13 : memref<!tpu.dma_semaphore, #tpu.memory_space<semaphore_mem>>) src(%arg10 : memref<128x128xf32, #tpu.memory_space<vmem>>) dst(%dma_wait3A_99 : memref<10240x128xf32, #tpu.memory_space<vmem_shared>>)
      %dma_start3A_100 = arith.constant 3 : i32
      %dma_start3A_101 = arith.constant 0 : i32
      %dma_start3A_102 = tpu.memref_slice %arg7[%dma_start3A_100, %dma_start3A_101] : memref<16x128xi32, #tpu.memory_space<vmem>> -> memref<1x128xi32, #tpu.memory_space<vmem>>
      %dma_start3A_103 = tpu.memref_squeeze %dma_start3A_102 : memref<1x128xi32, #tpu.memory_space<vmem>> -> memref<128xi32, #tpu.memory_space<vmem>>
      %dma_start3A_104 = arith.constant 0 : i32
      %dma_start3A_105 = arith.constant 0 : i32
      %dma_start3A_106 = tpu.memref_slice %arg2[%dma_start3A_104, %dma_start3A_105] : memref<10000x128xf32, #tpu.memory_space<hbm>> -> memref<10000x128xf32, #tpu.memory_space<hbm>>
      tpu.enqueue_indirect_dma source(%dma_start3A_106 : memref<10000x128xf32, #tpu.memory_space<hbm>>) target(%arg10 : memref<128x128xf32, #tpu.memory_space<vmem>>) offsets(%dma_start3A_103 : memref<128xi32, #tpu.memory_space<vmem>>) semaphore(%arg12 : memref<!tpu.dma_semaphore, #tpu.memory_space<semaphore_mem>>)
      %dma_wait3A_107 = arith.constant 3 : i32
      %dma_wait3A_108 = arith.constant 0 : i32
      %dma_wait3A_109 = tpu.memref_slice %arg7[%dma_wait3A_107, %dma_wait3A_108] : memref<16x128xi32, #tpu.memory_space<vmem>> -> memref<1x128xi32, #tpu.memory_space<vmem>>
      %dma_wait3A_110 = tpu.memref_squeeze %dma_wait3A_109 : memref<1x128xi32, #tpu.memory_space<vmem>> -> memref<128xi32, #tpu.memory_space<vmem>>
      %dma_wait3A_111 = arith.constant 0 : i32
      %dma_wait3A_112 = arith.constant 0 : i32
      %dma_wait3A_113 = tpu.memref_slice %arg2[%dma_wait3A_111, %dma_wait3A_112] : memref<10000x128xf32, #tpu.memory_space<hbm>> -> memref<10000x128xf32, #tpu.memory_space<hbm>>
      tpu.wait_indirect_dma semaphore(%arg12 : memref<!tpu.dma_semaphore, #tpu.memory_space<semaphore_mem>>) src(%dma_wait3A_113 : memref<10000x128xf32, #tpu.memory_space<hbm>>) dst(%arg10 : memref<128x128xf32, #tpu.memory_space<vmem>>)
      %dma_start3A_114 = arith.constant 3 : i32
      %dma_start3A_115 = arith.constant 0 : i32
      %dma_start3A_116 = tpu.memref_slice %arg8[%dma_start3A_114, %dma_start3A_115] : memref<16x128xi32, #tpu.memory_space<vmem>> -> memref<1x128xi32, #tpu.memory_space<vmem>>
      %dma_start3A_117 = tpu.memref_squeeze %dma_start3A_116 : memref<1x128xi32, #tpu.memory_space<vmem>> -> memref<128xi32, #tpu.memory_space<vmem>>
      %dma_start3A_118 = arith.constant 0 : i32
      %dma_start3A_119 = arith.constant 0 : i32
      %dma_start3A_120 = tpu.memref_slice %arg11[%dma_start3A_118, %dma_start3A_119] : memref<10240x128xf32, #tpu.memory_space<vmem_shared>> -> memref<10240x128xf32, #tpu.memory_space<vmem_shared>>
      tpu.enqueue_indirect_dma source(%arg10 : memref<128x128xf32, #tpu.memory_space<vmem>>) target(%dma_start3A_120 : memref<10240x128xf32, #tpu.memory_space<vmem_shared>>) offsets(%dma_start3A_117 : memref<128xi32, #tpu.memory_space<vmem>>) semaphore(%arg13 : memref<!tpu.dma_semaphore, #tpu.memory_space<semaphore_mem>>) {add = true}
      %dma_wait3A_121 = arith.constant 2 : i32
      %dma_wait3A_122 = arith.constant 0 : i32
      %dma_wait3A_123 = tpu.memref_slice %arg8[%dma_wait3A_121, %dma_wait3A_122] : memref<16x128xi32, #tpu.memory_space<vmem>> -> memref<1x128xi32, #tpu.memory_space<vmem>>
      %dma_wait3A_124 = tpu.memref_squeeze %dma_wait3A_123 : memref<1x128xi32, #tpu.memory_space<vmem>> -> memref<128xi32, #tpu.memory_space<vmem>>
      %dma_wait3A_125 = arith.constant 0 : i32
      %dma_wait3A_126 = arith.constant 0 : i32
      %dma_wait3A_127 = tpu.memref_slice %arg11[%dma_wait3A_125, %dma_wait3A_126] : memref<10240x128xf32, #tpu.memory_space<vmem_shared>> -> memref<10240x128xf32, #tpu.memory_space<vmem_shared>>
      tpu.wait_indirect_dma semaphore(%arg13 : memref<!tpu.dma_semaphore, #tpu.memory_space<semaphore_mem>>) src(%arg9 : memref<128x128xf32, #tpu.memory_space<vmem>>) dst(%dma_wait3A_127 : memref<10240x128xf32, #tpu.memory_space<vmem_shared>>)
      %dma_start3A_128 = arith.constant 4 : i32
      %dma_start3A_129 = arith.constant 0 : i32
      %dma_start3A_130 = tpu.memref_slice %arg7[%dma_start3A_128, %dma_start3A_129] : memref<16x128xi32, #tpu.memory_space<vmem>> -> memref<1x128xi32, #tpu.memory_space<vmem>>
      %dma_start3A_131 = tpu.memref_squeeze %dma_start3A_130 : memref<1x128xi32, #tpu.memory_space<vmem>> -> memref<128xi32, #tpu.memory_space<vmem>>
      %dma_start3A_132 = arith.constant 0 : i32
      %dma_start3A_133 = arith.constant 0 : i32
      %dma_start3A_134 = tpu.memref_slice %arg2[%dma_start3A_132, %dma_start3A_133] : memref<10000x128xf32, #tpu.memory_space<hbm>> -> memref<10000x128xf32, #tpu.memory_space<hbm>>
      tpu.enqueue_indirect_dma source(%dma_start3A_134 : memref<10000x128xf32, #tpu.memory_space<hbm>>) target(%arg9 : memref<128x128xf32, #tpu.memory_space<vmem>>) offsets(%dma_start3A_131 : memref<128xi32, #tpu.memory_space<vmem>>) semaphore(%arg12 : memref<!tpu.dma_semaphore, #tpu.memory_space<semaphore_mem>>)
      %dma_wait3A_135 = arith.constant 4 : i32
      %dma_wait3A_136 = arith.constant 0 : i32
      %dma_wait3A_137 = tpu.memref_slice %arg7[%dma_wait3A_135, %dma_wait3A_136] : memref<16x128xi32, #tpu.memory_space<vmem>> -> memref<1x128xi32, #tpu.memory_space<vmem>>
      %dma_wait3A_138 = tpu.memref_squeeze %dma_wait3A_137 : memref<1x128xi32, #tpu.memory_space<vmem>> -> memref<128xi32, #tpu.memory_space<vmem>>
      %dma_wait3A_139 = arith.constant 0 : i32
      %dma_wait3A_140 = arith.constant 0 : i32
      %dma_wait3A_141 = tpu.memref_slice %arg2[%dma_wait3A_139, %dma_wait3A_140] : memref<10000x128xf32, #tpu.memory_space<hbm>> -> memref<10000x128xf32, #tpu.memory_space<hbm>>
      tpu.wait_indirect_dma semaphore(%arg12 : memref<!tpu.dma_semaphore, #tpu.memory_space<semaphore_mem>>) src(%dma_wait3A_141 : memref<10000x128xf32, #tpu.memory_space<hbm>>) dst(%arg9 : memref<128x128xf32, #tpu.memory_space<vmem>>)
      %dma_start3A_142 = arith.constant 4 : i32
      %dma_start3A_143 = arith.constant 0 : i32
      %dma_start3A_144 = tpu.memref_slice %arg8[%dma_start3A_142, %dma_start3A_143] : memref<16x128xi32, #tpu.memory_space<vmem>> -> memref<1x128xi32, #tpu.memory_space<vmem>>
      %dma_start3A_145 = tpu.memref_squeeze %dma_start3A_144 : memref<1x128xi32, #tpu.memory_space<vmem>> -> memref<128xi32, #tpu.memory_space<vmem>>
      %dma_start3A_146 = arith.constant 0 : i32
      %dma_start3A_147 = arith.constant 0 : i32
      %dma_start3A_148 = tpu.memref_slice %arg11[%dma_start3A_146, %dma_start3A_147] : memref<10240x128xf32, #tpu.memory_space<vmem_shared>> -> memref<10240x128xf32, #tpu.memory_space<vmem_shared>>
      tpu.enqueue_indirect_dma source(%arg9 : memref<128x128xf32, #tpu.memory_space<vmem>>) target(%dma_start3A_148 : memref<10240x128xf32, #tpu.memory_space<vmem_shared>>) offsets(%dma_start3A_145 : memref<128xi32, #tpu.memory_space<vmem>>) semaphore(%arg13 : memref<!tpu.dma_semaphore, #tpu.memory_space<semaphore_mem>>) {add = true}
      %dma_wait3A_149 = arith.constant 3 : i32
      %dma_wait3A_150 = arith.constant 0 : i32
      %dma_wait3A_151 = tpu.memref_slice %arg8[%dma_wait3A_149, %dma_wait3A_150] : memref<16x128xi32, #tpu.memory_space<vmem>> -> memref<1x128xi32, #tpu.memory_space<vmem>>
      %dma_wait3A_152 = tpu.memref_squeeze %dma_wait3A_151 : memref<1x128xi32, #tpu.memory_space<vmem>> -> memref<128xi32, #tpu.memory_space<vmem>>
      %dma_wait3A_153 = arith.constant 0 : i32
      %dma_wait3A_154 = arith.constant 0 : i32
      %dma_wait3A_155 = tpu.memref_slice %arg11[%dma_wait3A_153, %dma_wait3A_154] : memref<10240x128xf32, #tpu.memory_space<vmem_shared>> -> memref<10240x128xf32, #tpu.memory_space<vmem_shared>>
      tpu.wait_indirect_dma semaphore(%arg13 : memref<!tpu.dma_semaphore, #tpu.memory_space<semaphore_mem>>) src(%arg10 : memref<128x128xf32, #tpu.memory_space<vmem>>) dst(%dma_wait3A_155 : memref<10240x128xf32, #tpu.memory_space<vmem_shared>>)
      %dma_start3A_156 = arith.constant 5 : i32
      %dma_start3A_157 = arith.constant 0 : i32
      %dma_start3A_158 = tpu.memref_slice %arg7[%dma_start3A_156, %dma_start3A_157] : memref<16x128xi32, #tpu.memory_space<vmem>> -> memref<1x128xi32, #tpu.memory_space<vmem>>
      %dma_start3A_159 = tpu.memref_squeeze %dma_start3A_158 : memref<1x128xi32, #tpu.memory_space<vmem>> -> memref<128xi32, #tpu.memory_space<vmem>>
      %dma_start3A_160 = arith.constant 0 : i32
      %dma_start3A_161 = arith.constant 0 : i32
      %dma_start3A_162 = tpu.memref_slice %arg2[%dma_start3A_160, %dma_start3A_161] : memref<10000x128xf32, #tpu.memory_space<hbm>> -> memref<10000x128xf32, #tpu.memory_space<hbm>>
      tpu.enqueue_indirect_dma source(%dma_start3A_162 : memref<10000x128xf32, #tpu.memory_space<hbm>>) target(%arg10 : memref<128x128xf32, #tpu.memory_space<vmem>>) offsets(%dma_start3A_159 : memref<128xi32, #tpu.memory_space<vmem>>) semaphore(%arg12 : memref<!tpu.dma_semaphore, #tpu.memory_space<semaphore_mem>>)
      %dma_wait3A_163 = arith.constant 5 : i32
      %dma_wait3A_164 = arith.constant 0 : i32
      %dma_wait3A_165 = tpu.memref_slice %arg7[%dma_wait3A_163, %dma_wait3A_164] : memref<16x128xi32, #tpu.memory_space<vmem>> -> memref<1x128xi32, #tpu.memory_space<vmem>>
      %dma_wait3A_166 = tpu.memref_squeeze %dma_wait3A_165 : memref<1x128xi32, #tpu.memory_space<vmem>> -> memref<128xi32, #tpu.memory_space<vmem>>
      %dma_wait3A_167 = arith.constant 0 : i32
      %dma_wait3A_168 = arith.constant 0 : i32
      %dma_wait3A_169 = tpu.memref_slice %arg2[%dma_wait3A_167, %dma_wait3A_168] : memref<10000x128xf32, #tpu.memory_space<hbm>> -> memref<10000x128xf32, #tpu.memory_space<hbm>>
      tpu.wait_indirect_dma semaphore(%arg12 : memref<!tpu.dma_semaphore, #tpu.memory_space<semaphore_mem>>) src(%dma_wait3A_169 : memref<10000x128xf32, #tpu.memory_space<hbm>>) dst(%arg10 : memref<128x128xf32, #tpu.memory_space<vmem>>)
      %dma_start3A_170 = arith.constant 5 : i32
      %dma_start3A_171 = arith.constant 0 : i32
      %dma_start3A_172 = tpu.memref_slice %arg8[%dma_start3A_170, %dma_start3A_171] : memref<16x128xi32, #tpu.memory_space<vmem>> -> memref<1x128xi32, #tpu.memory_space<vmem>>
      %dma_start3A_173 = tpu.memref_squeeze %dma_start3A_172 : memref<1x128xi32, #tpu.memory_space<vmem>> -> memref<128xi32, #tpu.memory_space<vmem>>
      %dma_start3A_174 = arith.constant 0 : i32
      %dma_start3A_175 = arith.constant 0 : i32
      %dma_start3A_176 = tpu.memref_slice %arg11[%dma_start3A_174, %dma_start3A_175] : memref<10240x128xf32, #tpu.memory_space<vmem_shared>> -> memref<10240x128xf32, #tpu.memory_space<vmem_shared>>
      tpu.enqueue_indirect_dma source(%arg10 : memref<128x128xf32, #tpu.memory_space<vmem>>) target(%dma_start3A_176 : memref<10240x128xf32, #tpu.memory_space<vmem_shared>>) offsets(%dma_start3A_173 : memref<128xi32, #tpu.memory_space<vmem>>) semaphore(%arg13 : memref<!tpu.dma_semaphore, #tpu.memory_space<semaphore_mem>>) {add = true}
      %dma_wait3A_177 = arith.constant 4 : i32
      %dma_wait3A_178 = arith.constant 0 : i32
      %dma_wait3A_179 = tpu.memref_slice %arg8[%dma_wait3A_177, %dma_wait3A_178] : memref<16x128xi32, #tpu.memory_space<vmem>> -> memref<1x128xi32, #tpu.memory_space<vmem>>
      %dma_wait3A_180 = tpu.memref_squeeze %dma_wait3A_179 : memref<1x128xi32, #tpu.memory_space<vmem>> -> memref<128xi32, #tpu.memory_space<vmem>>
      %dma_wait3A_181 = arith.constant 0 : i32
      %dma_wait3A_182 = arith.constant 0 : i32
      %dma_wait3A_183 = tpu.memref_slice %arg11[%dma_wait3A_181, %dma_wait3A_182] : memref<10240x128xf32, #tpu.memory_space<vmem_shared>> -> memref<10240x128xf32, #tpu.memory_space<vmem_shared>>
      tpu.wait_indirect_dma semaphore(%arg13 : memref<!tpu.dma_semaphore, #tpu.memory_space<semaphore_mem>>) src(%arg9 : memref<128x128xf32, #tpu.memory_space<vmem>>) dst(%dma_wait3A_183 : memref<10240x128xf32, #tpu.memory_space<vmem_shared>>)
      %dma_start3A_184 = arith.constant 6 : i32
      %dma_start3A_185 = arith.constant 0 : i32
      %dma_start3A_186 = tpu.memref_slice %arg7[%dma_start3A_184, %dma_start3A_185] : memref<16x128xi32, #tpu.memory_space<vmem>> -> memref<1x128xi32, #tpu.memory_space<vmem>>
      %dma_start3A_187 = tpu.memref_squeeze %dma_start3A_186 : memref<1x128xi32, #tpu.memory_space<vmem>> -> memref<128xi32, #tpu.memory_space<vmem>>
      %dma_start3A_188 = arith.constant 0 : i32
      %dma_start3A_189 = arith.constant 0 : i32
      %dma_start3A_190 = tpu.memref_slice %arg2[%dma_start3A_188, %dma_start3A_189] : memref<10000x128xf32, #tpu.memory_space<hbm>> -> memref<10000x128xf32, #tpu.memory_space<hbm>>
      tpu.enqueue_indirect_dma source(%dma_start3A_190 : memref<10000x128xf32, #tpu.memory_space<hbm>>) target(%arg9 : memref<128x128xf32, #tpu.memory_space<vmem>>) offsets(%dma_start3A_187 : memref<128xi32, #tpu.memory_space<vmem>>) semaphore(%arg12 : memref<!tpu.dma_semaphore, #tpu.memory_space<semaphore_mem>>)
      %dma_wait3A_191 = arith.constant 6 : i32
      %dma_wait3A_192 = arith.constant 0 : i32
      %dma_wait3A_193 = tpu.memref_slice %arg7[%dma_wait3A_191, %dma_wait3A_192] : memref<16x128xi32, #tpu.memory_space<vmem>> -> memref<1x128xi32, #tpu.memory_space<vmem>>
      %dma_wait3A_194 = tpu.memref_squeeze %dma_wait3A_193 : memref<1x128xi32, #tpu.memory_space<vmem>> -> memref<128xi32, #tpu.memory_space<vmem>>
      %dma_wait3A_195 = arith.constant 0 : i32
      %dma_wait3A_196 = arith.constant 0 : i32
      %dma_wait3A_197 = tpu.memref_slice %arg2[%dma_wait3A_195, %dma_wait3A_196] : memref<10000x128xf32, #tpu.memory_space<hbm>> -> memref<10000x128xf32, #tpu.memory_space<hbm>>
      tpu.wait_indirect_dma semaphore(%arg12 : memref<!tpu.dma_semaphore, #tpu.memory_space<semaphore_mem>>) src(%dma_wait3A_197 : memref<10000x128xf32, #tpu.memory_space<hbm>>) dst(%arg9 : memref<128x128xf32, #tpu.memory_space<vmem>>)
      %dma_start3A_198 = arith.constant 6 : i32
      %dma_start3A_199 = arith.constant 0 : i32
      %dma_start3A_200 = tpu.memref_slice %arg8[%dma_start3A_198, %dma_start3A_199] : memref<16x128xi32, #tpu.memory_space<vmem>> -> memref<1x128xi32, #tpu.memory_space<vmem>>
      %dma_start3A_201 = tpu.memref_squeeze %dma_start3A_200 : memref<1x128xi32, #tpu.memory_space<vmem>> -> memref<128xi32, #tpu.memory_space<vmem>>
      %dma_start3A_202 = arith.constant 0 : i32
      %dma_start3A_203 = arith.constant 0 : i32
      %dma_start3A_204 = tpu.memref_slice %arg11[%dma_start3A_202, %dma_start3A_203] : memref<10240x128xf32, #tpu.memory_space<vmem_shared>> -> memref<10240x128xf32, #tpu.memory_space<vmem_shared>>
      tpu.enqueue_indirect_dma source(%arg9 : memref<128x128xf32, #tpu.memory_space<vmem>>) target(%dma_start3A_204 : memref<10240x128xf32, #tpu.memory_space<vmem_shared>>) offsets(%dma_start3A_201 : memref<128xi32, #tpu.memory_space<vmem>>) semaphore(%arg13 : memref<!tpu.dma_semaphore, #tpu.memory_space<semaphore_mem>>) {add = true}
      %dma_wait3A_205 = arith.constant 5 : i32
      %dma_wait3A_206 = arith.constant 0 : i32
      %dma_wait3A_207 = tpu.memref_slice %arg8[%dma_wait3A_205, %dma_wait3A_206] : memref<16x128xi32, #tpu.memory_space<vmem>> -> memref<1x128xi32, #tpu.memory_space<vmem>>
      %dma_wait3A_208 = tpu.memref_squeeze %dma_wait3A_207 : memref<1x128xi32, #tpu.memory_space<vmem>> -> memref<128xi32, #tpu.memory_space<vmem>>
      %dma_wait3A_209 = arith.constant 0 : i32
      %dma_wait3A_210 = arith.constant 0 : i32
      %dma_wait3A_211 = tpu.memref_slice %arg11[%dma_wait3A_209, %dma_wait3A_210] : memref<10240x128xf32, #tpu.memory_space<vmem_shared>> -> memref<10240x128xf32, #tpu.memory_space<vmem_shared>>
      tpu.wait_indirect_dma semaphore(%arg13 : memref<!tpu.dma_semaphore, #tpu.memory_space<semaphore_mem>>) src(%arg10 : memref<128x128xf32, #tpu.memory_space<vmem>>) dst(%dma_wait3A_211 : memref<10240x128xf32, #tpu.memory_space<vmem_shared>>)
      %dma_start3A_212 = arith.constant 7 : i32
      %dma_start3A_213 = arith.constant 0 : i32
      %dma_start3A_214 = tpu.memref_slice %arg7[%dma_start3A_212, %dma_start3A_213] : memref<16x128xi32, #tpu.memory_space<vmem>> -> memref<1x128xi32, #tpu.memory_space<vmem>>
      %dma_start3A_215 = tpu.memref_squeeze %dma_start3A_214 : memref<1x128xi32, #tpu.memory_space<vmem>> -> memref<128xi32, #tpu.memory_space<vmem>>
      %dma_start3A_216 = arith.constant 0 : i32
      %dma_start3A_217 = arith.constant 0 : i32
      %dma_start3A_218 = tpu.memref_slice %arg2[%dma_start3A_216, %dma_start3A_217] : memref<10000x128xf32, #tpu.memory_space<hbm>> -> memref<10000x128xf32, #tpu.memory_space<hbm>>
      tpu.enqueue_indirect_dma source(%dma_start3A_218 : memref<10000x128xf32, #tpu.memory_space<hbm>>) target(%arg10 : memref<128x128xf32, #tpu.memory_space<vmem>>) offsets(%dma_start3A_215 : memref<128xi32, #tpu.memory_space<vmem>>) semaphore(%arg12 : memref<!tpu.dma_semaphore, #tpu.memory_space<semaphore_mem>>)
      %dma_wait3A_219 = arith.constant 7 : i32
      %dma_wait3A_220 = arith.constant 0 : i32
      %dma_wait3A_221 = tpu.memref_slice %arg7[%dma_wait3A_219, %dma_wait3A_220] : memref<16x128xi32, #tpu.memory_space<vmem>> -> memref<1x128xi32, #tpu.memory_space<vmem>>
      %dma_wait3A_222 = tpu.memref_squeeze %dma_wait3A_221 : memref<1x128xi32, #tpu.memory_space<vmem>> -> memref<128xi32, #tpu.memory_space<vmem>>
      %dma_wait3A_223 = arith.constant 0 : i32
      %dma_wait3A_224 = arith.constant 0 : i32
      %dma_wait3A_225 = tpu.memref_slice %arg2[%dma_wait3A_223, %dma_wait3A_224] : memref<10000x128xf32, #tpu.memory_space<hbm>> -> memref<10000x128xf32, #tpu.memory_space<hbm>>
      tpu.wait_indirect_dma semaphore(%arg12 : memref<!tpu.dma_semaphore, #tpu.memory_space<semaphore_mem>>) src(%dma_wait3A_225 : memref<10000x128xf32, #tpu.memory_space<hbm>>) dst(%arg10 : memref<128x128xf32, #tpu.memory_space<vmem>>)
      %dma_start3A_226 = arith.constant 7 : i32
      %dma_start3A_227 = arith.constant 0 : i32
      %dma_start3A_228 = tpu.memref_slice %arg8[%dma_start3A_226, %dma_start3A_227] : memref<16x128xi32, #tpu.memory_space<vmem>> -> memref<1x128xi32, #tpu.memory_space<vmem>>
      %dma_start3A_229 = tpu.memref_squeeze %dma_start3A_228 : memref<1x128xi32, #tpu.memory_space<vmem>> -> memref<128xi32, #tpu.memory_space<vmem>>
      %dma_start3A_230 = arith.constant 0 : i32
      %dma_start3A_231 = arith.constant 0 : i32
      %dma_start3A_232 = tpu.memref_slice %arg11[%dma_start3A_230, %dma_start3A_231] : memref<10240x128xf32, #tpu.memory_space<vmem_shared>> -> memref<10240x128xf32, #tpu.memory_space<vmem_shared>>
      tpu.enqueue_indirect_dma source(%arg10 : memref<128x128xf32, #tpu.memory_space<vmem>>) target(%dma_start3A_232 : memref<10240x128xf32, #tpu.memory_space<vmem_shared>>) offsets(%dma_start3A_229 : memref<128xi32, #tpu.memory_space<vmem>>) semaphore(%arg13 : memref<!tpu.dma_semaphore, #tpu.memory_space<semaphore_mem>>) {add = true}
      %dma_wait3A_233 = arith.constant 6 : i32
      %dma_wait3A_234 = arith.constant 0 : i32
      %dma_wait3A_235 = tpu.memref_slice %arg8[%dma_wait3A_233, %dma_wait3A_234] : memref<16x128xi32, #tpu.memory_space<vmem>> -> memref<1x128xi32, #tpu.memory_space<vmem>>
      %dma_wait3A_236 = tpu.memref_squeeze %dma_wait3A_235 : memref<1x128xi32, #tpu.memory_space<vmem>> -> memref<128xi32, #tpu.memory_space<vmem>>
      %dma_wait3A_237 = arith.constant 0 : i32
      %dma_wait3A_238 = arith.constant 0 : i32
      %dma_wait3A_239 = tpu.memref_slice %arg11[%dma_wait3A_237, %dma_wait3A_238] : memref<10240x128xf32, #tpu.memory_space<vmem_shared>> -> memref<10240x128xf32, #tpu.memory_space<vmem_shared>>
      tpu.wait_indirect_dma semaphore(%arg13 : memref<!tpu.dma_semaphore, #tpu.memory_space<semaphore_mem>>) src(%arg9 : memref<128x128xf32, #tpu.memory_space<vmem>>) dst(%dma_wait3A_239 : memref<10240x128xf32, #tpu.memory_space<vmem_shared>>)
      %dma_start3A_240 = arith.constant 8 : i32
      %dma_start3A_241 = arith.constant 0 : i32
      %dma_start3A_242 = tpu.memref_slice %arg7[%dma_start3A_240, %dma_start3A_241] : memref<16x128xi32, #tpu.memory_space<vmem>> -> memref<1x128xi32, #tpu.memory_space<vmem>>
      %dma_start3A_243 = tpu.memref_squeeze %dma_start3A_242 : memref<1x128xi32, #tpu.memory_space<vmem>> -> memref<128xi32, #tpu.memory_space<vmem>>
      %dma_start3A_244 = arith.constant 0 : i32
      %dma_start3A_245 = arith.constant 0 : i32
      %dma_start3A_246 = tpu.memref_slice %arg2[%dma_start3A_244, %dma_start3A_245] : memref<10000x128xf32, #tpu.memory_space<hbm>> -> memref<10000x128xf32, #tpu.memory_space<hbm>>
      tpu.enqueue_indirect_dma source(%dma_start3A_246 : memref<10000x128xf32, #tpu.memory_space<hbm>>) target(%arg9 : memref<128x128xf32, #tpu.memory_space<vmem>>) offsets(%dma_start3A_243 : memref<128xi32, #tpu.memory_space<vmem>>) semaphore(%arg12 : memref<!tpu.dma_semaphore, #tpu.memory_space<semaphore_mem>>)
      %dma_wait3A_247 = arith.constant 8 : i32
      %dma_wait3A_248 = arith.constant 0 : i32
      %dma_wait3A_249 = tpu.memref_slice %arg7[%dma_wait3A_247, %dma_wait3A_248] : memref<16x128xi32, #tpu.memory_space<vmem>> -> memref<1x128xi32, #tpu.memory_space<vmem>>
      %dma_wait3A_250 = tpu.memref_squeeze %dma_wait3A_249 : memref<1x128xi32, #tpu.memory_space<vmem>> -> memref<128xi32, #tpu.memory_space<vmem>>
      %dma_wait3A_251 = arith.constant 0 : i32
      %dma_wait3A_252 = arith.constant 0 : i32
      %dma_wait3A_253 = tpu.memref_slice %arg2[%dma_wait3A_251, %dma_wait3A_252] : memref<10000x128xf32, #tpu.memory_space<hbm>> -> memref<10000x128xf32, #tpu.memory_space<hbm>>
      tpu.wait_indirect_dma semaphore(%arg12 : memref<!tpu.dma_semaphore, #tpu.memory_space<semaphore_mem>>) src(%dma_wait3A_253 : memref<10000x128xf32, #tpu.memory_space<hbm>>) dst(%arg9 : memref<128x128xf32, #tpu.memory_space<vmem>>)
      %dma_start3A_254 = arith.constant 8 : i32
      %dma_start3A_255 = arith.constant 0 : i32
      %dma_start3A_256 = tpu.memref_slice %arg8[%dma_start3A_254, %dma_start3A_255] : memref<16x128xi32, #tpu.memory_space<vmem>> -> memref<1x128xi32, #tpu.memory_space<vmem>>
      %dma_start3A_257 = tpu.memref_squeeze %dma_start3A_256 : memref<1x128xi32, #tpu.memory_space<vmem>> -> memref<128xi32, #tpu.memory_space<vmem>>
      %dma_start3A_258 = arith.constant 0 : i32
      %dma_start3A_259 = arith.constant 0 : i32
      %dma_start3A_260 = tpu.memref_slice %arg11[%dma_start3A_258, %dma_start3A_259] : memref<10240x128xf32, #tpu.memory_space<vmem_shared>> -> memref<10240x128xf32, #tpu.memory_space<vmem_shared>>
      tpu.enqueue_indirect_dma source(%arg9 : memref<128x128xf32, #tpu.memory_space<vmem>>) target(%dma_start3A_260 : memref<10240x128xf32, #tpu.memory_space<vmem_shared>>) offsets(%dma_start3A_257 : memref<128xi32, #tpu.memory_space<vmem>>) semaphore(%arg13 : memref<!tpu.dma_semaphore, #tpu.memory_space<semaphore_mem>>) {add = true}
      %dma_wait3A_261 = arith.constant 7 : i32
      %dma_wait3A_262 = arith.constant 0 : i32
      %dma_wait3A_263 = tpu.memref_slice %arg8[%dma_wait3A_261, %dma_wait3A_262] : memref<16x128xi32, #tpu.memory_space<vmem>> -> memref<1x128xi32, #tpu.memory_space<vmem>>
      %dma_wait3A_264 = tpu.memref_squeeze %dma_wait3A_263 : memref<1x128xi32, #tpu.memory_space<vmem>> -> memref<128xi32, #tpu.memory_space<vmem>>
      %dma_wait3A_265 = arith.constant 0 : i32
      %dma_wait3A_266 = arith.constant 0 : i32
      %dma_wait3A_267 = tpu.memref_slice %arg11[%dma_wait3A_265, %dma_wait3A_266] : memref<10240x128xf32, #tpu.memory_space<vmem_shared>> -> memref<10240x128xf32, #tpu.memory_space<vmem_shared>>
      tpu.wait_indirect_dma semaphore(%arg13 : memref<!tpu.dma_semaphore, #tpu.memory_space<semaphore_mem>>) src(%arg10 : memref<128x128xf32, #tpu.memory_space<vmem>>) dst(%dma_wait3A_267 : memref<10240x128xf32, #tpu.memory_space<vmem_shared>>)
      %dma_start3A_268 = arith.constant 9 : i32
      %dma_start3A_269 = arith.constant 0 : i32
      %dma_start3A_270 = tpu.memref_slice %arg7[%dma_start3A_268, %dma_start3A_269] : memref<16x128xi32, #tpu.memory_space<vmem>> -> memref<1x128xi32, #tpu.memory_space<vmem>>
      %dma_start3A_271 = tpu.memref_squeeze %dma_start3A_270 : memref<1x128xi32, #tpu.memory_space<vmem>> -> memref<128xi32, #tpu.memory_space<vmem>>
      %dma_start3A_272 = arith.constant 0 : i32
      %dma_start3A_273 = arith.constant 0 : i32
      %dma_start3A_274 = tpu.memref_slice %arg2[%dma_start3A_272, %dma_start3A_273] : memref<10000x128xf32, #tpu.memory_space<hbm>> -> memref<10000x128xf32, #tpu.memory_space<hbm>>
      tpu.enqueue_indirect_dma source(%dma_start3A_274 : memref<10000x128xf32, #tpu.memory_space<hbm>>) target(%arg10 : memref<128x128xf32, #tpu.memory_space<vmem>>) offsets(%dma_start3A_271 : memref<128xi32, #tpu.memory_space<vmem>>) semaphore(%arg12 : memref<!tpu.dma_semaphore, #tpu.memory_space<semaphore_mem>>)
      %dma_wait3A_275 = arith.constant 9 : i32
      %dma_wait3A_276 = arith.constant 0 : i32
      %dma_wait3A_277 = tpu.memref_slice %arg7[%dma_wait3A_275, %dma_wait3A_276] : memref<16x128xi32, #tpu.memory_space<vmem>> -> memref<1x128xi32, #tpu.memory_space<vmem>>
      %dma_wait3A_278 = tpu.memref_squeeze %dma_wait3A_277 : memref<1x128xi32, #tpu.memory_space<vmem>> -> memref<128xi32, #tpu.memory_space<vmem>>
      %dma_wait3A_279 = arith.constant 0 : i32
      %dma_wait3A_280 = arith.constant 0 : i32
      %dma_wait3A_281 = tpu.memref_slice %arg2[%dma_wait3A_279, %dma_wait3A_280] : memref<10000x128xf32, #tpu.memory_space<hbm>> -> memref<10000x128xf32, #tpu.memory_space<hbm>>
      tpu.wait_indirect_dma semaphore(%arg12 : memref<!tpu.dma_semaphore, #tpu.memory_space<semaphore_mem>>) src(%dma_wait3A_281 : memref<10000x128xf32, #tpu.memory_space<hbm>>) dst(%arg10 : memref<128x128xf32, #tpu.memory_space<vmem>>)
      %dma_start3A_282 = arith.constant 9 : i32
      %dma_start3A_283 = arith.constant 0 : i32
      %dma_start3A_284 = tpu.memref_slice %arg8[%dma_start3A_282, %dma_start3A_283] : memref<16x128xi32, #tpu.memory_space<vmem>> -> memref<1x128xi32, #tpu.memory_space<vmem>>
      %dma_start3A_285 = tpu.memref_squeeze %dma_start3A_284 : memref<1x128xi32, #tpu.memory_space<vmem>> -> memref<128xi32, #tpu.memory_space<vmem>>
      %dma_start3A_286 = arith.constant 0 : i32
      %dma_start3A_287 = arith.constant 0 : i32
      %dma_start3A_288 = tpu.memref_slice %arg11[%dma_start3A_286, %dma_start3A_287] : memref<10240x128xf32, #tpu.memory_space<vmem_shared>> -> memref<10240x128xf32, #tpu.memory_space<vmem_shared>>
      tpu.enqueue_indirect_dma source(%arg10 : memref<128x128xf32, #tpu.memory_space<vmem>>) target(%dma_start3A_288 : memref<10240x128xf32, #tpu.memory_space<vmem_shared>>) offsets(%dma_start3A_285 : memref<128xi32, #tpu.memory_space<vmem>>) semaphore(%arg13 : memref<!tpu.dma_semaphore, #tpu.memory_space<semaphore_mem>>) {add = true}
      %dma_wait3A_289 = arith.constant 8 : i32
      %dma_wait3A_290 = arith.constant 0 : i32
      %dma_wait3A_291 = tpu.memref_slice %arg8[%dma_wait3A_289, %dma_wait3A_290] : memref<16x128xi32, #tpu.memory_space<vmem>> -> memref<1x128xi32, #tpu.memory_space<vmem>>
      %dma_wait3A_292 = tpu.memref_squeeze %dma_wait3A_291 : memref<1x128xi32, #tpu.memory_space<vmem>> -> memref<128xi32, #tpu.memory_space<vmem>>
      %dma_wait3A_293 = arith.constant 0 : i32
      %dma_wait3A_294 = arith.constant 0 : i32
      %dma_wait3A_295 = tpu.memref_slice %arg11[%dma_wait3A_293, %dma_wait3A_294] : memref<10240x128xf32, #tpu.memory_space<vmem_shared>> -> memref<10240x128xf32, #tpu.memory_space<vmem_shared>>
      tpu.wait_indirect_dma semaphore(%arg13 : memref<!tpu.dma_semaphore, #tpu.memory_space<semaphore_mem>>) src(%arg9 : memref<128x128xf32, #tpu.memory_space<vmem>>) dst(%dma_wait3A_295 : memref<10240x128xf32, #tpu.memory_space<vmem_shared>>)
      %dma_start3A_296 = arith.constant 10 : i32
      %dma_start3A_297 = arith.constant 0 : i32
      %dma_start3A_298 = tpu.memref_slice %arg7[%dma_start3A_296, %dma_start3A_297] : memref<16x128xi32, #tpu.memory_space<vmem>> -> memref<1x128xi32, #tpu.memory_space<vmem>>
      %dma_start3A_299 = tpu.memref_squeeze %dma_start3A_298 : memref<1x128xi32, #tpu.memory_space<vmem>> -> memref<128xi32, #tpu.memory_space<vmem>>
      %dma_start3A_300 = arith.constant 0 : i32
      %dma_start3A_301 = arith.constant 0 : i32
      %dma_start3A_302 = tpu.memref_slice %arg2[%dma_start3A_300, %dma_start3A_301] : memref<10000x128xf32, #tpu.memory_space<hbm>> -> memref<10000x128xf32, #tpu.memory_space<hbm>>
      tpu.enqueue_indirect_dma source(%dma_start3A_302 : memref<10000x128xf32, #tpu.memory_space<hbm>>) target(%arg9 : memref<128x128xf32, #tpu.memory_space<vmem>>) offsets(%dma_start3A_299 : memref<128xi32, #tpu.memory_space<vmem>>) semaphore(%arg12 : memref<!tpu.dma_semaphore, #tpu.memory_space<semaphore_mem>>)
      %dma_wait3A_303 = arith.constant 10 : i32
      %dma_wait3A_304 = arith.constant 0 : i32
      %dma_wait3A_305 = tpu.memref_slice %arg7[%dma_wait3A_303, %dma_wait3A_304] : memref<16x128xi32, #tpu.memory_space<vmem>> -> memref<1x128xi32, #tpu.memory_space<vmem>>
      %dma_wait3A_306 = tpu.memref_squeeze %dma_wait3A_305 : memref<1x128xi32, #tpu.memory_space<vmem>> -> memref<128xi32, #tpu.memory_space<vmem>>
      %dma_wait3A_307 = arith.constant 0 : i32
      %dma_wait3A_308 = arith.constant 0 : i32
      %dma_wait3A_309 = tpu.memref_slice %arg2[%dma_wait3A_307, %dma_wait3A_308] : memref<10000x128xf32, #tpu.memory_space<hbm>> -> memref<10000x128xf32, #tpu.memory_space<hbm>>
      tpu.wait_indirect_dma semaphore(%arg12 : memref<!tpu.dma_semaphore, #tpu.memory_space<semaphore_mem>>) src(%dma_wait3A_309 : memref<10000x128xf32, #tpu.memory_space<hbm>>) dst(%arg9 : memref<128x128xf32, #tpu.memory_space<vmem>>)
      %dma_start3A_310 = arith.constant 10 : i32
      %dma_start3A_311 = arith.constant 0 : i32
      %dma_start3A_312 = tpu.memref_slice %arg8[%dma_start3A_310, %dma_start3A_311] : memref<16x128xi32, #tpu.memory_space<vmem>> -> memref<1x128xi32, #tpu.memory_space<vmem>>
      %dma_start3A_313 = tpu.memref_squeeze %dma_start3A_312 : memref<1x128xi32, #tpu.memory_space<vmem>> -> memref<128xi32, #tpu.memory_space<vmem>>
      %dma_start3A_314 = arith.constant 0 : i32
      %dma_start3A_315 = arith.constant 0 : i32
      %dma_start3A_316 = tpu.memref_slice %arg11[%dma_start3A_314, %dma_start3A_315] : memref<10240x128xf32, #tpu.memory_space<vmem_shared>> -> memref<10240x128xf32, #tpu.memory_space<vmem_shared>>
      tpu.enqueue_indirect_dma source(%arg9 : memref<128x128xf32, #tpu.memory_space<vmem>>) target(%dma_start3A_316 : memref<10240x128xf32, #tpu.memory_space<vmem_shared>>) offsets(%dma_start3A_313 : memref<128xi32, #tpu.memory_space<vmem>>) semaphore(%arg13 : memref<!tpu.dma_semaphore, #tpu.memory_space<semaphore_mem>>) {add = true}
      %dma_wait3A_317 = arith.constant 9 : i32
      %dma_wait3A_318 = arith.constant 0 : i32
      %dma_wait3A_319 = tpu.memref_slice %arg8[%dma_wait3A_317, %dma_wait3A_318] : memref<16x128xi32, #tpu.memory_space<vmem>> -> memref<1x128xi32, #tpu.memory_space<vmem>>
      %dma_wait3A_320 = tpu.memref_squeeze %dma_wait3A_319 : memref<1x128xi32, #tpu.memory_space<vmem>> -> memref<128xi32, #tpu.memory_space<vmem>>
      %dma_wait3A_321 = arith.constant 0 : i32
      %dma_wait3A_322 = arith.constant 0 : i32
      %dma_wait3A_323 = tpu.memref_slice %arg11[%dma_wait3A_321, %dma_wait3A_322] : memref<10240x128xf32, #tpu.memory_space<vmem_shared>> -> memref<10240x128xf32, #tpu.memory_space<vmem_shared>>
      tpu.wait_indirect_dma semaphore(%arg13 : memref<!tpu.dma_semaphore, #tpu.memory_space<semaphore_mem>>) src(%arg10 : memref<128x128xf32, #tpu.memory_space<vmem>>) dst(%dma_wait3A_323 : memref<10240x128xf32, #tpu.memory_space<vmem_shared>>)
      %dma_start3A_324 = arith.constant 11 : i32
      %dma_start3A_325 = arith.constant 0 : i32
      %dma_start3A_326 = tpu.memref_slice %arg7[%dma_start3A_324, %dma_start3A_325] : memref<16x128xi32, #tpu.memory_space<vmem>> -> memref<1x128xi32, #tpu.memory_space<vmem>>
      %dma_start3A_327 = tpu.memref_squeeze %dma_start3A_326 : memref<1x128xi32, #tpu.memory_space<vmem>> -> memref<128xi32, #tpu.memory_space<vmem>>
      %dma_start3A_328 = arith.constant 0 : i32
      %dma_start3A_329 = arith.constant 0 : i32
      %dma_start3A_330 = tpu.memref_slice %arg2[%dma_start3A_328, %dma_start3A_329] : memref<10000x128xf32, #tpu.memory_space<hbm>> -> memref<10000x128xf32, #tpu.memory_space<hbm>>
      tpu.enqueue_indirect_dma source(%dma_start3A_330 : memref<10000x128xf32, #tpu.memory_space<hbm>>) target(%arg10 : memref<128x128xf32, #tpu.memory_space<vmem>>) offsets(%dma_start3A_327 : memref<128xi32, #tpu.memory_space<vmem>>) semaphore(%arg12 : memref<!tpu.dma_semaphore, #tpu.memory_space<semaphore_mem>>)
      %dma_wait3A_331 = arith.constant 11 : i32
      %dma_wait3A_332 = arith.constant 0 : i32
      %dma_wait3A_333 = tpu.memref_slice %arg7[%dma_wait3A_331, %dma_wait3A_332] : memref<16x128xi32, #tpu.memory_space<vmem>> -> memref<1x128xi32, #tpu.memory_space<vmem>>
      %dma_wait3A_334 = tpu.memref_squeeze %dma_wait3A_333 : memref<1x128xi32, #tpu.memory_space<vmem>> -> memref<128xi32, #tpu.memory_space<vmem>>
      %dma_wait3A_335 = arith.constant 0 : i32
      %dma_wait3A_336 = arith.constant 0 : i32
      %dma_wait3A_337 = tpu.memref_slice %arg2[%dma_wait3A_335, %dma_wait3A_336] : memref<10000x128xf32, #tpu.memory_space<hbm>> -> memref<10000x128xf32, #tpu.memory_space<hbm>>
      tpu.wait_indirect_dma semaphore(%arg12 : memref<!tpu.dma_semaphore, #tpu.memory_space<semaphore_mem>>) src(%dma_wait3A_337 : memref<10000x128xf32, #tpu.memory_space<hbm>>) dst(%arg10 : memref<128x128xf32, #tpu.memory_space<vmem>>)
      %dma_start3A_338 = arith.constant 11 : i32
      %dma_start3A_339 = arith.constant 0 : i32
      %dma_start3A_340 = tpu.memref_slice %arg8[%dma_start3A_338, %dma_start3A_339] : memref<16x128xi32, #tpu.memory_space<vmem>> -> memref<1x128xi32, #tpu.memory_space<vmem>>
      %dma_start3A_341 = tpu.memref_squeeze %dma_start3A_340 : memref<1x128xi32, #tpu.memory_space<vmem>> -> memref<128xi32, #tpu.memory_space<vmem>>
      %dma_start3A_342 = arith.constant 0 : i32
      %dma_start3A_343 = arith.constant 0 : i32
      %dma_start3A_344 = tpu.memref_slice %arg11[%dma_start3A_342, %dma_start3A_343] : memref<10240x128xf32, #tpu.memory_space<vmem_shared>> -> memref<10240x128xf32, #tpu.memory_space<vmem_shared>>
      tpu.enqueue_indirect_dma source(%arg10 : memref<128x128xf32, #tpu.memory_space<vmem>>) target(%dma_start3A_344 : memref<10240x128xf32, #tpu.memory_space<vmem_shared>>) offsets(%dma_start3A_341 : memref<128xi32, #tpu.memory_space<vmem>>) semaphore(%arg13 : memref<!tpu.dma_semaphore, #tpu.memory_space<semaphore_mem>>) {add = true}
      %dma_wait3A_345 = arith.constant 10 : i32
      %dma_wait3A_346 = arith.constant 0 : i32
      %dma_wait3A_347 = tpu.memref_slice %arg8[%dma_wait3A_345, %dma_wait3A_346] : memref<16x128xi32, #tpu.memory_space<vmem>> -> memref<1x128xi32, #tpu.memory_space<vmem>>
      %dma_wait3A_348 = tpu.memref_squeeze %dma_wait3A_347 : memref<1x128xi32, #tpu.memory_space<vmem>> -> memref<128xi32, #tpu.memory_space<vmem>>
      %dma_wait3A_349 = arith.constant 0 : i32
      %dma_wait3A_350 = arith.constant 0 : i32
      %dma_wait3A_351 = tpu.memref_slice %arg11[%dma_wait3A_349, %dma_wait3A_350] : memref<10240x128xf32, #tpu.memory_space<vmem_shared>> -> memref<10240x128xf32, #tpu.memory_space<vmem_shared>>
      tpu.wait_indirect_dma semaphore(%arg13 : memref<!tpu.dma_semaphore, #tpu.memory_space<semaphore_mem>>) src(%arg9 : memref<128x128xf32, #tpu.memory_space<vmem>>) dst(%dma_wait3A_351 : memref<10240x128xf32, #tpu.memory_space<vmem_shared>>)
      %dma_start3A_352 = arith.constant 12 : i32
      %dma_start3A_353 = arith.constant 0 : i32
      %dma_start3A_354 = tpu.memref_slice %arg7[%dma_start3A_352, %dma_start3A_353] : memref<16x128xi32, #tpu.memory_space<vmem>> -> memref<1x128xi32, #tpu.memory_space<vmem>>
      %dma_start3A_355 = tpu.memref_squeeze %dma_start3A_354 : memref<1x128xi32, #tpu.memory_space<vmem>> -> memref<128xi32, #tpu.memory_space<vmem>>
      %dma_start3A_356 = arith.constant 0 : i32
      %dma_start3A_357 = arith.constant 0 : i32
      %dma_start3A_358 = tpu.memref_slice %arg2[%dma_start3A_356, %dma_start3A_357] : memref<10000x128xf32, #tpu.memory_space<hbm>> -> memref<10000x128xf32, #tpu.memory_space<hbm>>
      tpu.enqueue_indirect_dma source(%dma_start3A_358 : memref<10000x128xf32, #tpu.memory_space<hbm>>) target(%arg9 : memref<128x128xf32, #tpu.memory_space<vmem>>) offsets(%dma_start3A_355 : memref<128xi32, #tpu.memory_space<vmem>>) semaphore(%arg12 : memref<!tpu.dma_semaphore, #tpu.memory_space<semaphore_mem>>)
      %dma_wait3A_359 = arith.constant 12 : i32
      %dma_wait3A_360 = arith.constant 0 : i32
      %dma_wait3A_361 = tpu.memref_slice %arg7[%dma_wait3A_359, %dma_wait3A_360] : memref<16x128xi32, #tpu.memory_space<vmem>> -> memref<1x128xi32, #tpu.memory_space<vmem>>
      %dma_wait3A_362 = tpu.memref_squeeze %dma_wait3A_361 : memref<1x128xi32, #tpu.memory_space<vmem>> -> memref<128xi32, #tpu.memory_space<vmem>>
      %dma_wait3A_363 = arith.constant 0 : i32
      %dma_wait3A_364 = arith.constant 0 : i32
      %dma_wait3A_365 = tpu.memref_slice %arg2[%dma_wait3A_363, %dma_wait3A_364] : memref<10000x128xf32, #tpu.memory_space<hbm>> -> memref<10000x128xf32, #tpu.memory_space<hbm>>
      tpu.wait_indirect_dma semaphore(%arg12 : memref<!tpu.dma_semaphore, #tpu.memory_space<semaphore_mem>>) src(%dma_wait3A_365 : memref<10000x128xf32, #tpu.memory_space<hbm>>) dst(%arg9 : memref<128x128xf32, #tpu.memory_space<vmem>>)
      %dma_start3A_366 = arith.constant 12 : i32
      %dma_start3A_367 = arith.constant 0 : i32
      %dma_start3A_368 = tpu.memref_slice %arg8[%dma_start3A_366, %dma_start3A_367] : memref<16x128xi32, #tpu.memory_space<vmem>> -> memref<1x128xi32, #tpu.memory_space<vmem>>
      %dma_start3A_369 = tpu.memref_squeeze %dma_start3A_368 : memref<1x128xi32, #tpu.memory_space<vmem>> -> memref<128xi32, #tpu.memory_space<vmem>>
      %dma_start3A_370 = arith.constant 0 : i32
      %dma_start3A_371 = arith.constant 0 : i32
      %dma_start3A_372 = tpu.memref_slice %arg11[%dma_start3A_370, %dma_start3A_371] : memref<10240x128xf32, #tpu.memory_space<vmem_shared>> -> memref<10240x128xf32, #tpu.memory_space<vmem_shared>>
      tpu.enqueue_indirect_dma source(%arg9 : memref<128x128xf32, #tpu.memory_space<vmem>>) target(%dma_start3A_372 : memref<10240x128xf32, #tpu.memory_space<vmem_shared>>) offsets(%dma_start3A_369 : memref<128xi32, #tpu.memory_space<vmem>>) semaphore(%arg13 : memref<!tpu.dma_semaphore, #tpu.memory_space<semaphore_mem>>) {add = true}
      %dma_wait3A_373 = arith.constant 11 : i32
      %dma_wait3A_374 = arith.constant 0 : i32
      %dma_wait3A_375 = tpu.memref_slice %arg8[%dma_wait3A_373, %dma_wait3A_374] : memref<16x128xi32, #tpu.memory_space<vmem>> -> memref<1x128xi32, #tpu.memory_space<vmem>>
      %dma_wait3A_376 = tpu.memref_squeeze %dma_wait3A_375 : memref<1x128xi32, #tpu.memory_space<vmem>> -> memref<128xi32, #tpu.memory_space<vmem>>
      %dma_wait3A_377 = arith.constant 0 : i32
      %dma_wait3A_378 = arith.constant 0 : i32
      %dma_wait3A_379 = tpu.memref_slice %arg11[%dma_wait3A_377, %dma_wait3A_378] : memref<10240x128xf32, #tpu.memory_space<vmem_shared>> -> memref<10240x128xf32, #tpu.memory_space<vmem_shared>>
      tpu.wait_indirect_dma semaphore(%arg13 : memref<!tpu.dma_semaphore, #tpu.memory_space<semaphore_mem>>) src(%arg10 : memref<128x128xf32, #tpu.memory_space<vmem>>) dst(%dma_wait3A_379 : memref<10240x128xf32, #tpu.memory_space<vmem_shared>>)
      %dma_start3A_380 = arith.constant 13 : i32
      %dma_start3A_381 = arith.constant 0 : i32
      %dma_start3A_382 = tpu.memref_slice %arg7[%dma_start3A_380, %dma_start3A_381] : memref<16x128xi32, #tpu.memory_space<vmem>> -> memref<1x128xi32, #tpu.memory_space<vmem>>
      %dma_start3A_383 = tpu.memref_squeeze %dma_start3A_382 : memref<1x128xi32, #tpu.memory_space<vmem>> -> memref<128xi32, #tpu.memory_space<vmem>>
      %dma_start3A_384 = arith.constant 0 : i32
      %dma_start3A_385 = arith.constant 0 : i32
      %dma_start3A_386 = tpu.memref_slice %arg2[%dma_start3A_384, %dma_start3A_385] : memref<10000x128xf32, #tpu.memory_space<hbm>> -> memref<10000x128xf32, #tpu.memory_space<hbm>>
      tpu.enqueue_indirect_dma source(%dma_start3A_386 : memref<10000x128xf32, #tpu.memory_space<hbm>>) target(%arg10 : memref<128x128xf32, #tpu.memory_space<vmem>>) offsets(%dma_start3A_383 : memref<128xi32, #tpu.memory_space<vmem>>) semaphore(%arg12 : memref<!tpu.dma_semaphore, #tpu.memory_space<semaphore_mem>>)
      %dma_wait3A_387 = arith.constant 13 : i32
      %dma_wait3A_388 = arith.constant 0 : i32
      %dma_wait3A_389 = tpu.memref_slice %arg7[%dma_wait3A_387, %dma_wait3A_388] : memref<16x128xi32, #tpu.memory_space<vmem>> -> memref<1x128xi32, #tpu.memory_space<vmem>>
      %dma_wait3A_390 = tpu.memref_squeeze %dma_wait3A_389 : memref<1x128xi32, #tpu.memory_space<vmem>> -> memref<128xi32, #tpu.memory_space<vmem>>
      %dma_wait3A_391 = arith.constant 0 : i32
      %dma_wait3A_392 = arith.constant 0 : i32
      %dma_wait3A_393 = tpu.memref_slice %arg2[%dma_wait3A_391, %dma_wait3A_392] : memref<10000x128xf32, #tpu.memory_space<hbm>> -> memref<10000x128xf32, #tpu.memory_space<hbm>>
      tpu.wait_indirect_dma semaphore(%arg12 : memref<!tpu.dma_semaphore, #tpu.memory_space<semaphore_mem>>) src(%dma_wait3A_393 : memref<10000x128xf32, #tpu.memory_space<hbm>>) dst(%arg10 : memref<128x128xf32, #tpu.memory_space<vmem>>)
      %dma_start3A_394 = arith.constant 13 : i32
      %dma_start3A_395 = arith.constant 0 : i32
      %dma_start3A_396 = tpu.memref_slice %arg8[%dma_start3A_394, %dma_start3A_395] : memref<16x128xi32, #tpu.memory_space<vmem>> -> memref<1x128xi32, #tpu.memory_space<vmem>>
      %dma_start3A_397 = tpu.memref_squeeze %dma_start3A_396 : memref<1x128xi32, #tpu.memory_space<vmem>> -> memref<128xi32, #tpu.memory_space<vmem>>
      %dma_start3A_398 = arith.constant 0 : i32
      %dma_start3A_399 = arith.constant 0 : i32
      %dma_start3A_400 = tpu.memref_slice %arg11[%dma_start3A_398, %dma_start3A_399] : memref<10240x128xf32, #tpu.memory_space<vmem_shared>> -> memref<10240x128xf32, #tpu.memory_space<vmem_shared>>
      tpu.enqueue_indirect_dma source(%arg10 : memref<128x128xf32, #tpu.memory_space<vmem>>) target(%dma_start3A_400 : memref<10240x128xf32, #tpu.memory_space<vmem_shared>>) offsets(%dma_start3A_397 : memref<128xi32, #tpu.memory_space<vmem>>) semaphore(%arg13 : memref<!tpu.dma_semaphore, #tpu.memory_space<semaphore_mem>>) {add = true}
      %dma_wait3A_401 = arith.constant 12 : i32
      %dma_wait3A_402 = arith.constant 0 : i32
      %dma_wait3A_403 = tpu.memref_slice %arg8[%dma_wait3A_401, %dma_wait3A_402] : memref<16x128xi32, #tpu.memory_space<vmem>> -> memref<1x128xi32, #tpu.memory_space<vmem>>
      %dma_wait3A_404 = tpu.memref_squeeze %dma_wait3A_403 : memref<1x128xi32, #tpu.memory_space<vmem>> -> memref<128xi32, #tpu.memory_space<vmem>>
      %dma_wait3A_405 = arith.constant 0 : i32
      %dma_wait3A_406 = arith.constant 0 : i32
      %dma_wait3A_407 = tpu.memref_slice %arg11[%dma_wait3A_405, %dma_wait3A_406] : memref<10240x128xf32, #tpu.memory_space<vmem_shared>> -> memref<10240x128xf32, #tpu.memory_space<vmem_shared>>
      tpu.wait_indirect_dma semaphore(%arg13 : memref<!tpu.dma_semaphore, #tpu.memory_space<semaphore_mem>>) src(%arg9 : memref<128x128xf32, #tpu.memory_space<vmem>>) dst(%dma_wait3A_407 : memref<10240x128xf32, #tpu.memory_space<vmem_shared>>)
      %dma_start3A_408 = arith.constant 14 : i32
      %dma_start3A_409 = arith.constant 0 : i32
      %dma_start3A_410 = tpu.memref_slice %arg7[%dma_start3A_408, %dma_start3A_409] : memref<16x128xi32, #tpu.memory_space<vmem>> -> memref<1x128xi32, #tpu.memory_space<vmem>>
      %dma_start3A_411 = tpu.memref_squeeze %dma_start3A_410 : memref<1x128xi32, #tpu.memory_space<vmem>> -> memref<128xi32, #tpu.memory_space<vmem>>
      %dma_start3A_412 = arith.constant 0 : i32
      %dma_start3A_413 = arith.constant 0 : i32
      %dma_start3A_414 = tpu.memref_slice %arg2[%dma_start3A_412, %dma_start3A_413] : memref<10000x128xf32, #tpu.memory_space<hbm>> -> memref<10000x128xf32, #tpu.memory_space<hbm>>
      tpu.enqueue_indirect_dma source(%dma_start3A_414 : memref<10000x128xf32, #tpu.memory_space<hbm>>) target(%arg9 : memref<128x128xf32, #tpu.memory_space<vmem>>) offsets(%dma_start3A_411 : memref<128xi32, #tpu.memory_space<vmem>>) semaphore(%arg12 : memref<!tpu.dma_semaphore, #tpu.memory_space<semaphore_mem>>)
      %dma_wait3A_415 = arith.constant 14 : i32
      %dma_wait3A_416 = arith.constant 0 : i32
      %dma_wait3A_417 = tpu.memref_slice %arg7[%dma_wait3A_415, %dma_wait3A_416] : memref<16x128xi32, #tpu.memory_space<vmem>> -> memref<1x128xi32, #tpu.memory_space<vmem>>
      %dma_wait3A_418 = tpu.memref_squeeze %dma_wait3A_417 : memref<1x128xi32, #tpu.memory_space<vmem>> -> memref<128xi32, #tpu.memory_space<vmem>>
      %dma_wait3A_419 = arith.constant 0 : i32
      %dma_wait3A_420 = arith.constant 0 : i32
      %dma_wait3A_421 = tpu.memref_slice %arg2[%dma_wait3A_419, %dma_wait3A_420] : memref<10000x128xf32, #tpu.memory_space<hbm>> -> memref<10000x128xf32, #tpu.memory_space<hbm>>
      tpu.wait_indirect_dma semaphore(%arg12 : memref<!tpu.dma_semaphore, #tpu.memory_space<semaphore_mem>>) src(%dma_wait3A_421 : memref<10000x128xf32, #tpu.memory_space<hbm>>) dst(%arg9 : memref<128x128xf32, #tpu.memory_space<vmem>>)
      %dma_start3A_422 = arith.constant 14 : i32
      %dma_start3A_423 = arith.constant 0 : i32
      %dma_start3A_424 = tpu.memref_slice %arg8[%dma_start3A_422, %dma_start3A_423] : memref<16x128xi32, #tpu.memory_space<vmem>> -> memref<1x128xi32, #tpu.memory_space<vmem>>
      %dma_start3A_425 = tpu.memref_squeeze %dma_start3A_424 : memref<1x128xi32, #tpu.memory_space<vmem>> -> memref<128xi32, #tpu.memory_space<vmem>>
      %dma_start3A_426 = arith.constant 0 : i32
      %dma_start3A_427 = arith.constant 0 : i32
      %dma_start3A_428 = tpu.memref_slice %arg11[%dma_start3A_426, %dma_start3A_427] : memref<10240x128xf32, #tpu.memory_space<vmem_shared>> -> memref<10240x128xf32, #tpu.memory_space<vmem_shared>>
      tpu.enqueue_indirect_dma source(%arg9 : memref<128x128xf32, #tpu.memory_space<vmem>>) target(%dma_start3A_428 : memref<10240x128xf32, #tpu.memory_space<vmem_shared>>) offsets(%dma_start3A_425 : memref<128xi32, #tpu.memory_space<vmem>>) semaphore(%arg13 : memref<!tpu.dma_semaphore, #tpu.memory_space<semaphore_mem>>) {add = true}
      %dma_wait3A_429 = arith.constant 13 : i32
      %dma_wait3A_430 = arith.constant 0 : i32
      %dma_wait3A_431 = tpu.memref_slice %arg8[%dma_wait3A_429, %dma_wait3A_430] : memref<16x128xi32, #tpu.memory_space<vmem>> -> memref<1x128xi32, #tpu.memory_space<vmem>>
      %dma_wait3A_432 = tpu.memref_squeeze %dma_wait3A_431 : memref<1x128xi32, #tpu.memory_space<vmem>> -> memref<128xi32, #tpu.memory_space<vmem>>
      %dma_wait3A_433 = arith.constant 0 : i32
      %dma_wait3A_434 = arith.constant 0 : i32
      %dma_wait3A_435 = tpu.memref_slice %arg11[%dma_wait3A_433, %dma_wait3A_434] : memref<10240x128xf32, #tpu.memory_space<vmem_shared>> -> memref<10240x128xf32, #tpu.memory_space<vmem_shared>>
      tpu.wait_indirect_dma semaphore(%arg13 : memref<!tpu.dma_semaphore, #tpu.memory_space<semaphore_mem>>) src(%arg10 : memref<128x128xf32, #tpu.memory_space<vmem>>) dst(%dma_wait3A_435 : memref<10240x128xf32, #tpu.memory_space<vmem_shared>>)
      %dma_start3A_436 = arith.constant 15 : i32
      %dma_start3A_437 = arith.constant 0 : i32
      %dma_start3A_438 = tpu.memref_slice %arg7[%dma_start3A_436, %dma_start3A_437] : memref<16x128xi32, #tpu.memory_space<vmem>> -> memref<1x128xi32, #tpu.memory_space<vmem>>
      %dma_start3A_439 = tpu.memref_squeeze %dma_start3A_438 : memref<1x128xi32, #tpu.memory_space<vmem>> -> memref<128xi32, #tpu.memory_space<vmem>>
      %dma_start3A_440 = arith.constant 0 : i32
      %dma_start3A_441 = arith.constant 0 : i32
      %dma_start3A_442 = tpu.memref_slice %arg2[%dma_start3A_440, %dma_start3A_441] : memref<10000x128xf32, #tpu.memory_space<hbm>> -> memref<10000x128xf32, #tpu.memory_space<hbm>>
      tpu.enqueue_indirect_dma source(%dma_start3A_442 : memref<10000x128xf32, #tpu.memory_space<hbm>>) target(%arg10 : memref<128x128xf32, #tpu.memory_space<vmem>>) offsets(%dma_start3A_439 : memref<128xi32, #tpu.memory_space<vmem>>) semaphore(%arg12 : memref<!tpu.dma_semaphore, #tpu.memory_space<semaphore_mem>>)
      %dma_wait3A_443 = arith.constant 15 : i32
      %dma_wait3A_444 = arith.constant 0 : i32
      %dma_wait3A_445 = tpu.memref_slice %arg7[%dma_wait3A_443, %dma_wait3A_444] : memref<16x128xi32, #tpu.memory_space<vmem>> -> memref<1x128xi32, #tpu.memory_space<vmem>>
      %dma_wait3A_446 = tpu.memref_squeeze %dma_wait3A_445 : memref<1x128xi32, #tpu.memory_space<vmem>> -> memref<128xi32, #tpu.memory_space<vmem>>
      %dma_wait3A_447 = arith.constant 0 : i32
      %dma_wait3A_448 = arith.constant 0 : i32
      %dma_wait3A_449 = tpu.memref_slice %arg2[%dma_wait3A_447, %dma_wait3A_448] : memref<10000x128xf32, #tpu.memory_space<hbm>> -> memref<10000x128xf32, #tpu.memory_space<hbm>>
      tpu.wait_indirect_dma semaphore(%arg12 : memref<!tpu.dma_semaphore, #tpu.memory_space<semaphore_mem>>) src(%dma_wait3A_449 : memref<10000x128xf32, #tpu.memory_space<hbm>>) dst(%arg10 : memref<128x128xf32, #tpu.memory_space<vmem>>)
      %dma_start3A_450 = arith.constant 15 : i32
      %dma_start3A_451 = arith.constant 0 : i32
      %dma_start3A_452 = tpu.memref_slice %arg8[%dma_start3A_450, %dma_start3A_451] : memref<16x128xi32, #tpu.memory_space<vmem>> -> memref<1x128xi32, #tpu.memory_space<vmem>>
      %dma_start3A_453 = tpu.memref_squeeze %dma_start3A_452 : memref<1x128xi32, #tpu.memory_space<vmem>> -> memref<128xi32, #tpu.memory_space<vmem>>
      %dma_start3A_454 = arith.constant 0 : i32
      %dma_start3A_455 = arith.constant 0 : i32
      %dma_start3A_456 = tpu.memref_slice %arg11[%dma_start3A_454, %dma_start3A_455] : memref<10240x128xf32, #tpu.memory_space<vmem_shared>> -> memref<10240x128xf32, #tpu.memory_space<vmem_shared>>
      tpu.enqueue_indirect_dma source(%arg10 : memref<128x128xf32, #tpu.memory_space<vmem>>) target(%dma_start3A_456 : memref<10240x128xf32, #tpu.memory_space<vmem_shared>>) offsets(%dma_start3A_453 : memref<128xi32, #tpu.memory_space<vmem>>) semaphore(%arg13 : memref<!tpu.dma_semaphore, #tpu.memory_space<semaphore_mem>>) {add = true}
      %dma_wait3A_457 = arith.constant 14 : i32
      %dma_wait3A_458 = arith.constant 0 : i32
      %dma_wait3A_459 = tpu.memref_slice %arg8[%dma_wait3A_457, %dma_wait3A_458] : memref<16x128xi32, #tpu.memory_space<vmem>> -> memref<1x128xi32, #tpu.memory_space<vmem>>
      %dma_wait3A_460 = tpu.memref_squeeze %dma_wait3A_459 : memref<1x128xi32, #tpu.memory_space<vmem>> -> memref<128xi32, #tpu.memory_space<vmem>>
      %dma_wait3A_461 = arith.constant 0 : i32
      %dma_wait3A_462 = arith.constant 0 : i32
      %dma_wait3A_463 = tpu.memref_slice %arg11[%dma_wait3A_461, %dma_wait3A_462] : memref<10240x128xf32, #tpu.memory_space<vmem_shared>> -> memref<10240x128xf32, #tpu.memory_space<vmem_shared>>
      tpu.wait_indirect_dma semaphore(%arg13 : memref<!tpu.dma_semaphore, #tpu.memory_space<semaphore_mem>>) src(%arg9 : memref<128x128xf32, #tpu.memory_space<vmem>>) dst(%dma_wait3A_463 : memref<10240x128xf32, #tpu.memory_space<vmem_shared>>)
      %dma_wait3A_464 = arith.constant 15 : i32
      %dma_wait3A_465 = arith.constant 0 : i32
      %dma_wait3A_466 = tpu.memref_slice %arg8[%dma_wait3A_464, %dma_wait3A_465] : memref<16x128xi32, #tpu.memory_space<vmem>> -> memref<1x128xi32, #tpu.memory_space<vmem>>
      %dma_wait3A_467 = tpu.memref_squeeze %dma_wait3A_466 : memref<1x128xi32, #tpu.memory_space<vmem>> -> memref<128xi32, #tpu.memory_space<vmem>>
      %dma_wait3A_468 = arith.constant 0 : i32
      %dma_wait3A_469 = arith.constant 0 : i32
      %dma_wait3A_470 = tpu.memref_slice %arg11[%dma_wait3A_468, %dma_wait3A_469] : memref<10240x128xf32, #tpu.memory_space<vmem_shared>> -> memref<10240x128xf32, #tpu.memory_space<vmem_shared>>
      tpu.wait_indirect_dma semaphore(%arg13 : memref<!tpu.dma_semaphore, #tpu.memory_space<semaphore_mem>>) src(%arg10 : memref<128x128xf32, #tpu.memory_space<vmem>>) dst(%dma_wait3A_470 : memref<10240x128xf32, #tpu.memory_space<vmem_shared>>)
    }
    %scan3A_11 = arith.constant 5 : i32
    %barrier3A_12 = arith.constant 0 : index
    tpu.barrier barrier_id(%barrier3A_12)
    %scan3A_13 = arith.constant 0 : i32
    %scan3A_14 = arith.constant 0 : i32
    %scan3A_15 = arith.constant 5 : i32
    %scan3A_16 = arith.addi %scan3A_14, %scan3A_15 : i32
    %scan3A_17 = arith.constant 1 : i32
    scf.for %scan3A_19 = %scan3A_14 to %scan3A_16 step %scan3A_17  : i32 {
      %mul3A_20 = arith.constant 640 : i32
      %mul3A_21 = arith.muli %arg1, %mul3A_20 : i32
      %mul3A_22 = arith.constant 128 : i32
      %mul3A_23 = arith.muli %scan3A_19, %mul3A_22 : i32
      %add3A_24 = arith.addi %mul3A_21, %mul3A_23 : i32
      "tpu.region"() ({
        %run_scoped3A = tpu.sem_alloc : memref<!tpu.dma_semaphore, #tpu.memory_space<semaphore_mem>>
        %dma_start3A = arith.constant 0 : i32
        %dma_start3A_28 = tpu.memref_slice %arg11[%add3A_24, %dma_start3A] : memref<10240x128xf32, #tpu.memory_space<vmem_shared>> -> memref<128x128xf32, #tpu.memory_space<vmem_shared>>
        %dma_start3A_29 = arith.constant 0 : i32
        %dma_start3A_30 = tpu.memref_slice %arg11[%add3A_24, %dma_start3A_29] : memref<10240x128xf32, #tpu.memory_space<vmem_shared>> -> memref<128x128xf32, #tpu.memory_space<vmem_shared>>
        tpu.enqueue_dma source(%dma_start3A_30 : memref<128x128xf32, #tpu.memory_space<vmem_shared>>) target(%arg9 : memref<128x128xf32, #tpu.memory_space<vmem>>) target_semaphore(%run_scoped3A : memref<!tpu.dma_semaphore, #tpu.memory_space<semaphore_mem>>)
        %dma_wait3A = arith.constant 0 : i32
        %dma_wait3A_31 = tpu.memref_slice %arg11[%add3A_24, %dma_wait3A] : memref<10240x128xf32, #tpu.memory_space<vmem_shared>> -> memref<128x128xf32, #tpu.memory_space<vmem_shared>>
        %dma_wait3A_32 = arith.constant 0 : i32
        %dma_wait3A_33 = tpu.memref_slice %arg11[%add3A_24, %dma_wait3A_32] : memref<10240x128xf32, #tpu.memory_space<vmem_shared>> -> memref<128x128xf32, #tpu.memory_space<vmem_shared>>
        tpu.wait_dma2 semaphore(%run_scoped3A : memref<!tpu.dma_semaphore, #tpu.memory_space<semaphore_mem>>) src(%dma_wait3A_33 : memref<128x128xf32, #tpu.memory_space<vmem_shared>>) dst(%arg9 : memref<128x128xf32, #tpu.memory_space<vmem>>)
        tpu.yield
      }) : () -> ()
      %mul3A_25 = arith.constant 10240 : i32
      %mul3A_26 = arith.muli %arg0, %mul3A_25 : i32
      %add3A_27 = arith.addi %mul3A_26, %add3A_24 : i32
      "tpu.region"() ({
        %run_scoped3A = tpu.sem_alloc : memref<!tpu.dma_semaphore, #tpu.memory_space<semaphore_mem>>
        %dma_start3A = arith.constant 0 : i32
        %dma_start3A_28 = tpu.memref_slice %arg6[%add3A_27, %dma_start3A] : memref<20480x128xf32, #tpu.memory_space<hbm>> -> memref<128x128xf32, #tpu.memory_space<hbm>>
        %dma_start3A_29 = arith.constant 0 : i32
        %dma_start3A_30 = tpu.memref_slice %arg6[%add3A_27, %dma_start3A_29] : memref<20480x128xf32, #tpu.memory_space<hbm>> -> memref<128x128xf32, #tpu.memory_space<hbm>>
        tpu.enqueue_dma source(%arg9 : memref<128x128xf32, #tpu.memory_space<vmem>>) target(%dma_start3A_30 : memref<128x128xf32, #tpu.memory_space<hbm>>) target_semaphore(%run_scoped3A : memref<!tpu.dma_semaphore, #tpu.memory_space<semaphore_mem>>)
        %dma_wait3A = arith.constant 0 : i32
        %dma_wait3A_31 = tpu.memref_slice %arg6[%add3A_27, %dma_wait3A] : memref<20480x128xf32, #tpu.memory_space<hbm>> -> memref<128x128xf32, #tpu.memory_space<hbm>>
        %dma_wait3A_32 = arith.constant 0 : i32
        %dma_wait3A_33 = tpu.memref_slice %arg6[%add3A_27, %dma_wait3A_32] : memref<20480x128xf32, #tpu.memory_space<hbm>> -> memref<128x128xf32, #tpu.memory_space<hbm>>
        tpu.wait_dma2 semaphore(%run_scoped3A : memref<!tpu.dma_semaphore, #tpu.memory_space<semaphore_mem>>) src(%arg9 : memref<128x128xf32, #tpu.memory_space<vmem>>) dst(%dma_wait3A_33 : memref<128x128xf32, #tpu.memory_space<hbm>>)
        tpu.yield
      }) : () -> ()
    }
    %scan3A_18 = arith.constant 5 : i32
    return
  }
}

#map = affine_map<(d0, d1) -> (0, 0)>
module attributes {stable_mosaic.version = 14 : i64} {
  func.func @body(%arg0: i32, %arg1: i32, %arg2: memref<10000x64xf32, #tpu.memory_space<hbm>>, %arg3: memref<2560x128xi32, #tpu.memory_space<hbm>>, %arg4: memref<2560x128xi32, #tpu.memory_space<hbm>>, %arg5: memref<128x64xf32, #tpu.memory_space<hbm>>, %arg6: memref<20480x64xf32, #tpu.memory_space<hbm>>, %arg7: memref<16x128xi32, #tpu.memory_space<vmem>>, %arg8: memref<16x128xi32, #tpu.memory_space<vmem>>, %arg9: memref<128x64xf32, #tpu.memory_space<vmem>>, %arg10: memref<128x64xf32, #tpu.memory_space<vmem>>, %arg11: memref<10240x64xf32, #tpu.memory_space<vmem_shared>>, %arg12: memref<!tpu.dma_semaphore, #tpu.memory_space<semaphore_mem>>, %arg13: memref<!tpu.dma_semaphore, #tpu.memory_space<semaphore_mem>>) attributes {dimension_semantics = [#tpu.dimension_semantics<core_parallel>, #tpu.dimension_semantics<subcore_parallel>], iteration_bounds = array<i64: 2, 16>, scalar_prefetch = 0 : i64, scratch_operands = 7 : i64, tpu.core_type = #tpu.core_type<sc_vector_subcore>, window_params = [{transform_indices = #map}, {transform_indices = #map}, {transform_indices = #map}, {transform_indices = #map}, {transform_indices = #map}]} {
    %mul3A = arith.constant 2 : i32
    %mul3A_0 = arith.muli %arg1, %mul3A : i32
    %add3A = arith.addi %mul3A_0, %arg0 : i32
    "tpu.region"() ({
      %run_scoped3A = tpu.sem_alloc : memref<!tpu.dma_semaphore, #tpu.memory_space<semaphore_mem>>
      tpu.enqueue_dma source(%arg5 : memref<128x64xf32, #tpu.memory_space<hbm>>) target(%arg9 : memref<128x64xf32, #tpu.memory_space<vmem>>) target_semaphore(%run_scoped3A : memref<!tpu.dma_semaphore, #tpu.memory_space<semaphore_mem>>)
      tpu.wait_dma2 semaphore(%run_scoped3A : memref<!tpu.dma_semaphore, #tpu.memory_space<semaphore_mem>>) src(%arg5 : memref<128x64xf32, #tpu.memory_space<hbm>>) dst(%arg9 : memref<128x64xf32, #tpu.memory_space<vmem>>)
      tpu.yield
    }) : () -> ()
    %scan3A = arith.constant 0 : i32
    %scan3A_1 = arith.constant 0 : i32
    %scan3A_2 = arith.constant 5 : i32
    %scan3A_3 = arith.addi %scan3A_1, %scan3A_2 : i32
    %scan3A_4 = arith.constant 1 : i32
    scf.for %scan3A_19 = %scan3A_1 to %scan3A_3 step %scan3A_4  : i32 {
      %mul3A_20 = arith.constant 640 : i32
      %mul3A_21 = arith.muli %arg1, %mul3A_20 : i32
      %mul3A_22 = arith.constant 128 : i32
      %mul3A_23 = arith.muli %scan3A_19, %mul3A_22 : i32
      %add3A_24 = arith.addi %mul3A_21, %mul3A_23 : i32
      "tpu.region"() ({
        %run_scoped3A = tpu.sem_alloc : memref<!tpu.dma_semaphore, #tpu.memory_space<semaphore_mem>>
        %dma_start3A = arith.constant 0 : i32
        %dma_start3A_25 = tpu.memref_slice %arg11[%add3A_24, %dma_start3A] : memref<10240x64xf32, #tpu.memory_space<vmem_shared>> -> memref<128x64xf32, #tpu.memory_space<vmem_shared>>
        %dma_start3A_26 = arith.constant 0 : i32
        %dma_start3A_27 = tpu.memref_slice %arg11[%add3A_24, %dma_start3A_26] : memref<10240x64xf32, #tpu.memory_space<vmem_shared>> -> memref<128x64xf32, #tpu.memory_space<vmem_shared>>
        tpu.enqueue_dma source(%arg9 : memref<128x64xf32, #tpu.memory_space<vmem>>) target(%dma_start3A_27 : memref<128x64xf32, #tpu.memory_space<vmem_shared>>) target_semaphore(%run_scoped3A : memref<!tpu.dma_semaphore, #tpu.memory_space<semaphore_mem>>)
        %dma_wait3A = arith.constant 0 : i32
        %dma_wait3A_28 = tpu.memref_slice %arg11[%add3A_24, %dma_wait3A] : memref<10240x64xf32, #tpu.memory_space<vmem_shared>> -> memref<128x64xf32, #tpu.memory_space<vmem_shared>>
        %dma_wait3A_29 = arith.constant 0 : i32
        %dma_wait3A_30 = tpu.memref_slice %arg11[%add3A_24, %dma_wait3A_29] : memref<10240x64xf32, #tpu.memory_space<vmem_shared>> -> memref<128x64xf32, #tpu.memory_space<vmem_shared>>
        tpu.wait_dma2 semaphore(%run_scoped3A : memref<!tpu.dma_semaphore, #tpu.memory_space<semaphore_mem>>) src(%arg9 : memref<128x64xf32, #tpu.memory_space<vmem>>) dst(%dma_wait3A_30 : memref<128x64xf32, #tpu.memory_space<vmem_shared>>)
        tpu.yield
      }) : () -> ()
    }
    %scan3A_5 = arith.constant 5 : i32
    %barrier3A = arith.constant 0 : index
    tpu.barrier barrier_id(%barrier3A)
    %scan3A_6 = arith.constant 0 : i32
    %scan3A_7 = arith.constant 0 : i32
    %scan3A_8 = arith.constant 5 : i32
    %scan3A_9 = arith.addi %scan3A_7, %scan3A_8 : i32
    %scan3A_10 = arith.constant 1 : i32
    scf.for %scan3A_19 = %scan3A_7 to %scan3A_9 step %scan3A_10  : i32 {
      %mul3A_20 = arith.constant 80 : i32
      %mul3A_21 = arith.muli %add3A, %mul3A_20 : i32
      %mul3A_22 = arith.constant 16 : i32
      %mul3A_23 = arith.muli %scan3A_19, %mul3A_22 : i32
      %add3A_24 = arith.addi %mul3A_21, %mul3A_23 : i32
      "tpu.region"() ({
        %run_scoped3A = tpu.sem_alloc : memref<!tpu.dma_semaphore, #tpu.memory_space<semaphore_mem>>
        %dma_start3A_471 = arith.constant 0 : i32
        %dma_start3A_472 = tpu.memref_slice %arg3[%add3A_24, %dma_start3A_471] : memref<2560x128xi32, #tpu.memory_space<hbm>> -> memref<16x128xi32, #tpu.memory_space<hbm>>
        %dma_start3A_473 = arith.constant 0 : i32
        %dma_start3A_474 = tpu.memref_slice %arg3[%add3A_24, %dma_start3A_473] : memref<2560x128xi32, #tpu.memory_space<hbm>> -> memref<16x128xi32, #tpu.memory_space<hbm>>
        tpu.enqueue_dma source(%dma_start3A_474 : memref<16x128xi32, #tpu.memory_space<hbm>>) target(%arg7 : memref<16x128xi32, #tpu.memory_space<vmem>>) target_semaphore(%run_scoped3A : memref<!tpu.dma_semaphore, #tpu.memory_space<semaphore_mem>>)
        %dma_wait3A_475 = arith.constant 0 : i32
        %dma_wait3A_476 = tpu.memref_slice %arg3[%add3A_24, %dma_wait3A_475] : memref<2560x128xi32, #tpu.memory_space<hbm>> -> memref<16x128xi32, #tpu.memory_space<hbm>>
        %dma_wait3A_477 = arith.constant 0 : i32
        %dma_wait3A_478 = tpu.memref_slice %arg3[%add3A_24, %dma_wait3A_477] : memref<2560x128xi32, #tpu.memory_space<hbm>> -> memref<16x128xi32, #tpu.memory_space<hbm>>
        tpu.wait_dma2 semaphore(%run_scoped3A : memref<!tpu.dma_semaphore, #tpu.memory_space<semaphore_mem>>) src(%dma_wait3A_478 : memref<16x128xi32, #tpu.memory_space<hbm>>) dst(%arg7 : memref<16x128xi32, #tpu.memory_space<vmem>>)
        tpu.yield
      }) : () -> ()
      "tpu.region"() ({
        %run_scoped3A = tpu.sem_alloc : memref<!tpu.dma_semaphore, #tpu.memory_space<semaphore_mem>>
        %dma_start3A_471 = arith.constant 0 : i32
        %dma_start3A_472 = tpu.memref_slice %arg4[%add3A_24, %dma_start3A_471] : memref<2560x128xi32, #tpu.memory_space<hbm>> -> memref<16x128xi32, #tpu.memory_space<hbm>>
        %dma_start3A_473 = arith.constant 0 : i32
        %dma_start3A_474 = tpu.memref_slice %arg4[%add3A_24, %dma_start3A_473] : memref<2560x128xi32, #tpu.memory_space<hbm>> -> memref<16x128xi32, #tpu.memory_space<hbm>>
        tpu.enqueue_dma source(%dma_start3A_474 : memref<16x128xi32, #tpu.memory_space<hbm>>) target(%arg8 : memref<16x128xi32, #tpu.memory_space<vmem>>) target_semaphore(%run_scoped3A : memref<!tpu.dma_semaphore, #tpu.memory_space<semaphore_mem>>)
        %dma_wait3A_475 = arith.constant 0 : i32
        %dma_wait3A_476 = tpu.memref_slice %arg4[%add3A_24, %dma_wait3A_475] : memref<2560x128xi32, #tpu.memory_space<hbm>> -> memref<16x128xi32, #tpu.memory_space<hbm>>
        %dma_wait3A_477 = arith.constant 0 : i32
        %dma_wait3A_478 = tpu.memref_slice %arg4[%add3A_24, %dma_wait3A_477] : memref<2560x128xi32, #tpu.memory_space<hbm>> -> memref<16x128xi32, #tpu.memory_space<hbm>>
        tpu.wait_dma2 semaphore(%run_scoped3A : memref<!tpu.dma_semaphore, #tpu.memory_space<semaphore_mem>>) src(%dma_wait3A_478 : memref<16x128xi32, #tpu.memory_space<hbm>>) dst(%arg8 : memref<16x128xi32, #tpu.memory_space<vmem>>)
        tpu.yield
      }) : () -> ()
      %dma_start3A = arith.constant 0 : i32
      %dma_start3A_25 = arith.constant 0 : i32
      %dma_start3A_26 = tpu.memref_slice %arg7[%dma_start3A, %dma_start3A_25] : memref<16x128xi32, #tpu.memory_space<vmem>> -> memref<1x128xi32, #tpu.memory_space<vmem>>
      %dma_start3A_27 = tpu.memref_squeeze %dma_start3A_26 : memref<1x128xi32, #tpu.memory_space<vmem>> -> memref<128xi32, #tpu.memory_space<vmem>>
      %dma_start3A_28 = arith.constant 0 : i32
      %dma_start3A_29 = arith.constant 0 : i32
      %dma_start3A_30 = tpu.memref_slice %arg2[%dma_start3A_28, %dma_start3A_29] : memref<10000x64xf32, #tpu.memory_space<hbm>> -> memref<10000x64xf32, #tpu.memory_space<hbm>>
      tpu.enqueue_indirect_dma source(%dma_start3A_30 : memref<10000x64xf32, #tpu.memory_space<hbm>>) target(%arg9 : memref<128x64xf32, #tpu.memory_space<vmem>>) offsets(%dma_start3A_27 : memref<128xi32, #tpu.memory_space<vmem>>) semaphore(%arg12 : memref<!tpu.dma_semaphore, #tpu.memory_space<semaphore_mem>>)
      %dma_wait3A = arith.constant 0 : i32
      %dma_wait3A_31 = arith.constant 0 : i32
      %dma_wait3A_32 = tpu.memref_slice %arg7[%dma_wait3A, %dma_wait3A_31] : memref<16x128xi32, #tpu.memory_space<vmem>> -> memref<1x128xi32, #tpu.memory_space<vmem>>
      %dma_wait3A_33 = tpu.memref_squeeze %dma_wait3A_32 : memref<1x128xi32, #tpu.memory_space<vmem>> -> memref<128xi32, #tpu.memory_space<vmem>>
      %dma_wait3A_34 = arith.constant 0 : i32
      %dma_wait3A_35 = arith.constant 0 : i32
      %dma_wait3A_36 = tpu.memref_slice %arg2[%dma_wait3A_34, %dma_wait3A_35] : memref<10000x64xf32, #tpu.memory_space<hbm>> -> memref<10000x64xf32, #tpu.memory_space<hbm>>
      tpu.wait_indirect_dma semaphore(%arg12 : memref<!tpu.dma_semaphore, #tpu.memory_space<semaphore_mem>>) src(%dma_wait3A_36 : memref<10000x64xf32, #tpu.memory_space<hbm>>) dst(%arg9 : memref<128x64xf32, #tpu.memory_space<vmem>>)
      %dma_start3A_37 = arith.constant 0 : i32
      %dma_start3A_38 = arith.constant 0 : i32
      %dma_start3A_39 = tpu.memref_slice %arg8[%dma_start3A_37, %dma_start3A_38] : memref<16x128xi32, #tpu.memory_space<vmem>> -> memref<1x128xi32, #tpu.memory_space<vmem>>
      %dma_start3A_40 = tpu.memref_squeeze %dma_start3A_39 : memref<1x128xi32, #tpu.memory_space<vmem>> -> memref<128xi32, #tpu.memory_space<vmem>>
      %dma_start3A_41 = arith.constant 0 : i32
      %dma_start3A_42 = arith.constant 0 : i32
      %dma_start3A_43 = tpu.memref_slice %arg11[%dma_start3A_41, %dma_start3A_42] : memref<10240x64xf32, #tpu.memory_space<vmem_shared>> -> memref<10240x64xf32, #tpu.memory_space<vmem_shared>>
      tpu.enqueue_indirect_dma source(%arg9 : memref<128x64xf32, #tpu.memory_space<vmem>>) target(%dma_start3A_43 : memref<10240x64xf32, #tpu.memory_space<vmem_shared>>) offsets(%dma_start3A_40 : memref<128xi32, #tpu.memory_space<vmem>>) semaphore(%arg13 : memref<!tpu.dma_semaphore, #tpu.memory_space<semaphore_mem>>) {add = true}
      %dma_start3A_44 = arith.constant 1 : i32
      %dma_start3A_45 = arith.constant 0 : i32
      %dma_start3A_46 = tpu.memref_slice %arg7[%dma_start3A_44, %dma_start3A_45] : memref<16x128xi32, #tpu.memory_space<vmem>> -> memref<1x128xi32, #tpu.memory_space<vmem>>
      %dma_start3A_47 = tpu.memref_squeeze %dma_start3A_46 : memref<1x128xi32, #tpu.memory_space<vmem>> -> memref<128xi32, #tpu.memory_space<vmem>>
      %dma_start3A_48 = arith.constant 0 : i32
      %dma_start3A_49 = arith.constant 0 : i32
      %dma_start3A_50 = tpu.memref_slice %arg2[%dma_start3A_48, %dma_start3A_49] : memref<10000x64xf32, #tpu.memory_space<hbm>> -> memref<10000x64xf32, #tpu.memory_space<hbm>>
      tpu.enqueue_indirect_dma source(%dma_start3A_50 : memref<10000x64xf32, #tpu.memory_space<hbm>>) target(%arg10 : memref<128x64xf32, #tpu.memory_space<vmem>>) offsets(%dma_start3A_47 : memref<128xi32, #tpu.memory_space<vmem>>) semaphore(%arg12 : memref<!tpu.dma_semaphore, #tpu.memory_space<semaphore_mem>>)
      %dma_wait3A_51 = arith.constant 1 : i32
      %dma_wait3A_52 = arith.constant 0 : i32
      %dma_wait3A_53 = tpu.memref_slice %arg7[%dma_wait3A_51, %dma_wait3A_52] : memref<16x128xi32, #tpu.memory_space<vmem>> -> memref<1x128xi32, #tpu.memory_space<vmem>>
      %dma_wait3A_54 = tpu.memref_squeeze %dma_wait3A_53 : memref<1x128xi32, #tpu.memory_space<vmem>> -> memref<128xi32, #tpu.memory_space<vmem>>
      %dma_wait3A_55 = arith.constant 0 : i32
      %dma_wait3A_56 = arith.constant 0 : i32
      %dma_wait3A_57 = tpu.memref_slice %arg2[%dma_wait3A_55, %dma_wait3A_56] : memref<10000x64xf32, #tpu.memory_space<hbm>> -> memref<10000x64xf32, #tpu.memory_space<hbm>>
      tpu.wait_indirect_dma semaphore(%arg12 : memref<!tpu.dma_semaphore, #tpu.memory_space<semaphore_mem>>) src(%dma_wait3A_57 : memref<10000x64xf32, #tpu.memory_space<hbm>>) dst(%arg10 : memref<128x64xf32, #tpu.memory_space<vmem>>)
      %dma_start3A_58 = arith.constant 1 : i32
      %dma_start3A_59 = arith.constant 0 : i32
      %dma_start3A_60 = tpu.memref_slice %arg8[%dma_start3A_58, %dma_start3A_59] : memref<16x128xi32, #tpu.memory_space<vmem>> -> memref<1x128xi32, #tpu.memory_space<vmem>>
      %dma_start3A_61 = tpu.memref_squeeze %dma_start3A_60 : memref<1x128xi32, #tpu.memory_space<vmem>> -> memref<128xi32, #tpu.memory_space<vmem>>
      %dma_start3A_62 = arith.constant 0 : i32
      %dma_start3A_63 = arith.constant 0 : i32
      %dma_start3A_64 = tpu.memref_slice %arg11[%dma_start3A_62, %dma_start3A_63] : memref<10240x64xf32, #tpu.memory_space<vmem_shared>> -> memref<10240x64xf32, #tpu.memory_space<vmem_shared>>
      tpu.enqueue_indirect_dma source(%arg10 : memref<128x64xf32, #tpu.memory_space<vmem>>) target(%dma_start3A_64 : memref<10240x64xf32, #tpu.memory_space<vmem_shared>>) offsets(%dma_start3A_61 : memref<128xi32, #tpu.memory_space<vmem>>) semaphore(%arg13 : memref<!tpu.dma_semaphore, #tpu.memory_space<semaphore_mem>>) {add = true}
      %dma_wait3A_65 = arith.constant 0 : i32
      %dma_wait3A_66 = arith.constant 0 : i32
      %dma_wait3A_67 = tpu.memref_slice %arg8[%dma_wait3A_65, %dma_wait3A_66] : memref<16x128xi32, #tpu.memory_space<vmem>> -> memref<1x128xi32, #tpu.memory_space<vmem>>
      %dma_wait3A_68 = tpu.memref_squeeze %dma_wait3A_67 : memref<1x128xi32, #tpu.memory_space<vmem>> -> memref<128xi32, #tpu.memory_space<vmem>>
      %dma_wait3A_69 = arith.constant 0 : i32
      %dma_wait3A_70 = arith.constant 0 : i32
      %dma_wait3A_71 = tpu.memref_slice %arg11[%dma_wait3A_69, %dma_wait3A_70] : memref<10240x64xf32, #tpu.memory_space<vmem_shared>> -> memref<10240x64xf32, #tpu.memory_space<vmem_shared>>
      tpu.wait_indirect_dma semaphore(%arg13 : memref<!tpu.dma_semaphore, #tpu.memory_space<semaphore_mem>>) src(%arg9 : memref<128x64xf32, #tpu.memory_space<vmem>>) dst(%dma_wait3A_71 : memref<10240x64xf32, #tpu.memory_space<vmem_shared>>)
      %dma_start3A_72 = arith.constant 2 : i32
      %dma_start3A_73 = arith.constant 0 : i32
      %dma_start3A_74 = tpu.memref_slice %arg7[%dma_start3A_72, %dma_start3A_73] : memref<16x128xi32, #tpu.memory_space<vmem>> -> memref<1x128xi32, #tpu.memory_space<vmem>>
      %dma_start3A_75 = tpu.memref_squeeze %dma_start3A_74 : memref<1x128xi32, #tpu.memory_space<vmem>> -> memref<128xi32, #tpu.memory_space<vmem>>
      %dma_start3A_76 = arith.constant 0 : i32
      %dma_start3A_77 = arith.constant 0 : i32
      %dma_start3A_78 = tpu.memref_slice %arg2[%dma_start3A_76, %dma_start3A_77] : memref<10000x64xf32, #tpu.memory_space<hbm>> -> memref<10000x64xf32, #tpu.memory_space<hbm>>
      tpu.enqueue_indirect_dma source(%dma_start3A_78 : memref<10000x64xf32, #tpu.memory_space<hbm>>) target(%arg9 : memref<128x64xf32, #tpu.memory_space<vmem>>) offsets(%dma_start3A_75 : memref<128xi32, #tpu.memory_space<vmem>>) semaphore(%arg12 : memref<!tpu.dma_semaphore, #tpu.memory_space<semaphore_mem>>)
      %dma_wait3A_79 = arith.constant 2 : i32
      %dma_wait3A_80 = arith.constant 0 : i32
      %dma_wait3A_81 = tpu.memref_slice %arg7[%dma_wait3A_79, %dma_wait3A_80] : memref<16x128xi32, #tpu.memory_space<vmem>> -> memref<1x128xi32, #tpu.memory_space<vmem>>
      %dma_wait3A_82 = tpu.memref_squeeze %dma_wait3A_81 : memref<1x128xi32, #tpu.memory_space<vmem>> -> memref<128xi32, #tpu.memory_space<vmem>>
      %dma_wait3A_83 = arith.constant 0 : i32
      %dma_wait3A_84 = arith.constant 0 : i32
      %dma_wait3A_85 = tpu.memref_slice %arg2[%dma_wait3A_83, %dma_wait3A_84] : memref<10000x64xf32, #tpu.memory_space<hbm>> -> memref<10000x64xf32, #tpu.memory_space<hbm>>
      tpu.wait_indirect_dma semaphore(%arg12 : memref<!tpu.dma_semaphore, #tpu.memory_space<semaphore_mem>>) src(%dma_wait3A_85 : memref<10000x64xf32, #tpu.memory_space<hbm>>) dst(%arg9 : memref<128x64xf32, #tpu.memory_space<vmem>>)
      %dma_start3A_86 = arith.constant 2 : i32
      %dma_start3A_87 = arith.constant 0 : i32
      %dma_start3A_88 = tpu.memref_slice %arg8[%dma_start3A_86, %dma_start3A_87] : memref<16x128xi32, #tpu.memory_space<vmem>> -> memref<1x128xi32, #tpu.memory_space<vmem>>
      %dma_start3A_89 = tpu.memref_squeeze %dma_start3A_88 : memref<1x128xi32, #tpu.memory_space<vmem>> -> memref<128xi32, #tpu.memory_space<vmem>>
      %dma_start3A_90 = arith.constant 0 : i32
      %dma_start3A_91 = arith.constant 0 : i32
      %dma_start3A_92 = tpu.memref_slice %arg11[%dma_start3A_90, %dma_start3A_91] : memref<10240x64xf32, #tpu.memory_space<vmem_shared>> -> memref<10240x64xf32, #tpu.memory_space<vmem_shared>>
      tpu.enqueue_indirect_dma source(%arg9 : memref<128x64xf32, #tpu.memory_space<vmem>>) target(%dma_start3A_92 : memref<10240x64xf32, #tpu.memory_space<vmem_shared>>) offsets(%dma_start3A_89 : memref<128xi32, #tpu.memory_space<vmem>>) semaphore(%arg13 : memref<!tpu.dma_semaphore, #tpu.memory_space<semaphore_mem>>) {add = true}
      %dma_wait3A_93 = arith.constant 1 : i32
      %dma_wait3A_94 = arith.constant 0 : i32
      %dma_wait3A_95 = tpu.memref_slice %arg8[%dma_wait3A_93, %dma_wait3A_94] : memref<16x128xi32, #tpu.memory_space<vmem>> -> memref<1x128xi32, #tpu.memory_space<vmem>>
      %dma_wait3A_96 = tpu.memref_squeeze %dma_wait3A_95 : memref<1x128xi32, #tpu.memory_space<vmem>> -> memref<128xi32, #tpu.memory_space<vmem>>
      %dma_wait3A_97 = arith.constant 0 : i32
      %dma_wait3A_98 = arith.constant 0 : i32
      %dma_wait3A_99 = tpu.memref_slice %arg11[%dma_wait3A_97, %dma_wait3A_98] : memref<10240x64xf32, #tpu.memory_space<vmem_shared>> -> memref<10240x64xf32, #tpu.memory_space<vmem_shared>>
      tpu.wait_indirect_dma semaphore(%arg13 : memref<!tpu.dma_semaphore, #tpu.memory_space<semaphore_mem>>) src(%arg10 : memref<128x64xf32, #tpu.memory_space<vmem>>) dst(%dma_wait3A_99 : memref<10240x64xf32, #tpu.memory_space<vmem_shared>>)
      %dma_start3A_100 = arith.constant 3 : i32
      %dma_start3A_101 = arith.constant 0 : i32
      %dma_start3A_102 = tpu.memref_slice %arg7[%dma_start3A_100, %dma_start3A_101] : memref<16x128xi32, #tpu.memory_space<vmem>> -> memref<1x128xi32, #tpu.memory_space<vmem>>
      %dma_start3A_103 = tpu.memref_squeeze %dma_start3A_102 : memref<1x128xi32, #tpu.memory_space<vmem>> -> memref<128xi32, #tpu.memory_space<vmem>>
      %dma_start3A_104 = arith.constant 0 : i32
      %dma_start3A_105 = arith.constant 0 : i32
      %dma_start3A_106 = tpu.memref_slice %arg2[%dma_start3A_104, %dma_start3A_105] : memref<10000x64xf32, #tpu.memory_space<hbm>> -> memref<10000x64xf32, #tpu.memory_space<hbm>>
      tpu.enqueue_indirect_dma source(%dma_start3A_106 : memref<10000x64xf32, #tpu.memory_space<hbm>>) target(%arg10 : memref<128x64xf32, #tpu.memory_space<vmem>>) offsets(%dma_start3A_103 : memref<128xi32, #tpu.memory_space<vmem>>) semaphore(%arg12 : memref<!tpu.dma_semaphore, #tpu.memory_space<semaphore_mem>>)
      %dma_wait3A_107 = arith.constant 3 : i32
      %dma_wait3A_108 = arith.constant 0 : i32
      %dma_wait3A_109 = tpu.memref_slice %arg7[%dma_wait3A_107, %dma_wait3A_108] : memref<16x128xi32, #tpu.memory_space<vmem>> -> memref<1x128xi32, #tpu.memory_space<vmem>>
      %dma_wait3A_110 = tpu.memref_squeeze %dma_wait3A_109 : memref<1x128xi32, #tpu.memory_space<vmem>> -> memref<128xi32, #tpu.memory_space<vmem>>
      %dma_wait3A_111 = arith.constant 0 : i32
      %dma_wait3A_112 = arith.constant 0 : i32
      %dma_wait3A_113 = tpu.memref_slice %arg2[%dma_wait3A_111, %dma_wait3A_112] : memref<10000x64xf32, #tpu.memory_space<hbm>> -> memref<10000x64xf32, #tpu.memory_space<hbm>>
      tpu.wait_indirect_dma semaphore(%arg12 : memref<!tpu.dma_semaphore, #tpu.memory_space<semaphore_mem>>) src(%dma_wait3A_113 : memref<10000x64xf32, #tpu.memory_space<hbm>>) dst(%arg10 : memref<128x64xf32, #tpu.memory_space<vmem>>)
      %dma_start3A_114 = arith.constant 3 : i32
      %dma_start3A_115 = arith.constant 0 : i32
      %dma_start3A_116 = tpu.memref_slice %arg8[%dma_start3A_114, %dma_start3A_115] : memref<16x128xi32, #tpu.memory_space<vmem>> -> memref<1x128xi32, #tpu.memory_space<vmem>>
      %dma_start3A_117 = tpu.memref_squeeze %dma_start3A_116 : memref<1x128xi32, #tpu.memory_space<vmem>> -> memref<128xi32, #tpu.memory_space<vmem>>
      %dma_start3A_118 = arith.constant 0 : i32
      %dma_start3A_119 = arith.constant 0 : i32
      %dma_start3A_120 = tpu.memref_slice %arg11[%dma_start3A_118, %dma_start3A_119] : memref<10240x64xf32, #tpu.memory_space<vmem_shared>> -> memref<10240x64xf32, #tpu.memory_space<vmem_shared>>
      tpu.enqueue_indirect_dma source(%arg10 : memref<128x64xf32, #tpu.memory_space<vmem>>) target(%dma_start3A_120 : memref<10240x64xf32, #tpu.memory_space<vmem_shared>>) offsets(%dma_start3A_117 : memref<128xi32, #tpu.memory_space<vmem>>) semaphore(%arg13 : memref<!tpu.dma_semaphore, #tpu.memory_space<semaphore_mem>>) {add = true}
      %dma_wait3A_121 = arith.constant 2 : i32
      %dma_wait3A_122 = arith.constant 0 : i32
      %dma_wait3A_123 = tpu.memref_slice %arg8[%dma_wait3A_121, %dma_wait3A_122] : memref<16x128xi32, #tpu.memory_space<vmem>> -> memref<1x128xi32, #tpu.memory_space<vmem>>
      %dma_wait3A_124 = tpu.memref_squeeze %dma_wait3A_123 : memref<1x128xi32, #tpu.memory_space<vmem>> -> memref<128xi32, #tpu.memory_space<vmem>>
      %dma_wait3A_125 = arith.constant 0 : i32
      %dma_wait3A_126 = arith.constant 0 : i32
      %dma_wait3A_127 = tpu.memref_slice %arg11[%dma_wait3A_125, %dma_wait3A_126] : memref<10240x64xf32, #tpu.memory_space<vmem_shared>> -> memref<10240x64xf32, #tpu.memory_space<vmem_shared>>
      tpu.wait_indirect_dma semaphore(%arg13 : memref<!tpu.dma_semaphore, #tpu.memory_space<semaphore_mem>>) src(%arg9 : memref<128x64xf32, #tpu.memory_space<vmem>>) dst(%dma_wait3A_127 : memref<10240x64xf32, #tpu.memory_space<vmem_shared>>)
      %dma_start3A_128 = arith.constant 4 : i32
      %dma_start3A_129 = arith.constant 0 : i32
      %dma_start3A_130 = tpu.memref_slice %arg7[%dma_start3A_128, %dma_start3A_129] : memref<16x128xi32, #tpu.memory_space<vmem>> -> memref<1x128xi32, #tpu.memory_space<vmem>>
      %dma_start3A_131 = tpu.memref_squeeze %dma_start3A_130 : memref<1x128xi32, #tpu.memory_space<vmem>> -> memref<128xi32, #tpu.memory_space<vmem>>
      %dma_start3A_132 = arith.constant 0 : i32
      %dma_start3A_133 = arith.constant 0 : i32
      %dma_start3A_134 = tpu.memref_slice %arg2[%dma_start3A_132, %dma_start3A_133] : memref<10000x64xf32, #tpu.memory_space<hbm>> -> memref<10000x64xf32, #tpu.memory_space<hbm>>
      tpu.enqueue_indirect_dma source(%dma_start3A_134 : memref<10000x64xf32, #tpu.memory_space<hbm>>) target(%arg9 : memref<128x64xf32, #tpu.memory_space<vmem>>) offsets(%dma_start3A_131 : memref<128xi32, #tpu.memory_space<vmem>>) semaphore(%arg12 : memref<!tpu.dma_semaphore, #tpu.memory_space<semaphore_mem>>)
      %dma_wait3A_135 = arith.constant 4 : i32
      %dma_wait3A_136 = arith.constant 0 : i32
      %dma_wait3A_137 = tpu.memref_slice %arg7[%dma_wait3A_135, %dma_wait3A_136] : memref<16x128xi32, #tpu.memory_space<vmem>> -> memref<1x128xi32, #tpu.memory_space<vmem>>
      %dma_wait3A_138 = tpu.memref_squeeze %dma_wait3A_137 : memref<1x128xi32, #tpu.memory_space<vmem>> -> memref<128xi32, #tpu.memory_space<vmem>>
      %dma_wait3A_139 = arith.constant 0 : i32
      %dma_wait3A_140 = arith.constant 0 : i32
      %dma_wait3A_141 = tpu.memref_slice %arg2[%dma_wait3A_139, %dma_wait3A_140] : memref<10000x64xf32, #tpu.memory_space<hbm>> -> memref<10000x64xf32, #tpu.memory_space<hbm>>
      tpu.wait_indirect_dma semaphore(%arg12 : memref<!tpu.dma_semaphore, #tpu.memory_space<semaphore_mem>>) src(%dma_wait3A_141 : memref<10000x64xf32, #tpu.memory_space<hbm>>) dst(%arg9 : memref<128x64xf32, #tpu.memory_space<vmem>>)
      %dma_start3A_142 = arith.constant 4 : i32
      %dma_start3A_143 = arith.constant 0 : i32
      %dma_start3A_144 = tpu.memref_slice %arg8[%dma_start3A_142, %dma_start3A_143] : memref<16x128xi32, #tpu.memory_space<vmem>> -> memref<1x128xi32, #tpu.memory_space<vmem>>
      %dma_start3A_145 = tpu.memref_squeeze %dma_start3A_144 : memref<1x128xi32, #tpu.memory_space<vmem>> -> memref<128xi32, #tpu.memory_space<vmem>>
      %dma_start3A_146 = arith.constant 0 : i32
      %dma_start3A_147 = arith.constant 0 : i32
      %dma_start3A_148 = tpu.memref_slice %arg11[%dma_start3A_146, %dma_start3A_147] : memref<10240x64xf32, #tpu.memory_space<vmem_shared>> -> memref<10240x64xf32, #tpu.memory_space<vmem_shared>>
      tpu.enqueue_indirect_dma source(%arg9 : memref<128x64xf32, #tpu.memory_space<vmem>>) target(%dma_start3A_148 : memref<10240x64xf32, #tpu.memory_space<vmem_shared>>) offsets(%dma_start3A_145 : memref<128xi32, #tpu.memory_space<vmem>>) semaphore(%arg13 : memref<!tpu.dma_semaphore, #tpu.memory_space<semaphore_mem>>) {add = true}
      %dma_wait3A_149 = arith.constant 3 : i32
      %dma_wait3A_150 = arith.constant 0 : i32
      %dma_wait3A_151 = tpu.memref_slice %arg8[%dma_wait3A_149, %dma_wait3A_150] : memref<16x128xi32, #tpu.memory_space<vmem>> -> memref<1x128xi32, #tpu.memory_space<vmem>>
      %dma_wait3A_152 = tpu.memref_squeeze %dma_wait3A_151 : memref<1x128xi32, #tpu.memory_space<vmem>> -> memref<128xi32, #tpu.memory_space<vmem>>
      %dma_wait3A_153 = arith.constant 0 : i32
      %dma_wait3A_154 = arith.constant 0 : i32
      %dma_wait3A_155 = tpu.memref_slice %arg11[%dma_wait3A_153, %dma_wait3A_154] : memref<10240x64xf32, #tpu.memory_space<vmem_shared>> -> memref<10240x64xf32, #tpu.memory_space<vmem_shared>>
      tpu.wait_indirect_dma semaphore(%arg13 : memref<!tpu.dma_semaphore, #tpu.memory_space<semaphore_mem>>) src(%arg10 : memref<128x64xf32, #tpu.memory_space<vmem>>) dst(%dma_wait3A_155 : memref<10240x64xf32, #tpu.memory_space<vmem_shared>>)
      %dma_start3A_156 = arith.constant 5 : i32
      %dma_start3A_157 = arith.constant 0 : i32
      %dma_start3A_158 = tpu.memref_slice %arg7[%dma_start3A_156, %dma_start3A_157] : memref<16x128xi32, #tpu.memory_space<vmem>> -> memref<1x128xi32, #tpu.memory_space<vmem>>
      %dma_start3A_159 = tpu.memref_squeeze %dma_start3A_158 : memref<1x128xi32, #tpu.memory_space<vmem>> -> memref<128xi32, #tpu.memory_space<vmem>>
      %dma_start3A_160 = arith.constant 0 : i32
      %dma_start3A_161 = arith.constant 0 : i32
      %dma_start3A_162 = tpu.memref_slice %arg2[%dma_start3A_160, %dma_start3A_161] : memref<10000x64xf32, #tpu.memory_space<hbm>> -> memref<10000x64xf32, #tpu.memory_space<hbm>>
      tpu.enqueue_indirect_dma source(%dma_start3A_162 : memref<10000x64xf32, #tpu.memory_space<hbm>>) target(%arg10 : memref<128x64xf32, #tpu.memory_space<vmem>>) offsets(%dma_start3A_159 : memref<128xi32, #tpu.memory_space<vmem>>) semaphore(%arg12 : memref<!tpu.dma_semaphore, #tpu.memory_space<semaphore_mem>>)
      %dma_wait3A_163 = arith.constant 5 : i32
      %dma_wait3A_164 = arith.constant 0 : i32
      %dma_wait3A_165 = tpu.memref_slice %arg7[%dma_wait3A_163, %dma_wait3A_164] : memref<16x128xi32, #tpu.memory_space<vmem>> -> memref<1x128xi32, #tpu.memory_space<vmem>>
      %dma_wait3A_166 = tpu.memref_squeeze %dma_wait3A_165 : memref<1x128xi32, #tpu.memory_space<vmem>> -> memref<128xi32, #tpu.memory_space<vmem>>
      %dma_wait3A_167 = arith.constant 0 : i32
      %dma_wait3A_168 = arith.constant 0 : i32
      %dma_wait3A_169 = tpu.memref_slice %arg2[%dma_wait3A_167, %dma_wait3A_168] : memref<10000x64xf32, #tpu.memory_space<hbm>> -> memref<10000x64xf32, #tpu.memory_space<hbm>>
      tpu.wait_indirect_dma semaphore(%arg12 : memref<!tpu.dma_semaphore, #tpu.memory_space<semaphore_mem>>) src(%dma_wait3A_169 : memref<10000x64xf32, #tpu.memory_space<hbm>>) dst(%arg10 : memref<128x64xf32, #tpu.memory_space<vmem>>)
      %dma_start3A_170 = arith.constant 5 : i32
      %dma_start3A_171 = arith.constant 0 : i32
      %dma_start3A_172 = tpu.memref_slice %arg8[%dma_start3A_170, %dma_start3A_171] : memref<16x128xi32, #tpu.memory_space<vmem>> -> memref<1x128xi32, #tpu.memory_space<vmem>>
      %dma_start3A_173 = tpu.memref_squeeze %dma_start3A_172 : memref<1x128xi32, #tpu.memory_space<vmem>> -> memref<128xi32, #tpu.memory_space<vmem>>
      %dma_start3A_174 = arith.constant 0 : i32
      %dma_start3A_175 = arith.constant 0 : i32
      %dma_start3A_176 = tpu.memref_slice %arg11[%dma_start3A_174, %dma_start3A_175] : memref<10240x64xf32, #tpu.memory_space<vmem_shared>> -> memref<10240x64xf32, #tpu.memory_space<vmem_shared>>
      tpu.enqueue_indirect_dma source(%arg10 : memref<128x64xf32, #tpu.memory_space<vmem>>) target(%dma_start3A_176 : memref<10240x64xf32, #tpu.memory_space<vmem_shared>>) offsets(%dma_start3A_173 : memref<128xi32, #tpu.memory_space<vmem>>) semaphore(%arg13 : memref<!tpu.dma_semaphore, #tpu.memory_space<semaphore_mem>>) {add = true}
      %dma_wait3A_177 = arith.constant 4 : i32
      %dma_wait3A_178 = arith.constant 0 : i32
      %dma_wait3A_179 = tpu.memref_slice %arg8[%dma_wait3A_177, %dma_wait3A_178] : memref<16x128xi32, #tpu.memory_space<vmem>> -> memref<1x128xi32, #tpu.memory_space<vmem>>
      %dma_wait3A_180 = tpu.memref_squeeze %dma_wait3A_179 : memref<1x128xi32, #tpu.memory_space<vmem>> -> memref<128xi32, #tpu.memory_space<vmem>>
      %dma_wait3A_181 = arith.constant 0 : i32
      %dma_wait3A_182 = arith.constant 0 : i32
      %dma_wait3A_183 = tpu.memref_slice %arg11[%dma_wait3A_181, %dma_wait3A_182] : memref<10240x64xf32, #tpu.memory_space<vmem_shared>> -> memref<10240x64xf32, #tpu.memory_space<vmem_shared>>
      tpu.wait_indirect_dma semaphore(%arg13 : memref<!tpu.dma_semaphore, #tpu.memory_space<semaphore_mem>>) src(%arg9 : memref<128x64xf32, #tpu.memory_space<vmem>>) dst(%dma_wait3A_183 : memref<10240x64xf32, #tpu.memory_space<vmem_shared>>)
      %dma_start3A_184 = arith.constant 6 : i32
      %dma_start3A_185 = arith.constant 0 : i32
      %dma_start3A_186 = tpu.memref_slice %arg7[%dma_start3A_184, %dma_start3A_185] : memref<16x128xi32, #tpu.memory_space<vmem>> -> memref<1x128xi32, #tpu.memory_space<vmem>>
      %dma_start3A_187 = tpu.memref_squeeze %dma_start3A_186 : memref<1x128xi32, #tpu.memory_space<vmem>> -> memref<128xi32, #tpu.memory_space<vmem>>
      %dma_start3A_188 = arith.constant 0 : i32
      %dma_start3A_189 = arith.constant 0 : i32
      %dma_start3A_190 = tpu.memref_slice %arg2[%dma_start3A_188, %dma_start3A_189] : memref<10000x64xf32, #tpu.memory_space<hbm>> -> memref<10000x64xf32, #tpu.memory_space<hbm>>
      tpu.enqueue_indirect_dma source(%dma_start3A_190 : memref<10000x64xf32, #tpu.memory_space<hbm>>) target(%arg9 : memref<128x64xf32, #tpu.memory_space<vmem>>) offsets(%dma_start3A_187 : memref<128xi32, #tpu.memory_space<vmem>>) semaphore(%arg12 : memref<!tpu.dma_semaphore, #tpu.memory_space<semaphore_mem>>)
      %dma_wait3A_191 = arith.constant 6 : i32
      %dma_wait3A_192 = arith.constant 0 : i32
      %dma_wait3A_193 = tpu.memref_slice %arg7[%dma_wait3A_191, %dma_wait3A_192] : memref<16x128xi32, #tpu.memory_space<vmem>> -> memref<1x128xi32, #tpu.memory_space<vmem>>
      %dma_wait3A_194 = tpu.memref_squeeze %dma_wait3A_193 : memref<1x128xi32, #tpu.memory_space<vmem>> -> memref<128xi32, #tpu.memory_space<vmem>>
      %dma_wait3A_195 = arith.constant 0 : i32
      %dma_wait3A_196 = arith.constant 0 : i32
      %dma_wait3A_197 = tpu.memref_slice %arg2[%dma_wait3A_195, %dma_wait3A_196] : memref<10000x64xf32, #tpu.memory_space<hbm>> -> memref<10000x64xf32, #tpu.memory_space<hbm>>
      tpu.wait_indirect_dma semaphore(%arg12 : memref<!tpu.dma_semaphore, #tpu.memory_space<semaphore_mem>>) src(%dma_wait3A_197 : memref<10000x64xf32, #tpu.memory_space<hbm>>) dst(%arg9 : memref<128x64xf32, #tpu.memory_space<vmem>>)
      %dma_start3A_198 = arith.constant 6 : i32
      %dma_start3A_199 = arith.constant 0 : i32
      %dma_start3A_200 = tpu.memref_slice %arg8[%dma_start3A_198, %dma_start3A_199] : memref<16x128xi32, #tpu.memory_space<vmem>> -> memref<1x128xi32, #tpu.memory_space<vmem>>
      %dma_start3A_201 = tpu.memref_squeeze %dma_start3A_200 : memref<1x128xi32, #tpu.memory_space<vmem>> -> memref<128xi32, #tpu.memory_space<vmem>>
      %dma_start3A_202 = arith.constant 0 : i32
      %dma_start3A_203 = arith.constant 0 : i32
      %dma_start3A_204 = tpu.memref_slice %arg11[%dma_start3A_202, %dma_start3A_203] : memref<10240x64xf32, #tpu.memory_space<vmem_shared>> -> memref<10240x64xf32, #tpu.memory_space<vmem_shared>>
      tpu.enqueue_indirect_dma source(%arg9 : memref<128x64xf32, #tpu.memory_space<vmem>>) target(%dma_start3A_204 : memref<10240x64xf32, #tpu.memory_space<vmem_shared>>) offsets(%dma_start3A_201 : memref<128xi32, #tpu.memory_space<vmem>>) semaphore(%arg13 : memref<!tpu.dma_semaphore, #tpu.memory_space<semaphore_mem>>) {add = true}
      %dma_wait3A_205 = arith.constant 5 : i32
      %dma_wait3A_206 = arith.constant 0 : i32
      %dma_wait3A_207 = tpu.memref_slice %arg8[%dma_wait3A_205, %dma_wait3A_206] : memref<16x128xi32, #tpu.memory_space<vmem>> -> memref<1x128xi32, #tpu.memory_space<vmem>>
      %dma_wait3A_208 = tpu.memref_squeeze %dma_wait3A_207 : memref<1x128xi32, #tpu.memory_space<vmem>> -> memref<128xi32, #tpu.memory_space<vmem>>
      %dma_wait3A_209 = arith.constant 0 : i32
      %dma_wait3A_210 = arith.constant 0 : i32
      %dma_wait3A_211 = tpu.memref_slice %arg11[%dma_wait3A_209, %dma_wait3A_210] : memref<10240x64xf32, #tpu.memory_space<vmem_shared>> -> memref<10240x64xf32, #tpu.memory_space<vmem_shared>>
      tpu.wait_indirect_dma semaphore(%arg13 : memref<!tpu.dma_semaphore, #tpu.memory_space<semaphore_mem>>) src(%arg10 : memref<128x64xf32, #tpu.memory_space<vmem>>) dst(%dma_wait3A_211 : memref<10240x64xf32, #tpu.memory_space<vmem_shared>>)
      %dma_start3A_212 = arith.constant 7 : i32
      %dma_start3A_213 = arith.constant 0 : i32
      %dma_start3A_214 = tpu.memref_slice %arg7[%dma_start3A_212, %dma_start3A_213] : memref<16x128xi32, #tpu.memory_space<vmem>> -> memref<1x128xi32, #tpu.memory_space<vmem>>
      %dma_start3A_215 = tpu.memref_squeeze %dma_start3A_214 : memref<1x128xi32, #tpu.memory_space<vmem>> -> memref<128xi32, #tpu.memory_space<vmem>>
      %dma_start3A_216 = arith.constant 0 : i32
      %dma_start3A_217 = arith.constant 0 : i32
      %dma_start3A_218 = tpu.memref_slice %arg2[%dma_start3A_216, %dma_start3A_217] : memref<10000x64xf32, #tpu.memory_space<hbm>> -> memref<10000x64xf32, #tpu.memory_space<hbm>>
      tpu.enqueue_indirect_dma source(%dma_start3A_218 : memref<10000x64xf32, #tpu.memory_space<hbm>>) target(%arg10 : memref<128x64xf32, #tpu.memory_space<vmem>>) offsets(%dma_start3A_215 : memref<128xi32, #tpu.memory_space<vmem>>) semaphore(%arg12 : memref<!tpu.dma_semaphore, #tpu.memory_space<semaphore_mem>>)
      %dma_wait3A_219 = arith.constant 7 : i32
      %dma_wait3A_220 = arith.constant 0 : i32
      %dma_wait3A_221 = tpu.memref_slice %arg7[%dma_wait3A_219, %dma_wait3A_220] : memref<16x128xi32, #tpu.memory_space<vmem>> -> memref<1x128xi32, #tpu.memory_space<vmem>>
      %dma_wait3A_222 = tpu.memref_squeeze %dma_wait3A_221 : memref<1x128xi32, #tpu.memory_space<vmem>> -> memref<128xi32, #tpu.memory_space<vmem>>
      %dma_wait3A_223 = arith.constant 0 : i32
      %dma_wait3A_224 = arith.constant 0 : i32
      %dma_wait3A_225 = tpu.memref_slice %arg2[%dma_wait3A_223, %dma_wait3A_224] : memref<10000x64xf32, #tpu.memory_space<hbm>> -> memref<10000x64xf32, #tpu.memory_space<hbm>>
      tpu.wait_indirect_dma semaphore(%arg12 : memref<!tpu.dma_semaphore, #tpu.memory_space<semaphore_mem>>) src(%dma_wait3A_225 : memref<10000x64xf32, #tpu.memory_space<hbm>>) dst(%arg10 : memref<128x64xf32, #tpu.memory_space<vmem>>)
      %dma_start3A_226 = arith.constant 7 : i32
      %dma_start3A_227 = arith.constant 0 : i32
      %dma_start3A_228 = tpu.memref_slice %arg8[%dma_start3A_226, %dma_start3A_227] : memref<16x128xi32, #tpu.memory_space<vmem>> -> memref<1x128xi32, #tpu.memory_space<vmem>>
      %dma_start3A_229 = tpu.memref_squeeze %dma_start3A_228 : memref<1x128xi32, #tpu.memory_space<vmem>> -> memref<128xi32, #tpu.memory_space<vmem>>
      %dma_start3A_230 = arith.constant 0 : i32
      %dma_start3A_231 = arith.constant 0 : i32
      %dma_start3A_232 = tpu.memref_slice %arg11[%dma_start3A_230, %dma_start3A_231] : memref<10240x64xf32, #tpu.memory_space<vmem_shared>> -> memref<10240x64xf32, #tpu.memory_space<vmem_shared>>
      tpu.enqueue_indirect_dma source(%arg10 : memref<128x64xf32, #tpu.memory_space<vmem>>) target(%dma_start3A_232 : memref<10240x64xf32, #tpu.memory_space<vmem_shared>>) offsets(%dma_start3A_229 : memref<128xi32, #tpu.memory_space<vmem>>) semaphore(%arg13 : memref<!tpu.dma_semaphore, #tpu.memory_space<semaphore_mem>>) {add = true}
      %dma_wait3A_233 = arith.constant 6 : i32
      %dma_wait3A_234 = arith.constant 0 : i32
      %dma_wait3A_235 = tpu.memref_slice %arg8[%dma_wait3A_233, %dma_wait3A_234] : memref<16x128xi32, #tpu.memory_space<vmem>> -> memref<1x128xi32, #tpu.memory_space<vmem>>
      %dma_wait3A_236 = tpu.memref_squeeze %dma_wait3A_235 : memref<1x128xi32, #tpu.memory_space<vmem>> -> memref<128xi32, #tpu.memory_space<vmem>>
      %dma_wait3A_237 = arith.constant 0 : i32
      %dma_wait3A_238 = arith.constant 0 : i32
      %dma_wait3A_239 = tpu.memref_slice %arg11[%dma_wait3A_237, %dma_wait3A_238] : memref<10240x64xf32, #tpu.memory_space<vmem_shared>> -> memref<10240x64xf32, #tpu.memory_space<vmem_shared>>
      tpu.wait_indirect_dma semaphore(%arg13 : memref<!tpu.dma_semaphore, #tpu.memory_space<semaphore_mem>>) src(%arg9 : memref<128x64xf32, #tpu.memory_space<vmem>>) dst(%dma_wait3A_239 : memref<10240x64xf32, #tpu.memory_space<vmem_shared>>)
      %dma_start3A_240 = arith.constant 8 : i32
      %dma_start3A_241 = arith.constant 0 : i32
      %dma_start3A_242 = tpu.memref_slice %arg7[%dma_start3A_240, %dma_start3A_241] : memref<16x128xi32, #tpu.memory_space<vmem>> -> memref<1x128xi32, #tpu.memory_space<vmem>>
      %dma_start3A_243 = tpu.memref_squeeze %dma_start3A_242 : memref<1x128xi32, #tpu.memory_space<vmem>> -> memref<128xi32, #tpu.memory_space<vmem>>
      %dma_start3A_244 = arith.constant 0 : i32
      %dma_start3A_245 = arith.constant 0 : i32
      %dma_start3A_246 = tpu.memref_slice %arg2[%dma_start3A_244, %dma_start3A_245] : memref<10000x64xf32, #tpu.memory_space<hbm>> -> memref<10000x64xf32, #tpu.memory_space<hbm>>
      tpu.enqueue_indirect_dma source(%dma_start3A_246 : memref<10000x64xf32, #tpu.memory_space<hbm>>) target(%arg9 : memref<128x64xf32, #tpu.memory_space<vmem>>) offsets(%dma_start3A_243 : memref<128xi32, #tpu.memory_space<vmem>>) semaphore(%arg12 : memref<!tpu.dma_semaphore, #tpu.memory_space<semaphore_mem>>)
      %dma_wait3A_247 = arith.constant 8 : i32
      %dma_wait3A_248 = arith.constant 0 : i32
      %dma_wait3A_249 = tpu.memref_slice %arg7[%dma_wait3A_247, %dma_wait3A_248] : memref<16x128xi32, #tpu.memory_space<vmem>> -> memref<1x128xi32, #tpu.memory_space<vmem>>
      %dma_wait3A_250 = tpu.memref_squeeze %dma_wait3A_249 : memref<1x128xi32, #tpu.memory_space<vmem>> -> memref<128xi32, #tpu.memory_space<vmem>>
      %dma_wait3A_251 = arith.constant 0 : i32
      %dma_wait3A_252 = arith.constant 0 : i32
      %dma_wait3A_253 = tpu.memref_slice %arg2[%dma_wait3A_251, %dma_wait3A_252] : memref<10000x64xf32, #tpu.memory_space<hbm>> -> memref<10000x64xf32, #tpu.memory_space<hbm>>
      tpu.wait_indirect_dma semaphore(%arg12 : memref<!tpu.dma_semaphore, #tpu.memory_space<semaphore_mem>>) src(%dma_wait3A_253 : memref<10000x64xf32, #tpu.memory_space<hbm>>) dst(%arg9 : memref<128x64xf32, #tpu.memory_space<vmem>>)
      %dma_start3A_254 = arith.constant 8 : i32
      %dma_start3A_255 = arith.constant 0 : i32
      %dma_start3A_256 = tpu.memref_slice %arg8[%dma_start3A_254, %dma_start3A_255] : memref<16x128xi32, #tpu.memory_space<vmem>> -> memref<1x128xi32, #tpu.memory_space<vmem>>
      %dma_start3A_257 = tpu.memref_squeeze %dma_start3A_256 : memref<1x128xi32, #tpu.memory_space<vmem>> -> memref<128xi32, #tpu.memory_space<vmem>>
      %dma_start3A_258 = arith.constant 0 : i32
      %dma_start3A_259 = arith.constant 0 : i32
      %dma_start3A_260 = tpu.memref_slice %arg11[%dma_start3A_258, %dma_start3A_259] : memref<10240x64xf32, #tpu.memory_space<vmem_shared>> -> memref<10240x64xf32, #tpu.memory_space<vmem_shared>>
      tpu.enqueue_indirect_dma source(%arg9 : memref<128x64xf32, #tpu.memory_space<vmem>>) target(%dma_start3A_260 : memref<10240x64xf32, #tpu.memory_space<vmem_shared>>) offsets(%dma_start3A_257 : memref<128xi32, #tpu.memory_space<vmem>>) semaphore(%arg13 : memref<!tpu.dma_semaphore, #tpu.memory_space<semaphore_mem>>) {add = true}
      %dma_wait3A_261 = arith.constant 7 : i32
      %dma_wait3A_262 = arith.constant 0 : i32
      %dma_wait3A_263 = tpu.memref_slice %arg8[%dma_wait3A_261, %dma_wait3A_262] : memref<16x128xi32, #tpu.memory_space<vmem>> -> memref<1x128xi32, #tpu.memory_space<vmem>>
      %dma_wait3A_264 = tpu.memref_squeeze %dma_wait3A_263 : memref<1x128xi32, #tpu.memory_space<vmem>> -> memref<128xi32, #tpu.memory_space<vmem>>
      %dma_wait3A_265 = arith.constant 0 : i32
      %dma_wait3A_266 = arith.constant 0 : i32
      %dma_wait3A_267 = tpu.memref_slice %arg11[%dma_wait3A_265, %dma_wait3A_266] : memref<10240x64xf32, #tpu.memory_space<vmem_shared>> -> memref<10240x64xf32, #tpu.memory_space<vmem_shared>>
      tpu.wait_indirect_dma semaphore(%arg13 : memref<!tpu.dma_semaphore, #tpu.memory_space<semaphore_mem>>) src(%arg10 : memref<128x64xf32, #tpu.memory_space<vmem>>) dst(%dma_wait3A_267 : memref<10240x64xf32, #tpu.memory_space<vmem_shared>>)
      %dma_start3A_268 = arith.constant 9 : i32
      %dma_start3A_269 = arith.constant 0 : i32
      %dma_start3A_270 = tpu.memref_slice %arg7[%dma_start3A_268, %dma_start3A_269] : memref<16x128xi32, #tpu.memory_space<vmem>> -> memref<1x128xi32, #tpu.memory_space<vmem>>
      %dma_start3A_271 = tpu.memref_squeeze %dma_start3A_270 : memref<1x128xi32, #tpu.memory_space<vmem>> -> memref<128xi32, #tpu.memory_space<vmem>>
      %dma_start3A_272 = arith.constant 0 : i32
      %dma_start3A_273 = arith.constant 0 : i32
      %dma_start3A_274 = tpu.memref_slice %arg2[%dma_start3A_272, %dma_start3A_273] : memref<10000x64xf32, #tpu.memory_space<hbm>> -> memref<10000x64xf32, #tpu.memory_space<hbm>>
      tpu.enqueue_indirect_dma source(%dma_start3A_274 : memref<10000x64xf32, #tpu.memory_space<hbm>>) target(%arg10 : memref<128x64xf32, #tpu.memory_space<vmem>>) offsets(%dma_start3A_271 : memref<128xi32, #tpu.memory_space<vmem>>) semaphore(%arg12 : memref<!tpu.dma_semaphore, #tpu.memory_space<semaphore_mem>>)
      %dma_wait3A_275 = arith.constant 9 : i32
      %dma_wait3A_276 = arith.constant 0 : i32
      %dma_wait3A_277 = tpu.memref_slice %arg7[%dma_wait3A_275, %dma_wait3A_276] : memref<16x128xi32, #tpu.memory_space<vmem>> -> memref<1x128xi32, #tpu.memory_space<vmem>>
      %dma_wait3A_278 = tpu.memref_squeeze %dma_wait3A_277 : memref<1x128xi32, #tpu.memory_space<vmem>> -> memref<128xi32, #tpu.memory_space<vmem>>
      %dma_wait3A_279 = arith.constant 0 : i32
      %dma_wait3A_280 = arith.constant 0 : i32
      %dma_wait3A_281 = tpu.memref_slice %arg2[%dma_wait3A_279, %dma_wait3A_280] : memref<10000x64xf32, #tpu.memory_space<hbm>> -> memref<10000x64xf32, #tpu.memory_space<hbm>>
      tpu.wait_indirect_dma semaphore(%arg12 : memref<!tpu.dma_semaphore, #tpu.memory_space<semaphore_mem>>) src(%dma_wait3A_281 : memref<10000x64xf32, #tpu.memory_space<hbm>>) dst(%arg10 : memref<128x64xf32, #tpu.memory_space<vmem>>)
      %dma_start3A_282 = arith.constant 9 : i32
      %dma_start3A_283 = arith.constant 0 : i32
      %dma_start3A_284 = tpu.memref_slice %arg8[%dma_start3A_282, %dma_start3A_283] : memref<16x128xi32, #tpu.memory_space<vmem>> -> memref<1x128xi32, #tpu.memory_space<vmem>>
      %dma_start3A_285 = tpu.memref_squeeze %dma_start3A_284 : memref<1x128xi32, #tpu.memory_space<vmem>> -> memref<128xi32, #tpu.memory_space<vmem>>
      %dma_start3A_286 = arith.constant 0 : i32
      %dma_start3A_287 = arith.constant 0 : i32
      %dma_start3A_288 = tpu.memref_slice %arg11[%dma_start3A_286, %dma_start3A_287] : memref<10240x64xf32, #tpu.memory_space<vmem_shared>> -> memref<10240x64xf32, #tpu.memory_space<vmem_shared>>
      tpu.enqueue_indirect_dma source(%arg10 : memref<128x64xf32, #tpu.memory_space<vmem>>) target(%dma_start3A_288 : memref<10240x64xf32, #tpu.memory_space<vmem_shared>>) offsets(%dma_start3A_285 : memref<128xi32, #tpu.memory_space<vmem>>) semaphore(%arg13 : memref<!tpu.dma_semaphore, #tpu.memory_space<semaphore_mem>>) {add = true}
      %dma_wait3A_289 = arith.constant 8 : i32
      %dma_wait3A_290 = arith.constant 0 : i32
      %dma_wait3A_291 = tpu.memref_slice %arg8[%dma_wait3A_289, %dma_wait3A_290] : memref<16x128xi32, #tpu.memory_space<vmem>> -> memref<1x128xi32, #tpu.memory_space<vmem>>
      %dma_wait3A_292 = tpu.memref_squeeze %dma_wait3A_291 : memref<1x128xi32, #tpu.memory_space<vmem>> -> memref<128xi32, #tpu.memory_space<vmem>>
      %dma_wait3A_293 = arith.constant 0 : i32
      %dma_wait3A_294 = arith.constant 0 : i32
      %dma_wait3A_295 = tpu.memref_slice %arg11[%dma_wait3A_293, %dma_wait3A_294] : memref<10240x64xf32, #tpu.memory_space<vmem_shared>> -> memref<10240x64xf32, #tpu.memory_space<vmem_shared>>
      tpu.wait_indirect_dma semaphore(%arg13 : memref<!tpu.dma_semaphore, #tpu.memory_space<semaphore_mem>>) src(%arg9 : memref<128x64xf32, #tpu.memory_space<vmem>>) dst(%dma_wait3A_295 : memref<10240x64xf32, #tpu.memory_space<vmem_shared>>)
      %dma_start3A_296 = arith.constant 10 : i32
      %dma_start3A_297 = arith.constant 0 : i32
      %dma_start3A_298 = tpu.memref_slice %arg7[%dma_start3A_296, %dma_start3A_297] : memref<16x128xi32, #tpu.memory_space<vmem>> -> memref<1x128xi32, #tpu.memory_space<vmem>>
      %dma_start3A_299 = tpu.memref_squeeze %dma_start3A_298 : memref<1x128xi32, #tpu.memory_space<vmem>> -> memref<128xi32, #tpu.memory_space<vmem>>
      %dma_start3A_300 = arith.constant 0 : i32
      %dma_start3A_301 = arith.constant 0 : i32
      %dma_start3A_302 = tpu.memref_slice %arg2[%dma_start3A_300, %dma_start3A_301] : memref<10000x64xf32, #tpu.memory_space<hbm>> -> memref<10000x64xf32, #tpu.memory_space<hbm>>
      tpu.enqueue_indirect_dma source(%dma_start3A_302 : memref<10000x64xf32, #tpu.memory_space<hbm>>) target(%arg9 : memref<128x64xf32, #tpu.memory_space<vmem>>) offsets(%dma_start3A_299 : memref<128xi32, #tpu.memory_space<vmem>>) semaphore(%arg12 : memref<!tpu.dma_semaphore, #tpu.memory_space<semaphore_mem>>)
      %dma_wait3A_303 = arith.constant 10 : i32
      %dma_wait3A_304 = arith.constant 0 : i32
      %dma_wait3A_305 = tpu.memref_slice %arg7[%dma_wait3A_303, %dma_wait3A_304] : memref<16x128xi32, #tpu.memory_space<vmem>> -> memref<1x128xi32, #tpu.memory_space<vmem>>
      %dma_wait3A_306 = tpu.memref_squeeze %dma_wait3A_305 : memref<1x128xi32, #tpu.memory_space<vmem>> -> memref<128xi32, #tpu.memory_space<vmem>>
      %dma_wait3A_307 = arith.constant 0 : i32
      %dma_wait3A_308 = arith.constant 0 : i32
      %dma_wait3A_309 = tpu.memref_slice %arg2[%dma_wait3A_307, %dma_wait3A_308] : memref<10000x64xf32, #tpu.memory_space<hbm>> -> memref<10000x64xf32, #tpu.memory_space<hbm>>
      tpu.wait_indirect_dma semaphore(%arg12 : memref<!tpu.dma_semaphore, #tpu.memory_space<semaphore_mem>>) src(%dma_wait3A_309 : memref<10000x64xf32, #tpu.memory_space<hbm>>) dst(%arg9 : memref<128x64xf32, #tpu.memory_space<vmem>>)
      %dma_start3A_310 = arith.constant 10 : i32
      %dma_start3A_311 = arith.constant 0 : i32
      %dma_start3A_312 = tpu.memref_slice %arg8[%dma_start3A_310, %dma_start3A_311] : memref<16x128xi32, #tpu.memory_space<vmem>> -> memref<1x128xi32, #tpu.memory_space<vmem>>
      %dma_start3A_313 = tpu.memref_squeeze %dma_start3A_312 : memref<1x128xi32, #tpu.memory_space<vmem>> -> memref<128xi32, #tpu.memory_space<vmem>>
      %dma_start3A_314 = arith.constant 0 : i32
      %dma_start3A_315 = arith.constant 0 : i32
      %dma_start3A_316 = tpu.memref_slice %arg11[%dma_start3A_314, %dma_start3A_315] : memref<10240x64xf32, #tpu.memory_space<vmem_shared>> -> memref<10240x64xf32, #tpu.memory_space<vmem_shared>>
      tpu.enqueue_indirect_dma source(%arg9 : memref<128x64xf32, #tpu.memory_space<vmem>>) target(%dma_start3A_316 : memref<10240x64xf32, #tpu.memory_space<vmem_shared>>) offsets(%dma_start3A_313 : memref<128xi32, #tpu.memory_space<vmem>>) semaphore(%arg13 : memref<!tpu.dma_semaphore, #tpu.memory_space<semaphore_mem>>) {add = true}
      %dma_wait3A_317 = arith.constant 9 : i32
      %dma_wait3A_318 = arith.constant 0 : i32
      %dma_wait3A_319 = tpu.memref_slice %arg8[%dma_wait3A_317, %dma_wait3A_318] : memref<16x128xi32, #tpu.memory_space<vmem>> -> memref<1x128xi32, #tpu.memory_space<vmem>>
      %dma_wait3A_320 = tpu.memref_squeeze %dma_wait3A_319 : memref<1x128xi32, #tpu.memory_space<vmem>> -> memref<128xi32, #tpu.memory_space<vmem>>
      %dma_wait3A_321 = arith.constant 0 : i32
      %dma_wait3A_322 = arith.constant 0 : i32
      %dma_wait3A_323 = tpu.memref_slice %arg11[%dma_wait3A_321, %dma_wait3A_322] : memref<10240x64xf32, #tpu.memory_space<vmem_shared>> -> memref<10240x64xf32, #tpu.memory_space<vmem_shared>>
      tpu.wait_indirect_dma semaphore(%arg13 : memref<!tpu.dma_semaphore, #tpu.memory_space<semaphore_mem>>) src(%arg10 : memref<128x64xf32, #tpu.memory_space<vmem>>) dst(%dma_wait3A_323 : memref<10240x64xf32, #tpu.memory_space<vmem_shared>>)
      %dma_start3A_324 = arith.constant 11 : i32
      %dma_start3A_325 = arith.constant 0 : i32
      %dma_start3A_326 = tpu.memref_slice %arg7[%dma_start3A_324, %dma_start3A_325] : memref<16x128xi32, #tpu.memory_space<vmem>> -> memref<1x128xi32, #tpu.memory_space<vmem>>
      %dma_start3A_327 = tpu.memref_squeeze %dma_start3A_326 : memref<1x128xi32, #tpu.memory_space<vmem>> -> memref<128xi32, #tpu.memory_space<vmem>>
      %dma_start3A_328 = arith.constant 0 : i32
      %dma_start3A_329 = arith.constant 0 : i32
      %dma_start3A_330 = tpu.memref_slice %arg2[%dma_start3A_328, %dma_start3A_329] : memref<10000x64xf32, #tpu.memory_space<hbm>> -> memref<10000x64xf32, #tpu.memory_space<hbm>>
      tpu.enqueue_indirect_dma source(%dma_start3A_330 : memref<10000x64xf32, #tpu.memory_space<hbm>>) target(%arg10 : memref<128x64xf32, #tpu.memory_space<vmem>>) offsets(%dma_start3A_327 : memref<128xi32, #tpu.memory_space<vmem>>) semaphore(%arg12 : memref<!tpu.dma_semaphore, #tpu.memory_space<semaphore_mem>>)
      %dma_wait3A_331 = arith.constant 11 : i32
      %dma_wait3A_332 = arith.constant 0 : i32
      %dma_wait3A_333 = tpu.memref_slice %arg7[%dma_wait3A_331, %dma_wait3A_332] : memref<16x128xi32, #tpu.memory_space<vmem>> -> memref<1x128xi32, #tpu.memory_space<vmem>>
      %dma_wait3A_334 = tpu.memref_squeeze %dma_wait3A_333 : memref<1x128xi32, #tpu.memory_space<vmem>> -> memref<128xi32, #tpu.memory_space<vmem>>
      %dma_wait3A_335 = arith.constant 0 : i32
      %dma_wait3A_336 = arith.constant 0 : i32
      %dma_wait3A_337 = tpu.memref_slice %arg2[%dma_wait3A_335, %dma_wait3A_336] : memref<10000x64xf32, #tpu.memory_space<hbm>> -> memref<10000x64xf32, #tpu.memory_space<hbm>>
      tpu.wait_indirect_dma semaphore(%arg12 : memref<!tpu.dma_semaphore, #tpu.memory_space<semaphore_mem>>) src(%dma_wait3A_337 : memref<10000x64xf32, #tpu.memory_space<hbm>>) dst(%arg10 : memref<128x64xf32, #tpu.memory_space<vmem>>)
      %dma_start3A_338 = arith.constant 11 : i32
      %dma_start3A_339 = arith.constant 0 : i32
      %dma_start3A_340 = tpu.memref_slice %arg8[%dma_start3A_338, %dma_start3A_339] : memref<16x128xi32, #tpu.memory_space<vmem>> -> memref<1x128xi32, #tpu.memory_space<vmem>>
      %dma_start3A_341 = tpu.memref_squeeze %dma_start3A_340 : memref<1x128xi32, #tpu.memory_space<vmem>> -> memref<128xi32, #tpu.memory_space<vmem>>
      %dma_start3A_342 = arith.constant 0 : i32
      %dma_start3A_343 = arith.constant 0 : i32
      %dma_start3A_344 = tpu.memref_slice %arg11[%dma_start3A_342, %dma_start3A_343] : memref<10240x64xf32, #tpu.memory_space<vmem_shared>> -> memref<10240x64xf32, #tpu.memory_space<vmem_shared>>
      tpu.enqueue_indirect_dma source(%arg10 : memref<128x64xf32, #tpu.memory_space<vmem>>) target(%dma_start3A_344 : memref<10240x64xf32, #tpu.memory_space<vmem_shared>>) offsets(%dma_start3A_341 : memref<128xi32, #tpu.memory_space<vmem>>) semaphore(%arg13 : memref<!tpu.dma_semaphore, #tpu.memory_space<semaphore_mem>>) {add = true}
      %dma_wait3A_345 = arith.constant 10 : i32
      %dma_wait3A_346 = arith.constant 0 : i32
      %dma_wait3A_347 = tpu.memref_slice %arg8[%dma_wait3A_345, %dma_wait3A_346] : memref<16x128xi32, #tpu.memory_space<vmem>> -> memref<1x128xi32, #tpu.memory_space<vmem>>
      %dma_wait3A_348 = tpu.memref_squeeze %dma_wait3A_347 : memref<1x128xi32, #tpu.memory_space<vmem>> -> memref<128xi32, #tpu.memory_space<vmem>>
      %dma_wait3A_349 = arith.constant 0 : i32
      %dma_wait3A_350 = arith.constant 0 : i32
      %dma_wait3A_351 = tpu.memref_slice %arg11[%dma_wait3A_349, %dma_wait3A_350] : memref<10240x64xf32, #tpu.memory_space<vmem_shared>> -> memref<10240x64xf32, #tpu.memory_space<vmem_shared>>
      tpu.wait_indirect_dma semaphore(%arg13 : memref<!tpu.dma_semaphore, #tpu.memory_space<semaphore_mem>>) src(%arg9 : memref<128x64xf32, #tpu.memory_space<vmem>>) dst(%dma_wait3A_351 : memref<10240x64xf32, #tpu.memory_space<vmem_shared>>)
      %dma_start3A_352 = arith.constant 12 : i32
      %dma_start3A_353 = arith.constant 0 : i32
      %dma_start3A_354 = tpu.memref_slice %arg7[%dma_start3A_352, %dma_start3A_353] : memref<16x128xi32, #tpu.memory_space<vmem>> -> memref<1x128xi32, #tpu.memory_space<vmem>>
      %dma_start3A_355 = tpu.memref_squeeze %dma_start3A_354 : memref<1x128xi32, #tpu.memory_space<vmem>> -> memref<128xi32, #tpu.memory_space<vmem>>
      %dma_start3A_356 = arith.constant 0 : i32
      %dma_start3A_357 = arith.constant 0 : i32
      %dma_start3A_358 = tpu.memref_slice %arg2[%dma_start3A_356, %dma_start3A_357] : memref<10000x64xf32, #tpu.memory_space<hbm>> -> memref<10000x64xf32, #tpu.memory_space<hbm>>
      tpu.enqueue_indirect_dma source(%dma_start3A_358 : memref<10000x64xf32, #tpu.memory_space<hbm>>) target(%arg9 : memref<128x64xf32, #tpu.memory_space<vmem>>) offsets(%dma_start3A_355 : memref<128xi32, #tpu.memory_space<vmem>>) semaphore(%arg12 : memref<!tpu.dma_semaphore, #tpu.memory_space<semaphore_mem>>)
      %dma_wait3A_359 = arith.constant 12 : i32
      %dma_wait3A_360 = arith.constant 0 : i32
      %dma_wait3A_361 = tpu.memref_slice %arg7[%dma_wait3A_359, %dma_wait3A_360] : memref<16x128xi32, #tpu.memory_space<vmem>> -> memref<1x128xi32, #tpu.memory_space<vmem>>
      %dma_wait3A_362 = tpu.memref_squeeze %dma_wait3A_361 : memref<1x128xi32, #tpu.memory_space<vmem>> -> memref<128xi32, #tpu.memory_space<vmem>>
      %dma_wait3A_363 = arith.constant 0 : i32
      %dma_wait3A_364 = arith.constant 0 : i32
      %dma_wait3A_365 = tpu.memref_slice %arg2[%dma_wait3A_363, %dma_wait3A_364] : memref<10000x64xf32, #tpu.memory_space<hbm>> -> memref<10000x64xf32, #tpu.memory_space<hbm>>
      tpu.wait_indirect_dma semaphore(%arg12 : memref<!tpu.dma_semaphore, #tpu.memory_space<semaphore_mem>>) src(%dma_wait3A_365 : memref<10000x64xf32, #tpu.memory_space<hbm>>) dst(%arg9 : memref<128x64xf32, #tpu.memory_space<vmem>>)
      %dma_start3A_366 = arith.constant 12 : i32
      %dma_start3A_367 = arith.constant 0 : i32
      %dma_start3A_368 = tpu.memref_slice %arg8[%dma_start3A_366, %dma_start3A_367] : memref<16x128xi32, #tpu.memory_space<vmem>> -> memref<1x128xi32, #tpu.memory_space<vmem>>
      %dma_start3A_369 = tpu.memref_squeeze %dma_start3A_368 : memref<1x128xi32, #tpu.memory_space<vmem>> -> memref<128xi32, #tpu.memory_space<vmem>>
      %dma_start3A_370 = arith.constant 0 : i32
      %dma_start3A_371 = arith.constant 0 : i32
      %dma_start3A_372 = tpu.memref_slice %arg11[%dma_start3A_370, %dma_start3A_371] : memref<10240x64xf32, #tpu.memory_space<vmem_shared>> -> memref<10240x64xf32, #tpu.memory_space<vmem_shared>>
      tpu.enqueue_indirect_dma source(%arg9 : memref<128x64xf32, #tpu.memory_space<vmem>>) target(%dma_start3A_372 : memref<10240x64xf32, #tpu.memory_space<vmem_shared>>) offsets(%dma_start3A_369 : memref<128xi32, #tpu.memory_space<vmem>>) semaphore(%arg13 : memref<!tpu.dma_semaphore, #tpu.memory_space<semaphore_mem>>) {add = true}
      %dma_wait3A_373 = arith.constant 11 : i32
      %dma_wait3A_374 = arith.constant 0 : i32
      %dma_wait3A_375 = tpu.memref_slice %arg8[%dma_wait3A_373, %dma_wait3A_374] : memref<16x128xi32, #tpu.memory_space<vmem>> -> memref<1x128xi32, #tpu.memory_space<vmem>>
      %dma_wait3A_376 = tpu.memref_squeeze %dma_wait3A_375 : memref<1x128xi32, #tpu.memory_space<vmem>> -> memref<128xi32, #tpu.memory_space<vmem>>
      %dma_wait3A_377 = arith.constant 0 : i32
      %dma_wait3A_378 = arith.constant 0 : i32
      %dma_wait3A_379 = tpu.memref_slice %arg11[%dma_wait3A_377, %dma_wait3A_378] : memref<10240x64xf32, #tpu.memory_space<vmem_shared>> -> memref<10240x64xf32, #tpu.memory_space<vmem_shared>>
      tpu.wait_indirect_dma semaphore(%arg13 : memref<!tpu.dma_semaphore, #tpu.memory_space<semaphore_mem>>) src(%arg10 : memref<128x64xf32, #tpu.memory_space<vmem>>) dst(%dma_wait3A_379 : memref<10240x64xf32, #tpu.memory_space<vmem_shared>>)
      %dma_start3A_380 = arith.constant 13 : i32
      %dma_start3A_381 = arith.constant 0 : i32
      %dma_start3A_382 = tpu.memref_slice %arg7[%dma_start3A_380, %dma_start3A_381] : memref<16x128xi32, #tpu.memory_space<vmem>> -> memref<1x128xi32, #tpu.memory_space<vmem>>
      %dma_start3A_383 = tpu.memref_squeeze %dma_start3A_382 : memref<1x128xi32, #tpu.memory_space<vmem>> -> memref<128xi32, #tpu.memory_space<vmem>>
      %dma_start3A_384 = arith.constant 0 : i32
      %dma_start3A_385 = arith.constant 0 : i32
      %dma_start3A_386 = tpu.memref_slice %arg2[%dma_start3A_384, %dma_start3A_385] : memref<10000x64xf32, #tpu.memory_space<hbm>> -> memref<10000x64xf32, #tpu.memory_space<hbm>>
      tpu.enqueue_indirect_dma source(%dma_start3A_386 : memref<10000x64xf32, #tpu.memory_space<hbm>>) target(%arg10 : memref<128x64xf32, #tpu.memory_space<vmem>>) offsets(%dma_start3A_383 : memref<128xi32, #tpu.memory_space<vmem>>) semaphore(%arg12 : memref<!tpu.dma_semaphore, #tpu.memory_space<semaphore_mem>>)
      %dma_wait3A_387 = arith.constant 13 : i32
      %dma_wait3A_388 = arith.constant 0 : i32
      %dma_wait3A_389 = tpu.memref_slice %arg7[%dma_wait3A_387, %dma_wait3A_388] : memref<16x128xi32, #tpu.memory_space<vmem>> -> memref<1x128xi32, #tpu.memory_space<vmem>>
      %dma_wait3A_390 = tpu.memref_squeeze %dma_wait3A_389 : memref<1x128xi32, #tpu.memory_space<vmem>> -> memref<128xi32, #tpu.memory_space<vmem>>
      %dma_wait3A_391 = arith.constant 0 : i32
      %dma_wait3A_392 = arith.constant 0 : i32
      %dma_wait3A_393 = tpu.memref_slice %arg2[%dma_wait3A_391, %dma_wait3A_392] : memref<10000x64xf32, #tpu.memory_space<hbm>> -> memref<10000x64xf32, #tpu.memory_space<hbm>>
      tpu.wait_indirect_dma semaphore(%arg12 : memref<!tpu.dma_semaphore, #tpu.memory_space<semaphore_mem>>) src(%dma_wait3A_393 : memref<10000x64xf32, #tpu.memory_space<hbm>>) dst(%arg10 : memref<128x64xf32, #tpu.memory_space<vmem>>)
      %dma_start3A_394 = arith.constant 13 : i32
      %dma_start3A_395 = arith.constant 0 : i32
      %dma_start3A_396 = tpu.memref_slice %arg8[%dma_start3A_394, %dma_start3A_395] : memref<16x128xi32, #tpu.memory_space<vmem>> -> memref<1x128xi32, #tpu.memory_space<vmem>>
      %dma_start3A_397 = tpu.memref_squeeze %dma_start3A_396 : memref<1x128xi32, #tpu.memory_space<vmem>> -> memref<128xi32, #tpu.memory_space<vmem>>
      %dma_start3A_398 = arith.constant 0 : i32
      %dma_start3A_399 = arith.constant 0 : i32
      %dma_start3A_400 = tpu.memref_slice %arg11[%dma_start3A_398, %dma_start3A_399] : memref<10240x64xf32, #tpu.memory_space<vmem_shared>> -> memref<10240x64xf32, #tpu.memory_space<vmem_shared>>
      tpu.enqueue_indirect_dma source(%arg10 : memref<128x64xf32, #tpu.memory_space<vmem>>) target(%dma_start3A_400 : memref<10240x64xf32, #tpu.memory_space<vmem_shared>>) offsets(%dma_start3A_397 : memref<128xi32, #tpu.memory_space<vmem>>) semaphore(%arg13 : memref<!tpu.dma_semaphore, #tpu.memory_space<semaphore_mem>>) {add = true}
      %dma_wait3A_401 = arith.constant 12 : i32
      %dma_wait3A_402 = arith.constant 0 : i32
      %dma_wait3A_403 = tpu.memref_slice %arg8[%dma_wait3A_401, %dma_wait3A_402] : memref<16x128xi32, #tpu.memory_space<vmem>> -> memref<1x128xi32, #tpu.memory_space<vmem>>
      %dma_wait3A_404 = tpu.memref_squeeze %dma_wait3A_403 : memref<1x128xi32, #tpu.memory_space<vmem>> -> memref<128xi32, #tpu.memory_space<vmem>>
      %dma_wait3A_405 = arith.constant 0 : i32
      %dma_wait3A_406 = arith.constant 0 : i32
      %dma_wait3A_407 = tpu.memref_slice %arg11[%dma_wait3A_405, %dma_wait3A_406] : memref<10240x64xf32, #tpu.memory_space<vmem_shared>> -> memref<10240x64xf32, #tpu.memory_space<vmem_shared>>
      tpu.wait_indirect_dma semaphore(%arg13 : memref<!tpu.dma_semaphore, #tpu.memory_space<semaphore_mem>>) src(%arg9 : memref<128x64xf32, #tpu.memory_space<vmem>>) dst(%dma_wait3A_407 : memref<10240x64xf32, #tpu.memory_space<vmem_shared>>)
      %dma_start3A_408 = arith.constant 14 : i32
      %dma_start3A_409 = arith.constant 0 : i32
      %dma_start3A_410 = tpu.memref_slice %arg7[%dma_start3A_408, %dma_start3A_409] : memref<16x128xi32, #tpu.memory_space<vmem>> -> memref<1x128xi32, #tpu.memory_space<vmem>>
      %dma_start3A_411 = tpu.memref_squeeze %dma_start3A_410 : memref<1x128xi32, #tpu.memory_space<vmem>> -> memref<128xi32, #tpu.memory_space<vmem>>
      %dma_start3A_412 = arith.constant 0 : i32
      %dma_start3A_413 = arith.constant 0 : i32
      %dma_start3A_414 = tpu.memref_slice %arg2[%dma_start3A_412, %dma_start3A_413] : memref<10000x64xf32, #tpu.memory_space<hbm>> -> memref<10000x64xf32, #tpu.memory_space<hbm>>
      tpu.enqueue_indirect_dma source(%dma_start3A_414 : memref<10000x64xf32, #tpu.memory_space<hbm>>) target(%arg9 : memref<128x64xf32, #tpu.memory_space<vmem>>) offsets(%dma_start3A_411 : memref<128xi32, #tpu.memory_space<vmem>>) semaphore(%arg12 : memref<!tpu.dma_semaphore, #tpu.memory_space<semaphore_mem>>)
      %dma_wait3A_415 = arith.constant 14 : i32
      %dma_wait3A_416 = arith.constant 0 : i32
      %dma_wait3A_417 = tpu.memref_slice %arg7[%dma_wait3A_415, %dma_wait3A_416] : memref<16x128xi32, #tpu.memory_space<vmem>> -> memref<1x128xi32, #tpu.memory_space<vmem>>
      %dma_wait3A_418 = tpu.memref_squeeze %dma_wait3A_417 : memref<1x128xi32, #tpu.memory_space<vmem>> -> memref<128xi32, #tpu.memory_space<vmem>>
      %dma_wait3A_419 = arith.constant 0 : i32
      %dma_wait3A_420 = arith.constant 0 : i32
      %dma_wait3A_421 = tpu.memref_slice %arg2[%dma_wait3A_419, %dma_wait3A_420] : memref<10000x64xf32, #tpu.memory_space<hbm>> -> memref<10000x64xf32, #tpu.memory_space<hbm>>
      tpu.wait_indirect_dma semaphore(%arg12 : memref<!tpu.dma_semaphore, #tpu.memory_space<semaphore_mem>>) src(%dma_wait3A_421 : memref<10000x64xf32, #tpu.memory_space<hbm>>) dst(%arg9 : memref<128x64xf32, #tpu.memory_space<vmem>>)
      %dma_start3A_422 = arith.constant 14 : i32
      %dma_start3A_423 = arith.constant 0 : i32
      %dma_start3A_424 = tpu.memref_slice %arg8[%dma_start3A_422, %dma_start3A_423] : memref<16x128xi32, #tpu.memory_space<vmem>> -> memref<1x128xi32, #tpu.memory_space<vmem>>
      %dma_start3A_425 = tpu.memref_squeeze %dma_start3A_424 : memref<1x128xi32, #tpu.memory_space<vmem>> -> memref<128xi32, #tpu.memory_space<vmem>>
      %dma_start3A_426 = arith.constant 0 : i32
      %dma_start3A_427 = arith.constant 0 : i32
      %dma_start3A_428 = tpu.memref_slice %arg11[%dma_start3A_426, %dma_start3A_427] : memref<10240x64xf32, #tpu.memory_space<vmem_shared>> -> memref<10240x64xf32, #tpu.memory_space<vmem_shared>>
      tpu.enqueue_indirect_dma source(%arg9 : memref<128x64xf32, #tpu.memory_space<vmem>>) target(%dma_start3A_428 : memref<10240x64xf32, #tpu.memory_space<vmem_shared>>) offsets(%dma_start3A_425 : memref<128xi32, #tpu.memory_space<vmem>>) semaphore(%arg13 : memref<!tpu.dma_semaphore, #tpu.memory_space<semaphore_mem>>) {add = true}
      %dma_wait3A_429 = arith.constant 13 : i32
      %dma_wait3A_430 = arith.constant 0 : i32
      %dma_wait3A_431 = tpu.memref_slice %arg8[%dma_wait3A_429, %dma_wait3A_430] : memref<16x128xi32, #tpu.memory_space<vmem>> -> memref<1x128xi32, #tpu.memory_space<vmem>>
      %dma_wait3A_432 = tpu.memref_squeeze %dma_wait3A_431 : memref<1x128xi32, #tpu.memory_space<vmem>> -> memref<128xi32, #tpu.memory_space<vmem>>
      %dma_wait3A_433 = arith.constant 0 : i32
      %dma_wait3A_434 = arith.constant 0 : i32
      %dma_wait3A_435 = tpu.memref_slice %arg11[%dma_wait3A_433, %dma_wait3A_434] : memref<10240x64xf32, #tpu.memory_space<vmem_shared>> -> memref<10240x64xf32, #tpu.memory_space<vmem_shared>>
      tpu.wait_indirect_dma semaphore(%arg13 : memref<!tpu.dma_semaphore, #tpu.memory_space<semaphore_mem>>) src(%arg10 : memref<128x64xf32, #tpu.memory_space<vmem>>) dst(%dma_wait3A_435 : memref<10240x64xf32, #tpu.memory_space<vmem_shared>>)
      %dma_start3A_436 = arith.constant 15 : i32
      %dma_start3A_437 = arith.constant 0 : i32
      %dma_start3A_438 = tpu.memref_slice %arg7[%dma_start3A_436, %dma_start3A_437] : memref<16x128xi32, #tpu.memory_space<vmem>> -> memref<1x128xi32, #tpu.memory_space<vmem>>
      %dma_start3A_439 = tpu.memref_squeeze %dma_start3A_438 : memref<1x128xi32, #tpu.memory_space<vmem>> -> memref<128xi32, #tpu.memory_space<vmem>>
      %dma_start3A_440 = arith.constant 0 : i32
      %dma_start3A_441 = arith.constant 0 : i32
      %dma_start3A_442 = tpu.memref_slice %arg2[%dma_start3A_440, %dma_start3A_441] : memref<10000x64xf32, #tpu.memory_space<hbm>> -> memref<10000x64xf32, #tpu.memory_space<hbm>>
      tpu.enqueue_indirect_dma source(%dma_start3A_442 : memref<10000x64xf32, #tpu.memory_space<hbm>>) target(%arg10 : memref<128x64xf32, #tpu.memory_space<vmem>>) offsets(%dma_start3A_439 : memref<128xi32, #tpu.memory_space<vmem>>) semaphore(%arg12 : memref<!tpu.dma_semaphore, #tpu.memory_space<semaphore_mem>>)
      %dma_wait3A_443 = arith.constant 15 : i32
      %dma_wait3A_444 = arith.constant 0 : i32
      %dma_wait3A_445 = tpu.memref_slice %arg7[%dma_wait3A_443, %dma_wait3A_444] : memref<16x128xi32, #tpu.memory_space<vmem>> -> memref<1x128xi32, #tpu.memory_space<vmem>>
      %dma_wait3A_446 = tpu.memref_squeeze %dma_wait3A_445 : memref<1x128xi32, #tpu.memory_space<vmem>> -> memref<128xi32, #tpu.memory_space<vmem>>
      %dma_wait3A_447 = arith.constant 0 : i32
      %dma_wait3A_448 = arith.constant 0 : i32
      %dma_wait3A_449 = tpu.memref_slice %arg2[%dma_wait3A_447, %dma_wait3A_448] : memref<10000x64xf32, #tpu.memory_space<hbm>> -> memref<10000x64xf32, #tpu.memory_space<hbm>>
      tpu.wait_indirect_dma semaphore(%arg12 : memref<!tpu.dma_semaphore, #tpu.memory_space<semaphore_mem>>) src(%dma_wait3A_449 : memref<10000x64xf32, #tpu.memory_space<hbm>>) dst(%arg10 : memref<128x64xf32, #tpu.memory_space<vmem>>)
      %dma_start3A_450 = arith.constant 15 : i32
      %dma_start3A_451 = arith.constant 0 : i32
      %dma_start3A_452 = tpu.memref_slice %arg8[%dma_start3A_450, %dma_start3A_451] : memref<16x128xi32, #tpu.memory_space<vmem>> -> memref<1x128xi32, #tpu.memory_space<vmem>>
      %dma_start3A_453 = tpu.memref_squeeze %dma_start3A_452 : memref<1x128xi32, #tpu.memory_space<vmem>> -> memref<128xi32, #tpu.memory_space<vmem>>
      %dma_start3A_454 = arith.constant 0 : i32
      %dma_start3A_455 = arith.constant 0 : i32
      %dma_start3A_456 = tpu.memref_slice %arg11[%dma_start3A_454, %dma_start3A_455] : memref<10240x64xf32, #tpu.memory_space<vmem_shared>> -> memref<10240x64xf32, #tpu.memory_space<vmem_shared>>
      tpu.enqueue_indirect_dma source(%arg10 : memref<128x64xf32, #tpu.memory_space<vmem>>) target(%dma_start3A_456 : memref<10240x64xf32, #tpu.memory_space<vmem_shared>>) offsets(%dma_start3A_453 : memref<128xi32, #tpu.memory_space<vmem>>) semaphore(%arg13 : memref<!tpu.dma_semaphore, #tpu.memory_space<semaphore_mem>>) {add = true}
      %dma_wait3A_457 = arith.constant 14 : i32
      %dma_wait3A_458 = arith.constant 0 : i32
      %dma_wait3A_459 = tpu.memref_slice %arg8[%dma_wait3A_457, %dma_wait3A_458] : memref<16x128xi32, #tpu.memory_space<vmem>> -> memref<1x128xi32, #tpu.memory_space<vmem>>
      %dma_wait3A_460 = tpu.memref_squeeze %dma_wait3A_459 : memref<1x128xi32, #tpu.memory_space<vmem>> -> memref<128xi32, #tpu.memory_space<vmem>>
      %dma_wait3A_461 = arith.constant 0 : i32
      %dma_wait3A_462 = arith.constant 0 : i32
      %dma_wait3A_463 = tpu.memref_slice %arg11[%dma_wait3A_461, %dma_wait3A_462] : memref<10240x64xf32, #tpu.memory_space<vmem_shared>> -> memref<10240x64xf32, #tpu.memory_space<vmem_shared>>
      tpu.wait_indirect_dma semaphore(%arg13 : memref<!tpu.dma_semaphore, #tpu.memory_space<semaphore_mem>>) src(%arg9 : memref<128x64xf32, #tpu.memory_space<vmem>>) dst(%dma_wait3A_463 : memref<10240x64xf32, #tpu.memory_space<vmem_shared>>)
      %dma_wait3A_464 = arith.constant 15 : i32
      %dma_wait3A_465 = arith.constant 0 : i32
      %dma_wait3A_466 = tpu.memref_slice %arg8[%dma_wait3A_464, %dma_wait3A_465] : memref<16x128xi32, #tpu.memory_space<vmem>> -> memref<1x128xi32, #tpu.memory_space<vmem>>
      %dma_wait3A_467 = tpu.memref_squeeze %dma_wait3A_466 : memref<1x128xi32, #tpu.memory_space<vmem>> -> memref<128xi32, #tpu.memory_space<vmem>>
      %dma_wait3A_468 = arith.constant 0 : i32
      %dma_wait3A_469 = arith.constant 0 : i32
      %dma_wait3A_470 = tpu.memref_slice %arg11[%dma_wait3A_468, %dma_wait3A_469] : memref<10240x64xf32, #tpu.memory_space<vmem_shared>> -> memref<10240x64xf32, #tpu.memory_space<vmem_shared>>
      tpu.wait_indirect_dma semaphore(%arg13 : memref<!tpu.dma_semaphore, #tpu.memory_space<semaphore_mem>>) src(%arg10 : memref<128x64xf32, #tpu.memory_space<vmem>>) dst(%dma_wait3A_470 : memref<10240x64xf32, #tpu.memory_space<vmem_shared>>)
    }
    %scan3A_11 = arith.constant 5 : i32
    %barrier3A_12 = arith.constant 0 : index
    tpu.barrier barrier_id(%barrier3A_12)
    %scan3A_13 = arith.constant 0 : i32
    %scan3A_14 = arith.constant 0 : i32
    %scan3A_15 = arith.constant 5 : i32
    %scan3A_16 = arith.addi %scan3A_14, %scan3A_15 : i32
    %scan3A_17 = arith.constant 1 : i32
    scf.for %scan3A_19 = %scan3A_14 to %scan3A_16 step %scan3A_17  : i32 {
      %mul3A_20 = arith.constant 640 : i32
      %mul3A_21 = arith.muli %arg1, %mul3A_20 : i32
      %mul3A_22 = arith.constant 128 : i32
      %mul3A_23 = arith.muli %scan3A_19, %mul3A_22 : i32
      %add3A_24 = arith.addi %mul3A_21, %mul3A_23 : i32
      "tpu.region"() ({
        %run_scoped3A = tpu.sem_alloc : memref<!tpu.dma_semaphore, #tpu.memory_space<semaphore_mem>>
        %dma_start3A = arith.constant 0 : i32
        %dma_start3A_28 = tpu.memref_slice %arg11[%add3A_24, %dma_start3A] : memref<10240x64xf32, #tpu.memory_space<vmem_shared>> -> memref<128x64xf32, #tpu.memory_space<vmem_shared>>
        %dma_start3A_29 = arith.constant 0 : i32
        %dma_start3A_30 = tpu.memref_slice %arg11[%add3A_24, %dma_start3A_29] : memref<10240x64xf32, #tpu.memory_space<vmem_shared>> -> memref<128x64xf32, #tpu.memory_space<vmem_shared>>
        tpu.enqueue_dma source(%dma_start3A_30 : memref<128x64xf32, #tpu.memory_space<vmem_shared>>) target(%arg9 : memref<128x64xf32, #tpu.memory_space<vmem>>) target_semaphore(%run_scoped3A : memref<!tpu.dma_semaphore, #tpu.memory_space<semaphore_mem>>)
        %dma_wait3A = arith.constant 0 : i32
        %dma_wait3A_31 = tpu.memref_slice %arg11[%add3A_24, %dma_wait3A] : memref<10240x64xf32, #tpu.memory_space<vmem_shared>> -> memref<128x64xf32, #tpu.memory_space<vmem_shared>>
        %dma_wait3A_32 = arith.constant 0 : i32
        %dma_wait3A_33 = tpu.memref_slice %arg11[%add3A_24, %dma_wait3A_32] : memref<10240x64xf32, #tpu.memory_space<vmem_shared>> -> memref<128x64xf32, #tpu.memory_space<vmem_shared>>
        tpu.wait_dma2 semaphore(%run_scoped3A : memref<!tpu.dma_semaphore, #tpu.memory_space<semaphore_mem>>) src(%dma_wait3A_33 : memref<128x64xf32, #tpu.memory_space<vmem_shared>>) dst(%arg9 : memref<128x64xf32, #tpu.memory_space<vmem>>)
        tpu.yield
      }) : () -> ()
      %mul3A_25 = arith.constant 10240 : i32
      %mul3A_26 = arith.muli %arg0, %mul3A_25 : i32
      %add3A_27 = arith.addi %mul3A_26, %add3A_24 : i32
      "tpu.region"() ({
        %run_scoped3A = tpu.sem_alloc : memref<!tpu.dma_semaphore, #tpu.memory_space<semaphore_mem>>
        %dma_start3A = arith.constant 0 : i32
        %dma_start3A_28 = tpu.memref_slice %arg6[%add3A_27, %dma_start3A] : memref<20480x64xf32, #tpu.memory_space<hbm>> -> memref<128x64xf32, #tpu.memory_space<hbm>>
        %dma_start3A_29 = arith.constant 0 : i32
        %dma_start3A_30 = tpu.memref_slice %arg6[%add3A_27, %dma_start3A_29] : memref<20480x64xf32, #tpu.memory_space<hbm>> -> memref<128x64xf32, #tpu.memory_space<hbm>>
        tpu.enqueue_dma source(%arg9 : memref<128x64xf32, #tpu.memory_space<vmem>>) target(%dma_start3A_30 : memref<128x64xf32, #tpu.memory_space<hbm>>) target_semaphore(%run_scoped3A : memref<!tpu.dma_semaphore, #tpu.memory_space<semaphore_mem>>)
        %dma_wait3A = arith.constant 0 : i32
        %dma_wait3A_31 = tpu.memref_slice %arg6[%add3A_27, %dma_wait3A] : memref<20480x64xf32, #tpu.memory_space<hbm>> -> memref<128x64xf32, #tpu.memory_space<hbm>>
        %dma_wait3A_32 = arith.constant 0 : i32
        %dma_wait3A_33 = tpu.memref_slice %arg6[%add3A_27, %dma_wait3A_32] : memref<20480x64xf32, #tpu.memory_space<hbm>> -> memref<128x64xf32, #tpu.memory_space<hbm>>
        tpu.wait_dma2 semaphore(%run_scoped3A : memref<!tpu.dma_semaphore, #tpu.memory_space<semaphore_mem>>) src(%arg9 : memref<128x64xf32, #tpu.memory_space<vmem>>) dst(%dma_wait3A_33 : memref<128x64xf32, #tpu.memory_space<hbm>>)
        tpu.yield
      }) : () -> ()
    }
    %scan3A_18 = arith.constant 5 : i32
    return
  }
}

module attributes {stable_mosaic.version = 14 : i64} {
  func.func @_tc1_body(%arg0: i32, %arg1: memref<2000x128xf32, #tpu.memory_space<vmem>>, %arg2: memref<2x2000x128xf32, #tpu.memory_space<vmem>>, %arg3: memref<2x2000x64xf32, #tpu.memory_space<vmem>>, %arg4: memref<128x128xf32, #tpu.memory_space<vmem>>, %arg5: memref<1x128xf32, #tpu.memory_space<vmem>>, %arg6: memref<128x64xf32, #tpu.memory_space<vmem>>, %arg7: memref<2000x64xf32, #tpu.memory_space<vmem>>) attributes {dimension_semantics = [#tpu.dimension_semantics<arbitrary>], iteration_bounds = array<i64: 5>, scalar_prefetch = 0 : i64, scratch_operands = 0 : i64, tpu.core_type = #tpu.core_type<tc>, window_params = [{transform_indices = @transform_0, window_bounds = array<i64: 2000, 128>}, {transform_indices = @transform_1, window_bounds = array<i64: 2, 2000, 128>}, {transform_indices = @transform_2, window_bounds = array<i64: 2, 2000, 64>}, {pipeline_mode = #tpu.pipeline_mode<synchronous>, transform_indices = @transform_3, window_bounds = array<i64: 128, 128>}, {pipeline_mode = #tpu.pipeline_mode<synchronous>, transform_indices = @transform_4, window_bounds = array<i64: 1, 128>}, {pipeline_mode = #tpu.pipeline_mode<synchronous>, transform_indices = @transform_5, window_bounds = array<i64: 128, 64>}, {transform_indices = @transform_6, window_bounds = array<i64: 2000, 64>}]} {
    %get3A = arith.constant 0 : index
    %get3A_0 = arith.constant 0 : index
    %get3A_1 = arith.constant 0 : index
    %get3A_2 = vector.load %arg2[%get3A, %get3A_0, %get3A_1] : memref<2x2000x128xf32, #tpu.memory_space<vmem>>, vector<1x2000x128xf32>
    %get3A_3 = vector.shape_cast %get3A_2 : vector<1x2000x128xf32> to vector<2000x128xf32>
    %get3A_4 = arith.constant 1 : index
    %get3A_5 = arith.constant 0 : index
    %get3A_6 = arith.constant 0 : index
    %get3A_7 = vector.load %arg2[%get3A_4, %get3A_5, %get3A_6] : memref<2x2000x128xf32, #tpu.memory_space<vmem>>, vector<1x2000x128xf32>
    %get3A_8 = vector.shape_cast %get3A_7 : vector<1x2000x128xf32> to vector<2000x128xf32>
    %add3A = arith.addf %get3A_3, %get3A_8 : vector<2000x128xf32>
    %get3A_9 = arith.constant 0 : index
    %get3A_10 = arith.constant 0 : index
    %get3A_11 = vector.load %arg1[%get3A_9, %get3A_10] : memref<2000x128xf32, #tpu.memory_space<vmem>>, vector<2000x128xf32>
    %add3A_12 = arith.addf %add3A, %get3A_11 : vector<2000x128xf32>
    %get3A_13 = arith.constant 0 : index
    %get3A_14 = arith.constant 0 : index
    %get3A_15 = arith.constant 0 : index
    %get3A_16 = vector.load %arg3[%get3A_13, %get3A_14, %get3A_15] : memref<2x2000x64xf32, #tpu.memory_space<vmem>>, vector<1x2000x1xf32>
    %get3A_17 = vector.shape_cast %get3A_16 : vector<1x2000x1xf32> to vector<2000x1xf32>
    %get3A_18 = arith.constant 1 : index
    %get3A_19 = arith.constant 0 : index
    %get3A_20 = arith.constant 0 : index
    %get3A_21 = vector.load %arg3[%get3A_18, %get3A_19, %get3A_20] : memref<2x2000x64xf32, #tpu.memory_space<vmem>>, vector<1x2000x1xf32>
    %get3A_22 = vector.shape_cast %get3A_21 : vector<1x2000x1xf32> to vector<2000x1xf32>
    %add3A_23 = arith.addf %get3A_17, %get3A_22 : vector<2000x1xf32>
    %add3A_24 = arith.constant 1.000000e+00 : f32
    %add3A_25 = vector.broadcast %add3A_24 : f32 to vector<2000x1xf32>
    %add3A_26 = arith.addf %add3A_23, %add3A_25 : vector<2000x1xf32>
    %div3A = arith.constant 1.000000e+00 : f32
    %div3A_27 = vector.broadcast %div3A : f32 to vector<2000x1xf32>
    %div3A_28 = arith.divf %div3A_27, %add3A_26 : vector<2000x1xf32>
    %mul3A = vector.broadcast %div3A_28 : vector<2000x1xf32> to vector<2000x128xf32>
    %mul3A_29 = arith.mulf %add3A_12, %mul3A : vector<2000x128xf32>
    %get3A_30 = arith.constant 0 : index
    %get3A_31 = arith.constant 0 : index
    %get3A_32 = vector.load %arg4[%get3A_30, %get3A_31] : memref<128x128xf32, #tpu.memory_space<vmem>>, vector<128x128xf32>
    %dot_general3A = arith.constant dense<0.000000e+00> : vector<2000x128xf32>
    %dot_general3A_33 = tpu.matmul %mul3A_29, %get3A_32, %dot_general3A {dimension_numbers = #tpu.dot_dimension_numbers<[1], [0], [0], [1], [0, 0, 1, 1], [], []>, transpose_lhs_hint = false} : vector<2000x128xf32>, vector<128x128xf32>, vector<2000x128xf32> -> vector<2000x128xf32>
    %get3A_34 = arith.constant 0 : index
    %get3A_35 = arith.constant 0 : index
    %get3A_36 = vector.load %arg5[%get3A_34, %get3A_35] : memref<1x128xf32, #tpu.memory_space<vmem>>, vector<1x128xf32>
    %add3A_37 = vector.broadcast %get3A_36 : vector<1x128xf32> to vector<2000x128xf32>
    %add3A_38 = arith.addf %dot_general3A_33, %add3A_37 : vector<2000x128xf32>
    %ge3A = arith.constant 0.000000e+00 : f32
    %ge3A_39 = vector.broadcast %ge3A : f32 to vector<2000x128xf32>
    %ge3A_40 = arith.cmpf oge, %add3A_38, %ge3A_39 : vector<2000x128xf32>
    %mul3A_41 = arith.constant 0.00999999977 : f32
    %mul3A_42 = vector.broadcast %mul3A_41 : f32 to vector<2000x128xf32>
    %mul3A_43 = arith.mulf %mul3A_42, %add3A_38 : vector<2000x128xf32>
    %select_n3A = arith.select %ge3A_40, %add3A_38, %mul3A_43 : vector<2000x128xi1>, vector<2000x128xf32>
    %get3A_44 = arith.constant 0 : index
    %get3A_45 = arith.constant 0 : index
    %get3A_46 = vector.load %arg6[%get3A_44, %get3A_45] : memref<128x64xf32, #tpu.memory_space<vmem>>, vector<128x64xf32>
    %dot_general3A_47 = arith.constant dense<0.000000e+00> : vector<2000x64xf32>
    %dot_general3A_48 = tpu.matmul %select_n3A, %get3A_46, %dot_general3A_47 {dimension_numbers = #tpu.dot_dimension_numbers<[1], [0], [0], [1], [0, 0, 1, 1], [], []>, transpose_lhs_hint = false} : vector<2000x128xf32>, vector<128x64xf32>, vector<2000x64xf32> -> vector<2000x64xf32>
    %swap3A = arith.constant 0 : index
    %swap3A_49 = arith.constant 0 : index
    %swap3A_50 = vector.load %arg7[%swap3A, %swap3A_49] : memref<2000x64xf32, #tpu.memory_space<vmem>>, vector<2000x64xf32>
    tpu.vector_store %arg7[%swap3A, %swap3A_49], %dot_general3A_48 {strides = array<i32>} : memref<2000x64xf32, #tpu.memory_space<vmem>>, vector<2000x64xf32>,
    return
  }
  func.func @transform_0(%arg0: i32) -> (i32, i32) {
    %c0_i32 = arith.constant 0 : i32
    %c0_i32_0 = arith.constant 0 : i32
    return %arg0, %c0_i32 : i32, i32
  }
  func.func @transform_1(%arg0: i32) -> (i32, i32, i32) {
    %c0_i32 = arith.constant 0 : i32
    %c0_i32_0 = arith.constant 0 : i32
    %c0_i32_1 = arith.constant 0 : i32
    return %c0_i32, %arg0, %c0_i32_0 : i32, i32, i32
  }
  func.func @transform_2(%arg0: i32) -> (i32, i32, i32) {
    %c0_i32 = arith.constant 0 : i32
    %c0_i32_0 = arith.constant 0 : i32
    %c0_i32_1 = arith.constant 0 : i32
    return %c0_i32, %arg0, %c0_i32_0 : i32, i32, i32
  }
  func.func @transform_3(%arg0: i32) -> (i32, i32) {
    %c0_i32 = arith.constant 0 : i32
    %c0_i32_0 = arith.constant 0 : i32
    %c0_i32_1 = arith.constant 0 : i32
    return %c0_i32, %c0_i32_0 : i32, i32
  }
  func.func @transform_4(%arg0: i32) -> (i32, i32) {
    %c0_i32 = arith.constant 0 : i32
    %c0_i32_0 = arith.constant 0 : i32
    %c0_i32_1 = arith.constant 0 : i32
    return %c0_i32, %c0_i32_0 : i32, i32
  }
  func.func @transform_5(%arg0: i32) -> (i32, i32) {
    %c0_i32 = arith.constant 0 : i32
    %c0_i32_0 = arith.constant 0 : i32
    %c0_i32_1 = arith.constant 0 : i32
    return %c0_i32, %c0_i32_0 : i32, i32
  }
  func.func @transform_6(%arg0: i32) -> (i32, i32) {
    %c0_i32 = arith.constant 0 : i32
    %c0_i32_0 = arith.constant 0 : i32
    return %arg0, %c0_i32 : i32, i32
  }
}

module attributes {stable_mosaic.version = 14 : i64} {
  func.func @_tc2_body(%arg0: i32, %arg1: memref<2000x64xf32, #tpu.memory_space<vmem>>, %arg2: memref<2x2000x64xf32, #tpu.memory_space<vmem>>, %arg3: memref<2x2000x64xf32, #tpu.memory_space<vmem>>, %arg4: memref<1x64xf32, #tpu.memory_space<vmem>>, %arg5: memref<2000x64xf32, #tpu.memory_space<vmem>>) attributes {dimension_semantics = [#tpu.dimension_semantics<arbitrary>], iteration_bounds = array<i64: 5>, scalar_prefetch = 0 : i64, scratch_operands = 0 : i64, tpu.core_type = #tpu.core_type<tc>, window_params = [{transform_indices = @transform_0, window_bounds = array<i64: 2000, 64>}, {transform_indices = @transform_1, window_bounds = array<i64: 2, 2000, 64>}, {transform_indices = @transform_2, window_bounds = array<i64: 2, 2000, 64>}, {pipeline_mode = #tpu.pipeline_mode<synchronous>, transform_indices = @transform_3, window_bounds = array<i64: 1, 64>}, {transform_indices = @transform_4, window_bounds = array<i64: 2000, 64>}]} {
    %get3A = arith.constant 0 : index
    %get3A_0 = arith.constant 0 : index
    %get3A_1 = arith.constant 0 : index
    %get3A_2 = vector.load %arg2[%get3A, %get3A_0, %get3A_1] : memref<2x2000x64xf32, #tpu.memory_space<vmem>>, vector<1x2000x64xf32>
    %get3A_3 = vector.shape_cast %get3A_2 : vector<1x2000x64xf32> to vector<2000x64xf32>
    %get3A_4 = arith.constant 1 : index
    %get3A_5 = arith.constant 0 : index
    %get3A_6 = arith.constant 0 : index
    %get3A_7 = vector.load %arg2[%get3A_4, %get3A_5, %get3A_6] : memref<2x2000x64xf32, #tpu.memory_space<vmem>>, vector<1x2000x64xf32>
    %get3A_8 = vector.shape_cast %get3A_7 : vector<1x2000x64xf32> to vector<2000x64xf32>
    %add3A = arith.addf %get3A_3, %get3A_8 : vector<2000x64xf32>
    %get3A_9 = arith.constant 0 : index
    %get3A_10 = arith.constant 0 : index
    %get3A_11 = vector.load %arg1[%get3A_9, %get3A_10] : memref<2000x64xf32, #tpu.memory_space<vmem>>, vector<2000x64xf32>
    %add3A_12 = arith.addf %add3A, %get3A_11 : vector<2000x64xf32>
    %get3A_13 = arith.constant 0 : index
    %get3A_14 = arith.constant 0 : index
    %get3A_15 = arith.constant 0 : index
    %get3A_16 = vector.load %arg3[%get3A_13, %get3A_14, %get3A_15] : memref<2x2000x64xf32, #tpu.memory_space<vmem>>, vector<1x2000x1xf32>
    %get3A_17 = vector.shape_cast %get3A_16 : vector<1x2000x1xf32> to vector<2000x1xf32>
    %get3A_18 = arith.constant 1 : index
    %get3A_19 = arith.constant 0 : index
    %get3A_20 = arith.constant 0 : index
    %get3A_21 = vector.load %arg3[%get3A_18, %get3A_19, %get3A_20] : memref<2x2000x64xf32, #tpu.memory_space<vmem>>, vector<1x2000x1xf32>
    %get3A_22 = vector.shape_cast %get3A_21 : vector<1x2000x1xf32> to vector<2000x1xf32>
    %add3A_23 = arith.addf %get3A_17, %get3A_22 : vector<2000x1xf32>
    %add3A_24 = arith.constant 1.000000e+00 : f32
    %add3A_25 = vector.broadcast %add3A_24 : f32 to vector<2000x1xf32>
    %add3A_26 = arith.addf %add3A_23, %add3A_25 : vector<2000x1xf32>
    %div3A = arith.constant 1.000000e+00 : f32
    %div3A_27 = vector.broadcast %div3A : f32 to vector<2000x1xf32>
    %div3A_28 = arith.divf %div3A_27, %add3A_26 : vector<2000x1xf32>
    %mul3A = vector.broadcast %div3A_28 : vector<2000x1xf32> to vector<2000x64xf32>
    %mul3A_29 = arith.mulf %add3A_12, %mul3A : vector<2000x64xf32>
    %get3A_30 = arith.constant 0 : index
    %get3A_31 = arith.constant 0 : index
    %get3A_32 = vector.load %arg4[%get3A_30, %get3A_31] : memref<1x64xf32, #tpu.memory_space<vmem>>, vector<1x64xf32>
    %add3A_33 = vector.broadcast %get3A_32 : vector<1x64xf32> to vector<2000x64xf32>
    %add3A_34 = arith.addf %mul3A_29, %add3A_33 : vector<2000x64xf32>
    %swap3A = arith.constant 0 : index
    %swap3A_35 = arith.constant 0 : index
    %swap3A_36 = vector.load %arg5[%swap3A, %swap3A_35] : memref<2000x64xf32, #tpu.memory_space<vmem>>, vector<2000x64xf32>
    tpu.vector_store %arg5[%swap3A, %swap3A_35], %add3A_34 {strides = array<i32>} : memref<2000x64xf32, #tpu.memory_space<vmem>>, vector<2000x64xf32>,
    return
  }
  func.func @transform_0(%arg0: i32) -> (i32, i32) {
    %c0_i32 = arith.constant 0 : i32
    %c0_i32_0 = arith.constant 0 : i32
    return %arg0, %c0_i32 : i32, i32
  }
  func.func @transform_1(%arg0: i32) -> (i32, i32, i32) {
    %c0_i32 = arith.constant 0 : i32
    %c0_i32_0 = arith.constant 0 : i32
    %c0_i32_1 = arith.constant 0 : i32
    return %c0_i32, %arg0, %c0_i32_0 : i32, i32, i32
  }
  func.func @transform_2(%arg0: i32) -> (i32, i32, i32) {
    %c0_i32 = arith.constant 0 : i32
    %c0_i32_0 = arith.constant 0 : i32
    %c0_i32_1 = arith.constant 0 : i32
    return %c0_i32, %arg0, %c0_i32_0 : i32, i32, i32
  }
  func.func @transform_3(%arg0: i32) -> (i32, i32) {
    %c0_i32 = arith.constant 0 : i32
    %c0_i32_0 = arith.constant 0 : i32
    %c0_i32_1 = arith.constant 0 : i32
    return %c0_i32, %c0_i32_0 : i32, i32
  }
  func.func @transform_4(%arg0: i32) -> (i32, i32) {
    %c0_i32 = arith.constant 0 : i32
    %c0_i32_0 = arith.constant 0 : i32
    return %arg0, %c0_i32 : i32, i32
  }
}

</mosaic_0001>

<sc_bundles>
// kernel: kernel.10.cloned.1.call-start
scs
__scs_entry_jumppad:
0x0: {  	(pc) =	sbr.rel $0x88, $3  }
0x1: {  	(tag) =	ssettag $0x0;
	lr =	simm.s32 $0x1  }
0x2: {  	[smem:$0x3F9B] =	sst lr;
	_ =	strace $0xD0000000  }
0x3: {  	_ = 	snop  }
0x4: {  	_ = 	snop  }
0x5: {  	_ = 	snop  }
0x6: {  	_ = 	snop  }
0x7: {  	_ = 	snop  }
__scs_overlays_trampoline_lowered:
0x8: {  	[smem:$0x3FAA] =	sst s0  }
0x9: {  	[smem:$0x3FAB] =	sst s1  }
0xa: {  	[smem:$0x3FAC] =	sst s2  }
0xb: {  	[smem:$0x3FAD] =	sst s3  }
0xc: {  	[smem:$0x3FAE] =	sst s4  }
0xd: {  	[smem:$0x3FAF] =	sst s5  }
0xe: {  	[smem:$0x3FB0] =	sst s6  }
0xf: {  	[smem:$0x3FB1] =	sst s7  }
0x10: {  	[smem:$0x3FB2] =	sst s8  }
0x11: {  	[smem:$0x3FB3] =	sst s9;
	s0 =	simm.s32 @!p0 $0x0  }
0x12: {  	s1 =	sld [smem:$0x3F99];
	s0 =	simm.s32 @p0 $0x1  }
0x13: {  	[smem:$0x3FB4] =	sst s0;
	s0 =	simm.s32 @!p1 $0x0  }
0x14: {  	s2 =	sld [smem:$0x3F98];
	s0 =	simm.s32 @p1 $0x1  }
0x15: {  	[smem:$0x3FB5] =	sst s0;
	s0 =	simm.s32 @!p2 $0x0  }
0x16: {  	s3 =	sld [smem:$0x3FDB];
	s0 =	simm.s32 @p2 $0x1  }
0x17: {  	s4 =	simm.s32 $0x1BF5;
	[smem:$0x3FB7] =	sst s0  }
0x18: {  	s0 =	sld [smem:$0x3F9A];
	_ =	swait.ge [sflag:s4], $0x0  }
0x19: {  	s7 =	sld [smem:$0x3F9B]  }
0x1a: {  	s8 =	sadd.s32 $0xFFFFE003, lr  }
0x1b: {  	s9 =	sadd.s32 $0xFFFFFEF7, lr;
	s5 =	simm.s32 $0xFFFFFFFF;
	p2 =	slt.u32 s8, $0xFFFFF086  }
0x1c: {  	p1 =	slt.u32 s9, $0xF7A;
	s5 =	simm.s32 @!p2 $0x0  }
0x1d: {  	s5 =	simm.s32 @p1 $0x1;
	p0 =	seq.s32 s7, s2  }
0x1e: {  	s7 =	smul.u32 @!p0 $0xF7A, s2;
	p2 =	seq.s32 @!p0 s5, $0x0  }
0x1f: {  	s9 =	smul.u32 $0xF7A, s1;
	s8 =	simm.s32 @!p0 $0x1BF5;
	p2 =	por !p2, p0  }
0x20: {  	[sflag:s8] =	ssyncset.s32 @!p0 $0xFFFFF086;
	s6 =	sadd.s32 @!p0 s3, s7;
	s7 =	simm.s32 @!p0 $0x108  }
0x21: {  	s3 =	sadd.s32 s3, s9;
	s6 =	sadd.s32 @!p0 $0x88, s6;
	s7 =	simm.s32 @p2 $0x1082  }
0x22: {  	[simem:s7], [sflag:s8] =	dma.local @!p0 [hbm:s6], $0xF7A  }
0x23: {  	s9 =	sor.u32 $0xD0000000, s2;
	s6 =	simm.s32 $0x108;
	_ =	swait.ge @!p0 [sflag:s8], $0x0  }
0x24: {  	s3 =	sadd.s32 $0x88, s3;
	s6 =	simm.s32 @!p1 $0x1082;
	[sflag:s4] =	ssyncset.s32 $0xFFFFF086  }
0x25: {  	[simem:s6], [sflag:s4] =	dma.local [hbm:s3], $0xF7A  }
0x26: {  	[smem:$0x3F9B] =	sst s1;
	(tag) =	ssettag s2;
	_ =	strace s9  }
0x27: {  	s1 =	sld [smem:$0x3FAB]  }
0x28: {  	s2 =	sld [smem:$0x3FAC]  }
0x29: {  	s4 =	sld [smem:$0x3FAE]  }
0x2a: {  	p0 =	seq.s32 s5, $0x0;
	s5 =	sld [smem:$0x3FAF]  }
0x2b: {  	s6 =	sld [smem:$0x3FB0]  }
0x2c: {  	s7 =	sld [smem:$0x3FB1]  }
0x2d: {  	s3 =	simm.s32 $0x108;
	s8 =	sld [smem:$0x3FB2]  }
0x2e: {  	s3 =	simm.s32 @!p0 $0x1082;
	s9 =	sld [smem:$0x3FB3]  }
0x2f: {  	lr =	sadd.s32 s0, s3;
	s0 =	sld [smem:$0x3FAA]  }
0x30: {  	s3 =	sld [smem:$0x3FAD]  }
0x31: {  	[smem:$0x3FB6] =	sst s10  }
0x32: {  	s10 =	sld [smem:$0x3FB4];
	_ =	sdelay $0x3  }
0x33: {  	p0 =	seq.s32 s10, $0x1;
	s10 =	sld [smem:$0x3FB6];
	_ =	sdelay $0x3  }
0x34: {  	[smem:$0x3FB6] =	sst s10  }
0x35: {  	s10 =	sld [smem:$0x3FB5];
	_ =	sdelay $0x3  }
0x36: {  	p1 =	seq.s32 s10, $0x1;
	s10 =	sld [smem:$0x3FB6];
	_ =	sdelay $0x3  }
0x37: {  	[smem:$0x3FB6] =	sst s10  }
0x38: {  	s10 =	sld [smem:$0x3FB7]  }
0x39: {  	_ = 	snop;
	(pc) =	sbr.ind lr, $3  }
0x3a: {  	_ = 	snop  }
0x3b: {  	_ = 	snop  }
0x3c: {  	p2 =	seq.s32 s10, $0x1;
	s10 =	sld [smem:$0x3FB6]  }
0x3d: {  	_ =	shalt  }
0x3e: {  	_ =	shalt  }
0x3f: {  	_ =	shalt  }
0x40: {  	_ =	shalt  }
0x41: {  	_ =	shalt  }
0x42: {  	_ =	shalt  }
0x43: {  	_ =	shalt  }
0x44: {  	_ =	shalt  }
0x45: {  	_ =	shalt  }
0x46: {  	_ =	shalt  }
0x47: {  	_ =	shalt  }
0x48: {  	_ =	shalt  }
0x49: {  	_ =	shalt  }
0x4a: {  	_ =	shalt  }
0x4b: {  	_ =	shalt  }
0x4c: {  	_ =	shalt  }
0x4d: {  	_ =	shalt  }
0x4e: {  	_ =	shalt  }
0x4f: {  	_ =	shalt  }
0x50: {  	_ =	shalt  }
0x51: {  	_ =	shalt  }
0x52: {  	_ =	shalt  }
0x53: {  	_ =	shalt  }
0x54: {  	_ =	shalt  }
0x55: {  	_ =	shalt  }
0x56: {  	_ =	shalt  }
0x57: {  	_ =	shalt  }
0x58: {  	_ =	shalt  }
0x59: {  	_ =	shalt  }
0x5a: {  	_ =	shalt  }
0x5b: {  	_ =	shalt  }
0x5c: {  	_ =	shalt  }
0x5d: {  	_ =	shalt  }
0x5e: {  	_ =	shalt  }
0x5f: {  	_ =	shalt  }
0x60: {  	_ =	shalt  }
0x61: {  	_ =	shalt  }
0x62: {  	_ =	shalt  }
0x63: {  	_ =	shalt  }
0x64: {  	_ =	shalt  }
0x65: {  	_ =	shalt  }
0x66: {  	_ =	shalt  }
0x67: {  	_ =	shalt  }
0x68: {  	_ =	shalt  }
0x69: {  	_ =	shalt  }
0x6a: {  	_ =	shalt  }
0x6b: {  	_ =	shalt  }
0x6c: {  	_ =	shalt  }
0x6d: {  	_ =	shalt  }
0x6e: {  	_ =	shalt  }
0x6f: {  	_ =	shalt  }
0x70: {  	_ =	shalt  }
0x71: {  	_ =	shalt  }
0x72: {  	_ =	shalt  }
0x73: {  	_ =	shalt  }
0x74: {  	_ =	shalt  }
0x75: {  	_ =	shalt  }
0x76: {  	_ =	shalt  }
0x77: {  	_ =	shalt  }
0x78: {  	_ =	shalt  }
0x79: {  	_ =	shalt  }
0x7a: {  	_ =	shalt  }
0x7b: {  	_ =	shalt  }
0x7c: {  	_ =	shalt  }
0x7d: {  	_ =	shalt  }
0x7e: {  	_ =	shalt  }
0x7f: {  	_ =	shalt  }
0x80: {  	_ =	shalt  }
0x81: {  	_ =	shalt  }
0x82: {  	_ =	shalt  }
0x83: {  	_ =	shalt  }
0x84: {  	_ =	shalt  }
0x85: {  	_ =	shalt  }
0x86: {  	_ =	shalt  }
0x87: {  	_ =	shalt  }
.Lfunc_end0:
.L_simem_size_0:
called_computation.1_lowered:
.L_overlay_start_0:
0x88: {  	s2 =	sld [smem:$0x3FD9]  }
0x89: {  	s3 =	sld [smem:$0x3FFE];
	_ =	sdelay $0x1  }
0x8a: {  	s1 =	srdreg.scid  }
0x8b: {  	s0 =	sand.u32 $0x1, s1  }
0x8c: {  	s17 =	sshll.u32 s0, $0xA;
	s2 =	sadd.s32 s3, s2  }
0x8d: {  	s2 =	sadd.s32 s2, s17  }
0x8e: {  	[smem:$0x3FC2] =	sst s2  }
0x8f: {  	_ = 	snop  }
0x90: {  	s4 =	sld [smem:$0x3FC9]  }
0x91: {  	s18 =	sld [smem:$0x3FD0];
	(tm) =	ssettm $0x1  }
0x92: {  	s19 =	sld [smem:$0x3FFB];
	_ =	sdelay $0x3  }
0x93: {  	_ =	strace s19  }
0x94: {  	s2 =	sld [smem:$0x3FFC];
	_ =	sdelay $0x3  }
0x95: {  	_ =	strace s2  }
0x96: {  	s2 =	sld [smem:$0x3FFD];
	_ =	sdelay $0x3  }
0x97: {  	_ =	strace s2  }
0x98: {  	_ =	strace $0x8FFFFFFF  }
0x99: {  	s20 =	sld [smem:$0x3FDB];
	_ =	sdelay $0x1  }
0x9a: {  	s5 =	simm.s32 $_scs_section_size  }
0x9b: {  	s6 =	simm.s32 $_size__tile_overlayer_lowered;
	s7 =	simm.s32 $_tile_overlayer_lowered  }
0x9c: {  	s8 =	simm.s32 $0x1BFF;
	s21 =	sshll.u32 s7, $0x1;
	s5 =	sadd.s32 s5, s20  }
0x9d: {  	s22 =	simm.s32 $0x0;
	s6 =	sshll.u32 s6, $0x1;
	s7 =	sadd.s32 s21, s5  }
0x9e: {  	[timem:s22], [sflag:s8] =	dma.local [hbm:s7], s6  }
0x9f: {  	_ =	swait.ge [sflag:s8], s6  }
0xa0: {  	s6 =	ssub.s32 $0x0, s6;
	[sflag:s8] =	ssyncset.done $0x0  }
0xa1: {  	[sflag:s8] =	ssyncadd.s32 s6;
	_ =	sdelay $0x1  }
0xa2: {  	s23 =	simm.s32 $0x1B8B  }
0xa3: {  	_ =	swait.ge [sflag:s23], $0x1  }
0xa4: {  	[sflag:s23] =	ssyncset.done $0x0  }
0xa5: {  	[sflag:s23] =	ssyncadd.s32 $0xFFFFFFFF  }
0xa6: {  	s6 =	sld [smem:$0x0]  }
0xa7: {  	s7 =	sand.u32 $0xFFFFFFFE, s1  }
0xa8: {  	p0 =	sne.s32 s1, s7  }
0xa9: {  	s7 =	sshll.u32 @p0 s7, $0xE  }
0xaa: {  	s7 =	sadd.s32 @p0 $0x11B8D, s7;
	s8 =	sshll.u32 @p0 s6, $0x11  }
0xab: {  	s7 =	sor.u32 @p0 s8, s7  }
0xac: {  	[sflag:s7] =	ssyncadd.remote.s32 @p0 $0x1;
	_ =	sdelay $0x1  }
0xad: {  	s7 =	simm.s32 @p0 $0x1B8D  }
0xae: {  	_ =	swait.eq @p0 [sflag:s7], $0x1  }
0xaf: {  	[sflag:s7] =	ssyncadd.s32 @p0 $0xFFFFFFFF  }
0xb0: {  	s8 =	sshll.u32 @!p0 s1, $0xE  }
0xb1: {  	s8 =	sor.u32 @!p0 $0x4000, s8;
	s7 =	simm.s32 @!p0 $0x1B8D  }
0xb2: {  	s6 =	sshll.u32 @!p0 s6, $0x11;
	s8 =	sadd.s32 @!p0 $0x11B8D, s8;
	_ =	swait.eq @!p0 [sflag:s7], $0x1  }
0xb3: {  	s6 =	sor.u32 @!p0 s6, s8;
	[sflag:s7] =	ssyncadd.s32 @!p0 $0xFFFFFFFF  }
0xb4: {  	s25 =	simm.s32 $0x1B8E;
	s24 =	sld [smem:$0x3FFE];
	[sflag:s6] =	ssyncadd.remote.s32 @!p0 $0x1  }
0xb5: {  	s26 =	simm.s32 $execute0_lowered;
	[smem:$0x3FD2] =	sst s25  }
0xb6: {  	s7 =	sshll.u32 s26, $0x1;
	_ =	strace $0x80000049;
	[dreg:$0x1] =	wrdreg $0xFFFFFFFF  }
0xb7: {  	s28 =	simm.s32 $_size_execute0_lowered;
	s5 =	sadd.s32 s5, s7;
	[dreg:$0x0] =	wrdreg $0x0  }
0xb8: {  	s7 =	sshll.u32 s28, $0x1;
	[dreg:$0x2] =	wrdreg s5  }
0xb9: {  	[dreg:$0x3] =	wrdreg s7  }
0xba: {  	[dreg:$0x4] =	wrdreg $0xC0  }
0xbb: {  	_ =	task [dreg:s22], $0x5FFFF  }
0xbc: {  	[dreg:$0x1] =	wrdreg $0xFFFFFFFF  }
0xbd: {  	[dreg:$0x0] =	wrdreg $0x60  }
0xbe: {  	[dreg:$0x2] =	wrdreg s4  }
0xbf: {  	[dreg:$0x3] =	wrdreg s24  }
0xc0: {  	[dreg:$0x4] =	wrdreg s18  }
0xc1: {  	[dreg:$0x5] =	wrdreg $0x90000  }
0xc2: {  	[dreg:$0x6] =	wrdreg $0xA  }
0xc3: {  	_ =	task.clear_ibuf [dreg:s22], $0x7FFFF;
	_ =	strace $0x90000049  }
0xc4: {  	s29 =	simm.s32 $0xA;
	_ =	strace $0x8000004B  }
0xc5: {  	_ =	swait.ge [sflag:s29], $0x1  }
0xc6: {  	[sflag:s29] =	ssyncadd.s32 $0xFFFFFFFF  }
0xc7: {  	_ =	strace $0x9000004B  }
0xc8: {  	_ =	sfence  }
0xc9: {  	s30 =	sld [smem:$0x0];
	_ =	sdelay $0x2  }
0xca: {  	s31 =	sshll.u32 s1, $0xD;
	s1 =	sshrl.u32 s1, $0x2  }
0xcb: {  	s4 =	sand.u32 $0x4000, s31;
	s1 =	sadd.s32 s1, s30  }
0xcc: {  	s0 =	sor.u32 s4, s0;
	s1 =	sshll.u32 s1, $0x11  }
0xcd: {  	s0 =	sor.u32 s1, s0  }
0xce: {  	s0 =	sadd.s32 $0x8F2B, s0  }
0xcf: {  	[sflag:s0] =	ssyncadd.remote.s32 $0x1  }
0xd0: {  	_ =	sfence.sel $0xFFFF  }
0xd1: {  	[dreg:$0x0] =	wrdreg $0xFFFFFFFF;
	(pc) =	sbr.abs _section_cstart, $3  }
0xd2: {  	[dreg:$0x1] =	wrdreg $0xFFFFFFFF  }
0xd3: {  	_ =	task.clear_ibuf [dreg:s22], $0x2FFFF;
	_ =	strace $0x9FFFFFFF  }
0xd4: {  	(tm) =	ssettm $0x7FFFFFFF  }
0xd5: {  	_ =	shalt  }
tec
execute0_lowered:
.L_overlay_start_1:
0x0: {  	(tag) =	ssettag $0x1  }
0x1: {  	s0 =	rddreg [dreg:$0x0]  }
0x2: {  	s2 =	rddreg [dreg:$0x1];
	s1 =	srdreg.scid  }
0x3: {  	s9 =	stileid.u32;
	s4 =	rddreg [dreg:$0x3]  }
0x4: {  	s5 =	simm.s32 $0x0;
	s12 =	simm.s32 $0x880;
	s13 =	simm.s32 $0x100  }
0x5: {  	s28 =	simm.s32 $0x2;
	s29 =	simm.s32 $0xB80;
	s6 =	smul.u32 $0x5000, s9  }
0x6: {  	s30 =	simm.s32 $0x400;
	s3 =	sand.u32 $0x1, s1;
	s7 =	smul.u32 $0x50000, s9  }
0x7: {  	s31 =	simm.s32 $0xC00;
	[smem:$0x7FF] =	sst s5;
	s1 =	smul.u32 $0x2800, s3  }
0x8: {  	s3 =	ssub.s32 $0x2, s3;
	_ =	strace $0x8000004A;
	[dreg:$0x7] =	wrdreg s12  }
0x9: {  	[dreg:$0x8] =	wrdreg s13;
	s12 =	simm.s32 $0x680;
	s13 =	simm.s32 $0xE80  }
0xa: {  	s8 =	sshrl.u32 s3, $0x1;
	s7 =	sshrl.u32 s7, $0x2;
	s6 =	sadd.s32 s1, s6  }
0xb: {  	s3 =	ssub.s32 s3, s8;
	s8 =	smul.u32 $0x280, s9;
	s18 =	sadd.s32 s7, s4  }
0xc: {  	s6 =	sshrl.u32 s6, $0x3;
	s3 =	smax.u32 s3, $0x1;
	[dreg:$0x13] =	wrdreg s18  }
0xd: {  	s14 =	sadd.s32 $0x4000, s18;
	s15 =	sadd.s32 $0x8000, s18;
	[dreg:$0x14] =	wrdreg s3  }
0xe: {  	s7 =	sadd.s32 $0xC000, s18;
	s19 =	sadd.s32 $0x10000, s18;
	[dreg:$0x15] =	wrdreg s14  }
0xf: {  	s6 =	sadd.s32 s6, s2;
	s2 =	sadd.s32 $0x3DE00, s2;
	[dreg:$0x16] =	wrdreg s15  }
0x10: {  	s16 =	sadd.s32 s1, s8;
	[dreg:$0x17] =	wrdreg s7;
	s17 =	sadd.s32 $0x80, s8  }
0x11: {  	[dreg:$0x18] =	wrdreg s19;
	s22 =	sadd.s32 $0x100, s8;
	s26 =	sadd.s32 $0x180, s8  }
0x12: {  	s14 =	simm.s32 $0x900;
	s15 =	simm.s32 $0x180;
	s3 =	sshll.u32 s16, $0x4  }
0x13: {  	s20 =	sshll.u32 s17, $0x7;
	s21 =	sadd.s32 s1, s17;
	s23 =	sshll.u32 s22, $0x7  }
0x14: {  	s7 =	sadd.s32 s1, s22;
	s9 =	sadd.s32 $0x1600, s6;
	s10 =	sshll.u32 s26, $0x7  }
0x15: {  	s6 =	sadd.s32 $0xB600, s6;
	[dreg:$0x9] =	wrdreg s14;
	s16 =	sadd.s32 $0x200, s8  }
0x16: {  	[dreg:$0xa] =	wrdreg s15;
	s17 =	simm.s32 $0x980;
	s22 =	simm.s32 $0x280  }
0x17: {  	s8 =	simm.s32 $0x580;
	s14 =	simm.s32 $0x700;
	[dreg:$0x5] =	wrdreg s9  }
0x18: {  	s15 =	simm.s32 $0xF00;
	s3 =	sadd.s32 s2, s3;
	[dreg:$0x6] =	wrdreg s6  }
0x19: {  	s24 =	sadd.s32 s23, s4;
	s25 =	sshll.u32 s7, $0x4;
	[dreg:$0xb] =	wrdreg s17  }
0x1a: {  	s11 =	sadd.s32 s10, s4;
	s19 =	sshll.u32 s16, $0x7;
	[dreg:$0xe] =	wrdreg s22  }
0x1b: {  	s23 =	simm.s32 $0xA80;
	s22 =	simm.s32 $0x3;
	[dreg:$0x19] =	wrdreg s3  }
0x1c: {  	s9 =	simm.s32 $0xD80;
	s10 =	simm.s32 $0x600;
	[dreg:$0x1c] =	wrdreg s24  }
0x1d: {  	s17 =	simm.s32 $0xF80;
	s3 =	sadd.s32 s20, s4;
	[dreg:$0x1e] =	wrdreg s11  }
0x1e: {  	s20 =	simm.s32 $0x200;
	s7 =	sadd.s32 s19, s4;
	[dreg:$0xf] =	wrdreg s23  }
0x1f: {  	s24 =	simm.s32 $0x300;
	s23 =	simm.s32 $0x800;
	[dreg:$0x1a] =	wrdreg s3  }
0x20: {  	s11 =	simm.s32 $0xE00;
	s19 =	simm.s32 $0x0;
	[smem:$0x7FC] =	sst s7  }
0x21: {  	s3 =	sshll.u32 s21, $0x4;
	[dreg:$0xc] =	wrdreg s20;
	s21 =	simm.s32 $0xA00  }
0x22: {  	[dreg:$0x10] =	wrdreg s24;
	s24 =	simm.s32 $0x80;
	s7 =	simm.s32 $0xD00  }
0x23: {  	s3 =	sadd.s32 s2, s3;
	[dreg:$0xd] =	wrdreg s21;
	s21 =	simm.s32 $0x1000  }
0x24: {  	[dreg:$0x1b] =	wrdreg s3;
	s3 =	sadd.s32 s2, s25;
	s25 =	simm.s32 $0xB00  }
0x25: {  	[dreg:$0x1d] =	wrdreg s3;
	s3 =	sadd.s32 s1, s26;
	s1 =	sadd.s32 s1, s16  }
0x26: {  	[dreg:$0x11] =	wrdreg s25;
	s26 =	simm.s32 $0x380;
	s25 =	simm.s32 $0x1  }
0x27: {  	s16 =	simm.s32 $0x780;
	s3 =	sshll.u32 s3, $0x4;
	s1 =	sshll.u32 s1, $0x4  }
0x28: {  	[dreg:$0x12] =	wrdreg s26;
	s26 =	simm.s32 $0x5000;
	s3 =	sadd.s32 s2, s3  }
0x29: {  	s1 =	sadd.s32 s2, s1;
	s2 =	simm.s32 $0x480;
	[dreg:$0x1f] =	wrdreg s3  }
0x2a: {  	[smem:$0x7FD] =	sst s1;
	s1 =	simm.s32 $0xC80;
	s3 =	simm.s32 $0x500  }
.LBB2_1:
0x2b: {  	[smem:$0x7FB] =	sst s19  }
0x2c: {  	s6 =	rddreg [dreg:$0x2]  }
0x2d: {  	[tilespmem:s21], [sflag:$0x3] =	stream.linear.gather [hbm4b:s6+s5], $0x4000, $0x38;
	[tilespmem:$0x1D000] =	vst v63  }
0x2e: {  	_ =	swait.ge [sflag:s22], $0x4000  }
0x2f: {  	[sflag:s22] =	ssyncset.done $0x0  }
0x30: {  	[sflag:s22] =	ssyncadd.s32 $0xFFFFC000  }
0x31: {  	[spmem:s18] =	stream.linear.scatter [tilespmem:s21], [sflag:$0x3], $0x4000, $0x38;
	[tilespmem:$0x1D000] =	vst v63  }
0x32: {  	_ =	swait.ge [sflag:s22], $0x4000  }
0x33: {  	[sflag:s22] =	ssyncset.done $0x0  }
0x34: {  	s18 =	rddreg [dreg:$0x15];
	[sflag:s22] =	ssyncadd.s32 $0xFFFFC000  }
0x35: {  	[spmem:s18] =	stream.linear.scatter [tilespmem:s21], [sflag:$0x3], $0x4000, $0x38;
	[tilespmem:$0x1D000] =	vst v63  }
0x36: {  	_ =	swait.ge [sflag:s22], $0x4000  }
0x37: {  	[sflag:s22] =	ssyncset.done $0x0  }
0x38: {  	s19 =	rddreg [dreg:$0x16];
	[sflag:s22] =	ssyncadd.s32 $0xFFFFC000  }
0x39: {  	[spmem:s19] =	stream.linear.scatter [tilespmem:s21], [sflag:$0x3], $0x4000, $0x38;
	[tilespmem:$0x1D000] =	vst v63  }
0x3a: {  	_ =	swait.ge [sflag:s22], $0x4000  }
0x3b: {  	[sflag:s22] =	ssyncset.done $0x0  }
0x3c: {  	s20 =	rddreg [dreg:$0x17];
	[sflag:s22] =	ssyncadd.s32 $0xFFFFC000  }
0x3d: {  	[spmem:s20] =	stream.linear.scatter [tilespmem:s21], [sflag:$0x3], $0x4000, $0x38;
	[tilespmem:$0x1D000] =	vst v63  }
0x3e: {  	_ =	swait.ge [sflag:s22], $0x4000  }
0x3f: {  	[sflag:s22] =	ssyncset.done $0x0  }
0x40: {  	s18 =	rddreg [dreg:$0x18];
	[sflag:s22] =	ssyncadd.s32 $0xFFFFC000  }
0x41: {  	[spmem:s18] =	stream.linear.scatter [tilespmem:s21], [sflag:$0x3], $0x4000, $0x38;
	[tilespmem:$0x1D000] =	vst v63  }
0x42: {  	_ =	swait.ge [sflag:s22], $0x4000  }
0x43: {  	[sflag:s22] =	ssyncset.done $0x0  }
0x44: {  	[sflag:s22] =	ssyncadd.s32 $0xFFFFC000  }
0x45: {  	[bflag:$0x0] =	sbarrier.arrive $0xFFFF  }
0x46: {  	s19 =	rddreg [dreg:$0x6]  }
0x47: {  	s6 =	sadd.s32 $0x0, s19  }
0x48: {  	[tilespmem:s5], [sflag:$0x3] =	stream.linear.gather [hbm4b:s6+s5], $0x800, $0x38;
	[tilespmem:$0x1D000] =	vst v63  }
0x49: {  	_ =	swait.ge [sflag:s22], $0x800  }
0x4a: {  	s20 =	rddreg [dreg:$0x5];
	[sflag:s22] =	ssyncset.done $0x0  }
0x4b: {  	[sflag:s22] =	ssyncadd.s32 $0xFFFFF800;
	s6 =	sadd.s32 $0x0, s20  }
0x4c: {  	[tilespmem:s23], [sflag:$0x3] =	stream.linear.gather [hbm4b:s6+s5], $0x800, $0x38;
	[tilespmem:$0x1D000] =	vst v63  }
0x4d: {  	_ =	swait.ge [sflag:s22], $0x800  }
0x4e: {  	[sflag:s22] =	ssyncset.done $0x0  }
0x4f: {  	[sflag:s22] =	ssyncadd.s32 $0xFFFFF800  }
0x50: {  	[tilespmem:s21], [sflag:$0x1] =	stream.indirect.gather [hbm4b:s0+s24], $0x80, s5, s24, $0xb8;
	[tilespmem:$0x1D000] =	vst v63  }
0x51: {  	_ =	swait.ge [sflag:s25], $0x4000  }
0x52: {  	[sflag:s25] =	ssyncset.done $0x0  }
0x53: {  	[sflag:s25] =	ssyncadd.s32 $0xFFFFC000  }
0x54: {  	[spmem:s4] =	stream.indirect.scatter.add.f32 [tilespmem:s21], [sflag:$0x2], $0x80, s23, s24, $0xb8;
	[tilespmem:$0x1D000] =	vst v63  }
0x55: {  	_ = 	snop  }
0x56: {  	[tilespmem:s26], [sflag:$0x1] =	stream.indirect.gather [hbm4b:s0+s24], $0x80, s24, s24, $0xb8;
	[tilespmem:$0x1D000] =	vst v63  }
0x57: {  	_ =	swait.ge [sflag:s25], $0x4000  }
0x58: {  	[sflag:s25] =	ssyncset.done $0x0  }
0x59: {  	s18 =	rddreg [dreg:$0x7];
	[sflag:s25] =	ssyncadd.s32 $0xFFFFC000  }
0x5a: {  	[spmem:s4] =	stream.indirect.scatter.add.f32 [tilespmem:s26], [sflag:$0x2], $0x80, s18, s24, $0xb8;
	[tilespmem:$0x1D000] =	vst v63  }
0x5b: {  	_ =	swait.ge [sflag:s28], $0x4000  }
0x5c: {  	[sflag:s28] =	ssyncset.done $0x0  }
0x5d: {  	s19 =	rddreg [dreg:$0x8];
	[sflag:s28] =	ssyncadd.s32 $0xFFFFC000  }
0x5e: {  	[tilespmem:s21], [sflag:$0x1] =	stream.indirect.gather [hbm4b:s0+s24], $0x80, s19, s24, $0xb8;
	[tilespmem:$0x1D000] =	vst v63  }
0x5f: {  	_ =	swait.ge [sflag:s25], $0x4000  }
0x60: {  	[sflag:s25] =	ssyncset.done $0x0  }
0x61: {  	s20 =	rddreg [dreg:$0x9];
	[sflag:s25] =	ssyncadd.s32 $0xFFFFC000  }
0x62: {  	[spmem:s4] =	stream.indirect.scatter.add.f32 [tilespmem:s21], [sflag:$0x2], $0x80, s20, s24, $0xb8;
	[tilespmem:$0x1D000] =	vst v63  }
0x63: {  	_ =	swait.ge [sflag:s28], $0x4000  }
0x64: {  	[sflag:s28] =	ssyncset.done $0x0  }
0x65: {  	s18 =	rddreg [dreg:$0xa];
	[sflag:s28] =	ssyncadd.s32 $0xFFFFC000  }
0x66: {  	[tilespmem:s26], [sflag:$0x1] =	stream.indirect.gather [hbm4b:s0+s24], $0x80, s18, s24, $0xb8;
	[tilespmem:$0x1D000] =	vst v63  }
0x67: {  	_ =	swait.ge [sflag:s25], $0x4000  }
0x68: {  	[sflag:s25] =	ssyncset.done $0x0  }
0x69: {  	s19 =	rddreg [dreg:$0xb];
	[sflag:s25] =	ssyncadd.s32 $0xFFFFC000  }
0x6a: {  	[spmem:s4] =	stream.indirect.scatter.add.f32 [tilespmem:s26], [sflag:$0x2], $0x80, s19, s24, $0xb8;
	[tilespmem:$0x1D000] =	vst v63  }
0x6b: {  	_ =	swait.ge [sflag:s28], $0x4000  }
0x6c: {  	[sflag:s28] =	ssyncset.done $0x0  }
0x6d: {  	s20 =	rddreg [dreg:$0xc];
	[sflag:s28] =	ssyncadd.s32 $0xFFFFC000  }
0x6e: {  	[tilespmem:s21], [sflag:$0x1] =	stream.indirect.gather [hbm4b:s0+s24], $0x80, s20, s24, $0xb8;
	[tilespmem:$0x1D000] =	vst v63  }
0x6f: {  	_ =	swait.ge [sflag:s25], $0x4000  }
0x70: {  	[sflag:s25] =	ssyncset.done $0x0  }
0x71: {  	s18 =	rddreg [dreg:$0xd];
	[sflag:s25] =	ssyncadd.s32 $0xFFFFC000  }
0x72: {  	[spmem:s4] =	stream.indirect.scatter.add.f32 [tilespmem:s21], [sflag:$0x2], $0x80, s18, s24, $0xb8;
	[tilespmem:$0x1D000] =	vst v63  }
0x73: {  	_ =	swait.ge [sflag:s28], $0x4000  }
0x74: {  	[sflag:s28] =	ssyncset.done $0x0  }
0x75: {  	s19 =	rddreg [dreg:$0xe];
	[sflag:s28] =	ssyncadd.s32 $0xFFFFC000  }
0x76: {  	[tilespmem:s26], [sflag:$0x1] =	stream.indirect.gather [hbm4b:s0+s24], $0x80, s19, s24, $0xb8;
	[tilespmem:$0x1D000] =	vst v63  }
0x77: {  	_ =	swait.ge [sflag:s25], $0x4000  }
0x78: {  	[sflag:s25] =	ssyncset.done $0x0  }
0x79: {  	s20 =	rddreg [dreg:$0xf];
	[sflag:s25] =	ssyncadd.s32 $0xFFFFC000  }
0x7a: {  	[spmem:s4] =	stream.indirect.scatter.add.f32 [tilespmem:s26], [sflag:$0x2], $0x80, s20, s24, $0xb8;
	[tilespmem:$0x1D000] =	vst v63  }
0x7b: {  	_ =	swait.ge [sflag:s28], $0x4000  }
0x7c: {  	[sflag:s28] =	ssyncset.done $0x0  }
0x7d: {  	s18 =	rddreg [dreg:$0x10];
	[sflag:s28] =	ssyncadd.s32 $0xFFFFC000  }
0x7e: {  	[tilespmem:s21], [sflag:$0x1] =	stream.indirect.gather [hbm4b:s0+s24], $0x80, s18, s24, $0xb8;
	[tilespmem:$0x1D000] =	vst v63  }
0x7f: {  	_ =	swait.ge [sflag:s25], $0x4000  }
0x80: {  	[sflag:s25] =	ssyncset.done $0x0  }
0x81: {  	s19 =	rddreg [dreg:$0x11];
	[sflag:s25] =	ssyncadd.s32 $0xFFFFC000  }
0x82: {  	[spmem:s4] =	stream.indirect.scatter.add.f32 [tilespmem:s21], [sflag:$0x2], $0x80, s19, s24, $0xb8;
	[tilespmem:$0x1D000] =	vst v63  }
0x83: {  	_ =	swait.ge [sflag:s28], $0x4000  }
0x84: {  	[sflag:s28] =	ssyncset.done $0x0  }
0x85: {  	s20 =	rddreg [dreg:$0x12];
	[sflag:s28] =	ssyncadd.s32 $0xFFFFC000  }
0x86: {  	[tilespmem:s26], [sflag:$0x1] =	stream.indirect.gather [hbm4b:s0+s24], $0x80, s20, s24, $0xb8;
	[tilespmem:$0x1D000] =	vst v63  }
0x87: {  	_ =	swait.ge [sflag:s25], $0x4000  }
0x88: {  	[sflag:s25] =	ssyncset.done $0x0  }
0x89: {  	[sflag:s25] =	ssyncadd.s32 $0xFFFFC000  }
0x8a: {  	[spmem:s4] =	stream.indirect.scatter.add.f32 [tilespmem:s26], [sflag:$0x2], $0x80, s29, s24, $0xb8;
	[tilespmem:$0x1D000] =	vst v63  }
0x8b: {  	_ =	swait.ge [sflag:s28], $0x4000  }
0x8c: {  	[sflag:s28] =	ssyncset.done $0x0  }
0x8d: {  	[sflag:s28] =	ssyncadd.s32 $0xFFFFC000  }
0x8e: {  	[tilespmem:s21], [sflag:$0x1] =	stream.indirect.gather [hbm4b:s0+s24], $0x80, s30, s24, $0xb8;
	[tilespmem:$0x1D000] =	vst v63  }
0x8f: {  	_ =	swait.ge [sflag:s25], $0x4000  }
0x90: {  	[sflag:s25] =	ssyncset.done $0x0  }
0x91: {  	[sflag:s25] =	ssyncadd.s32 $0xFFFFC000  }
0x92: {  	[spmem:s4] =	stream.indirect.scatter.add.f32 [tilespmem:s21], [sflag:$0x2], $0x80, s31, s24, $0xb8;
	[tilespmem:$0x1D000] =	vst v63  }
0x93: {  	_ =	swait.ge [sflag:s28], $0x4000  }
0x94: {  	[sflag:s28] =	ssyncset.done $0x0  }
0x95: {  	[sflag:s28] =	ssyncadd.s32 $0xFFFFC000  }
0x96: {  	[tilespmem:s26], [sflag:$0x1] =	stream.indirect.gather [hbm4b:s0+s24], $0x80, s2, s24, $0xb8;
	[tilespmem:$0x1D000] =	vst v63  }
0x97: {  	_ =	swait.ge [sflag:s25], $0x4000  }
0x98: {  	[sflag:s25] =	ssyncset.done $0x0  }
0x99: {  	[sflag:s25] =	ssyncadd.s32 $0xFFFFC000  }
0x9a: {  	[spmem:s4] =	stream.indirect.scatter.add.f32 [tilespmem:s26], [sflag:$0x2], $0x80, s1, s24, $0xb8;
	[tilespmem:$0x1D000] =	vst v63  }
0x9b: {  	_ =	swait.ge [sflag:s28], $0x4000  }
0x9c: {  	[sflag:s28] =	ssyncset.done $0x0  }
0x9d: {  	[sflag:s28] =	ssyncadd.s32 $0xFFFFC000  }
0x9e: {  	[tilespmem:s21], [sflag:$0x1] =	stream.indirect.gather [hbm4b:s0+s24], $0x80, s3, s24, $0xb8;
	[tilespmem:$0x1D000] =	vst v63  }
0x9f: {  	_ =	swait.ge [sflag:s25], $0x4000  }
0xa0: {  	[sflag:s25] =	ssyncset.done $0x0  }
0xa1: {  	[sflag:s25] =	ssyncadd.s32 $0xFFFFC000  }
0xa2: {  	[spmem:s4] =	stream.indirect.scatter.add.f32 [tilespmem:s21], [sflag:$0x2], $0x80, s7, s24, $0xb8;
	[tilespmem:$0x1D000] =	vst v63  }
0xa3: {  	_ =	swait.ge [sflag:s28], $0x4000  }
0xa4: {  	[sflag:s28] =	ssyncset.done $0x0  }
0xa5: {  	[sflag:s28] =	ssyncadd.s32 $0xFFFFC000  }
0xa6: {  	[tilespmem:s26], [sflag:$0x1] =	stream.indirect.gather [hbm4b:s0+s24], $0x80, s8, s24, $0xb8;
	[tilespmem:$0x1D000] =	vst v63  }
0xa7: {  	_ =	swait.ge [sflag:s25], $0x4000  }
0xa8: {  	[sflag:s25] =	ssyncset.done $0x0  }
0xa9: {  	[sflag:s25] =	ssyncadd.s32 $0xFFFFC000  }
0xaa: {  	[spmem:s4] =	stream.indirect.scatter.add.f32 [tilespmem:s26], [sflag:$0x2], $0x80, s9, s24, $0xb8;
	[tilespmem:$0x1D000] =	vst v63  }
0xab: {  	_ =	swait.ge [sflag:s28], $0x4000  }
0xac: {  	[sflag:s28] =	ssyncset.done $0x0  }
0xad: {  	[sflag:s28] =	ssyncadd.s32 $0xFFFFC000  }
0xae: {  	[tilespmem:s21], [sflag:$0x1] =	stream.indirect.gather [hbm4b:s0+s24], $0x80, s10, s24, $0xb8;
	[tilespmem:$0x1D000] =	vst v63  }
0xaf: {  	_ =	swait.ge [sflag:s25], $0x4000  }
0xb0: {  	[sflag:s25] =	ssyncset.done $0x0  }
0xb1: {  	[sflag:s25] =	ssyncadd.s32 $0xFFFFC000  }
0xb2: {  	[spmem:s4] =	stream.indirect.scatter.add.f32 [tilespmem:s21], [sflag:$0x2], $0x80, s11, s24, $0xb8;
	[tilespmem:$0x1D000] =	vst v63  }
0xb3: {  	_ =	swait.ge [sflag:s28], $0x4000  }
0xb4: {  	[sflag:s28] =	ssyncset.done $0x0  }
0xb5: {  	[sflag:s28] =	ssyncadd.s32 $0xFFFFC000  }
0xb6: {  	[tilespmem:s26], [sflag:$0x1] =	stream.indirect.gather [hbm4b:s0+s24], $0x80, s12, s24, $0xb8;
	[tilespmem:$0x1D000] =	vst v63  }
0xb7: {  	_ =	swait.ge [sflag:s25], $0x4000  }
0xb8: {  	[sflag:s25] =	ssyncset.done $0x0  }
0xb9: {  	[sflag:s25] =	ssyncadd.s32 $0xFFFFC000  }
0xba: {  	[spmem:s4] =	stream.indirect.scatter.add.f32 [tilespmem:s26], [sflag:$0x2], $0x80, s13, s24, $0xb8;
	[tilespmem:$0x1D000] =	vst v63  }
0xbb: {  	_ =	swait.ge [sflag:s28], $0x4000  }
0xbc: {  	[sflag:s28] =	ssyncset.done $0x0  }
0xbd: {  	[sflag:s28] =	ssyncadd.s32 $0xFFFFC000  }
0xbe: {  	[tilespmem:s21], [sflag:$0x1] =	stream.indirect.gather [hbm4b:s0+s24], $0x80, s14, s24, $0xb8;
	[tilespmem:$0x1D000] =	vst v63  }
0xbf: {  	_ =	swait.ge [sflag:s25], $0x4000  }
0xc0: {  	[sflag:s25] =	ssyncset.done $0x0  }
0xc1: {  	[sflag:s25] =	ssyncadd.s32 $0xFFFFC000  }
0xc2: {  	[spmem:s4] =	stream.indirect.scatter.add.f32 [tilespmem:s21], [sflag:$0x2], $0x80, s15, s24, $0xb8;
	[tilespmem:$0x1D000] =	vst v63  }
0xc3: {  	_ =	swait.ge [sflag:s28], $0x4000  }
0xc4: {  	[sflag:s28] =	ssyncset.done $0x0  }
0xc5: {  	[sflag:s28] =	ssyncadd.s32 $0xFFFFC000  }
0xc6: {  	[tilespmem:s26], [sflag:$0x1] =	stream.indirect.gather [hbm4b:s0+s24], $0x80, s16, s24, $0xb8;
	[tilespmem:$0x1D000] =	vst v63  }
0xc7: {  	_ =	swait.ge [sflag:s25], $0x4000  }
0xc8: {  	[sflag:s25] =	ssyncset.done $0x0  }
0xc9: {  	[sflag:s25] =	ssyncadd.s32 $0xFFFFC000  }
0xca: {  	[spmem:s4] =	stream.indirect.scatter.add.f32 [tilespmem:s26], [sflag:$0x2], $0x80, s17, s24, $0xb8;
	[tilespmem:$0x1D000] =	vst v63  }
0xcb: {  	_ =	swait.ge [sflag:s28], $0x4000  }
0xcc: {  	[sflag:s28] =	ssyncset.done $0x0  }
0xcd: {  	[sflag:s28] =	ssyncadd.s32 $0xFFFFC000  }
0xce: {  	s19 =	simm.s32 $0x100;
	_ =	swait.ge [sflag:s28], $0x4000  }
0xcf: {  	s20 =	simm.s32 $0x200;
	s6 =	rddreg [dreg:$0x6];
	[sflag:s28] =	ssyncset.done $0x0  }
.LBB2_2:
0xd0: {  	[sflag:s28] =	ssyncadd.s32 $0xFFFFC000;
	s6 =	sadd.s32 s19, s6  }
0xd1: {  	[tilespmem:s5], [sflag:$0x3] =	stream.linear.gather [hbm4b:s6+s5], $0x800, $0x38;
	[tilespmem:$0x1D000] =	vst v63  }
0xd2: {  	_ =	swait.ge [sflag:s22], $0x800  }
0xd3: {  	s6 =	rddreg [dreg:$0x5];
	[sflag:s22] =	ssyncset.done $0x0  }
0xd4: {  	[sflag:s22] =	ssyncadd.s32 $0xFFFFF800;
	s6 =	sadd.s32 s19, s6  }
0xd5: {  	[tilespmem:s23], [sflag:$0x3] =	stream.linear.gather [hbm4b:s6+s5], $0x800, $0x38;
	[tilespmem:$0x1D000] =	vst v63  }
0xd6: {  	_ =	swait.ge [sflag:s22], $0x800  }
0xd7: {  	[sflag:s22] =	ssyncset.done $0x0  }
0xd8: {  	[sflag:s22] =	ssyncadd.s32 $0xFFFFF800  }
0xd9: {  	[tilespmem:s21], [sflag:$0x1] =	stream.indirect.gather [hbm4b:s0+s24], $0x80, s5, s24, $0xb8;
	[tilespmem:$0x1D000] =	vst v63  }
0xda: {  	_ =	swait.ge [sflag:s25], $0x4000  }
0xdb: {  	[sflag:s25] =	ssyncset.done $0x0  }
0xdc: {  	[sflag:s25] =	ssyncadd.s32 $0xFFFFC000  }
0xdd: {  	[spmem:s4] =	stream.indirect.scatter.add.f32 [tilespmem:s21], [sflag:$0x2], $0x80, s23, s24, $0xb8;
	[tilespmem:$0x1D000] =	vst v63  }
0xde: {  	_ = 	snop  }
0xdf: {  	[tilespmem:s26], [sflag:$0x1] =	stream.indirect.gather [hbm4b:s0+s24], $0x80, s24, s24, $0xb8;
	[tilespmem:$0x1D000] =	vst v63  }
0xe0: {  	_ =	swait.ge [sflag:s25], $0x4000  }
0xe1: {  	s18 =	smov.u32 s20;
	[sflag:s25] =	ssyncset.done $0x0  }
0xe2: {  	s19 =	smov.u32 s18;
	s18 =	rddreg [dreg:$0x7];
	[sflag:s25] =	ssyncadd.s32 $0xFFFFC000  }
0xe3: {  	[spmem:s4] =	stream.indirect.scatter.add.f32 [tilespmem:s26], [sflag:$0x2], $0x80, s18, s24, $0xb8;
	[tilespmem:$0x1D000] =	vst v63  }
0xe4: {  	_ =	swait.ge [sflag:s28], $0x4000  }
0xe5: {  	[sflag:s28] =	ssyncset.done $0x0  }
0xe6: {  	s18 =	rddreg [dreg:$0x8];
	[sflag:s28] =	ssyncadd.s32 $0xFFFFC000  }
0xe7: {  	[tilespmem:s21], [sflag:$0x1] =	stream.indirect.gather [hbm4b:s0+s24], $0x80, s18, s24, $0xb8;
	[tilespmem:$0x1D000] =	vst v63  }
0xe8: {  	_ =	swait.ge [sflag:s25], $0x4000  }
0xe9: {  	[sflag:s25] =	ssyncset.done $0x0  }
0xea: {  	s18 =	rddreg [dreg:$0x9];
	[sflag:s25] =	ssyncadd.s32 $0xFFFFC000  }
0xeb: {  	[spmem:s4] =	stream.indirect.scatter.add.f32 [tilespmem:s21], [sflag:$0x2], $0x80, s18, s24, $0xb8;
	[tilespmem:$0x1D000] =	vst v63  }
0xec: {  	_ =	swait.ge [sflag:s28], $0x4000  }
0xed: {  	[sflag:s28] =	ssyncset.done $0x0  }
0xee: {  	s18 =	rddreg [dreg:$0xa];
	[sflag:s28] =	ssyncadd.s32 $0xFFFFC000  }
0xef: {  	[tilespmem:s26], [sflag:$0x1] =	stream.indirect.gather [hbm4b:s0+s24], $0x80, s18, s24, $0xb8;
	[tilespmem:$0x1D000] =	vst v63  }
0xf0: {  	_ =	swait.ge [sflag:s25], $0x4000  }
0xf1: {  	[sflag:s25] =	ssyncset.done $0x0  }
0xf2: {  	s18 =	rddreg [dreg:$0xb];
	[sflag:s25] =	ssyncadd.s32 $0xFFFFC000  }
0xf3: {  	[spmem:s4] =	stream.indirect.scatter.add.f32 [tilespmem:s26], [sflag:$0x2], $0x80, s18, s24, $0xb8;
	[tilespmem:$0x1D000] =	vst v63  }
0xf4: {  	_ =	swait.ge [sflag:s28], $0x4000  }
0xf5: {  	[sflag:s28] =	ssyncset.done $0x0  }
0xf6: {  	s18 =	rddreg [dreg:$0xc];
	[sflag:s28] =	ssyncadd.s32 $0xFFFFC000  }
0xf7: {  	[tilespmem:s21], [sflag:$0x1] =	stream.indirect.gather [hbm4b:s0+s24], $0x80, s18, s24, $0xb8;
	[tilespmem:$0x1D000] =	vst v63  }
0xf8: {  	_ =	swait.ge [sflag:s25], $0x4000  }
0xf9: {  	[sflag:s25] =	ssyncset.done $0x0  }
0xfa: {  	s18 =	rddreg [dreg:$0xd];
	[sflag:s25] =	ssyncadd.s32 $0xFFFFC000  }
0xfb: {  	[spmem:s4] =	stream.indirect.scatter.add.f32 [tilespmem:s21], [sflag:$0x2], $0x80, s18, s24, $0xb8;
	[tilespmem:$0x1D000] =	vst v63  }
0xfc: {  	_ =	swait.ge [sflag:s28], $0x4000  }
0xfd: {  	[sflag:s28] =	ssyncset.done $0x0  }
0xfe: {  	s18 =	rddreg [dreg:$0xe];
	[sflag:s28] =	ssyncadd.s32 $0xFFFFC000  }
0xff: {  	[tilespmem:s26], [sflag:$0x1] =	stream.indirect.gather [hbm4b:s0+s24], $0x80, s18, s24, $0xb8;
	[tilespmem:$0x1D000] =	vst v63  }
0x100: {  	_ =	swait.ge [sflag:s25], $0x4000  }
0x101: {  	[sflag:s25] =	ssyncset.done $0x0  }
0x102: {  	s18 =	rddreg [dreg:$0xf];
	[sflag:s25] =	ssyncadd.s32 $0xFFFFC000  }
0x103: {  	[spmem:s4] =	stream.indirect.scatter.add.f32 [tilespmem:s26], [sflag:$0x2], $0x80, s18, s24, $0xb8;
	[tilespmem:$0x1D000] =	vst v63  }
0x104: {  	_ =	swait.ge [sflag:s28], $0x4000  }
0x105: {  	[sflag:s28] =	ssyncset.done $0x0  }
0x106: {  	s18 =	rddreg [dreg:$0x10];
	[sflag:s28] =	ssyncadd.s32 $0xFFFFC000  }
0x107: {  	[tilespmem:s21], [sflag:$0x1] =	stream.indirect.gather [hbm4b:s0+s24], $0x80, s18, s24, $0xb8;
	[tilespmem:$0x1D000] =	vst v63  }
0x108: {  	_ =	swait.ge [sflag:s25], $0x4000  }
0x109: {  	[sflag:s25] =	ssyncset.done $0x0  }
0x10a: {  	s18 =	rddreg [dreg:$0x11];
	[sflag:s25] =	ssyncadd.s32 $0xFFFFC000  }
0x10b: {  	[spmem:s4] =	stream.indirect.scatter.add.f32 [tilespmem:s21], [sflag:$0x2], $0x80, s18, s24, $0xb8;
	[tilespmem:$0x1D000] =	vst v63  }
0x10c: {  	_ =	swait.ge [sflag:s28], $0x4000  }
0x10d: {  	[sflag:s28] =	ssyncset.done $0x0  }
0x10e: {  	s18 =	rddreg [dreg:$0x12];
	[sflag:s28] =	ssyncadd.s32 $0xFFFFC000  }
0x10f: {  	[tilespmem:s26], [sflag:$0x1] =	stream.indirect.gather [hbm4b:s0+s24], $0x80, s18, s24, $0xb8;
	[tilespmem:$0x1D000] =	vst v63  }
0x110: {  	_ =	swait.ge [sflag:s25], $0x4000  }
0x111: {  	[sflag:s25] =	ssyncset.done $0x0  }
0x112: {  	[sflag:s25] =	ssyncadd.s32 $0xFFFFC000  }
0x113: {  	[spmem:s4] =	stream.indirect.scatter.add.f32 [tilespmem:s26], [sflag:$0x2], $0x80, s29, s24, $0xb8;
	[tilespmem:$0x1D000] =	vst v63  }
0x114: {  	_ =	swait.ge [sflag:s28], $0x4000  }
0x115: {  	[sflag:s28] =	ssyncset.done $0x0  }
0x116: {  	[sflag:s28] =	ssyncadd.s32 $0xFFFFC000  }
0x117: {  	[tilespmem:s21], [sflag:$0x1] =	stream.indirect.gather [hbm4b:s0+s24], $0x80, s30, s24, $0xb8;
	[tilespmem:$0x1D000] =	vst v63  }
0x118: {  	_ =	swait.ge [sflag:s25], $0x4000  }
0x119: {  	[sflag:s25] =	ssyncset.done $0x0  }
0x11a: {  	[sflag:s25] =	ssyncadd.s32 $0xFFFFC000  }
0x11b: {  	[spmem:s4] =	stream.indirect.scatter.add.f32 [tilespmem:s21], [sflag:$0x2], $0x80, s31, s24, $0xb8;
	[tilespmem:$0x1D000] =	vst v63  }
0x11c: {  	_ =	swait.ge [sflag:s28], $0x4000  }
0x11d: {  	[sflag:s28] =	ssyncset.done $0x0  }
0x11e: {  	[sflag:s28] =	ssyncadd.s32 $0xFFFFC000  }
0x11f: {  	[tilespmem:s26], [sflag:$0x1] =	stream.indirect.gather [hbm4b:s0+s24], $0x80, s2, s24, $0xb8;
	[tilespmem:$0x1D000] =	vst v63  }
0x120: {  	_ =	swait.ge [sflag:s25], $0x4000  }
0x121: {  	[sflag:s25] =	ssyncset.done $0x0  }
0x122: {  	[sflag:s25] =	ssyncadd.s32 $0xFFFFC000  }
0x123: {  	[spmem:s4] =	stream.indirect.scatter.add.f32 [tilespmem:s26], [sflag:$0x2], $0x80, s1, s24, $0xb8;
	[tilespmem:$0x1D000] =	vst v63  }
0x124: {  	_ =	swait.ge [sflag:s28], $0x4000  }
0x125: {  	[sflag:s28] =	ssyncset.done $0x0  }
0x126: {  	[sflag:s28] =	ssyncadd.s32 $0xFFFFC000  }
0x127: {  	[tilespmem:s21], [sflag:$0x1] =	stream.indirect.gather [hbm4b:s0+s24], $0x80, s3, s24, $0xb8;
	[tilespmem:$0x1D000] =	vst v63  }
0x128: {  	_ =	swait.ge [sflag:s25], $0x4000  }
0x129: {  	[sflag:s25] =	ssyncset.done $0x0  }
0x12a: {  	[sflag:s25] =	ssyncadd.s32 $0xFFFFC000  }
0x12b: {  	[spmem:s4] =	stream.indirect.scatter.add.f32 [tilespmem:s21], [sflag:$0x2], $0x80, s7, s24, $0xb8;
	[tilespmem:$0x1D000] =	vst v63  }
0x12c: {  	_ =	swait.ge [sflag:s28], $0x4000  }
0x12d: {  	[sflag:s28] =	ssyncset.done $0x0  }
0x12e: {  	[sflag:s28] =	ssyncadd.s32 $0xFFFFC000  }
0x12f: {  	[tilespmem:s26], [sflag:$0x1] =	stream.indirect.gather [hbm4b:s0+s24], $0x80, s8, s24, $0xb8;
	[tilespmem:$0x1D000] =	vst v63  }
0x130: {  	_ =	swait.ge [sflag:s25], $0x4000  }
0x131: {  	[sflag:s25] =	ssyncset.done $0x0  }
0x132: {  	[sflag:s25] =	ssyncadd.s32 $0xFFFFC000  }
0x133: {  	[spmem:s4] =	stream.indirect.scatter.add.f32 [tilespmem:s26], [sflag:$0x2], $0x80, s9, s24, $0xb8;
	[tilespmem:$0x1D000] =	vst v63  }
0x134: {  	_ =	swait.ge [sflag:s28], $0x4000  }
0x135: {  	[sflag:s28] =	ssyncset.done $0x0  }
0x136: {  	[sflag:s28] =	ssyncadd.s32 $0xFFFFC000  }
0x137: {  	[tilespmem:s21], [sflag:$0x1] =	stream.indirect.gather [hbm4b:s0+s24], $0x80, s10, s24, $0xb8;
	[tilespmem:$0x1D000] =	vst v63  }
0x138: {  	_ =	swait.ge [sflag:s25], $0x4000  }
0x139: {  	[sflag:s25] =	ssyncset.done $0x0  }
0x13a: {  	[sflag:s25] =	ssyncadd.s32 $0xFFFFC000  }
0x13b: {  	[spmem:s4] =	stream.indirect.scatter.add.f32 [tilespmem:s21], [sflag:$0x2], $0x80, s11, s24, $0xb8;
	[tilespmem:$0x1D000] =	vst v63  }
0x13c: {  	_ =	swait.ge [sflag:s28], $0x4000  }
0x13d: {  	[sflag:s28] =	ssyncset.done $0x0  }
0x13e: {  	[sflag:s28] =	ssyncadd.s32 $0xFFFFC000  }
0x13f: {  	[tilespmem:s26], [sflag:$0x1] =	stream.indirect.gather [hbm4b:s0+s24], $0x80, s12, s24, $0xb8;
	[tilespmem:$0x1D000] =	vst v63  }
0x140: {  	_ =	swait.ge [sflag:s25], $0x4000  }
0x141: {  	[sflag:s25] =	ssyncset.done $0x0  }
0x142: {  	[sflag:s25] =	ssyncadd.s32 $0xFFFFC000  }
0x143: {  	[spmem:s4] =	stream.indirect.scatter.add.f32 [tilespmem:s26], [sflag:$0x2], $0x80, s13, s24, $0xb8;
	[tilespmem:$0x1D000] =	vst v63  }
0x144: {  	_ =	swait.ge [sflag:s28], $0x4000  }
0x145: {  	[sflag:s28] =	ssyncset.done $0x0  }
0x146: {  	[sflag:s28] =	ssyncadd.s32 $0xFFFFC000  }
0x147: {  	[tilespmem:s21], [sflag:$0x1] =	stream.indirect.gather [hbm4b:s0+s24], $0x80, s14, s24, $0xb8;
	[tilespmem:$0x1D000] =	vst v63  }
0x148: {  	_ =	swait.ge [sflag:s25], $0x4000  }
0x149: {  	[sflag:s25] =	ssyncset.done $0x0  }
0x14a: {  	[sflag:s25] =	ssyncadd.s32 $0xFFFFC000  }
0x14b: {  	[spmem:s4] =	stream.indirect.scatter.add.f32 [tilespmem:s21], [sflag:$0x2], $0x80, s15, s24, $0xb8;
	[tilespmem:$0x1D000] =	vst v63  }
0x14c: {  	_ =	swait.ge [sflag:s28], $0x4000  }
0x14d: {  	[sflag:s28] =	ssyncset.done $0x0  }
0x14e: {  	[sflag:s28] =	ssyncadd.s32 $0xFFFFC000  }
0x14f: {  	[tilespmem:s26], [sflag:$0x1] =	stream.indirect.gather [hbm4b:s0+s24], $0x80, s16, s24, $0xb8;
	[tilespmem:$0x1D000] =	vst v63  }
0x150: {  	_ =	swait.ge [sflag:s25], $0x4000  }
0x151: {  	[sflag:s25] =	ssyncset.done $0x0  }
0x152: {  	p0 =	sne.s32 s20, $0x400;
	[sflag:s25] =	ssyncadd.s32 $0xFFFFC000  }
0x153: {  	[spmem:s4] =	stream.indirect.scatter.add.f32 [tilespmem:s26], [sflag:$0x2], $0x80, s17, s24, $0xb8;
	[tilespmem:$0x1D000] =	vst v63  }
.Ltmp0:
0x154: {  	_ =	swait.ge [sflag:s28], $0x4000;
	(pc) =	sbr.rel @p0 .LBB2_2-.Ltmp0, $4  }
0x155: {  	[sflag:s28] =	ssyncset.done $0x0  }
0x156: {  	[sflag:s28] =	ssyncadd.s32 $0xFFFFC000  }
0x157: {  	_ =	swait.ge [sflag:s28], $0x4000  }
0x158: {  	s20 =	sadd.s32 $0x100, s20;
	s6 =	rddreg [dreg:$0x6];
	[sflag:s28] =	ssyncset.done $0x0  }
0x159: {  	[sflag:s28] =	ssyncadd.s32 $0xFFFFC000;
	s6 =	sadd.s32 s19, s6  }
0x15a: {  	[tilespmem:s5], [sflag:$0x3] =	stream.linear.gather [hbm4b:s6+s5], $0x800, $0x38;
	[tilespmem:$0x1D000] =	vst v63  }
0x15b: {  	_ =	swait.ge [sflag:s22], $0x800  }
0x15c: {  	s18 =	rddreg [dreg:$0x5];
	[sflag:s22] =	ssyncset.done $0x0  }
0x15d: {  	s6 =	sadd.s32 s19, s18;
	[sflag:s22] =	ssyncadd.s32 $0xFFFFF800  }
0x15e: {  	[tilespmem:s23], [sflag:$0x3] =	stream.linear.gather [hbm4b:s6+s5], $0x800, $0x38;
	[tilespmem:$0x1D000] =	vst v63  }
0x15f: {  	_ =	swait.ge [sflag:s22], $0x800  }
0x160: {  	[sflag:s22] =	ssyncset.done $0x0  }
0x161: {  	[sflag:s22] =	ssyncadd.s32 $0xFFFFF800  }
0x162: {  	[tilespmem:s21], [sflag:$0x1] =	stream.indirect.gather [hbm4b:s0+s24], $0x80, s5, s24, $0xb8;
	[tilespmem:$0x1D000] =	vst v63  }
0x163: {  	_ =	swait.ge [sflag:s25], $0x4000  }
0x164: {  	[sflag:s25] =	ssyncset.done $0x0  }
0x165: {  	[sflag:s25] =	ssyncadd.s32 $0xFFFFC000  }
0x166: {  	[spmem:s4] =	stream.indirect.scatter.add.f32 [tilespmem:s21], [sflag:$0x2], $0x80, s23, s24, $0xb8;
	[tilespmem:$0x1D000] =	vst v63  }
0x167: {  	_ = 	snop  }
0x168: {  	[tilespmem:s26], [sflag:$0x1] =	stream.indirect.gather [hbm4b:s0+s24], $0x80, s24, s24, $0xb8;
	[tilespmem:$0x1D000] =	vst v63  }
0x169: {  	_ =	swait.ge [sflag:s25], $0x4000  }
0x16a: {  	[sflag:s25] =	ssyncset.done $0x0  }
0x16b: {  	s20 =	rddreg [dreg:$0x7];
	[sflag:s25] =	ssyncadd.s32 $0xFFFFC000  }
0x16c: {  	[spmem:s4] =	stream.indirect.scatter.add.f32 [tilespmem:s26], [sflag:$0x2], $0x80, s20, s24, $0xb8;
	[tilespmem:$0x1D000] =	vst v63  }
0x16d: {  	_ =	swait.ge [sflag:s28], $0x4000  }
0x16e: {  	[sflag:s28] =	ssyncset.done $0x0  }
0x16f: {  	s18 =	rddreg [dreg:$0x8];
	[sflag:s28] =	ssyncadd.s32 $0xFFFFC000  }
0x170: {  	[tilespmem:s21], [sflag:$0x1] =	stream.indirect.gather [hbm4b:s0+s24], $0x80, s18, s24, $0xb8;
	[tilespmem:$0x1D000] =	vst v63  }
0x171: {  	_ =	swait.ge [sflag:s25], $0x4000  }
0x172: {  	[sflag:s25] =	ssyncset.done $0x0  }
0x173: {  	s19 =	rddreg [dreg:$0x9];
	[sflag:s25] =	ssyncadd.s32 $0xFFFFC000  }
0x174: {  	[spmem:s4] =	stream.indirect.scatter.add.f32 [tilespmem:s21], [sflag:$0x2], $0x80, s19, s24, $0xb8;
	[tilespmem:$0x1D000] =	vst v63  }
0x175: {  	_ =	swait.ge [sflag:s28], $0x4000  }
0x176: {  	[sflag:s28] =	ssyncset.done $0x0  }
0x177: {  	s20 =	rddreg [dreg:$0xa];
	[sflag:s28] =	ssyncadd.s32 $0xFFFFC000  }
0x178: {  	[tilespmem:s26], [sflag:$0x1] =	stream.indirect.gather [hbm4b:s0+s24], $0x80, s20, s24, $0xb8;
	[tilespmem:$0x1D000] =	vst v63  }
0x179: {  	_ =	swait.ge [sflag:s25], $0x4000  }
0x17a: {  	[sflag:s25] =	ssyncset.done $0x0  }
0x17b: {  	s18 =	rddreg [dreg:$0xb];
	[sflag:s25] =	ssyncadd.s32 $0xFFFFC000  }
0x17c: {  	[spmem:s4] =	stream.indirect.scatter.add.f32 [tilespmem:s26], [sflag:$0x2], $0x80, s18, s24, $0xb8;
	[tilespmem:$0x1D000] =	vst v63  }
0x17d: {  	_ =	swait.ge [sflag:s28], $0x4000  }
0x17e: {  	[sflag:s28] =	ssyncset.done $0x0  }
0x17f: {  	s19 =	rddreg [dreg:$0xc];
	[sflag:s28] =	ssyncadd.s32 $0xFFFFC000  }
0x180: {  	[tilespmem:s21], [sflag:$0x1] =	stream.indirect.gather [hbm4b:s0+s24], $0x80, s19, s24, $0xb8;
	[tilespmem:$0x1D000] =	vst v63  }
0x181: {  	_ =	swait.ge [sflag:s25], $0x4000  }
0x182: {  	[sflag:s25] =	ssyncset.done $0x0  }
0x183: {  	s20 =	rddreg [dreg:$0xd];
	[sflag:s25] =	ssyncadd.s32 $0xFFFFC000  }
0x184: {  	[spmem:s4] =	stream.indirect.scatter.add.f32 [tilespmem:s21], [sflag:$0x2], $0x80, s20, s24, $0xb8;
	[tilespmem:$0x1D000] =	vst v63  }
0x185: {  	_ =	swait.ge [sflag:s28], $0x4000  }
0x186: {  	[sflag:s28] =	ssyncset.done $0x0  }
0x187: {  	s18 =	rddreg [dreg:$0xe];
	[sflag:s28] =	ssyncadd.s32 $0xFFFFC000  }
0x188: {  	[tilespmem:s26], [sflag:$0x1] =	stream.indirect.gather [hbm4b:s0+s24], $0x80, s18, s24, $0xb8;
	[tilespmem:$0x1D000] =	vst v63  }
0x189: {  	_ =	swait.ge [sflag:s25], $0x4000  }
0x18a: {  	[sflag:s25] =	ssyncset.done $0x0  }
0x18b: {  	s19 =	rddreg [dreg:$0xf];
	[sflag:s25] =	ssyncadd.s32 $0xFFFFC000  }
0x18c: {  	[spmem:s4] =	stream.indirect.scatter.add.f32 [tilespmem:s26], [sflag:$0x2], $0x80, s19, s24, $0xb8;
	[tilespmem:$0x1D000] =	vst v63  }
0x18d: {  	_ =	swait.ge [sflag:s28], $0x4000  }
0x18e: {  	[sflag:s28] =	ssyncset.done $0x0  }
0x18f: {  	s20 =	rddreg [dreg:$0x10];
	[sflag:s28] =	ssyncadd.s32 $0xFFFFC000  }
0x190: {  	[tilespmem:s21], [sflag:$0x1] =	stream.indirect.gather [hbm4b:s0+s24], $0x80, s20, s24, $0xb8;
	[tilespmem:$0x1D000] =	vst v63  }
0x191: {  	_ =	swait.ge [sflag:s25], $0x4000  }
0x192: {  	[sflag:s25] =	ssyncset.done $0x0  }
0x193: {  	s18 =	rddreg [dreg:$0x11];
	[sflag:s25] =	ssyncadd.s32 $0xFFFFC000  }
0x194: {  	[spmem:s4] =	stream.indirect.scatter.add.f32 [tilespmem:s21], [sflag:$0x2], $0x80, s18, s24, $0xb8;
	[tilespmem:$0x1D000] =	vst v63  }
0x195: {  	_ =	swait.ge [sflag:s28], $0x4000  }
0x196: {  	[sflag:s28] =	ssyncset.done $0x0  }
0x197: {  	s19 =	rddreg [dreg:$0x12];
	[sflag:s28] =	ssyncadd.s32 $0xFFFFC000  }
0x198: {  	[tilespmem:s26], [sflag:$0x1] =	stream.indirect.gather [hbm4b:s0+s24], $0x80, s19, s24, $0xb8;
	[tilespmem:$0x1D000] =	vst v63  }
0x199: {  	_ =	swait.ge [sflag:s25], $0x4000  }
0x19a: {  	[sflag:s25] =	ssyncset.done $0x0  }
0x19b: {  	[sflag:s25] =	ssyncadd.s32 $0xFFFFC000  }
0x19c: {  	[spmem:s4] =	stream.indirect.scatter.add.f32 [tilespmem:s26], [sflag:$0x2], $0x80, s29, s24, $0xb8;
	[tilespmem:$0x1D000] =	vst v63  }
0x19d: {  	_ =	swait.ge [sflag:s28], $0x4000  }
0x19e: {  	[sflag:s28] =	ssyncset.done $0x0  }
0x19f: {  	[sflag:s28] =	ssyncadd.s32 $0xFFFFC000  }
0x1a0: {  	[tilespmem:s21], [sflag:$0x1] =	stream.indirect.gather [hbm4b:s0+s24], $0x80, s30, s24, $0xb8;
	[tilespmem:$0x1D000] =	vst v63  }
0x1a1: {  	_ =	swait.ge [sflag:s25], $0x4000  }
0x1a2: {  	[sflag:s25] =	ssyncset.done $0x0  }
0x1a3: {  	[sflag:s25] =	ssyncadd.s32 $0xFFFFC000  }
0x1a4: {  	[spmem:s4] =	stream.indirect.scatter.add.f32 [tilespmem:s21], [sflag:$0x2], $0x80, s31, s24, $0xb8;
	[tilespmem:$0x1D000] =	vst v63  }
0x1a5: {  	_ =	swait.ge [sflag:s28], $0x4000  }
0x1a6: {  	[sflag:s28] =	ssyncset.done $0x0  }
0x1a7: {  	[sflag:s28] =	ssyncadd.s32 $0xFFFFC000  }
0x1a8: {  	[tilespmem:s26], [sflag:$0x1] =	stream.indirect.gather [hbm4b:s0+s24], $0x80, s2, s24, $0xb8;
	[tilespmem:$0x1D000] =	vst v63  }
0x1a9: {  	_ =	swait.ge [sflag:s25], $0x4000  }
0x1aa: {  	[sflag:s25] =	ssyncset.done $0x0  }
0x1ab: {  	[sflag:s25] =	ssyncadd.s32 $0xFFFFC000  }
0x1ac: {  	[spmem:s4] =	stream.indirect.scatter.add.f32 [tilespmem:s26], [sflag:$0x2], $0x80, s1, s24, $0xb8;
	[tilespmem:$0x1D000] =	vst v63  }
0x1ad: {  	_ =	swait.ge [sflag:s28], $0x4000  }
0x1ae: {  	[sflag:s28] =	ssyncset.done $0x0  }
0x1af: {  	[sflag:s28] =	ssyncadd.s32 $0xFFFFC000  }
0x1b0: {  	[tilespmem:s21], [sflag:$0x1] =	stream.indirect.gather [hbm4b:s0+s24], $0x80, s3, s24, $0xb8;
	[tilespmem:$0x1D000] =	vst v63  }
0x1b1: {  	_ =	swait.ge [sflag:s25], $0x4000  }
0x1b2: {  	[sflag:s25] =	ssyncset.done $0x0  }
0x1b3: {  	[sflag:s25] =	ssyncadd.s32 $0xFFFFC000  }
0x1b4: {  	[spmem:s4] =	stream.indirect.scatter.add.f32 [tilespmem:s21], [sflag:$0x2], $0x80, s7, s24, $0xb8;
	[tilespmem:$0x1D000] =	vst v63  }
0x1b5: {  	_ =	swait.ge [sflag:s28], $0x4000  }
0x1b6: {  	[sflag:s28] =	ssyncset.done $0x0  }
0x1b7: {  	[sflag:s28] =	ssyncadd.s32 $0xFFFFC000  }
0x1b8: {  	[tilespmem:s26], [sflag:$0x1] =	stream.indirect.gather [hbm4b:s0+s24], $0x80, s8, s24, $0xb8;
	[tilespmem:$0x1D000] =	vst v63  }
0x1b9: {  	_ =	swait.ge [sflag:s25], $0x4000  }
0x1ba: {  	[sflag:s25] =	ssyncset.done $0x0  }
0x1bb: {  	[sflag:s25] =	ssyncadd.s32 $0xFFFFC000  }
0x1bc: {  	[spmem:s4] =	stream.indirect.scatter.add.f32 [tilespmem:s26], [sflag:$0x2], $0x80, s9, s24, $0xb8;
	[tilespmem:$0x1D000] =	vst v63  }
0x1bd: {  	_ =	swait.ge [sflag:s28], $0x4000  }
0x1be: {  	[sflag:s28] =	ssyncset.done $0x0  }
0x1bf: {  	[sflag:s28] =	ssyncadd.s32 $0xFFFFC000  }
0x1c0: {  	[tilespmem:s21], [sflag:$0x1] =	stream.indirect.gather [hbm4b:s0+s24], $0x80, s10, s24, $0xb8;
	[tilespmem:$0x1D000] =	vst v63  }
0x1c1: {  	_ =	swait.ge [sflag:s25], $0x4000  }
0x1c2: {  	[sflag:s25] =	ssyncset.done $0x0  }
0x1c3: {  	[sflag:s25] =	ssyncadd.s32 $0xFFFFC000  }
0x1c4: {  	[spmem:s4] =	stream.indirect.scatter.add.f32 [tilespmem:s21], [sflag:$0x2], $0x80, s11, s24, $0xb8;
	[tilespmem:$0x1D000] =	vst v63  }
0x1c5: {  	_ =	swait.ge [sflag:s28], $0x4000  }
0x1c6: {  	[sflag:s28] =	ssyncset.done $0x0  }
0x1c7: {  	[sflag:s28] =	ssyncadd.s32 $0xFFFFC000  }
0x1c8: {  	[tilespmem:s26], [sflag:$0x1] =	stream.indirect.gather [hbm4b:s0+s24], $0x80, s12, s24, $0xb8;
	[tilespmem:$0x1D000] =	vst v63  }
0x1c9: {  	_ =	swait.ge [sflag:s25], $0x4000  }
0x1ca: {  	[sflag:s25] =	ssyncset.done $0x0  }
0x1cb: {  	[sflag:s25] =	ssyncadd.s32 $0xFFFFC000  }
0x1cc: {  	[spmem:s4] =	stream.indirect.scatter.add.f32 [tilespmem:s26], [sflag:$0x2], $0x80, s13, s24, $0xb8;
	[tilespmem:$0x1D000] =	vst v63  }
0x1cd: {  	_ =	swait.ge [sflag:s28], $0x4000  }
0x1ce: {  	[sflag:s28] =	ssyncset.done $0x0  }
0x1cf: {  	[sflag:s28] =	ssyncadd.s32 $0xFFFFC000  }
0x1d0: {  	[tilespmem:s21], [sflag:$0x1] =	stream.indirect.gather [hbm4b:s0+s24], $0x80, s14, s24, $0xb8;
	[tilespmem:$0x1D000] =	vst v63  }
0x1d1: {  	_ =	swait.ge [sflag:s25], $0x4000  }
0x1d2: {  	[sflag:s25] =	ssyncset.done $0x0  }
0x1d3: {  	[sflag:s25] =	ssyncadd.s32 $0xFFFFC000  }
0x1d4: {  	[spmem:s4] =	stream.indirect.scatter.add.f32 [tilespmem:s21], [sflag:$0x2], $0x80, s15, s24, $0xb8;
	[tilespmem:$0x1D000] =	vst v63  }
0x1d5: {  	_ =	swait.ge [sflag:s28], $0x4000  }
0x1d6: {  	[sflag:s28] =	ssyncset.done $0x0  }
0x1d7: {  	[sflag:s28] =	ssyncadd.s32 $0xFFFFC000  }
0x1d8: {  	[tilespmem:s26], [sflag:$0x1] =	stream.indirect.gather [hbm4b:s0+s24], $0x80, s16, s24, $0xb8;
	[tilespmem:$0x1D000] =	vst v63  }
0x1d9: {  	_ =	swait.ge [sflag:s25], $0x4000  }
0x1da: {  	[sflag:s25] =	ssyncset.done $0x0  }
0x1db: {  	[sflag:s25] =	ssyncadd.s32 $0xFFFFC000  }
0x1dc: {  	[spmem:s4] =	stream.indirect.scatter.add.f32 [tilespmem:s26], [sflag:$0x2], $0x80, s17, s24, $0xb8;
	[tilespmem:$0x1D000] =	vst v63  }
0x1dd: {  	_ =	swait.ge [sflag:s28], $0x4000  }
0x1de: {  	[sflag:s28] =	ssyncset.done $0x0  }
0x1df: {  	[sflag:s28] =	ssyncadd.s32 $0xFFFFC000  }
0x1e0: {  	_ =	swait.ge [sflag:s28], $0x4000  }
0x1e1: {  	[sflag:s28] =	ssyncset.done $0x0  }
0x1e2: {  	[sflag:s28] =	ssyncadd.s32 $0xFFFFC000  }
0x1e3: {  	[bflag:$0x0] =	sbarrier.arrive $0xFFFF  }
0x1e4: {  	s18 =	rddreg [dreg:$0x13]  }
0x1e5: {  	[tilespmem:s21], [sflag:$0x3] =	stream.linear.gather [spmem:s18], $0x4000, $0x38;
	[tilespmem:$0x1D000] =	vst v63  }
0x1e6: {  	_ =	swait.ge [sflag:s22], $0x4000  }
0x1e7: {  	[sflag:s22] =	ssyncset.done $0x0  }
0x1e8: {  	s20 =	rddreg [dreg:$0x19];
	[sflag:s22] =	ssyncadd.s32 $0xFFFFC000  }
0x1e9: {  	[hbm4b:s20+s5] =	stream.linear.scatter [tilespmem:s21], [sflag:$0x3], $0x4000, $0x38;
	[tilespmem:$0x1D000] =	vst v63  }
0x1ea: {  	_ =	swait.ge [sflag:s22], $0x4000  }
0x1eb: {  	[sflag:s22] =	ssyncset.done $0x0  }
0x1ec: {  	s19 =	rddreg [dreg:$0x1a];
	[sflag:s22] =	ssyncadd.s32 $0xFFFFC000  }
0x1ed: {  	[tilespmem:s21], [sflag:$0x3] =	stream.linear.gather [spmem:s19], $0x4000, $0x38;
	[tilespmem:$0x1D000] =	vst v63  }
0x1ee: {  	_ =	swait.ge [sflag:s22], $0x4000  }
0x1ef: {  	[sflag:s22] =	ssyncset.done $0x0  }
0x1f0: {  	s20 =	rddreg [dreg:$0x1b];
	[sflag:s22] =	ssyncadd.s32 $0xFFFFC000  }
0x1f1: {  	[hbm4b:s20+s5] =	stream.linear.scatter [tilespmem:s21], [sflag:$0x3], $0x4000, $0x38;
	[tilespmem:$0x1D000] =	vst v63  }
0x1f2: {  	_ =	swait.ge [sflag:s22], $0x4000  }
0x1f3: {  	[sflag:s22] =	ssyncset.done $0x0  }
0x1f4: {  	s19 =	rddreg [dreg:$0x1c];
	[sflag:s22] =	ssyncadd.s32 $0xFFFFC000  }
0x1f5: {  	[tilespmem:s21], [sflag:$0x3] =	stream.linear.gather [spmem:s19], $0x4000, $0x38;
	[tilespmem:$0x1D000] =	vst v63  }
0x1f6: {  	_ =	swait.ge [sflag:s22], $0x4000  }
0x1f7: {  	[sflag:s22] =	ssyncset.done $0x0  }
0x1f8: {  	s20 =	rddreg [dreg:$0x1d];
	[sflag:s22] =	ssyncadd.s32 $0xFFFFC000  }
0x1f9: {  	[hbm4b:s20+s5] =	stream.linear.scatter [tilespmem:s21], [sflag:$0x3], $0x4000, $0x38;
	[tilespmem:$0x1D000] =	vst v63  }
0x1fa: {  	_ =	swait.ge [sflag:s22], $0x4000  }
0x1fb: {  	[sflag:s22] =	ssyncset.done $0x0  }
0x1fc: {  	s19 =	rddreg [dreg:$0x1e];
	[sflag:s22] =	ssyncadd.s32 $0xFFFFC000  }
0x1fd: {  	[tilespmem:s21], [sflag:$0x3] =	stream.linear.gather [spmem:s19], $0x4000, $0x38;
	[tilespmem:$0x1D000] =	vst v63  }
0x1fe: {  	_ =	swait.ge [sflag:s22], $0x4000  }
0x1ff: {  	[sflag:s22] =	ssyncset.done $0x0  }
0x200: {  	s20 =	rddreg [dreg:$0x1f];
	[sflag:s22] =	ssyncadd.s32 $0xFFFFC000  }
0x201: {  	[hbm4b:s20+s5] =	stream.linear.scatter [tilespmem:s21], [sflag:$0x3], $0x4000, $0x38;
	[tilespmem:$0x1D000] =	vst v63  }
0x202: {  	_ =	swait.ge [sflag:s22], $0x4000  }
0x203: {  	s19 =	sld [smem:$0x7FC]  }
0x204: {  	[sflag:s22] =	ssyncset.done $0x0  }
0x205: {  	[sflag:s22] =	ssyncadd.s32 $0xFFFFC000  }
0x206: {  	[tilespmem:s21], [sflag:$0x3] =	stream.linear.gather [spmem:s19], $0x4000, $0x38;
	[tilespmem:$0x1D000] =	vst v63  }
0x207: {  	_ =	swait.ge [sflag:s22], $0x4000  }
0x208: {  	s20 =	sld [smem:$0x7FD]  }
0x209: {  	[sflag:s22] =	ssyncset.done $0x0  }
0x20a: {  	[sflag:s22] =	ssyncadd.s32 $0xFFFFC000  }
0x20b: {  	[hbm4b:s20+s5] =	stream.linear.scatter [tilespmem:s21], [sflag:$0x3], $0x4000, $0x38;
	[tilespmem:$0x1D000] =	vst v63  }
0x20c: {  	_ =	swait.ge [sflag:s22], $0x4000  }
0x20d: {  	s6 =	sld [smem:$0x7FB];
	_ =	sdelay $0x2  }
0x20e: {  	s20 =	rddreg [dreg:$0x14];
	s19 =	sadd.s32 $0x1, s6  }
0x20f: {  	p0 =	sne.s32 s19, s20  }
.Ltmp1:
0x210: {  	_ = 	snop;
	(pc) =	sbr.rel @p0 .LBB2_1-.Ltmp1, $3  }
0x211: {  	_ =	sdelay $0x1  }
0x212: {  	[sflag:s22] =	ssyncset.done $0x0  }
0x213: {  	[sflag:s22] =	ssyncadd.s32 $0xFFFFC000  }
0x214: {  	_ =	sfence.sel $0x180000  }
0x215: {  	[bflag:$0x0] =	sbarrier.arrive $0xFFFF  }
0x216: {  	_ =	strace $0x9000004A  }
0x217: {  	s0 =	stileid.u32;
	[bflag:$0x2] =	sbarrier.arrive $0xFFFF  }
0x218: {  	p0 =	sne.s32 s0, $0x0;
	s0 =	rddreg [dreg:$0x4]  }
0x219: {  	s0 =	sadd.s32 @!p0 $0x100000, s0  }
0x21a: {  	[sflag:s0] =	ssyncadd.tile.s32 @!p0 $0x1;
	_ =	shalt  }
.Lfunc_end2:
_tile_overlayer_lowered:
.L_overlay_start_2:
0x21b: {  	(tag) =	ssettag $0x2  }
0x21c: {  	s0 =	rddreg [dreg:$0x0];
	s2 =	stileid.u32  }
0x21d: {  	s1 =	rddreg [dreg:$0x1];
	p0 =	sne.s32 s2, $0x0  }
0x21e: {  	s3 =	rddreg [dreg:$0x2];
	[bflag:$0x3] =	sbarrier.arrive $0xFFFF;
	s2 =	simm.s32 @!p0 $0x1C03  }
0x21f: {  	[timem:s3], [sflag:s2] =	dma.local @!p0 [hbm:s0], s1  }
0x220: {  	s0 =	simm.s32 @!p0 $0x3  }
0x221: {  	_ =	swait.ge @!p0 [sflag:s0], s1  }
0x222: {  	s1 =	ssub.s32 @!p0 $0x0, s1;
	[sflag:s0] =	ssyncset.done @!p0 $0x0  }
0x223: {  	[sflag:s0] =	ssyncadd.s32 @!p0 s1  }
0x224: {  	[bflag:$0x3] =	sbarrier.arrive $0xFFFF  }
0x225: {  	_ =	shalt  }

// kernel: kernel.13.cloned.1.call-start
scs
__scs_entry_jumppad:
0x0: {  	(pc) =	sbr.rel $0x88, $3  }
0x1: {  	(tag) =	ssettag $0x0;
	lr =	simm.s32 $0x1  }
0x2: {  	[smem:$0x3F9B] =	sst lr;
	_ =	strace $0xD0000000  }
0x3: {  	_ = 	snop  }
0x4: {  	_ = 	snop  }
0x5: {  	_ = 	snop  }
0x6: {  	_ = 	snop  }
0x7: {  	_ = 	snop  }
__scs_overlays_trampoline_lowered:
0x8: {  	[smem:$0x3FAA] =	sst s0  }
0x9: {  	[smem:$0x3FAB] =	sst s1  }
0xa: {  	[smem:$0x3FAC] =	sst s2  }
0xb: {  	[smem:$0x3FAD] =	sst s3  }
0xc: {  	[smem:$0x3FAE] =	sst s4  }
0xd: {  	[smem:$0x3FAF] =	sst s5  }
0xe: {  	[smem:$0x3FB0] =	sst s6  }
0xf: {  	[smem:$0x3FB1] =	sst s7  }
0x10: {  	[smem:$0x3FB2] =	sst s8  }
0x11: {  	[smem:$0x3FB3] =	sst s9;
	s0 =	simm.s32 @!p0 $0x0  }
0x12: {  	s1 =	sld [smem:$0x3F99];
	s0 =	simm.s32 @p0 $0x1  }
0x13: {  	[smem:$0x3FB4] =	sst s0;
	s0 =	simm.s32 @!p1 $0x0  }
0x14: {  	s2 =	sld [smem:$0x3F98];
	s0 =	simm.s32 @p1 $0x1  }
0x15: {  	[smem:$0x3FB5] =	sst s0;
	s0 =	simm.s32 @!p2 $0x0  }
0x16: {  	s3 =	sld [smem:$0x3FDB];
	s0 =	simm.s32 @p2 $0x1  }
0x17: {  	s4 =	simm.s32 $0x1BF5;
	[smem:$0x3FB7] =	sst s0  }
0x18: {  	s0 =	sld [smem:$0x3F9A];
	_ =	swait.ge [sflag:s4], $0x0  }
0x19: {  	s7 =	sld [smem:$0x3F9B]  }
0x1a: {  	s8 =	sadd.s32 $0xFFFFE003, lr  }
0x1b: {  	s9 =	sadd.s32 $0xFFFFFEF7, lr;
	s5 =	simm.s32 $0xFFFFFFFF;
	p2 =	slt.u32 s8, $0xFFFFF086  }
0x1c: {  	p1 =	slt.u32 s9, $0xF7A;
	s5 =	simm.s32 @!p2 $0x0  }
0x1d: {  	s5 =	simm.s32 @p1 $0x1;
	p0 =	seq.s32 s7, s2  }
0x1e: {  	s7 =	smul.u32 @!p0 $0xF7A, s2;
	p2 =	seq.s32 @!p0 s5, $0x0  }
0x1f: {  	s9 =	smul.u32 $0xF7A, s1;
	s8 =	simm.s32 @!p0 $0x1BF5;
	p2 =	por !p2, p0  }
0x20: {  	[sflag:s8] =	ssyncset.s32 @!p0 $0xFFFFF086;
	s6 =	sadd.s32 @!p0 s3, s7;
	s7 =	simm.s32 @!p0 $0x108  }
0x21: {  	s3 =	sadd.s32 s3, s9;
	s6 =	sadd.s32 @!p0 $0x88, s6;
	s7 =	simm.s32 @p2 $0x1082  }
0x22: {  	[simem:s7], [sflag:s8] =	dma.local @!p0 [hbm:s6], $0xF7A  }
0x23: {  	s9 =	sor.u32 $0xD0000000, s2;
	s6 =	simm.s32 $0x108;
	_ =	swait.ge @!p0 [sflag:s8], $0x0  }
0x24: {  	s3 =	sadd.s32 $0x88, s3;
	s6 =	simm.s32 @!p1 $0x1082;
	[sflag:s4] =	ssyncset.s32 $0xFFFFF086  }
0x25: {  	[simem:s6], [sflag:s4] =	dma.local [hbm:s3], $0xF7A  }
0x26: {  	[smem:$0x3F9B] =	sst s1;
	(tag) =	ssettag s2;
	_ =	strace s9  }
0x27: {  	s1 =	sld [smem:$0x3FAB]  }
0x28: {  	s2 =	sld [smem:$0x3FAC]  }
0x29: {  	s4 =	sld [smem:$0x3FAE]  }
0x2a: {  	p0 =	seq.s32 s5, $0x0;
	s5 =	sld [smem:$0x3FAF]  }
0x2b: {  	s6 =	sld [smem:$0x3FB0]  }
0x2c: {  	s7 =	sld [smem:$0x3FB1]  }
0x2d: {  	s3 =	simm.s32 $0x108;
	s8 =	sld [smem:$0x3FB2]  }
0x2e: {  	s3 =	simm.s32 @!p0 $0x1082;
	s9 =	sld [smem:$0x3FB3]  }
0x2f: {  	lr =	sadd.s32 s0, s3;
	s0 =	sld [smem:$0x3FAA]  }
0x30: {  	s3 =	sld [smem:$0x3FAD]  }
0x31: {  	[smem:$0x3FB6] =	sst s10  }
0x32: {  	s10 =	sld [smem:$0x3FB4];
	_ =	sdelay $0x3  }
0x33: {  	p0 =	seq.s32 s10, $0x1;
	s10 =	sld [smem:$0x3FB6];
	_ =	sdelay $0x3  }
0x34: {  	[smem:$0x3FB6] =	sst s10  }
0x35: {  	s10 =	sld [smem:$0x3FB5];
	_ =	sdelay $0x3  }
0x36: {  	p1 =	seq.s32 s10, $0x1;
	s10 =	sld [smem:$0x3FB6];
	_ =	sdelay $0x3  }
0x37: {  	[smem:$0x3FB6] =	sst s10  }
0x38: {  	s10 =	sld [smem:$0x3FB7]  }
0x39: {  	_ = 	snop;
	(pc) =	sbr.ind lr, $3  }
0x3a: {  	_ = 	snop  }
0x3b: {  	_ = 	snop  }
0x3c: {  	p2 =	seq.s32 s10, $0x1;
	s10 =	sld [smem:$0x3FB6]  }
0x3d: {  	_ =	shalt  }
0x3e: {  	_ =	shalt  }
0x3f: {  	_ =	shalt  }
0x40: {  	_ =	shalt  }
0x41: {  	_ =	shalt  }
0x42: {  	_ =	shalt  }
0x43: {  	_ =	shalt  }
0x44: {  	_ =	shalt  }
0x45: {  	_ =	shalt  }
0x46: {  	_ =	shalt  }
0x47: {  	_ =	shalt  }
0x48: {  	_ =	shalt  }
0x49: {  	_ =	shalt  }
0x4a: {  	_ =	shalt  }
0x4b: {  	_ =	shalt  }
0x4c: {  	_ =	shalt  }
0x4d: {  	_ =	shalt  }
0x4e: {  	_ =	shalt  }
0x4f: {  	_ =	shalt  }
0x50: {  	_ =	shalt  }
0x51: {  	_ =	shalt  }
0x52: {  	_ =	shalt  }
0x53: {  	_ =	shalt  }
0x54: {  	_ =	shalt  }
0x55: {  	_ =	shalt  }
0x56: {  	_ =	shalt  }
0x57: {  	_ =	shalt  }
0x58: {  	_ =	shalt  }
0x59: {  	_ =	shalt  }
0x5a: {  	_ =	shalt  }
0x5b: {  	_ =	shalt  }
0x5c: {  	_ =	shalt  }
0x5d: {  	_ =	shalt  }
0x5e: {  	_ =	shalt  }
0x5f: {  	_ =	shalt  }
0x60: {  	_ =	shalt  }
0x61: {  	_ =	shalt  }
0x62: {  	_ =	shalt  }
0x63: {  	_ =	shalt  }
0x64: {  	_ =	shalt  }
0x65: {  	_ =	shalt  }
0x66: {  	_ =	shalt  }
0x67: {  	_ =	shalt  }
0x68: {  	_ =	shalt  }
0x69: {  	_ =	shalt  }
0x6a: {  	_ =	shalt  }
0x6b: {  	_ =	shalt  }
0x6c: {  	_ =	shalt  }
0x6d: {  	_ =	shalt  }
0x6e: {  	_ =	shalt  }
0x6f: {  	_ =	shalt  }
0x70: {  	_ =	shalt  }
0x71: {  	_ =	shalt  }
0x72: {  	_ =	shalt  }
0x73: {  	_ =	shalt  }
0x74: {  	_ =	shalt  }
0x75: {  	_ =	shalt  }
0x76: {  	_ =	shalt  }
0x77: {  	_ =	shalt  }
0x78: {  	_ =	shalt  }
0x79: {  	_ =	shalt  }
0x7a: {  	_ =	shalt  }
0x7b: {  	_ =	shalt  }
0x7c: {  	_ =	shalt  }
0x7d: {  	_ =	shalt  }
0x7e: {  	_ =	shalt  }
0x7f: {  	_ =	shalt  }
0x80: {  	_ =	shalt  }
0x81: {  	_ =	shalt  }
0x82: {  	_ =	shalt  }
0x83: {  	_ =	shalt  }
0x84: {  	_ =	shalt  }
0x85: {  	_ =	shalt  }
0x86: {  	_ =	shalt  }
0x87: {  	_ =	shalt  }
.Lfunc_end0:
.L_simem_size_0:
called_computation.2_lowered:
.L_overlay_start_0:
0x88: {  	s2 =	sld [smem:$0x3FD9]  }
0x89: {  	s3 =	sld [smem:$0x3FFE];
	_ =	sdelay $0x1  }
0x8a: {  	s1 =	srdreg.scid  }
0x8b: {  	s0 =	sand.u32 $0x1, s1  }
0x8c: {  	s17 =	sshll.u32 s0, $0xA;
	s2 =	sadd.s32 s3, s2  }
0x8d: {  	s2 =	sadd.s32 s2, s17  }
0x8e: {  	[smem:$0x3FC2] =	sst s2  }
0x8f: {  	_ = 	snop  }
0x90: {  	s2 =	sld [smem:$0x3FD0];
	(tm) =	ssettm $0x1  }
0x91: {  	s18 =	sld [smem:$0x3FFB];
	_ =	sdelay $0x3  }
0x92: {  	_ =	strace s18  }
0x93: {  	s3 =	sld [smem:$0x3FFC];
	_ =	sdelay $0x3  }
0x94: {  	_ =	strace s3  }
0x95: {  	s3 =	sld [smem:$0x3FFD];
	_ =	sdelay $0x3  }
0x96: {  	_ =	strace s3  }
0x97: {  	_ =	strace $0x8FFFFFFF  }
0x98: {  	s19 =	sld [smem:$0x3FDB];
	_ =	sdelay $0x1  }
0x99: {  	s4 =	simm.s32 $_scs_section_size  }
0x9a: {  	s5 =	simm.s32 $_size__tile_overlayer_lowered;
	s6 =	simm.s32 $_tile_overlayer_lowered  }
0x9b: {  	s22 =	simm.s32 $0x1BFF;
	s21 =	sshll.u32 s6, $0x1;
	s3 =	sadd.s32 s4, s19  }
0x9c: {  	s7 =	simm.s32 $0x0;
	s20 =	sshll.u32 s5, $0x1;
	s5 =	sadd.s32 s21, s3  }
0x9d: {  	[timem:s7], [sflag:s22] =	dma.local [hbm:s5], s20  }
0x9e: {  	_ =	swait.ge [sflag:s22], s20  }
0x9f: {  	s4 =	ssub.s32 $0x0, s20;
	[sflag:s22] =	ssyncset.done $0x0  }
0xa0: {  	[sflag:s22] =	ssyncadd.s32 s4;
	_ =	sdelay $0x1  }
0xa1: {  	s23 =	simm.s32 $0x1B8B  }
0xa2: {  	_ =	swait.ge [sflag:s23], $0x1  }
0xa3: {  	[sflag:s23] =	ssyncset.done $0x0  }
0xa4: {  	s25 =	simm.s32 $0x1B8E;
	s24 =	sld [smem:$0x3FFE];
	[sflag:s23] =	ssyncadd.s32 $0xFFFFFFFF  }
0xa5: {  	s26 =	simm.s32 $execute0_lowered;
	[smem:$0x3FD2] =	sst s25  }
0xa6: {  	s5 =	sshll.u32 s26, $0x1;
	_ =	strace $0x8000004C;
	[dreg:$0x1] =	wrdreg $0xFFFFFFFF  }
0xa7: {  	s28 =	simm.s32 $_size_execute0_lowered;
	s3 =	sadd.s32 s3, s5;
	[dreg:$0x0] =	wrdreg $0x0  }
0xa8: {  	s5 =	sshll.u32 s28, $0x1;
	[dreg:$0x2] =	wrdreg s3  }
0xa9: {  	[dreg:$0x3] =	wrdreg s5  }
0xaa: {  	[dreg:$0x4] =	wrdreg $0xC0  }
0xab: {  	_ =	task [dreg:s7], $0x5FFFF  }
0xac: {  	[dreg:$0x1] =	wrdreg $0xFFFFFFFF  }
0xad: {  	[dreg:$0x0] =	wrdreg $0x60  }
0xae: {  	[dreg:$0x2] =	wrdreg s2  }
0xaf: {  	[dreg:$0x3] =	wrdreg s24  }
0xb0: {  	[dreg:$0x4] =	wrdreg $0x50000  }
0xb1: {  	[dreg:$0x5] =	wrdreg $0x9  }
0xb2: {  	_ =	task.clear_ibuf [dreg:s7], $0x6FFFF;
	_ =	strace $0x9000004C  }
0xb3: {  	s29 =	simm.s32 $0x9;
	_ =	strace $0x8000004E  }
0xb4: {  	_ =	swait.ge [sflag:s29], $0x1  }
0xb5: {  	[sflag:s29] =	ssyncadd.s32 $0xFFFFFFFF  }
0xb6: {  	_ =	strace $0x9000004E  }
0xb7: {  	_ =	sfence  }
0xb8: {  	s30 =	sld [smem:$0x0];
	_ =	sdelay $0x2  }
0xb9: {  	s31 =	sshll.u32 s1, $0xD;
	s1 =	sshrl.u32 s1, $0x2  }
0xba: {  	s3 =	sand.u32 $0x4000, s31;
	s1 =	sadd.s32 s1, s30  }
0xbb: {  	s0 =	sor.u32 s3, s0;
	s1 =	sshll.u32 s1, $0x11  }
0xbc: {  	s0 =	sor.u32 s1, s0  }
0xbd: {  	s0 =	sadd.s32 $0x8F2B, s0  }
0xbe: {  	[sflag:s0] =	ssyncadd.remote.s32 $0x1  }
0xbf: {  	_ =	sfence.sel $0xFFFF  }
0xc0: {  	[dreg:$0x0] =	wrdreg $0xFFFFFFFF;
	(pc) =	sbr.abs _section_cstart, $3  }
0xc1: {  	[dreg:$0x1] =	wrdreg $0xFFFFFFFF  }
0xc2: {  	_ =	task.clear_ibuf [dreg:s7], $0x2FFFF;
	_ =	strace $0x9FFFFFFF  }
0xc3: {  	(tm) =	ssettm $0x7FFFFFFF  }
tec
execute0_lowered:
.L_overlay_start_1:
0x0: {  	(tag) =	ssettag $0x1  }
0x1: {  	s0 =	rddreg [dreg:$0x0]  }
0x2: {  	s2 =	rddreg [dreg:$0x1]  }
0x3: {  	s1 =	srdreg.scid;
	s3 =	rddreg [dreg:$0x2]  }
0x4: {  	s9 =	stileid.u32;
	s4 =	simm.s32 $0x0;
	s12 =	simm.s32 $0x880  }
0x5: {  	s28 =	simm.s32 $0x2;
	s29 =	simm.s32 $0xB80;
	s30 =	simm.s32 $0x400  }
0x6: {  	s31 =	simm.s32 $0xC00;
	s5 =	sand.u32 $0x1, s1;
	s6 =	smul.u32 $0x5000, s9  }
0x7: {  	[smem:$0x7FF] =	sst s4;
	s7 =	smul.u32 $0x28000, s9;
	s8 =	sadd.s32 $0x15600, s2  }
0x8: {  	s1 =	smul.u32 $0x2800, s5;
	_ =	strace $0x8000004D;
	[dreg:$0x12] =	wrdreg s8  }
0x9: {  	s5 =	ssub.s32 $0x2, s5;
	s8 =	smul.u32 $0x280, s9;
	[dreg:$0x6] =	wrdreg s12  }
0xa: {  	s12 =	simm.s32 $0x680;
	s13 =	sshrl.u32 s5, $0x1;
	s7 =	sshrl.u32 s7, $0x2  }
0xb: {  	s6 =	sadd.s32 s1, s6;
	s5 =	ssub.s32 s5, s13;
	s18 =	sadd.s32 s7, s3  }
0xc: {  	s16 =	sadd.s32 s1, s8;
	s17 =	sadd.s32 $0x80, s8;
	s22 =	sadd.s32 $0x100, s8  }
0xd: {  	s26 =	sadd.s32 $0x180, s8;
	s13 =	simm.s32 $0x100;
	s6 =	sshrl.u32 s6, $0x3  }
0xe: {  	s5 =	smax.u32 s5, $0x1;
	s14 =	sadd.s32 $0x2000, s18;
	[dreg:$0x7] =	wrdreg s13  }
0xf: {  	s15 =	sadd.s32 $0x4000, s18;
	s7 =	sadd.s32 $0x6000, s18;
	[dreg:$0x13] =	wrdreg s18  }
0x10: {  	s19 =	sadd.s32 $0x8000, s18;
	s20 =	sshll.u32 s17, $0x6;
	[dreg:$0x14] =	wrdreg s5  }
0x11: {  	s21 =	sadd.s32 s1, s17;
	s23 =	sshll.u32 s22, $0x6;
	[dreg:$0x15] =	wrdreg s14  }
0x12: {  	s10 =	sshll.u32 s26, $0x6;
	s17 =	simm.s32 $0x980;
	[dreg:$0x16] =	wrdreg s15  }
0x13: {  	s13 =	simm.s32 $0xE80;
	s6 =	sadd.s32 s6, s2;
	[dreg:$0x17] =	wrdreg s7  }
0x14: {  	s2 =	sadd.s32 $0x15A00, s2;
	s5 =	sshll.u32 s16, $0x3;
	[dreg:$0x18] =	wrdreg s19  }
0x15: {  	s7 =	sadd.s32 s1, s22;
	s24 =	sadd.s32 s23, s3;
	s11 =	sadd.s32 s10, s3  }
0x16: {  	s14 =	simm.s32 $0x900;
	s15 =	simm.s32 $0x180;
	[dreg:$0xa] =	wrdreg s17  }
0x17: {  	s16 =	sadd.s32 $0x200, s8;
	s22 =	simm.s32 $0x280;
	[dreg:$0x1c] =	wrdreg s24  }
0x18: {  	s23 =	simm.s32 $0xA80;
	s8 =	simm.s32 $0x580;
	[dreg:$0x1e] =	wrdreg s11  }
0x19: {  	s10 =	simm.s32 $0x600;
	s17 =	simm.s32 $0xF80;
	[dreg:$0x8] =	wrdreg s14  }
0x1a: {  	s5 =	sadd.s32 s2, s5;
	s25 =	sshll.u32 s7, $0x3;
	[dreg:$0x9] =	wrdreg s15  }
0x1b: {  	s9 =	sadd.s32 $0x1600, s6;
	s6 =	sadd.s32 $0xB600, s6;
	[dreg:$0xd] =	wrdreg s22  }
0x1c: {  	s19 =	sshll.u32 s16, $0x6;
	[dreg:$0xe] =	wrdreg s23;
	s24 =	simm.s32 $0x300  }
0x1d: {  	s22 =	simm.s32 $0x3;
	s23 =	simm.s32 $0x800;
	[dreg:$0x19] =	wrdreg s5  }
0x1e: {  	s11 =	simm.s32 $0xE00;
	s14 =	simm.s32 $0x700;
	[dreg:$0x4] =	wrdreg s9  }
0x1f: {  	s15 =	simm.s32 $0xF00;
	s5 =	sadd.s32 s20, s3;
	[dreg:$0x5] =	wrdreg s6  }
0x20: {  	s20 =	simm.s32 $0x200;
	s7 =	sadd.s32 s19, s3;
	[dreg:$0xf] =	wrdreg s24  }
0x21: {  	s24 =	simm.s32 $0x80;
	s9 =	simm.s32 $0xD80;
	[dreg:$0x1a] =	wrdreg s5  }
0x22: {  	s19 =	simm.s32 $0x0;
	s5 =	sshll.u32 s21, $0x3;
	[smem:$0x7FC] =	sst s7  }
0x23: {  	[dreg:$0xb] =	wrdreg s20;
	s21 =	simm.s32 $0xA00;
	s7 =	simm.s32 $0xD00  }
0x24: {  	s5 =	sadd.s32 s2, s5;
	[dreg:$0xc] =	wrdreg s21;
	s21 =	simm.s32 $0x1000  }
0x25: {  	[dreg:$0x1b] =	wrdreg s5;
	s5 =	sadd.s32 s2, s25;
	s25 =	simm.s32 $0xB00  }
0x26: {  	[dreg:$0x1d] =	wrdreg s5;
	s5 =	sadd.s32 s1, s26;
	s1 =	sadd.s32 s1, s16  }
0x27: {  	[dreg:$0x10] =	wrdreg s25;
	s26 =	simm.s32 $0x380;
	s25 =	simm.s32 $0x1  }
0x28: {  	s16 =	simm.s32 $0x780;
	s5 =	sshll.u32 s5, $0x3;
	s1 =	sshll.u32 s1, $0x3  }
0x29: {  	[dreg:$0x11] =	wrdreg s26;
	s26 =	simm.s32 $0x3000;
	s5 =	sadd.s32 s2, s5  }
0x2a: {  	s1 =	sadd.s32 s2, s1;
	s2 =	simm.s32 $0xC80;
	[dreg:$0x1f] =	wrdreg s5  }
0x2b: {  	[smem:$0x7FD] =	sst s1;
	s1 =	simm.s32 $0x480;
	s5 =	simm.s32 $0x500  }
.LBB2_1:
0x2c: {  	[smem:$0x7FB] =	sst s19  }
0x2d: {  	s6 =	rddreg [dreg:$0x12]  }
0x2e: {  	[tilespmem:s21], [sflag:$0x3] =	stream.linear.gather [hbm4b:s6+s4], $0x2000, $0x38;
	[tilespmem:$0xF000] =	vst v63  }
0x2f: {  	_ =	swait.ge [sflag:s22], $0x2000  }
0x30: {  	[sflag:s22] =	ssyncset.done $0x0  }
0x31: {  	[sflag:s22] =	ssyncadd.s32 $0xFFFFE000  }
0x32: {  	[spmem:s18] =	stream.linear.scatter [tilespmem:s21], [sflag:$0x3], $0x2000, $0x38;
	[tilespmem:$0xF000] =	vst v63  }
0x33: {  	_ =	swait.ge [sflag:s22], $0x2000  }
0x34: {  	[sflag:s22] =	ssyncset.done $0x0  }
0x35: {  	s18 =	rddreg [dreg:$0x15];
	[sflag:s22] =	ssyncadd.s32 $0xFFFFE000  }
0x36: {  	[spmem:s18] =	stream.linear.scatter [tilespmem:s21], [sflag:$0x3], $0x2000, $0x38;
	[tilespmem:$0xF000] =	vst v63  }
0x37: {  	_ =	swait.ge [sflag:s22], $0x2000  }
0x38: {  	[sflag:s22] =	ssyncset.done $0x0  }
0x39: {  	s19 =	rddreg [dreg:$0x16];
	[sflag:s22] =	ssyncadd.s32 $0xFFFFE000  }
0x3a: {  	[spmem:s19] =	stream.linear.scatter [tilespmem:s21], [sflag:$0x3], $0x2000, $0x38;
	[tilespmem:$0xF000] =	vst v63  }
0x3b: {  	_ =	swait.ge [sflag:s22], $0x2000  }
0x3c: {  	[sflag:s22] =	ssyncset.done $0x0  }
0x3d: {  	s20 =	rddreg [dreg:$0x17];
	[sflag:s22] =	ssyncadd.s32 $0xFFFFE000  }
0x3e: {  	[spmem:s20] =	stream.linear.scatter [tilespmem:s21], [sflag:$0x3], $0x2000, $0x38;
	[tilespmem:$0xF000] =	vst v63  }
0x3f: {  	_ =	swait.ge [sflag:s22], $0x2000  }
0x40: {  	[sflag:s22] =	ssyncset.done $0x0  }
0x41: {  	s18 =	rddreg [dreg:$0x18];
	[sflag:s22] =	ssyncadd.s32 $0xFFFFE000  }
0x42: {  	[spmem:s18] =	stream.linear.scatter [tilespmem:s21], [sflag:$0x3], $0x2000, $0x38;
	[tilespmem:$0xF000] =	vst v63  }
0x43: {  	_ =	swait.ge [sflag:s22], $0x2000  }
0x44: {  	[sflag:s22] =	ssyncset.done $0x0  }
0x45: {  	[sflag:s22] =	ssyncadd.s32 $0xFFFFE000  }
0x46: {  	[bflag:$0x0] =	sbarrier.arrive $0xFFFF  }
0x47: {  	s19 =	rddreg [dreg:$0x5]  }
0x48: {  	s6 =	sadd.s32 $0x0, s19  }
0x49: {  	[tilespmem:s4], [sflag:$0x3] =	stream.linear.gather [hbm4b:s6+s4], $0x800, $0x38;
	[tilespmem:$0xF000] =	vst v63  }
0x4a: {  	_ =	swait.ge [sflag:s22], $0x800  }
0x4b: {  	s20 =	rddreg [dreg:$0x4];
	[sflag:s22] =	ssyncset.done $0x0  }
0x4c: {  	[sflag:s22] =	ssyncadd.s32 $0xFFFFF800;
	s6 =	sadd.s32 $0x0, s20  }
0x4d: {  	[tilespmem:s23], [sflag:$0x3] =	stream.linear.gather [hbm4b:s6+s4], $0x800, $0x38;
	[tilespmem:$0xF000] =	vst v63  }
0x4e: {  	_ =	swait.ge [sflag:s22], $0x800  }
0x4f: {  	[sflag:s22] =	ssyncset.done $0x0  }
0x50: {  	[sflag:s22] =	ssyncadd.s32 $0xFFFFF800  }
0x51: {  	[tilespmem:s21], [sflag:$0x1] =	stream.indirect.gather [hbm4b:s0+s24], $0x40, s4, s24, $0xb8;
	[tilespmem:$0xF000] =	vst v63  }
0x52: {  	_ =	swait.ge [sflag:s25], $0x2000  }
0x53: {  	[sflag:s25] =	ssyncset.done $0x0  }
0x54: {  	[sflag:s25] =	ssyncadd.s32 $0xFFFFE000  }
0x55: {  	[spmem:s3] =	stream.indirect.scatter.add.f32 [tilespmem:s21], [sflag:$0x2], $0x40, s23, s24, $0xb8;
	[tilespmem:$0xF000] =	vst v63  }
0x56: {  	_ = 	snop  }
0x57: {  	[tilespmem:s26], [sflag:$0x1] =	stream.indirect.gather [hbm4b:s0+s24], $0x40, s24, s24, $0xb8;
	[tilespmem:$0xF000] =	vst v63  }
0x58: {  	_ =	swait.ge [sflag:s25], $0x2000  }
0x59: {  	[sflag:s25] =	ssyncset.done $0x0  }
0x5a: {  	s18 =	rddreg [dreg:$0x6];
	[sflag:s25] =	ssyncadd.s32 $0xFFFFE000  }
0x5b: {  	[spmem:s3] =	stream.indirect.scatter.add.f32 [tilespmem:s26], [sflag:$0x2], $0x40, s18, s24, $0xb8;
	[tilespmem:$0xF000] =	vst v63  }
0x5c: {  	_ =	swait.ge [sflag:s28], $0x2000  }
0x5d: {  	[sflag:s28] =	ssyncset.done $0x0  }
0x5e: {  	s19 =	rddreg [dreg:$0x7];
	[sflag:s28] =	ssyncadd.s32 $0xFFFFE000  }
0x5f: {  	[tilespmem:s21], [sflag:$0x1] =	stream.indirect.gather [hbm4b:s0+s24], $0x40, s19, s24, $0xb8;
	[tilespmem:$0xF000] =	vst v63  }
0x60: {  	_ =	swait.ge [sflag:s25], $0x2000  }
0x61: {  	[sflag:s25] =	ssyncset.done $0x0  }
0x62: {  	s20 =	rddreg [dreg:$0x8];
	[sflag:s25] =	ssyncadd.s32 $0xFFFFE000  }
0x63: {  	[spmem:s3] =	stream.indirect.scatter.add.f32 [tilespmem:s21], [sflag:$0x2], $0x40, s20, s24, $0xb8;
	[tilespmem:$0xF000] =	vst v63  }
0x64: {  	_ =	swait.ge [sflag:s28], $0x2000  }
0x65: {  	[sflag:s28] =	ssyncset.done $0x0  }
0x66: {  	s18 =	rddreg [dreg:$0x9];
	[sflag:s28] =	ssyncadd.s32 $0xFFFFE000  }
0x67: {  	[tilespmem:s26], [sflag:$0x1] =	stream.indirect.gather [hbm4b:s0+s24], $0x40, s18, s24, $0xb8;
	[tilespmem:$0xF000] =	vst v63  }
0x68: {  	_ =	swait.ge [sflag:s25], $0x2000  }
0x69: {  	[sflag:s25] =	ssyncset.done $0x0  }
0x6a: {  	s19 =	rddreg [dreg:$0xa];
	[sflag:s25] =	ssyncadd.s32 $0xFFFFE000  }
0x6b: {  	[spmem:s3] =	stream.indirect.scatter.add.f32 [tilespmem:s26], [sflag:$0x2], $0x40, s19, s24, $0xb8;
	[tilespmem:$0xF000] =	vst v63  }
0x6c: {  	_ =	swait.ge [sflag:s28], $0x2000  }
0x6d: {  	[sflag:s28] =	ssyncset.done $0x0  }
0x6e: {  	s20 =	rddreg [dreg:$0xb];
	[sflag:s28] =	ssyncadd.s32 $0xFFFFE000  }
0x6f: {  	[tilespmem:s21], [sflag:$0x1] =	stream.indirect.gather [hbm4b:s0+s24], $0x40, s20, s24, $0xb8;
	[tilespmem:$0xF000] =	vst v63  }
0x70: {  	_ =	swait.ge [sflag:s25], $0x2000  }
0x71: {  	[sflag:s25] =	ssyncset.done $0x0  }
0x72: {  	s18 =	rddreg [dreg:$0xc];
	[sflag:s25] =	ssyncadd.s32 $0xFFFFE000  }
0x73: {  	[spmem:s3] =	stream.indirect.scatter.add.f32 [tilespmem:s21], [sflag:$0x2], $0x40, s18, s24, $0xb8;
	[tilespmem:$0xF000] =	vst v63  }
0x74: {  	_ =	swait.ge [sflag:s28], $0x2000  }
0x75: {  	[sflag:s28] =	ssyncset.done $0x0  }
0x76: {  	s19 =	rddreg [dreg:$0xd];
	[sflag:s28] =	ssyncadd.s32 $0xFFFFE000  }
0x77: {  	[tilespmem:s26], [sflag:$0x1] =	stream.indirect.gather [hbm4b:s0+s24], $0x40, s19, s24, $0xb8;
	[tilespmem:$0xF000] =	vst v63  }
0x78: {  	_ =	swait.ge [sflag:s25], $0x2000  }
0x79: {  	[sflag:s25] =	ssyncset.done $0x0  }
0x7a: {  	s20 =	rddreg [dreg:$0xe];
	[sflag:s25] =	ssyncadd.s32 $0xFFFFE000  }
0x7b: {  	[spmem:s3] =	stream.indirect.scatter.add.f32 [tilespmem:s26], [sflag:$0x2], $0x40, s20, s24, $0xb8;
	[tilespmem:$0xF000] =	vst v63  }
0x7c: {  	_ =	swait.ge [sflag:s28], $0x2000  }
0x7d: {  	[sflag:s28] =	ssyncset.done $0x0  }
0x7e: {  	s18 =	rddreg [dreg:$0xf];
	[sflag:s28] =	ssyncadd.s32 $0xFFFFE000  }
0x7f: {  	[tilespmem:s21], [sflag:$0x1] =	stream.indirect.gather [hbm4b:s0+s24], $0x40, s18, s24, $0xb8;
	[tilespmem:$0xF000] =	vst v63  }
0x80: {  	_ =	swait.ge [sflag:s25], $0x2000  }
0x81: {  	[sflag:s25] =	ssyncset.done $0x0  }
0x82: {  	s19 =	rddreg [dreg:$0x10];
	[sflag:s25] =	ssyncadd.s32 $0xFFFFE000  }
0x83: {  	[spmem:s3] =	stream.indirect.scatter.add.f32 [tilespmem:s21], [sflag:$0x2], $0x40, s19, s24, $0xb8;
	[tilespmem:$0xF000] =	vst v63  }
0x84: {  	_ =	swait.ge [sflag:s28], $0x2000  }
0x85: {  	[sflag:s28] =	ssyncset.done $0x0  }
0x86: {  	s20 =	rddreg [dreg:$0x11];
	[sflag:s28] =	ssyncadd.s32 $0xFFFFE000  }
0x87: {  	[tilespmem:s26], [sflag:$0x1] =	stream.indirect.gather [hbm4b:s0+s24], $0x40, s20, s24, $0xb8;
	[tilespmem:$0xF000] =	vst v63  }
0x88: {  	_ =	swait.ge [sflag:s25], $0x2000  }
0x89: {  	[sflag:s25] =	ssyncset.done $0x0  }
0x8a: {  	[sflag:s25] =	ssyncadd.s32 $0xFFFFE000  }
0x8b: {  	[spmem:s3] =	stream.indirect.scatter.add.f32 [tilespmem:s26], [sflag:$0x2], $0x40, s29, s24, $0xb8;
	[tilespmem:$0xF000] =	vst v63  }
0x8c: {  	_ =	swait.ge [sflag:s28], $0x2000  }
0x8d: {  	[sflag:s28] =	ssyncset.done $0x0  }
0x8e: {  	[sflag:s28] =	ssyncadd.s32 $0xFFFFE000  }
0x8f: {  	[tilespmem:s21], [sflag:$0x1] =	stream.indirect.gather [hbm4b:s0+s24], $0x40, s30, s24, $0xb8;
	[tilespmem:$0xF000] =	vst v63  }
0x90: {  	_ =	swait.ge [sflag:s25], $0x2000  }
0x91: {  	[sflag:s25] =	ssyncset.done $0x0  }
0x92: {  	[sflag:s25] =	ssyncadd.s32 $0xFFFFE000  }
0x93: {  	[spmem:s3] =	stream.indirect.scatter.add.f32 [tilespmem:s21], [sflag:$0x2], $0x40, s31, s24, $0xb8;
	[tilespmem:$0xF000] =	vst v63  }
0x94: {  	_ =	swait.ge [sflag:s28], $0x2000  }
0x95: {  	[sflag:s28] =	ssyncset.done $0x0  }
0x96: {  	[sflag:s28] =	ssyncadd.s32 $0xFFFFE000  }
0x97: {  	[tilespmem:s26], [sflag:$0x1] =	stream.indirect.gather [hbm4b:s0+s24], $0x40, s1, s24, $0xb8;
	[tilespmem:$0xF000] =	vst v63  }
0x98: {  	_ =	swait.ge [sflag:s25], $0x2000  }
0x99: {  	[sflag:s25] =	ssyncset.done $0x0  }
0x9a: {  	[sflag:s25] =	ssyncadd.s32 $0xFFFFE000  }
0x9b: {  	[spmem:s3] =	stream.indirect.scatter.add.f32 [tilespmem:s26], [sflag:$0x2], $0x40, s2, s24, $0xb8;
	[tilespmem:$0xF000] =	vst v63  }
0x9c: {  	_ =	swait.ge [sflag:s28], $0x2000  }
0x9d: {  	[sflag:s28] =	ssyncset.done $0x0  }
0x9e: {  	[sflag:s28] =	ssyncadd.s32 $0xFFFFE000  }
0x9f: {  	[tilespmem:s21], [sflag:$0x1] =	stream.indirect.gather [hbm4b:s0+s24], $0x40, s5, s24, $0xb8;
	[tilespmem:$0xF000] =	vst v63  }
0xa0: {  	_ =	swait.ge [sflag:s25], $0x2000  }
0xa1: {  	[sflag:s25] =	ssyncset.done $0x0  }
0xa2: {  	[sflag:s25] =	ssyncadd.s32 $0xFFFFE000  }
0xa3: {  	[spmem:s3] =	stream.indirect.scatter.add.f32 [tilespmem:s21], [sflag:$0x2], $0x40, s7, s24, $0xb8;
	[tilespmem:$0xF000] =	vst v63  }
0xa4: {  	_ =	swait.ge [sflag:s28], $0x2000  }
0xa5: {  	[sflag:s28] =	ssyncset.done $0x0  }
0xa6: {  	[sflag:s28] =	ssyncadd.s32 $0xFFFFE000  }
0xa7: {  	[tilespmem:s26], [sflag:$0x1] =	stream.indirect.gather [hbm4b:s0+s24], $0x40, s8, s24, $0xb8;
	[tilespmem:$0xF000] =	vst v63  }
0xa8: {  	_ =	swait.ge [sflag:s25], $0x2000  }
0xa9: {  	[sflag:s25] =	ssyncset.done $0x0  }
0xaa: {  	[sflag:s25] =	ssyncadd.s32 $0xFFFFE000  }
0xab: {  	[spmem:s3] =	stream.indirect.scatter.add.f32 [tilespmem:s26], [sflag:$0x2], $0x40, s9, s24, $0xb8;
	[tilespmem:$0xF000] =	vst v63  }
0xac: {  	_ =	swait.ge [sflag:s28], $0x2000  }
0xad: {  	[sflag:s28] =	ssyncset.done $0x0  }
0xae: {  	[sflag:s28] =	ssyncadd.s32 $0xFFFFE000  }
0xaf: {  	[tilespmem:s21], [sflag:$0x1] =	stream.indirect.gather [hbm4b:s0+s24], $0x40, s10, s24, $0xb8;
	[tilespmem:$0xF000] =	vst v63  }
0xb0: {  	_ =	swait.ge [sflag:s25], $0x2000  }
0xb1: {  	[sflag:s25] =	ssyncset.done $0x0  }
0xb2: {  	[sflag:s25] =	ssyncadd.s32 $0xFFFFE000  }
0xb3: {  	[spmem:s3] =	stream.indirect.scatter.add.f32 [tilespmem:s21], [sflag:$0x2], $0x40, s11, s24, $0xb8;
	[tilespmem:$0xF000] =	vst v63  }
0xb4: {  	_ =	swait.ge [sflag:s28], $0x2000  }
0xb5: {  	[sflag:s28] =	ssyncset.done $0x0  }
0xb6: {  	[sflag:s28] =	ssyncadd.s32 $0xFFFFE000  }
0xb7: {  	[tilespmem:s26], [sflag:$0x1] =	stream.indirect.gather [hbm4b:s0+s24], $0x40, s12, s24, $0xb8;
	[tilespmem:$0xF000] =	vst v63  }
0xb8: {  	_ =	swait.ge [sflag:s25], $0x2000  }
0xb9: {  	[sflag:s25] =	ssyncset.done $0x0  }
0xba: {  	[sflag:s25] =	ssyncadd.s32 $0xFFFFE000  }
0xbb: {  	[spmem:s3] =	stream.indirect.scatter.add.f32 [tilespmem:s26], [sflag:$0x2], $0x40, s13, s24, $0xb8;
	[tilespmem:$0xF000] =	vst v63  }
0xbc: {  	_ =	swait.ge [sflag:s28], $0x2000  }
0xbd: {  	[sflag:s28] =	ssyncset.done $0x0  }
0xbe: {  	[sflag:s28] =	ssyncadd.s32 $0xFFFFE000  }
0xbf: {  	[tilespmem:s21], [sflag:$0x1] =	stream.indirect.gather [hbm4b:s0+s24], $0x40, s14, s24, $0xb8;
	[tilespmem:$0xF000] =	vst v63  }
0xc0: {  	_ =	swait.ge [sflag:s25], $0x2000  }
0xc1: {  	[sflag:s25] =	ssyncset.done $0x0  }
0xc2: {  	[sflag:s25] =	ssyncadd.s32 $0xFFFFE000  }
0xc3: {  	[spmem:s3] =	stream.indirect.scatter.add.f32 [tilespmem:s21], [sflag:$0x2], $0x40, s15, s24, $0xb8;
	[tilespmem:$0xF000] =	vst v63  }
0xc4: {  	_ =	swait.ge [sflag:s28], $0x2000  }
0xc5: {  	[sflag:s28] =	ssyncset.done $0x0  }
0xc6: {  	[sflag:s28] =	ssyncadd.s32 $0xFFFFE000  }
0xc7: {  	[tilespmem:s26], [sflag:$0x1] =	stream.indirect.gather [hbm4b:s0+s24], $0x40, s16, s24, $0xb8;
	[tilespmem:$0xF000] =	vst v63  }
0xc8: {  	_ =	swait.ge [sflag:s25], $0x2000  }
0xc9: {  	[sflag:s25] =	ssyncset.done $0x0  }
0xca: {  	[sflag:s25] =	ssyncadd.s32 $0xFFFFE000  }
0xcb: {  	[spmem:s3] =	stream.indirect.scatter.add.f32 [tilespmem:s26], [sflag:$0x2], $0x40, s17, s24, $0xb8;
	[tilespmem:$0xF000] =	vst v63  }
0xcc: {  	_ =	swait.ge [sflag:s28], $0x2000  }
0xcd: {  	[sflag:s28] =	ssyncset.done $0x0  }
0xce: {  	[sflag:s28] =	ssyncadd.s32 $0xFFFFE000  }
0xcf: {  	s19 =	simm.s32 $0x100;
	_ =	swait.ge [sflag:s28], $0x2000  }
0xd0: {  	s20 =	simm.s32 $0x200;
	s6 =	rddreg [dreg:$0x5];
	[sflag:s28] =	ssyncset.done $0x0  }
.LBB2_2:
0xd1: {  	[sflag:s28] =	ssyncadd.s32 $0xFFFFE000;
	s6 =	sadd.s32 s19, s6  }
0xd2: {  	[tilespmem:s4], [sflag:$0x3] =	stream.linear.gather [hbm4b:s6+s4], $0x800, $0x38;
	[tilespmem:$0xF000] =	vst v63  }
0xd3: {  	_ =	swait.ge [sflag:s22], $0x800  }
0xd4: {  	s6 =	rddreg [dreg:$0x4];
	[sflag:s22] =	ssyncset.done $0x0  }
0xd5: {  	[sflag:s22] =	ssyncadd.s32 $0xFFFFF800;
	s6 =	sadd.s32 s19, s6  }
0xd6: {  	[tilespmem:s23], [sflag:$0x3] =	stream.linear.gather [hbm4b:s6+s4], $0x800, $0x38;
	[tilespmem:$0xF000] =	vst v63  }
0xd7: {  	_ =	swait.ge [sflag:s22], $0x800  }
0xd8: {  	[sflag:s22] =	ssyncset.done $0x0  }
0xd9: {  	[sflag:s22] =	ssyncadd.s32 $0xFFFFF800  }
0xda: {  	[tilespmem:s21], [sflag:$0x1] =	stream.indirect.gather [hbm4b:s0+s24], $0x40, s4, s24, $0xb8;
	[tilespmem:$0xF000] =	vst v63  }
0xdb: {  	_ =	swait.ge [sflag:s25], $0x2000  }
0xdc: {  	[sflag:s25] =	ssyncset.done $0x0  }
0xdd: {  	[sflag:s25] =	ssyncadd.s32 $0xFFFFE000  }
0xde: {  	[spmem:s3] =	stream.indirect.scatter.add.f32 [tilespmem:s21], [sflag:$0x2], $0x40, s23, s24, $0xb8;
	[tilespmem:$0xF000] =	vst v63  }
0xdf: {  	_ = 	snop  }
0xe0: {  	[tilespmem:s26], [sflag:$0x1] =	stream.indirect.gather [hbm4b:s0+s24], $0x40, s24, s24, $0xb8;
	[tilespmem:$0xF000] =	vst v63  }
0xe1: {  	_ =	swait.ge [sflag:s25], $0x2000  }
0xe2: {  	s18 =	smov.u32 s20;
	[sflag:s25] =	ssyncset.done $0x0  }
0xe3: {  	s19 =	smov.u32 s18;
	s18 =	rddreg [dreg:$0x6];
	[sflag:s25] =	ssyncadd.s32 $0xFFFFE000  }
0xe4: {  	[spmem:s3] =	stream.indirect.scatter.add.f32 [tilespmem:s26], [sflag:$0x2], $0x40, s18, s24, $0xb8;
	[tilespmem:$0xF000] =	vst v63  }
0xe5: {  	_ =	swait.ge [sflag:s28], $0x2000  }
0xe6: {  	[sflag:s28] =	ssyncset.done $0x0  }
0xe7: {  	s18 =	rddreg [dreg:$0x7];
	[sflag:s28] =	ssyncadd.s32 $0xFFFFE000  }
0xe8: {  	[tilespmem:s21], [sflag:$0x1] =	stream.indirect.gather [hbm4b:s0+s24], $0x40, s18, s24, $0xb8;
	[tilespmem:$0xF000] =	vst v63  }
0xe9: {  	_ =	swait.ge [sflag:s25], $0x2000  }
0xea: {  	[sflag:s25] =	ssyncset.done $0x0  }
0xeb: {  	s18 =	rddreg [dreg:$0x8];
	[sflag:s25] =	ssyncadd.s32 $0xFFFFE000  }
0xec: {  	[spmem:s3] =	stream.indirect.scatter.add.f32 [tilespmem:s21], [sflag:$0x2], $0x40, s18, s24, $0xb8;
	[tilespmem:$0xF000] =	vst v63  }
0xed: {  	_ =	swait.ge [sflag:s28], $0x2000  }
0xee: {  	[sflag:s28] =	ssyncset.done $0x0  }
0xef: {  	s18 =	rddreg [dreg:$0x9];
	[sflag:s28] =	ssyncadd.s32 $0xFFFFE000  }
0xf0: {  	[tilespmem:s26], [sflag:$0x1] =	stream.indirect.gather [hbm4b:s0+s24], $0x40, s18, s24, $0xb8;
	[tilespmem:$0xF000] =	vst v63  }
0xf1: {  	_ =	swait.ge [sflag:s25], $0x2000  }
0xf2: {  	[sflag:s25] =	ssyncset.done $0x0  }
0xf3: {  	s18 =	rddreg [dreg:$0xa];
	[sflag:s25] =	ssyncadd.s32 $0xFFFFE000  }
0xf4: {  	[spmem:s3] =	stream.indirect.scatter.add.f32 [tilespmem:s26], [sflag:$0x2], $0x40, s18, s24, $0xb8;
	[tilespmem:$0xF000] =	vst v63  }
0xf5: {  	_ =	swait.ge [sflag:s28], $0x2000  }
0xf6: {  	[sflag:s28] =	ssyncset.done $0x0  }
0xf7: {  	s18 =	rddreg [dreg:$0xb];
	[sflag:s28] =	ssyncadd.s32 $0xFFFFE000  }
0xf8: {  	[tilespmem:s21], [sflag:$0x1] =	stream.indirect.gather [hbm4b:s0+s24], $0x40, s18, s24, $0xb8;
	[tilespmem:$0xF000] =	vst v63  }
0xf9: {  	_ =	swait.ge [sflag:s25], $0x2000  }
0xfa: {  	[sflag:s25] =	ssyncset.done $0x0  }
0xfb: {  	s18 =	rddreg [dreg:$0xc];
	[sflag:s25] =	ssyncadd.s32 $0xFFFFE000  }
0xfc: {  	[spmem:s3] =	stream.indirect.scatter.add.f32 [tilespmem:s21], [sflag:$0x2], $0x40, s18, s24, $0xb8;
	[tilespmem:$0xF000] =	vst v63  }
0xfd: {  	_ =	swait.ge [sflag:s28], $0x2000  }
0xfe: {  	[sflag:s28] =	ssyncset.done $0x0  }
0xff: {  	s18 =	rddreg [dreg:$0xd];
	[sflag:s28] =	ssyncadd.s32 $0xFFFFE000  }
0x100: {  	[tilespmem:s26], [sflag:$0x1] =	stream.indirect.gather [hbm4b:s0+s24], $0x40, s18, s24, $0xb8;
	[tilespmem:$0xF000] =	vst v63  }
0x101: {  	_ =	swait.ge [sflag:s25], $0x2000  }
0x102: {  	[sflag:s25] =	ssyncset.done $0x0  }
0x103: {  	s18 =	rddreg [dreg:$0xe];
	[sflag:s25] =	ssyncadd.s32 $0xFFFFE000  }
0x104: {  	[spmem:s3] =	stream.indirect.scatter.add.f32 [tilespmem:s26], [sflag:$0x2], $0x40, s18, s24, $0xb8;
	[tilespmem:$0xF000] =	vst v63  }
0x105: {  	_ =	swait.ge [sflag:s28], $0x2000  }
0x106: {  	[sflag:s28] =	ssyncset.done $0x0  }
0x107: {  	s18 =	rddreg [dreg:$0xf];
	[sflag:s28] =	ssyncadd.s32 $0xFFFFE000  }
0x108: {  	[tilespmem:s21], [sflag:$0x1] =	stream.indirect.gather [hbm4b:s0+s24], $0x40, s18, s24, $0xb8;
	[tilespmem:$0xF000] =	vst v63  }
0x109: {  	_ =	swait.ge [sflag:s25], $0x2000  }
0x10a: {  	[sflag:s25] =	ssyncset.done $0x0  }
0x10b: {  	s18 =	rddreg [dreg:$0x10];
	[sflag:s25] =	ssyncadd.s32 $0xFFFFE000  }
0x10c: {  	[spmem:s3] =	stream.indirect.scatter.add.f32 [tilespmem:s21], [sflag:$0x2], $0x40, s18, s24, $0xb8;
	[tilespmem:$0xF000] =	vst v63  }
0x10d: {  	_ =	swait.ge [sflag:s28], $0x2000  }
0x10e: {  	[sflag:s28] =	ssyncset.done $0x0  }
0x10f: {  	s18 =	rddreg [dreg:$0x11];
	[sflag:s28] =	ssyncadd.s32 $0xFFFFE000  }
0x110: {  	[tilespmem:s26], [sflag:$0x1] =	stream.indirect.gather [hbm4b:s0+s24], $0x40, s18, s24, $0xb8;
	[tilespmem:$0xF000] =	vst v63  }
0x111: {  	_ =	swait.ge [sflag:s25], $0x2000  }
0x112: {  	[sflag:s25] =	ssyncset.done $0x0  }
0x113: {  	[sflag:s25] =	ssyncadd.s32 $0xFFFFE000  }
0x114: {  	[spmem:s3] =	stream.indirect.scatter.add.f32 [tilespmem:s26], [sflag:$0x2], $0x40, s29, s24, $0xb8;
	[tilespmem:$0xF000] =	vst v63  }
0x115: {  	_ =	swait.ge [sflag:s28], $0x2000  }
0x116: {  	[sflag:s28] =	ssyncset.done $0x0  }
0x117: {  	[sflag:s28] =	ssyncadd.s32 $0xFFFFE000  }
0x118: {  	[tilespmem:s21], [sflag:$0x1] =	stream.indirect.gather [hbm4b:s0+s24], $0x40, s30, s24, $0xb8;
	[tilespmem:$0xF000] =	vst v63  }
0x119: {  	_ =	swait.ge [sflag:s25], $0x2000  }
0x11a: {  	[sflag:s25] =	ssyncset.done $0x0  }
0x11b: {  	[sflag:s25] =	ssyncadd.s32 $0xFFFFE000  }
0x11c: {  	[spmem:s3] =	stream.indirect.scatter.add.f32 [tilespmem:s21], [sflag:$0x2], $0x40, s31, s24, $0xb8;
	[tilespmem:$0xF000] =	vst v63  }
0x11d: {  	_ =	swait.ge [sflag:s28], $0x2000  }
0x11e: {  	[sflag:s28] =	ssyncset.done $0x0  }
0x11f: {  	[sflag:s28] =	ssyncadd.s32 $0xFFFFE000  }
0x120: {  	[tilespmem:s26], [sflag:$0x1] =	stream.indirect.gather [hbm4b:s0+s24], $0x40, s1, s24, $0xb8;
	[tilespmem:$0xF000] =	vst v63  }
0x121: {  	_ =	swait.ge [sflag:s25], $0x2000  }
0x122: {  	[sflag:s25] =	ssyncset.done $0x0  }
0x123: {  	[sflag:s25] =	ssyncadd.s32 $0xFFFFE000  }
0x124: {  	[spmem:s3] =	stream.indirect.scatter.add.f32 [tilespmem:s26], [sflag:$0x2], $0x40, s2, s24, $0xb8;
	[tilespmem:$0xF000] =	vst v63  }
0x125: {  	_ =	swait.ge [sflag:s28], $0x2000  }
0x126: {  	[sflag:s28] =	ssyncset.done $0x0  }
0x127: {  	[sflag:s28] =	ssyncadd.s32 $0xFFFFE000  }
0x128: {  	[tilespmem:s21], [sflag:$0x1] =	stream.indirect.gather [hbm4b:s0+s24], $0x40, s5, s24, $0xb8;
	[tilespmem:$0xF000] =	vst v63  }
0x129: {  	_ =	swait.ge [sflag:s25], $0x2000  }
0x12a: {  	[sflag:s25] =	ssyncset.done $0x0  }
0x12b: {  	[sflag:s25] =	ssyncadd.s32 $0xFFFFE000  }
0x12c: {  	[spmem:s3] =	stream.indirect.scatter.add.f32 [tilespmem:s21], [sflag:$0x2], $0x40, s7, s24, $0xb8;
	[tilespmem:$0xF000] =	vst v63  }
0x12d: {  	_ =	swait.ge [sflag:s28], $0x2000  }
0x12e: {  	[sflag:s28] =	ssyncset.done $0x0  }
0x12f: {  	[sflag:s28] =	ssyncadd.s32 $0xFFFFE000  }
0x130: {  	[tilespmem:s26], [sflag:$0x1] =	stream.indirect.gather [hbm4b:s0+s24], $0x40, s8, s24, $0xb8;
	[tilespmem:$0xF000] =	vst v63  }
0x131: {  	_ =	swait.ge [sflag:s25], $0x2000  }
0x132: {  	[sflag:s25] =	ssyncset.done $0x0  }
0x133: {  	[sflag:s25] =	ssyncadd.s32 $0xFFFFE000  }
0x134: {  	[spmem:s3] =	stream.indirect.scatter.add.f32 [tilespmem:s26], [sflag:$0x2], $0x40, s9, s24, $0xb8;
	[tilespmem:$0xF000] =	vst v63  }
0x135: {  	_ =	swait.ge [sflag:s28], $0x2000  }
0x136: {  	[sflag:s28] =	ssyncset.done $0x0  }
0x137: {  	[sflag:s28] =	ssyncadd.s32 $0xFFFFE000  }
0x138: {  	[tilespmem:s21], [sflag:$0x1] =	stream.indirect.gather [hbm4b:s0+s24], $0x40, s10, s24, $0xb8;
	[tilespmem:$0xF000] =	vst v63  }
0x139: {  	_ =	swait.ge [sflag:s25], $0x2000  }
0x13a: {  	[sflag:s25] =	ssyncset.done $0x0  }
0x13b: {  	[sflag:s25] =	ssyncadd.s32 $0xFFFFE000  }
0x13c: {  	[spmem:s3] =	stream.indirect.scatter.add.f32 [tilespmem:s21], [sflag:$0x2], $0x40, s11, s24, $0xb8;
	[tilespmem:$0xF000] =	vst v63  }
0x13d: {  	_ =	swait.ge [sflag:s28], $0x2000  }
0x13e: {  	[sflag:s28] =	ssyncset.done $0x0  }
0x13f: {  	[sflag:s28] =	ssyncadd.s32 $0xFFFFE000  }
0x140: {  	[tilespmem:s26], [sflag:$0x1] =	stream.indirect.gather [hbm4b:s0+s24], $0x40, s12, s24, $0xb8;
	[tilespmem:$0xF000] =	vst v63  }
0x141: {  	_ =	swait.ge [sflag:s25], $0x2000  }
0x142: {  	[sflag:s25] =	ssyncset.done $0x0  }
0x143: {  	[sflag:s25] =	ssyncadd.s32 $0xFFFFE000  }
0x144: {  	[spmem:s3] =	stream.indirect.scatter.add.f32 [tilespmem:s26], [sflag:$0x2], $0x40, s13, s24, $0xb8;
	[tilespmem:$0xF000] =	vst v63  }
0x145: {  	_ =	swait.ge [sflag:s28], $0x2000  }
0x146: {  	[sflag:s28] =	ssyncset.done $0x0  }
0x147: {  	[sflag:s28] =	ssyncadd.s32 $0xFFFFE000  }
0x148: {  	[tilespmem:s21], [sflag:$0x1] =	stream.indirect.gather [hbm4b:s0+s24], $0x40, s14, s24, $0xb8;
	[tilespmem:$0xF000] =	vst v63  }
0x149: {  	_ =	swait.ge [sflag:s25], $0x2000  }
0x14a: {  	[sflag:s25] =	ssyncset.done $0x0  }
0x14b: {  	[sflag:s25] =	ssyncadd.s32 $0xFFFFE000  }
0x14c: {  	[spmem:s3] =	stream.indirect.scatter.add.f32 [tilespmem:s21], [sflag:$0x2], $0x40, s15, s24, $0xb8;
	[tilespmem:$0xF000] =	vst v63  }
0x14d: {  	_ =	swait.ge [sflag:s28], $0x2000  }
0x14e: {  	[sflag:s28] =	ssyncset.done $0x0  }
0x14f: {  	[sflag:s28] =	ssyncadd.s32 $0xFFFFE000  }
0x150: {  	[tilespmem:s26], [sflag:$0x1] =	stream.indirect.gather [hbm4b:s0+s24], $0x40, s16, s24, $0xb8;
	[tilespmem:$0xF000] =	vst v63  }
0x151: {  	_ =	swait.ge [sflag:s25], $0x2000  }
0x152: {  	[sflag:s25] =	ssyncset.done $0x0  }
0x153: {  	p0 =	sne.s32 s20, $0x400;
	[sflag:s25] =	ssyncadd.s32 $0xFFFFE000  }
0x154: {  	[spmem:s3] =	stream.indirect.scatter.add.f32 [tilespmem:s26], [sflag:$0x2], $0x40, s17, s24, $0xb8;
	[tilespmem:$0xF000] =	vst v63  }
.Ltmp0:
0x155: {  	_ =	swait.ge [sflag:s28], $0x2000;
	(pc) =	sbr.rel @p0 .LBB2_2-.Ltmp0, $4  }
0x156: {  	[sflag:s28] =	ssyncset.done $0x0  }
0x157: {  	[sflag:s28] =	ssyncadd.s32 $0xFFFFE000  }
0x158: {  	_ =	swait.ge [sflag:s28], $0x2000  }
0x159: {  	s20 =	sadd.s32 $0x100, s20;
	s6 =	rddreg [dreg:$0x5];
	[sflag:s28] =	ssyncset.done $0x0  }
0x15a: {  	[sflag:s28] =	ssyncadd.s32 $0xFFFFE000;
	s6 =	sadd.s32 s19, s6  }
0x15b: {  	[tilespmem:s4], [sflag:$0x3] =	stream.linear.gather [hbm4b:s6+s4], $0x800, $0x38;
	[tilespmem:$0xF000] =	vst v63  }
0x15c: {  	_ =	swait.ge [sflag:s22], $0x800  }
0x15d: {  	s18 =	rddreg [dreg:$0x4];
	[sflag:s22] =	ssyncset.done $0x0  }
0x15e: {  	s6 =	sadd.s32 s19, s18;
	[sflag:s22] =	ssyncadd.s32 $0xFFFFF800  }
0x15f: {  	[tilespmem:s23], [sflag:$0x3] =	stream.linear.gather [hbm4b:s6+s4], $0x800, $0x38;
	[tilespmem:$0xF000] =	vst v63  }
0x160: {  	_ =	swait.ge [sflag:s22], $0x800  }
0x161: {  	[sflag:s22] =	ssyncset.done $0x0  }
0x162: {  	[sflag:s22] =	ssyncadd.s32 $0xFFFFF800  }
0x163: {  	[tilespmem:s21], [sflag:$0x1] =	stream.indirect.gather [hbm4b:s0+s24], $0x40, s4, s24, $0xb8;
	[tilespmem:$0xF000] =	vst v63  }
0x164: {  	_ =	swait.ge [sflag:s25], $0x2000  }
0x165: {  	[sflag:s25] =	ssyncset.done $0x0  }
0x166: {  	[sflag:s25] =	ssyncadd.s32 $0xFFFFE000  }
0x167: {  	[spmem:s3] =	stream.indirect.scatter.add.f32 [tilespmem:s21], [sflag:$0x2], $0x40, s23, s24, $0xb8;
	[tilespmem:$0xF000] =	vst v63  }
0x168: {  	_ = 	snop  }
0x169: {  	[tilespmem:s26], [sflag:$0x1] =	stream.indirect.gather [hbm4b:s0+s24], $0x40, s24, s24, $0xb8;
	[tilespmem:$0xF000] =	vst v63  }
0x16a: {  	_ =	swait.ge [sflag:s25], $0x2000  }
0x16b: {  	[sflag:s25] =	ssyncset.done $0x0  }
0x16c: {  	s20 =	rddreg [dreg:$0x6];
	[sflag:s25] =	ssyncadd.s32 $0xFFFFE000  }
0x16d: {  	[spmem:s3] =	stream.indirect.scatter.add.f32 [tilespmem:s26], [sflag:$0x2], $0x40, s20, s24, $0xb8;
	[tilespmem:$0xF000] =	vst v63  }
0x16e: {  	_ =	swait.ge [sflag:s28], $0x2000  }
0x16f: {  	[sflag:s28] =	ssyncset.done $0x0  }
0x170: {  	s18 =	rddreg [dreg:$0x7];
	[sflag:s28] =	ssyncadd.s32 $0xFFFFE000  }
0x171: {  	[tilespmem:s21], [sflag:$0x1] =	stream.indirect.gather [hbm4b:s0+s24], $0x40, s18, s24, $0xb8;
	[tilespmem:$0xF000] =	vst v63  }
0x172: {  	_ =	swait.ge [sflag:s25], $0x2000  }
0x173: {  	[sflag:s25] =	ssyncset.done $0x0  }
0x174: {  	s19 =	rddreg [dreg:$0x8];
	[sflag:s25] =	ssyncadd.s32 $0xFFFFE000  }
0x175: {  	[spmem:s3] =	stream.indirect.scatter.add.f32 [tilespmem:s21], [sflag:$0x2], $0x40, s19, s24, $0xb8;
	[tilespmem:$0xF000] =	vst v63  }
0x176: {  	_ =	swait.ge [sflag:s28], $0x2000  }
0x177: {  	[sflag:s28] =	ssyncset.done $0x0  }
0x178: {  	s20 =	rddreg [dreg:$0x9];
	[sflag:s28] =	ssyncadd.s32 $0xFFFFE000  }
0x179: {  	[tilespmem:s26], [sflag:$0x1] =	stream.indirect.gather [hbm4b:s0+s24], $0x40, s20, s24, $0xb8;
	[tilespmem:$0xF000] =	vst v63  }
0x17a: {  	_ =	swait.ge [sflag:s25], $0x2000  }
0x17b: {  	[sflag:s25] =	ssyncset.done $0x0  }
0x17c: {  	s18 =	rddreg [dreg:$0xa];
	[sflag:s25] =	ssyncadd.s32 $0xFFFFE000  }
0x17d: {  	[spmem:s3] =	stream.indirect.scatter.add.f32 [tilespmem:s26], [sflag:$0x2], $0x40, s18, s24, $0xb8;
	[tilespmem:$0xF000] =	vst v63  }
0x17e: {  	_ =	swait.ge [sflag:s28], $0x2000  }
0x17f: {  	[sflag:s28] =	ssyncset.done $0x0  }
0x180: {  	s19 =	rddreg [dreg:$0xb];
	[sflag:s28] =	ssyncadd.s32 $0xFFFFE000  }
0x181: {  	[tilespmem:s21], [sflag:$0x1] =	stream.indirect.gather [hbm4b:s0+s24], $0x40, s19, s24, $0xb8;
	[tilespmem:$0xF000] =	vst v63  }
0x182: {  	_ =	swait.ge [sflag:s25], $0x2000  }
0x183: {  	[sflag:s25] =	ssyncset.done $0x0  }
0x184: {  	s20 =	rddreg [dreg:$0xc];
	[sflag:s25] =	ssyncadd.s32 $0xFFFFE000  }
0x185: {  	[spmem:s3] =	stream.indirect.scatter.add.f32 [tilespmem:s21], [sflag:$0x2], $0x40, s20, s24, $0xb8;
	[tilespmem:$0xF000] =	vst v63  }
0x186: {  	_ =	swait.ge [sflag:s28], $0x2000  }
0x187: {  	[sflag:s28] =	ssyncset.done $0x0  }
0x188: {  	s18 =	rddreg [dreg:$0xd];
	[sflag:s28] =	ssyncadd.s32 $0xFFFFE000  }
0x189: {  	[tilespmem:s26], [sflag:$0x1] =	stream.indirect.gather [hbm4b:s0+s24], $0x40, s18, s24, $0xb8;
	[tilespmem:$0xF000] =	vst v63  }
0x18a: {  	_ =	swait.ge [sflag:s25], $0x2000  }
0x18b: {  	[sflag:s25] =	ssyncset.done $0x0  }
0x18c: {  	s19 =	rddreg [dreg:$0xe];
	[sflag:s25] =	ssyncadd.s32 $0xFFFFE000  }
0x18d: {  	[spmem:s3] =	stream.indirect.scatter.add.f32 [tilespmem:s26], [sflag:$0x2], $0x40, s19, s24, $0xb8;
	[tilespmem:$0xF000] =	vst v63  }
0x18e: {  	_ =	swait.ge [sflag:s28], $0x2000  }
0x18f: {  	[sflag:s28] =	ssyncset.done $0x0  }
0x190: {  	s20 =	rddreg [dreg:$0xf];
	[sflag:s28] =	ssyncadd.s32 $0xFFFFE000  }
0x191: {  	[tilespmem:s21], [sflag:$0x1] =	stream.indirect.gather [hbm4b:s0+s24], $0x40, s20, s24, $0xb8;
	[tilespmem:$0xF000] =	vst v63  }
0x192: {  	_ =	swait.ge [sflag:s25], $0x2000  }
0x193: {  	[sflag:s25] =	ssyncset.done $0x0  }
0x194: {  	s18 =	rddreg [dreg:$0x10];
	[sflag:s25] =	ssyncadd.s32 $0xFFFFE000  }
0x195: {  	[spmem:s3] =	stream.indirect.scatter.add.f32 [tilespmem:s21], [sflag:$0x2], $0x40, s18, s24, $0xb8;
	[tilespmem:$0xF000] =	vst v63  }
0x196: {  	_ =	swait.ge [sflag:s28], $0x2000  }
0x197: {  	[sflag:s28] =	ssyncset.done $0x0  }
0x198: {  	s19 =	rddreg [dreg:$0x11];
	[sflag:s28] =	ssyncadd.s32 $0xFFFFE000  }
0x199: {  	[tilespmem:s26], [sflag:$0x1] =	stream.indirect.gather [hbm4b:s0+s24], $0x40, s19, s24, $0xb8;
	[tilespmem:$0xF000] =	vst v63  }
0x19a: {  	_ =	swait.ge [sflag:s25], $0x2000  }
0x19b: {  	[sflag:s25] =	ssyncset.done $0x0  }
0x19c: {  	[sflag:s25] =	ssyncadd.s32 $0xFFFFE000  }
0x19d: {  	[spmem:s3] =	stream.indirect.scatter.add.f32 [tilespmem:s26], [sflag:$0x2], $0x40, s29, s24, $0xb8;
	[tilespmem:$0xF000] =	vst v63  }
0x19e: {  	_ =	swait.ge [sflag:s28], $0x2000  }
0x19f: {  	[sflag:s28] =	ssyncset.done $0x0  }
0x1a0: {  	[sflag:s28] =	ssyncadd.s32 $0xFFFFE000  }
0x1a1: {  	[tilespmem:s21], [sflag:$0x1] =	stream.indirect.gather [hbm4b:s0+s24], $0x40, s30, s24, $0xb8;
	[tilespmem:$0xF000] =	vst v63  }
0x1a2: {  	_ =	swait.ge [sflag:s25], $0x2000  }
0x1a3: {  	[sflag:s25] =	ssyncset.done $0x0  }
0x1a4: {  	[sflag:s25] =	ssyncadd.s32 $0xFFFFE000  }
0x1a5: {  	[spmem:s3] =	stream.indirect.scatter.add.f32 [tilespmem:s21], [sflag:$0x2], $0x40, s31, s24, $0xb8;
	[tilespmem:$0xF000] =	vst v63  }
0x1a6: {  	_ =	swait.ge [sflag:s28], $0x2000  }
0x1a7: {  	[sflag:s28] =	ssyncset.done $0x0  }
0x1a8: {  	[sflag:s28] =	ssyncadd.s32 $0xFFFFE000  }
0x1a9: {  	[tilespmem:s26], [sflag:$0x1] =	stream.indirect.gather [hbm4b:s0+s24], $0x40, s1, s24, $0xb8;
	[tilespmem:$0xF000] =	vst v63  }
0x1aa: {  	_ =	swait.ge [sflag:s25], $0x2000  }
0x1ab: {  	[sflag:s25] =	ssyncset.done $0x0  }
0x1ac: {  	[sflag:s25] =	ssyncadd.s32 $0xFFFFE000  }
0x1ad: {  	[spmem:s3] =	stream.indirect.scatter.add.f32 [tilespmem:s26], [sflag:$0x2], $0x40, s2, s24, $0xb8;
	[tilespmem:$0xF000] =	vst v63  }
0x1ae: {  	_ =	swait.ge [sflag:s28], $0x2000  }
0x1af: {  	[sflag:s28] =	ssyncset.done $0x0  }
0x1b0: {  	[sflag:s28] =	ssyncadd.s32 $0xFFFFE000  }
0x1b1: {  	[tilespmem:s21], [sflag:$0x1] =	stream.indirect.gather [hbm4b:s0+s24], $0x40, s5, s24, $0xb8;
	[tilespmem:$0xF000] =	vst v63  }
0x1b2: {  	_ =	swait.ge [sflag:s25], $0x2000  }
0x1b3: {  	[sflag:s25] =	ssyncset.done $0x0  }
0x1b4: {  	[sflag:s25] =	ssyncadd.s32 $0xFFFFE000  }
0x1b5: {  	[spmem:s3] =	stream.indirect.scatter.add.f32 [tilespmem:s21], [sflag:$0x2], $0x40, s7, s24, $0xb8;
	[tilespmem:$0xF000] =	vst v63  }
0x1b6: {  	_ =	swait.ge [sflag:s28], $0x2000  }
0x1b7: {  	[sflag:s28] =	ssyncset.done $0x0  }
0x1b8: {  	[sflag:s28] =	ssyncadd.s32 $0xFFFFE000  }
0x1b9: {  	[tilespmem:s26], [sflag:$0x1] =	stream.indirect.gather [hbm4b:s0+s24], $0x40, s8, s24, $0xb8;
	[tilespmem:$0xF000] =	vst v63  }
0x1ba: {  	_ =	swait.ge [sflag:s25], $0x2000  }
0x1bb: {  	[sflag:s25] =	ssyncset.done $0x0  }
0x1bc: {  	[sflag:s25] =	ssyncadd.s32 $0xFFFFE000  }
0x1bd: {  	[spmem:s3] =	stream.indirect.scatter.add.f32 [tilespmem:s26], [sflag:$0x2], $0x40, s9, s24, $0xb8;
	[tilespmem:$0xF000] =	vst v63  }
0x1be: {  	_ =	swait.ge [sflag:s28], $0x2000  }
0x1bf: {  	[sflag:s28] =	ssyncset.done $0x0  }
0x1c0: {  	[sflag:s28] =	ssyncadd.s32 $0xFFFFE000  }
0x1c1: {  	[tilespmem:s21], [sflag:$0x1] =	stream.indirect.gather [hbm4b:s0+s24], $0x40, s10, s24, $0xb8;
	[tilespmem:$0xF000] =	vst v63  }
0x1c2: {  	_ =	swait.ge [sflag:s25], $0x2000  }
0x1c3: {  	[sflag:s25] =	ssyncset.done $0x0  }
0x1c4: {  	[sflag:s25] =	ssyncadd.s32 $0xFFFFE000  }
0x1c5: {  	[spmem:s3] =	stream.indirect.scatter.add.f32 [tilespmem:s21], [sflag:$0x2], $0x40, s11, s24, $0xb8;
	[tilespmem:$0xF000] =	vst v63  }
0x1c6: {  	_ =	swait.ge [sflag:s28], $0x2000  }
0x1c7: {  	[sflag:s28] =	ssyncset.done $0x0  }
0x1c8: {  	[sflag:s28] =	ssyncadd.s32 $0xFFFFE000  }
0x1c9: {  	[tilespmem:s26], [sflag:$0x1] =	stream.indirect.gather [hbm4b:s0+s24], $0x40, s12, s24, $0xb8;
	[tilespmem:$0xF000] =	vst v63  }
0x1ca: {  	_ =	swait.ge [sflag:s25], $0x2000  }
0x1cb: {  	[sflag:s25] =	ssyncset.done $0x0  }
0x1cc: {  	[sflag:s25] =	ssyncadd.s32 $0xFFFFE000  }
0x1cd: {  	[spmem:s3] =	stream.indirect.scatter.add.f32 [tilespmem:s26], [sflag:$0x2], $0x40, s13, s24, $0xb8;
	[tilespmem:$0xF000] =	vst v63  }
0x1ce: {  	_ =	swait.ge [sflag:s28], $0x2000  }
0x1cf: {  	[sflag:s28] =	ssyncset.done $0x0  }
0x1d0: {  	[sflag:s28] =	ssyncadd.s32 $0xFFFFE000  }
0x1d1: {  	[tilespmem:s21], [sflag:$0x1] =	stream.indirect.gather [hbm4b:s0+s24], $0x40, s14, s24, $0xb8;
	[tilespmem:$0xF000] =	vst v63  }
0x1d2: {  	_ =	swait.ge [sflag:s25], $0x2000  }
0x1d3: {  	[sflag:s25] =	ssyncset.done $0x0  }
0x1d4: {  	[sflag:s25] =	ssyncadd.s32 $0xFFFFE000  }
0x1d5: {  	[spmem:s3] =	stream.indirect.scatter.add.f32 [tilespmem:s21], [sflag:$0x2], $0x40, s15, s24, $0xb8;
	[tilespmem:$0xF000] =	vst v63  }
0x1d6: {  	_ =	swait.ge [sflag:s28], $0x2000  }
0x1d7: {  	[sflag:s28] =	ssyncset.done $0x0  }
0x1d8: {  	[sflag:s28] =	ssyncadd.s32 $0xFFFFE000  }
0x1d9: {  	[tilespmem:s26], [sflag:$0x1] =	stream.indirect.gather [hbm4b:s0+s24], $0x40, s16, s24, $0xb8;
	[tilespmem:$0xF000] =	vst v63  }
0x1da: {  	_ =	swait.ge [sflag:s25], $0x2000  }
0x1db: {  	[sflag:s25] =	ssyncset.done $0x0  }
0x1dc: {  	[sflag:s25] =	ssyncadd.s32 $0xFFFFE000  }
0x1dd: {  	[spmem:s3] =	stream.indirect.scatter.add.f32 [tilespmem:s26], [sflag:$0x2], $0x40, s17, s24, $0xb8;
	[tilespmem:$0xF000] =	vst v63  }
0x1de: {  	_ =	swait.ge [sflag:s28], $0x2000  }
0x1df: {  	[sflag:s28] =	ssyncset.done $0x0  }
0x1e0: {  	[sflag:s28] =	ssyncadd.s32 $0xFFFFE000  }
0x1e1: {  	_ =	swait.ge [sflag:s28], $0x2000  }
0x1e2: {  	[sflag:s28] =	ssyncset.done $0x0  }
0x1e3: {  	[sflag:s28] =	ssyncadd.s32 $0xFFFFE000  }
0x1e4: {  	[bflag:$0x0] =	sbarrier.arrive $0xFFFF  }
0x1e5: {  	s18 =	rddreg [dreg:$0x13]  }
0x1e6: {  	[tilespmem:s21], [sflag:$0x3] =	stream.linear.gather [spmem:s18], $0x2000, $0x38;
	[tilespmem:$0xF000] =	vst v63  }
0x1e7: {  	_ =	swait.ge [sflag:s22], $0x2000  }
0x1e8: {  	[sflag:s22] =	ssyncset.done $0x0  }
0x1e9: {  	s20 =	rddreg [dreg:$0x19];
	[sflag:s22] =	ssyncadd.s32 $0xFFFFE000  }
0x1ea: {  	[hbm4b:s20+s4] =	stream.linear.scatter [tilespmem:s21], [sflag:$0x3], $0x2000, $0x38;
	[tilespmem:$0xF000] =	vst v63  }
0x1eb: {  	_ =	swait.ge [sflag:s22], $0x2000  }
0x1ec: {  	[sflag:s22] =	ssyncset.done $0x0  }
0x1ed: {  	s19 =	rddreg [dreg:$0x1a];
	[sflag:s22] =	ssyncadd.s32 $0xFFFFE000  }
0x1ee: {  	[tilespmem:s21], [sflag:$0x3] =	stream.linear.gather [spmem:s19], $0x2000, $0x38;
	[tilespmem:$0xF000] =	vst v63  }
0x1ef: {  	_ =	swait.ge [sflag:s22], $0x2000  }
0x1f0: {  	[sflag:s22] =	ssyncset.done $0x0  }
0x1f1: {  	s20 =	rddreg [dreg:$0x1b];
	[sflag:s22] =	ssyncadd.s32 $0xFFFFE000  }
0x1f2: {  	[hbm4b:s20+s4] =	stream.linear.scatter [tilespmem:s21], [sflag:$0x3], $0x2000, $0x38;
	[tilespmem:$0xF000] =	vst v63  }
0x1f3: {  	_ =	swait.ge [sflag:s22], $0x2000  }
0x1f4: {  	[sflag:s22] =	ssyncset.done $0x0  }
0x1f5: {  	s19 =	rddreg [dreg:$0x1c];
	[sflag:s22] =	ssyncadd.s32 $0xFFFFE000  }
0x1f6: {  	[tilespmem:s21], [sflag:$0x3] =	stream.linear.gather [spmem:s19], $0x2000, $0x38;
	[tilespmem:$0xF000] =	vst v63  }
0x1f7: {  	_ =	swait.ge [sflag:s22], $0x2000  }
0x1f8: {  	[sflag:s22] =	ssyncset.done $0x0  }
0x1f9: {  	s20 =	rddreg [dreg:$0x1d];
	[sflag:s22] =	ssyncadd.s32 $0xFFFFE000  }
0x1fa: {  	[hbm4b:s20+s4] =	stream.linear.scatter [tilespmem:s21], [sflag:$0x3], $0x2000, $0x38;
	[tilespmem:$0xF000] =	vst v63  }
0x1fb: {  	_ =	swait.ge [sflag:s22], $0x2000  }
0x1fc: {  	[sflag:s22] =	ssyncset.done $0x0  }
0x1fd: {  	s19 =	rddreg [dreg:$0x1e];
	[sflag:s22] =	ssyncadd.s32 $0xFFFFE000  }
0x1fe: {  	[tilespmem:s21], [sflag:$0x3] =	stream.linear.gather [spmem:s19], $0x2000, $0x38;
	[tilespmem:$0xF000] =	vst v63  }
0x1ff: {  	_ =	swait.ge [sflag:s22], $0x2000  }
0x200: {  	[sflag:s22] =	ssyncset.done $0x0  }
0x201: {  	s20 =	rddreg [dreg:$0x1f];
	[sflag:s22] =	ssyncadd.s32 $0xFFFFE000  }
0x202: {  	[hbm4b:s20+s4] =	stream.linear.scatter [tilespmem:s21], [sflag:$0x3], $0x2000, $0x38;
	[tilespmem:$0xF000] =	vst v63  }
0x203: {  	_ =	swait.ge [sflag:s22], $0x2000  }
0x204: {  	s19 =	sld [smem:$0x7FC]  }
0x205: {  	[sflag:s22] =	ssyncset.done $0x0  }
0x206: {  	[sflag:s22] =	ssyncadd.s32 $0xFFFFE000  }
0x207: {  	[tilespmem:s21], [sflag:$0x3] =	stream.linear.gather [spmem:s19], $0x2000, $0x38;
	[tilespmem:$0xF000] =	vst v63  }
0x208: {  	_ =	swait.ge [sflag:s22], $0x2000  }
0x209: {  	s20 =	sld [smem:$0x7FD]  }
0x20a: {  	[sflag:s22] =	ssyncset.done $0x0  }
0x20b: {  	[sflag:s22] =	ssyncadd.s32 $0xFFFFE000  }
0x20c: {  	[hbm4b:s20+s4] =	stream.linear.scatter [tilespmem:s21], [sflag:$0x3], $0x2000, $0x38;
	[tilespmem:$0xF000] =	vst v63  }
0x20d: {  	_ =	swait.ge [sflag:s22], $0x2000  }
0x20e: {  	s6 =	sld [smem:$0x7FB];
	_ =	sdelay $0x2  }
0x20f: {  	s20 =	rddreg [dreg:$0x14];
	s19 =	sadd.s32 $0x1, s6  }
0x210: {  	p0 =	sne.s32 s19, s20  }
.Ltmp1:
0x211: {  	_ = 	snop;
	(pc) =	sbr.rel @p0 .LBB2_1-.Ltmp1, $3  }
0x212: {  	_ =	sdelay $0x1  }
0x213: {  	[sflag:s22] =	ssyncset.done $0x0  }
0x214: {  	[sflag:s22] =	ssyncadd.s32 $0xFFFFE000  }
0x215: {  	_ =	sfence.sel $0x180000  }
0x216: {  	[bflag:$0x0] =	sbarrier.arrive $0xFFFF  }
0x217: {  	_ =	strace $0x9000004D  }
0x218: {  	s0 =	stileid.u32;
	[bflag:$0x2] =	sbarrier.arrive $0xFFFF  }
0x219: {  	p0 =	sne.s32 s0, $0x0;
	s0 =	rddreg [dreg:$0x3]  }
0x21a: {  	s0 =	sadd.s32 @!p0 $0x100000, s0  }
0x21b: {  	[sflag:s0] =	ssyncadd.tile.s32 @!p0 $0x1;
	_ =	shalt  }
.Lfunc_end2:
_tile_overlayer_lowered:
.L_overlay_start_2:
0x21c: {  	(tag) =	ssettag $0x2  }
0x21d: {  	s0 =	rddreg [dreg:$0x0];
	s2 =	stileid.u32  }
0x21e: {  	s1 =	rddreg [dreg:$0x1];
	p0 =	sne.s32 s2, $0x0  }
0x21f: {  	s3 =	rddreg [dreg:$0x2];
	[bflag:$0x3] =	sbarrier.arrive $0xFFFF;
	s2 =	simm.s32 @!p0 $0x1C03  }
0x220: {  	[timem:s3], [sflag:s2] =	dma.local @!p0 [hbm:s0], s1  }
0x221: {  	s0 =	simm.s32 @!p0 $0x3  }
0x222: {  	_ =	swait.ge @!p0 [sflag:s0], s1  }
0x223: {  	s1 =	ssub.s32 @!p0 $0x0, s1;
	[sflag:s0] =	ssyncset.done @!p0 $0x0  }
0x224: {  	[sflag:s0] =	ssyncadd.s32 @!p0 s1  }
0x225: {  	[bflag:$0x3] =	sbarrier.arrive $0xFFFF  }
0x226: {  	_ =	shalt  }

// kernel: kernel.7.cloned.1.call-start
scs
__scs_entry_jumppad:
0x0: {  	(pc) =	sbr.rel $0x88, $3  }
0x1: {  	(tag) =	ssettag $0x0;
	lr =	simm.s32 $0x1  }
0x2: {  	[smem:$0x3F9B] =	sst lr;
	_ =	strace $0xD0000000  }
0x3: {  	_ = 	snop  }
0x4: {  	_ = 	snop  }
0x5: {  	_ = 	snop  }
0x6: {  	_ = 	snop  }
0x7: {  	_ = 	snop  }
__scs_overlays_trampoline_lowered:
0x8: {  	[smem:$0x3FAA] =	sst s0  }
0x9: {  	[smem:$0x3FAB] =	sst s1  }
0xa: {  	[smem:$0x3FAC] =	sst s2  }
0xb: {  	[smem:$0x3FAD] =	sst s3  }
0xc: {  	[smem:$0x3FAE] =	sst s4  }
0xd: {  	[smem:$0x3FAF] =	sst s5  }
0xe: {  	[smem:$0x3FB0] =	sst s6  }
0xf: {  	[smem:$0x3FB1] =	sst s7  }
0x10: {  	[smem:$0x3FB2] =	sst s8  }
0x11: {  	[smem:$0x3FB3] =	sst s9;
	s0 =	simm.s32 @!p0 $0x0  }
0x12: {  	s1 =	sld [smem:$0x3F99];
	s0 =	simm.s32 @p0 $0x1  }
0x13: {  	[smem:$0x3FB4] =	sst s0;
	s0 =	simm.s32 @!p1 $0x0  }
0x14: {  	s2 =	sld [smem:$0x3F98];
	s0 =	simm.s32 @p1 $0x1  }
0x15: {  	[smem:$0x3FB5] =	sst s0;
	s0 =	simm.s32 @!p2 $0x0  }
0x16: {  	s3 =	sld [smem:$0x3FDB];
	s0 =	simm.s32 @p2 $0x1  }
0x17: {  	s4 =	simm.s32 $0x1BF5;
	[smem:$0x3FB7] =	sst s0  }
0x18: {  	s0 =	sld [smem:$0x3F9A];
	_ =	swait.ge [sflag:s4], $0x0  }
0x19: {  	s7 =	sld [smem:$0x3F9B]  }
0x1a: {  	s8 =	sadd.s32 $0xFFFFE003, lr  }
0x1b: {  	s9 =	sadd.s32 $0xFFFFFEF7, lr;
	s5 =	simm.s32 $0xFFFFFFFF;
	p2 =	slt.u32 s8, $0xFFFFF086  }
0x1c: {  	p1 =	slt.u32 s9, $0xF7A;
	s5 =	simm.s32 @!p2 $0x0  }
0x1d: {  	s5 =	simm.s32 @p1 $0x1;
	p0 =	seq.s32 s7, s2  }
0x1e: {  	s7 =	smul.u32 @!p0 $0xF7A, s2;
	p2 =	seq.s32 @!p0 s5, $0x0  }
0x1f: {  	s9 =	smul.u32 $0xF7A, s1;
	s8 =	simm.s32 @!p0 $0x1BF5;
	p2 =	por !p2, p0  }
0x20: {  	[sflag:s8] =	ssyncset.s32 @!p0 $0xFFFFF086;
	s6 =	sadd.s32 @!p0 s3, s7;
	s7 =	simm.s32 @!p0 $0x108  }
0x21: {  	s3 =	sadd.s32 s3, s9;
	s6 =	sadd.s32 @!p0 $0x88, s6;
	s7 =	simm.s32 @p2 $0x1082  }
0x22: {  	[simem:s7], [sflag:s8] =	dma.local @!p0 [hbm:s6], $0xF7A  }
0x23: {  	s9 =	sor.u32 $0xD0000000, s2;
	s6 =	simm.s32 $0x108;
	_ =	swait.ge @!p0 [sflag:s8], $0x0  }
0x24: {  	s3 =	sadd.s32 $0x88, s3;
	s6 =	simm.s32 @!p1 $0x1082;
	[sflag:s4] =	ssyncset.s32 $0xFFFFF086  }
0x25: {  	[simem:s6], [sflag:s4] =	dma.local [hbm:s3], $0xF7A  }
0x26: {  	[smem:$0x3F9B] =	sst s1;
	(tag) =	ssettag s2;
	_ =	strace s9  }
0x27: {  	s1 =	sld [smem:$0x3FAB]  }
0x28: {  	s2 =	sld [smem:$0x3FAC]  }
0x29: {  	s4 =	sld [smem:$0x3FAE]  }
0x2a: {  	p0 =	seq.s32 s5, $0x0;
	s5 =	sld [smem:$0x3FAF]  }
0x2b: {  	s6 =	sld [smem:$0x3FB0]  }
0x2c: {  	s7 =	sld [smem:$0x3FB1]  }
0x2d: {  	s3 =	simm.s32 $0x108;
	s8 =	sld [smem:$0x3FB2]  }
0x2e: {  	s3 =	simm.s32 @!p0 $0x1082;
	s9 =	sld [smem:$0x3FB3]  }
0x2f: {  	lr =	sadd.s32 s0, s3;
	s0 =	sld [smem:$0x3FAA]  }
0x30: {  	s3 =	sld [smem:$0x3FAD]  }
0x31: {  	[smem:$0x3FB6] =	sst s10  }
0x32: {  	s10 =	sld [smem:$0x3FB4];
	_ =	sdelay $0x3  }
0x33: {  	p0 =	seq.s32 s10, $0x1;
	s10 =	sld [smem:$0x3FB6];
	_ =	sdelay $0x3  }
0x34: {  	[smem:$0x3FB6] =	sst s10  }
0x35: {  	s10 =	sld [smem:$0x3FB5];
	_ =	sdelay $0x3  }
0x36: {  	p1 =	seq.s32 s10, $0x1;
	s10 =	sld [smem:$0x3FB6];
	_ =	sdelay $0x3  }
0x37: {  	[smem:$0x3FB6] =	sst s10  }
0x38: {  	s10 =	sld [smem:$0x3FB7]  }
0x39: {  	_ = 	snop;
	(pc) =	sbr.ind lr, $3  }
0x3a: {  	_ = 	snop  }
0x3b: {  	_ = 	snop  }
0x3c: {  	p2 =	seq.s32 s10, $0x1;
	s10 =	sld [smem:$0x3FB6]  }
0x3d: {  	_ =	shalt  }
0x3e: {  	_ =	shalt  }
0x3f: {  	_ =	shalt  }
0x40: {  	_ =	shalt  }
0x41: {  	_ =	shalt  }
0x42: {  	_ =	shalt  }
0x43: {  	_ =	shalt  }
0x44: {  	_ =	shalt  }
0x45: {  	_ =	shalt  }
0x46: {  	_ =	shalt  }
0x47: {  	_ =	shalt  }
0x48: {  	_ =	shalt  }
0x49: {  	_ =	shalt  }
0x4a: {  	_ =	shalt  }
0x4b: {  	_ =	shalt  }
0x4c: {  	_ =	shalt  }
0x4d: {  	_ =	shalt  }
0x4e: {  	_ =	shalt  }
0x4f: {  	_ =	shalt  }
0x50: {  	_ =	shalt  }
0x51: {  	_ =	shalt  }
0x52: {  	_ =	shalt  }
0x53: {  	_ =	shalt  }
0x54: {  	_ =	shalt  }
0x55: {  	_ =	shalt  }
0x56: {  	_ =	shalt  }
0x57: {  	_ =	shalt  }
0x58: {  	_ =	shalt  }
0x59: {  	_ =	shalt  }
0x5a: {  	_ =	shalt  }
0x5b: {  	_ =	shalt  }
0x5c: {  	_ =	shalt  }
0x5d: {  	_ =	shalt  }
0x5e: {  	_ =	shalt  }
0x5f: {  	_ =	shalt  }
0x60: {  	_ =	shalt  }
0x61: {  	_ =	shalt  }
0x62: {  	_ =	shalt  }
0x63: {  	_ =	shalt  }
0x64: {  	_ =	shalt  }
0x65: {  	_ =	shalt  }
0x66: {  	_ =	shalt  }
0x67: {  	_ =	shalt  }
0x68: {  	_ =	shalt  }
0x69: {  	_ =	shalt  }
0x6a: {  	_ =	shalt  }
0x6b: {  	_ =	shalt  }
0x6c: {  	_ =	shalt  }
0x6d: {  	_ =	shalt  }
0x6e: {  	_ =	shalt  }
0x6f: {  	_ =	shalt  }
0x70: {  	_ =	shalt  }
0x71: {  	_ =	shalt  }
0x72: {  	_ =	shalt  }
0x73: {  	_ =	shalt  }
0x74: {  	_ =	shalt  }
0x75: {  	_ =	shalt  }
0x76: {  	_ =	shalt  }
0x77: {  	_ =	shalt  }
0x78: {  	_ =	shalt  }
0x79: {  	_ =	shalt  }
0x7a: {  	_ =	shalt  }
0x7b: {  	_ =	shalt  }
0x7c: {  	_ =	shalt  }
0x7d: {  	_ =	shalt  }
0x7e: {  	_ =	shalt  }
0x7f: {  	_ =	shalt  }
0x80: {  	_ =	shalt  }
0x81: {  	_ =	shalt  }
0x82: {  	_ =	shalt  }
0x83: {  	_ =	shalt  }
0x84: {  	_ =	shalt  }
0x85: {  	_ =	shalt  }
0x86: {  	_ =	shalt  }
0x87: {  	_ =	shalt  }
.Lfunc_end0:
.L_simem_size_0:
called_computation_lowered:
.L_overlay_start_0:
0x88: {  	s2 =	sld [smem:$0x3FD9]  }
0x89: {  	s3 =	sld [smem:$0x3FFE];
	_ =	sdelay $0x1  }
0x8a: {  	s1 =	srdreg.scid  }
0x8b: {  	s0 =	sand.u32 $0x1, s1  }
0x8c: {  	s16 =	sshll.u32 s0, $0xA;
	s2 =	sadd.s32 s3, s2  }
0x8d: {  	s2 =	sadd.s32 s2, s16  }
0x8e: {  	[smem:$0x3FC2] =	sst s2  }
0x8f: {  	_ = 	snop  }
0x90: {  	(tm) =	ssettm $0x1  }
0x91: {  	s17 =	sld [smem:$0x3FFB];
	_ =	sdelay $0x3  }
0x92: {  	_ =	strace s17  }
0x93: {  	s2 =	sld [smem:$0x3FFC];
	_ =	sdelay $0x3  }
0x94: {  	_ =	strace s2  }
0x95: {  	s2 =	sld [smem:$0x3FFD];
	_ =	sdelay $0x3  }
0x96: {  	_ =	strace s2  }
0x97: {  	_ =	strace $0x8FFFFFFF  }
0x98: {  	s18 =	sld [smem:$0x3FDB];
	_ =	sdelay $0x1  }
0x99: {  	s19 =	simm.s32 $_scs_section_size  }
0x9a: {  	s4 =	simm.s32 $_size__tile_overlayer_lowered;
	s5 =	simm.s32 $_tile_overlayer_lowered  }
0x9b: {  	s22 =	simm.s32 $0x1BFF;
	s21 =	sshll.u32 s5, $0x1;
	s2 =	sadd.s32 s19, s18  }
0x9c: {  	s6 =	simm.s32 $0x0;
	s20 =	sshll.u32 s4, $0x1;
	s4 =	sadd.s32 s21, s2  }
0x9d: {  	[timem:s6], [sflag:s22] =	dma.local [hbm:s4], s20  }
0x9e: {  	_ =	swait.ge [sflag:s22], s20  }
0x9f: {  	s3 =	ssub.s32 $0x0, s20;
	[sflag:s22] =	ssyncset.done $0x0  }
0xa0: {  	[sflag:s22] =	ssyncadd.s32 s3;
	_ =	sdelay $0x1  }
0xa1: {  	s23 =	simm.s32 $0x1B8B  }
0xa2: {  	_ =	swait.ge [sflag:s23], $0x1  }
0xa3: {  	[sflag:s23] =	ssyncset.done $0x0  }
0xa4: {  	s25 =	simm.s32 $0x1B8E;
	s24 =	sld [smem:$0x3FFE];
	[sflag:s23] =	ssyncadd.s32 $0xFFFFFFFF  }
0xa5: {  	s26 =	simm.s32 $execute0_lowered;
	[smem:$0x3FD2] =	sst s25  }
0xa6: {  	s4 =	sshll.u32 s26, $0x1;
	_ =	strace $0x80000046;
	[dreg:$0x1] =	wrdreg $0xFFFFFFFF  }
0xa7: {  	s28 =	simm.s32 $_size_execute0_lowered;
	s2 =	sadd.s32 s2, s4;
	[dreg:$0x0] =	wrdreg $0x0  }
0xa8: {  	s4 =	sshll.u32 s28, $0x1;
	[dreg:$0x2] =	wrdreg s2  }
0xa9: {  	[dreg:$0x3] =	wrdreg s4  }
0xaa: {  	[dreg:$0x4] =	wrdreg $0xC0  }
0xab: {  	_ =	task [dreg:s6], $0x5FFFF  }
0xac: {  	[dreg:$0x1] =	wrdreg $0xFFFFFFFF  }
0xad: {  	[dreg:$0x0] =	wrdreg $0x60  }
0xae: {  	[dreg:$0x2] =	wrdreg s24  }
0xaf: {  	[dreg:$0x3] =	wrdreg $0x28000  }
0xb0: {  	[dreg:$0x4] =	wrdreg $0x9  }
0xb1: {  	_ =	task.clear_ibuf [dreg:s6], $0x5FFFF;
	_ =	strace $0x90000046  }
0xb2: {  	s29 =	simm.s32 $0x9;
	_ =	strace $0x80000048  }
0xb3: {  	_ =	swait.ge [sflag:s29], $0x1  }
0xb4: {  	[sflag:s29] =	ssyncadd.s32 $0xFFFFFFFF  }
0xb5: {  	_ =	strace $0x90000048  }
0xb6: {  	_ =	sfence  }
0xb7: {  	s30 =	sld [smem:$0x0];
	_ =	sdelay $0x2  }
0xb8: {  	s31 =	sshll.u32 s1, $0xD;
	s1 =	sshrl.u32 s1, $0x2  }
0xb9: {  	s3 =	sand.u32 $0x4000, s31;
	s1 =	sadd.s32 s1, s30  }
0xba: {  	s0 =	sor.u32 s3, s0;
	s1 =	sshll.u32 s1, $0x11  }
0xbb: {  	s0 =	sor.u32 s1, s0  }
0xbc: {  	s0 =	sadd.s32 $0x8F2B, s0  }
0xbd: {  	[sflag:s0] =	ssyncadd.remote.s32 $0x1  }
0xbe: {  	_ =	sfence.sel $0xFFFF  }
0xbf: {  	[dreg:$0x0] =	wrdreg $0xFFFFFFFF;
	(pc) =	sbr.abs _section_cstart, $3  }
0xc0: {  	[dreg:$0x1] =	wrdreg $0xFFFFFFFF  }
0xc1: {  	_ =	task.clear_ibuf [dreg:s6], $0x2FFFF;
	_ =	strace $0x9FFFFFFF  }
0xc2: {  	(tm) =	ssettm $0x7FFFFFFF  }
0xc3: {  	_ =	shalt  }
tec
execute0_lowered:
.L_overlay_start_1:
0x0: {  	(tag) =	ssettag $0x1  }
0x1: {  	s0 =	rddreg [dreg:$0x0];
	s1 =	srdreg.scid  }
0x2: {  	s2 =	rddreg [dreg:$0x1];
	s8 =	stileid.u32  }
0x3: {  	s3 =	simm.s32 $0x0;
	s28 =	simm.s32 $0x200;
	s29 =	simm.s32 $0x280  }
0x4: {  	s30 =	simm.s32 $0x300;
	s31 =	simm.s32 $0x380;
	s5 =	smul.u32 $0x5000, s8  }
0x5: {  	s10 =	simm.s32 $0x780;
	s11 =	simm.s32 $0x0;
	s13 =	smul.u32 $0x28000, s8  }
0x6: {  	s1 =	sand.u32 $0x1, s1;
	[smem:$0x7FF] =	sst s3;
	s8 =	smul.u32 $0x280, s8  }
0x7: {  	s6 =	sadd.s32 $0x15A00, s0;
	s7 =	sadd.s32 $0x15600, s0;
	s4 =	smul.u32 $0x2800, s1  }
0x8: {  	_ =	strace $0x80000047;
	[dreg:$0x3] =	wrdreg s6;
	s1 =	ssub.s32 $0x2, s1  }
0x9: {  	[dreg:$0x4] =	wrdreg s7;
	s14 =	sshrl.u32 s1, $0x1;
	s6 =	sshrl.u32 s13, $0x2  }
0xa: {  	s20 =	sadd.s32 $0x80, s8;
	s9 =	sadd.s32 $0x100, s8;
	s24 =	sadd.s32 $0x180, s8  }
0xb: {  	s5 =	sadd.s32 s4, s5;
	s1 =	ssub.s32 s1, s14;
	s6 =	sadd.s32 s6, s2  }
0xc: {  	s16 =	sadd.s32 s4, s8;
	s21 =	sshll.u32 s20, $0x6;
	s22 =	sadd.s32 s4, s9  }
0xd: {  	s23 =	sshll.u32 s9, $0x6;
	s25 =	sshll.u32 s24, $0x6;
	s1 =	smax.u32 s1, $0x1  }
0xe: {  	s8 =	sadd.s32 $0x200, s8;
	s15 =	sadd.s32 $0x2000, s6;
	[dreg:$0x5] =	wrdreg s1  }
0xf: {  	s9 =	simm.s32 $0x700;
	s17 =	sadd.s32 $0x4000, s6;
	[dreg:$0x6] =	wrdreg s15  }
0x10: {  	s5 =	sshrl.u32 s5, $0x3;
	s18 =	sadd.s32 $0x6000, s6;
	[dreg:$0x7] =	wrdreg s17  }
0x11: {  	s19 =	sadd.s32 $0x8000, s6;
	s7 =	sadd.s32 s21, s2;
	[dreg:$0x8] =	wrdreg s18  }
0x12: {  	s26 =	sshll.u32 s8, $0x6;
	s5 =	sadd.s32 s5, s0;
	[dreg:$0x9] =	wrdreg s19  }
0x13: {  	s0 =	sadd.s32 $0x15E00, s0;
	s1 =	sshll.u32 s16, $0x3;
	[dreg:$0xb] =	wrdreg s7  }
0x14: {  	s7 =	sshll.u32 s22, $0x3;
	s17 =	sadd.s32 s25, s2;
	s19 =	sadd.s32 s26, s2  }
0x15: {  	s22 =	simm.s32 $0x800;
	s25 =	simm.s32 $0x100;
	s1 =	sadd.s32 s0, s1  }
0x16: {  	s26 =	simm.s32 $0x180;
	[dreg:$0xa] =	wrdreg s1;
	s1 =	sadd.s32 s4, s20  }
0x17: {  	s16 =	sadd.s32 s0, s7;
	s21 =	sadd.s32 $0x1600, s5;
	s1 =	sshll.u32 s1, $0x3  }
0x18: {  	s5 =	simm.s32 $0x580;
	s7 =	simm.s32 $0x600;
	s1 =	sadd.s32 s0, s1  }
0x19: {  	[dreg:$0xc] =	wrdreg s1;
	s1 =	sadd.s32 s23, s2;
	s23 =	simm.s32 $0x1  }
0x1a: {  	[dreg:$0xd] =	wrdreg s1;
	s1 =	sadd.s32 s4, s24;
	s4 =	sadd.s32 s4, s8  }
0x1b: {  	s24 =	simm.s32 $0x80;
	s1 =	sshll.u32 s1, $0x3;
	s4 =	sshll.u32 s4, $0x3  }
0x1c: {  	s8 =	simm.s32 $0x680;
	s18 =	sadd.s32 s0, s1;
	s20 =	sadd.s32 s0, s4  }
0x1d: {  	s0 =	simm.s32 $0x400;
	s1 =	simm.s32 $0x480;
	s4 =	simm.s32 $0x500  }
.LBB2_1:
0x1e: {  	s12 =	rddreg [dreg:$0x4]  }
0x1f: {  	[tilespmem:s22], [sflag:$0x1] =	stream.linear.gather [hbm4b:s12+s3], $0x2000, $0x38;
	[tilespmem:$0xC800] =	vst v63  }
0x20: {  	_ =	swait.ge [sflag:s23], $0x2000  }
0x21: {  	[sflag:s23] =	ssyncset.done $0x0  }
0x22: {  	[sflag:s23] =	ssyncadd.s32 $0xFFFFE000  }
0x23: {  	[spmem:s6] =	stream.linear.scatter [tilespmem:s22], [sflag:$0x1], $0x2000, $0x38;
	[tilespmem:$0xC800] =	vst v63  }
0x24: {  	_ =	swait.ge [sflag:s23], $0x2000  }
0x25: {  	[sflag:s23] =	ssyncset.done $0x0  }
0x26: {  	s13 =	rddreg [dreg:$0x6];
	[sflag:s23] =	ssyncadd.s32 $0xFFFFE000  }
0x27: {  	[spmem:s13] =	stream.linear.scatter [tilespmem:s22], [sflag:$0x1], $0x2000, $0x38;
	[tilespmem:$0xC800] =	vst v63  }
0x28: {  	_ =	swait.ge [sflag:s23], $0x2000  }
0x29: {  	[sflag:s23] =	ssyncset.done $0x0  }
0x2a: {  	s14 =	rddreg [dreg:$0x7];
	[sflag:s23] =	ssyncadd.s32 $0xFFFFE000  }
0x2b: {  	[spmem:s14] =	stream.linear.scatter [tilespmem:s22], [sflag:$0x1], $0x2000, $0x38;
	[tilespmem:$0xC800] =	vst v63  }
0x2c: {  	_ =	swait.ge [sflag:s23], $0x2000  }
0x2d: {  	[sflag:s23] =	ssyncset.done $0x0  }
0x2e: {  	s15 =	rddreg [dreg:$0x8];
	[sflag:s23] =	ssyncadd.s32 $0xFFFFE000  }
0x2f: {  	[spmem:s15] =	stream.linear.scatter [tilespmem:s22], [sflag:$0x1], $0x2000, $0x38;
	[tilespmem:$0xC800] =	vst v63  }
0x30: {  	_ =	swait.ge [sflag:s23], $0x2000  }
0x31: {  	[sflag:s23] =	ssyncset.done $0x0  }
0x32: {  	s13 =	rddreg [dreg:$0x9];
	[sflag:s23] =	ssyncadd.s32 $0xFFFFE000  }
0x33: {  	[spmem:s13] =	stream.linear.scatter [tilespmem:s22], [sflag:$0x1], $0x2000, $0x38;
	[tilespmem:$0xC800] =	vst v63  }
0x34: {  	_ =	swait.ge [sflag:s23], $0x2000  }
0x35: {  	[sflag:s23] =	ssyncset.done $0x0  }
0x36: {  	[sflag:s23] =	ssyncadd.s32 $0xFFFFE000  }
0x37: {  	[bflag:$0x0] =	sbarrier.arrive $0xFFFF  }
0x38: {  	s14 =	rddreg [dreg:$0x3]  }
0x39: {  	[tilespmem:s22], [sflag:$0x1] =	stream.linear.gather [hbm4b:s14+s3], $0x2000, $0x38;
	[tilespmem:$0xC800] =	vst v63  }
0x3a: {  	_ =	swait.ge [sflag:s23], $0x2000  }
0x3b: {  	[sflag:s23] =	ssyncset.done $0x0  }
0x3c: {  	s15 =	sadd.s32 $0x0, s21;
	[sflag:s23] =	ssyncadd.s32 $0xFFFFE000  }
0x3d: {  	[tilespmem:s3], [sflag:$0x1] =	stream.linear.gather [hbm4b:s15+s3], $0x800, $0x38;
	[tilespmem:$0xC800] =	vst v63  }
0x3e: {  	_ =	swait.ge [sflag:s23], $0x800  }
0x3f: {  	[sflag:s23] =	ssyncset.done $0x0  }
0x40: {  	[sflag:s23] =	ssyncadd.s32 $0xFFFFF800  }
0x41: {  	[spmem:s2] =	stream.indirect.scatter.add.f32 [tilespmem:s22], [sflag:$0x1], $0x40, s3, s24, $0xb8;
	[tilespmem:$0xC800] =	vst v63  }
0x42: {  	_ =	swait.ge [sflag:s23], $0x2000  }
0x43: {  	[sflag:s23] =	ssyncset.done $0x0  }
0x44: {  	[sflag:s23] =	ssyncadd.s32 $0xFFFFE000  }
0x45: {  	[spmem:s2] =	stream.indirect.scatter.add.f32 [tilespmem:s22], [sflag:$0x1], $0x40, s24, s24, $0xb8;
	[tilespmem:$0xC800] =	vst v63  }
0x46: {  	_ =	swait.ge [sflag:s23], $0x2000  }
0x47: {  	[sflag:s23] =	ssyncset.done $0x0  }
0x48: {  	[sflag:s23] =	ssyncadd.s32 $0xFFFFE000  }
0x49: {  	[spmem:s2] =	stream.indirect.scatter.add.f32 [tilespmem:s22], [sflag:$0x1], $0x40, s25, s24, $0xb8;
	[tilespmem:$0xC800] =	vst v63  }
0x4a: {  	_ =	swait.ge [sflag:s23], $0x2000  }
0x4b: {  	[sflag:s23] =	ssyncset.done $0x0  }
0x4c: {  	[sflag:s23] =	ssyncadd.s32 $0xFFFFE000  }
0x4d: {  	[spmem:s2] =	stream.indirect.scatter.add.f32 [tilespmem:s22], [sflag:$0x1], $0x40, s26, s24, $0xb8;
	[tilespmem:$0xC800] =	vst v63  }
0x4e: {  	_ =	swait.ge [sflag:s23], $0x2000  }
0x4f: {  	[sflag:s23] =	ssyncset.done $0x0  }
0x50: {  	[sflag:s23] =	ssyncadd.s32 $0xFFFFE000  }
0x51: {  	[spmem:s2] =	stream.indirect.scatter.add.f32 [tilespmem:s22], [sflag:$0x1], $0x40, s28, s24, $0xb8;
	[tilespmem:$0xC800] =	vst v63  }
0x52: {  	_ =	swait.ge [sflag:s23], $0x2000  }
0x53: {  	[sflag:s23] =	ssyncset.done $0x0  }
0x54: {  	[sflag:s23] =	ssyncadd.s32 $0xFFFFE000  }
0x55: {  	[spmem:s2] =	stream.indirect.scatter.add.f32 [tilespmem:s22], [sflag:$0x1], $0x40, s29, s24, $0xb8;
	[tilespmem:$0xC800] =	vst v63  }
0x56: {  	_ =	swait.ge [sflag:s23], $0x2000  }
0x57: {  	[sflag:s23] =	ssyncset.done $0x0  }
0x58: {  	[sflag:s23] =	ssyncadd.s32 $0xFFFFE000  }
0x59: {  	[spmem:s2] =	stream.indirect.scatter.add.f32 [tilespmem:s22], [sflag:$0x1], $0x40, s30, s24, $0xb8;
	[tilespmem:$0xC800] =	vst v63  }
0x5a: {  	_ =	swait.ge [sflag:s23], $0x2000  }
0x5b: {  	[sflag:s23] =	ssyncset.done $0x0  }
0x5c: {  	[sflag:s23] =	ssyncadd.s32 $0xFFFFE000  }
0x5d: {  	[spmem:s2] =	stream.indirect.scatter.add.f32 [tilespmem:s22], [sflag:$0x1], $0x40, s31, s24, $0xb8;
	[tilespmem:$0xC800] =	vst v63  }
0x5e: {  	_ =	swait.ge [sflag:s23], $0x2000  }
0x5f: {  	[sflag:s23] =	ssyncset.done $0x0  }
0x60: {  	[sflag:s23] =	ssyncadd.s32 $0xFFFFE000  }
0x61: {  	[spmem:s2] =	stream.indirect.scatter.add.f32 [tilespmem:s22], [sflag:$0x1], $0x40, s0, s24, $0xb8;
	[tilespmem:$0xC800] =	vst v63  }
0x62: {  	_ =	swait.ge [sflag:s23], $0x2000  }
0x63: {  	[sflag:s23] =	ssyncset.done $0x0  }
0x64: {  	[sflag:s23] =	ssyncadd.s32 $0xFFFFE000  }
0x65: {  	[spmem:s2] =	stream.indirect.scatter.add.f32 [tilespmem:s22], [sflag:$0x1], $0x40, s1, s24, $0xb8;
	[tilespmem:$0xC800] =	vst v63  }
0x66: {  	_ =	swait.ge [sflag:s23], $0x2000  }
0x67: {  	[sflag:s23] =	ssyncset.done $0x0  }
0x68: {  	[sflag:s23] =	ssyncadd.s32 $0xFFFFE000  }
0x69: {  	[spmem:s2] =	stream.indirect.scatter.add.f32 [tilespmem:s22], [sflag:$0x1], $0x40, s4, s24, $0xb8;
	[tilespmem:$0xC800] =	vst v63  }
0x6a: {  	_ =	swait.ge [sflag:s23], $0x2000  }
0x6b: {  	[sflag:s23] =	ssyncset.done $0x0  }
0x6c: {  	[sflag:s23] =	ssyncadd.s32 $0xFFFFE000  }
0x6d: {  	[spmem:s2] =	stream.indirect.scatter.add.f32 [tilespmem:s22], [sflag:$0x1], $0x40, s5, s24, $0xb8;
	[tilespmem:$0xC800] =	vst v63  }
0x6e: {  	_ =	swait.ge [sflag:s23], $0x2000  }
0x6f: {  	[sflag:s23] =	ssyncset.done $0x0  }
0x70: {  	[sflag:s23] =	ssyncadd.s32 $0xFFFFE000  }
0x71: {  	[spmem:s2] =	stream.indirect.scatter.add.f32 [tilespmem:s22], [sflag:$0x1], $0x40, s7, s24, $0xb8;
	[tilespmem:$0xC800] =	vst v63  }
0x72: {  	_ =	swait.ge [sflag:s23], $0x2000  }
0x73: {  	[sflag:s23] =	ssyncset.done $0x0  }
0x74: {  	[sflag:s23] =	ssyncadd.s32 $0xFFFFE000  }
0x75: {  	[spmem:s2] =	stream.indirect.scatter.add.f32 [tilespmem:s22], [sflag:$0x1], $0x40, s8, s24, $0xb8;
	[tilespmem:$0xC800] =	vst v63  }
0x76: {  	_ =	swait.ge [sflag:s23], $0x2000  }
0x77: {  	[sflag:s23] =	ssyncset.done $0x0  }
0x78: {  	[sflag:s23] =	ssyncadd.s32 $0xFFFFE000  }
0x79: {  	[spmem:s2] =	stream.indirect.scatter.add.f32 [tilespmem:s22], [sflag:$0x1], $0x40, s9, s24, $0xb8;
	[tilespmem:$0xC800] =	vst v63  }
0x7a: {  	_ =	swait.ge [sflag:s23], $0x2000  }
0x7b: {  	[sflag:s23] =	ssyncset.done $0x0  }
0x7c: {  	[sflag:s23] =	ssyncadd.s32 $0xFFFFE000  }
0x7d: {  	[spmem:s2] =	stream.indirect.scatter.add.f32 [tilespmem:s22], [sflag:$0x1], $0x40, s10, s24, $0xb8;
	[tilespmem:$0xC800] =	vst v63  }
0x7e: {  	_ =	swait.ge [sflag:s23], $0x2000  }
0x7f: {  	s12 =	simm.s32 $0x100;
	s13 =	simm.s32 $0x200;
	[sflag:s23] =	ssyncset.done $0x0  }
.LBB2_2:
0x80: {  	s15 =	sadd.s32 s12, s21  }
0x81: {  	[sflag:s23] =	ssyncadd.s32 $0xFFFFE000;
	s12 =	smov.u32 s13;
	s14 =	sadd.s32 $0x100, s13  }
0x82: {  	[tilespmem:s3], [sflag:$0x1] =	stream.linear.gather [hbm4b:s15+s3], $0x800, $0x38;
	[tilespmem:$0xC800] =	vst v63  }
0x83: {  	p0 =	sne.s32 s13, $0x400;
	_ =	swait.ge [sflag:s23], $0x800  }
0x84: {  	[sflag:s23] =	ssyncset.done $0x0  }
0x85: {  	[sflag:s23] =	ssyncadd.s32 $0xFFFFF800  }
0x86: {  	[spmem:s2] =	stream.indirect.scatter.add.f32 [tilespmem:s22], [sflag:$0x1], $0x40, s3, s24, $0xb8;
	[tilespmem:$0xC800] =	vst v63  }
0x87: {  	_ =	swait.ge [sflag:s23], $0x2000  }
0x88: {  	[sflag:s23] =	ssyncset.done $0x0  }
0x89: {  	[sflag:s23] =	ssyncadd.s32 $0xFFFFE000  }
0x8a: {  	[spmem:s2] =	stream.indirect.scatter.add.f32 [tilespmem:s22], [sflag:$0x1], $0x40, s24, s24, $0xb8;
	[tilespmem:$0xC800] =	vst v63  }
0x8b: {  	_ =	swait.ge [sflag:s23], $0x2000  }
0x8c: {  	[sflag:s23] =	ssyncset.done $0x0  }
0x8d: {  	[sflag:s23] =	ssyncadd.s32 $0xFFFFE000  }
0x8e: {  	[spmem:s2] =	stream.indirect.scatter.add.f32 [tilespmem:s22], [sflag:$0x1], $0x40, s25, s24, $0xb8;
	[tilespmem:$0xC800] =	vst v63  }
0x8f: {  	_ =	swait.ge [sflag:s23], $0x2000  }
0x90: {  	[sflag:s23] =	ssyncset.done $0x0  }
0x91: {  	[sflag:s23] =	ssyncadd.s32 $0xFFFFE000  }
0x92: {  	[spmem:s2] =	stream.indirect.scatter.add.f32 [tilespmem:s22], [sflag:$0x1], $0x40, s26, s24, $0xb8;
	[tilespmem:$0xC800] =	vst v63  }
0x93: {  	_ =	swait.ge [sflag:s23], $0x2000  }
0x94: {  	[sflag:s23] =	ssyncset.done $0x0  }
0x95: {  	[sflag:s23] =	ssyncadd.s32 $0xFFFFE000  }
0x96: {  	[spmem:s2] =	stream.indirect.scatter.add.f32 [tilespmem:s22], [sflag:$0x1], $0x40, s28, s24, $0xb8;
	[tilespmem:$0xC800] =	vst v63  }
0x97: {  	_ =	swait.ge [sflag:s23], $0x2000  }
0x98: {  	[sflag:s23] =	ssyncset.done $0x0  }
0x99: {  	[sflag:s23] =	ssyncadd.s32 $0xFFFFE000  }
0x9a: {  	[spmem:s2] =	stream.indirect.scatter.add.f32 [tilespmem:s22], [sflag:$0x1], $0x40, s29, s24, $0xb8;
	[tilespmem:$0xC800] =	vst v63  }
0x9b: {  	_ =	swait.ge [sflag:s23], $0x2000  }
0x9c: {  	[sflag:s23] =	ssyncset.done $0x0  }
0x9d: {  	[sflag:s23] =	ssyncadd.s32 $0xFFFFE000  }
0x9e: {  	[spmem:s2] =	stream.indirect.scatter.add.f32 [tilespmem:s22], [sflag:$0x1], $0x40, s30, s24, $0xb8;
	[tilespmem:$0xC800] =	vst v63  }
0x9f: {  	_ =	swait.ge [sflag:s23], $0x2000  }
0xa0: {  	[sflag:s23] =	ssyncset.done $0x0  }
0xa1: {  	[sflag:s23] =	ssyncadd.s32 $0xFFFFE000  }
0xa2: {  	[spmem:s2] =	stream.indirect.scatter.add.f32 [tilespmem:s22], [sflag:$0x1], $0x40, s31, s24, $0xb8;
	[tilespmem:$0xC800] =	vst v63  }
0xa3: {  	_ =	swait.ge [sflag:s23], $0x2000  }
0xa4: {  	[sflag:s23] =	ssyncset.done $0x0  }
0xa5: {  	[sflag:s23] =	ssyncadd.s32 $0xFFFFE000  }
0xa6: {  	[spmem:s2] =	stream.indirect.scatter.add.f32 [tilespmem:s22], [sflag:$0x1], $0x40, s0, s24, $0xb8;
	[tilespmem:$0xC800] =	vst v63  }
0xa7: {  	_ =	swait.ge [sflag:s23], $0x2000  }
0xa8: {  	[sflag:s23] =	ssyncset.done $0x0  }
0xa9: {  	[sflag:s23] =	ssyncadd.s32 $0xFFFFE000  }
0xaa: {  	[spmem:s2] =	stream.indirect.scatter.add.f32 [tilespmem:s22], [sflag:$0x1], $0x40, s1, s24, $0xb8;
	[tilespmem:$0xC800] =	vst v63  }
0xab: {  	_ =	swait.ge [sflag:s23], $0x2000  }
0xac: {  	[sflag:s23] =	ssyncset.done $0x0  }
0xad: {  	[sflag:s23] =	ssyncadd.s32 $0xFFFFE000  }
0xae: {  	[spmem:s2] =	stream.indirect.scatter.add.f32 [tilespmem:s22], [sflag:$0x1], $0x40, s4, s24, $0xb8;
	[tilespmem:$0xC800] =	vst v63  }
0xaf: {  	_ =	swait.ge [sflag:s23], $0x2000  }
0xb0: {  	[sflag:s23] =	ssyncset.done $0x0  }
0xb1: {  	[sflag:s23] =	ssyncadd.s32 $0xFFFFE000  }
0xb2: {  	[spmem:s2] =	stream.indirect.scatter.add.f32 [tilespmem:s22], [sflag:$0x1], $0x40, s5, s24, $0xb8;
	[tilespmem:$0xC800] =	vst v63  }
0xb3: {  	_ =	swait.ge [sflag:s23], $0x2000  }
0xb4: {  	[sflag:s23] =	ssyncset.done $0x0  }
0xb5: {  	[sflag:s23] =	ssyncadd.s32 $0xFFFFE000  }
0xb6: {  	[spmem:s2] =	stream.indirect.scatter.add.f32 [tilespmem:s22], [sflag:$0x1], $0x40, s7, s24, $0xb8;
	[tilespmem:$0xC800] =	vst v63  }
0xb7: {  	_ =	swait.ge [sflag:s23], $0x2000  }
0xb8: {  	[sflag:s23] =	ssyncset.done $0x0  }
0xb9: {  	[sflag:s23] =	ssyncadd.s32 $0xFFFFE000  }
0xba: {  	[spmem:s2] =	stream.indirect.scatter.add.f32 [tilespmem:s22], [sflag:$0x1], $0x40, s8, s24, $0xb8;
	[tilespmem:$0xC800] =	vst v63  }
0xbb: {  	_ =	swait.ge [sflag:s23], $0x2000  }
0xbc: {  	[sflag:s23] =	ssyncset.done $0x0  }
0xbd: {  	[sflag:s23] =	ssyncadd.s32 $0xFFFFE000  }
0xbe: {  	[spmem:s2] =	stream.indirect.scatter.add.f32 [tilespmem:s22], [sflag:$0x1], $0x40, s9, s24, $0xb8;
	[tilespmem:$0xC800] =	vst v63  }
0xbf: {  	_ =	swait.ge [sflag:s23], $0x2000  }
.Ltmp0:
0xc0: {  	[sflag:s23] =	ssyncset.done $0x0;
	(pc) =	sbr.rel @p0 .LBB2_2-.Ltmp0, $4  }
0xc1: {  	[sflag:s23] =	ssyncadd.s32 $0xFFFFE000  }
0xc2: {  	[spmem:s2] =	stream.indirect.scatter.add.f32 [tilespmem:s22], [sflag:$0x1], $0x40, s10, s24, $0xb8;
	[tilespmem:$0xC800] =	vst v63  }
0xc3: {  	_ =	swait.ge [sflag:s23], $0x2000  }
0xc4: {  	s13 =	smov.u32 s14;
	[sflag:s23] =	ssyncset.done $0x0  }
0xc5: {  	s12 =	sadd.s32 s12, s21;
	[sflag:s23] =	ssyncadd.s32 $0xFFFFE000  }
0xc6: {  	[tilespmem:s3], [sflag:$0x1] =	stream.linear.gather [hbm4b:s12+s3], $0x800, $0x38;
	[tilespmem:$0xC800] =	vst v63  }
0xc7: {  	_ =	swait.ge [sflag:s23], $0x800  }
0xc8: {  	[sflag:s23] =	ssyncset.done $0x0  }
0xc9: {  	[sflag:s23] =	ssyncadd.s32 $0xFFFFF800  }
0xca: {  	[spmem:s2] =	stream.indirect.scatter.add.f32 [tilespmem:s22], [sflag:$0x1], $0x40, s3, s24, $0xb8;
	[tilespmem:$0xC800] =	vst v63  }
0xcb: {  	_ =	swait.ge [sflag:s23], $0x2000  }
0xcc: {  	[sflag:s23] =	ssyncset.done $0x0  }
0xcd: {  	[sflag:s23] =	ssyncadd.s32 $0xFFFFE000  }
0xce: {  	[spmem:s2] =	stream.indirect.scatter.add.f32 [tilespmem:s22], [sflag:$0x1], $0x40, s24, s24, $0xb8;
	[tilespmem:$0xC800] =	vst v63  }
0xcf: {  	_ =	swait.ge [sflag:s23], $0x2000  }
0xd0: {  	[sflag:s23] =	ssyncset.done $0x0  }
0xd1: {  	[sflag:s23] =	ssyncadd.s32 $0xFFFFE000  }
0xd2: {  	[spmem:s2] =	stream.indirect.scatter.add.f32 [tilespmem:s22], [sflag:$0x1], $0x40, s25, s24, $0xb8;
	[tilespmem:$0xC800] =	vst v63  }
0xd3: {  	_ =	swait.ge [sflag:s23], $0x2000  }
0xd4: {  	[sflag:s23] =	ssyncset.done $0x0  }
0xd5: {  	[sflag:s23] =	ssyncadd.s32 $0xFFFFE000  }
0xd6: {  	[spmem:s2] =	stream.indirect.scatter.add.f32 [tilespmem:s22], [sflag:$0x1], $0x40, s26, s24, $0xb8;
	[tilespmem:$0xC800] =	vst v63  }
0xd7: {  	_ =	swait.ge [sflag:s23], $0x2000  }
0xd8: {  	[sflag:s23] =	ssyncset.done $0x0  }
0xd9: {  	[sflag:s23] =	ssyncadd.s32 $0xFFFFE000  }
0xda: {  	[spmem:s2] =	stream.indirect.scatter.add.f32 [tilespmem:s22], [sflag:$0x1], $0x40, s28, s24, $0xb8;
	[tilespmem:$0xC800] =	vst v63  }
0xdb: {  	_ =	swait.ge [sflag:s23], $0x2000  }
0xdc: {  	[sflag:s23] =	ssyncset.done $0x0  }
0xdd: {  	[sflag:s23] =	ssyncadd.s32 $0xFFFFE000  }
0xde: {  	[spmem:s2] =	stream.indirect.scatter.add.f32 [tilespmem:s22], [sflag:$0x1], $0x40, s29, s24, $0xb8;
	[tilespmem:$0xC800] =	vst v63  }
0xdf: {  	_ =	swait.ge [sflag:s23], $0x2000  }
0xe0: {  	[sflag:s23] =	ssyncset.done $0x0  }
0xe1: {  	[sflag:s23] =	ssyncadd.s32 $0xFFFFE000  }
0xe2: {  	[spmem:s2] =	stream.indirect.scatter.add.f32 [tilespmem:s22], [sflag:$0x1], $0x40, s30, s24, $0xb8;
	[tilespmem:$0xC800] =	vst v63  }
0xe3: {  	_ =	swait.ge [sflag:s23], $0x2000  }
0xe4: {  	[sflag:s23] =	ssyncset.done $0x0  }
0xe5: {  	[sflag:s23] =	ssyncadd.s32 $0xFFFFE000  }
0xe6: {  	[spmem:s2] =	stream.indirect.scatter.add.f32 [tilespmem:s22], [sflag:$0x1], $0x40, s31, s24, $0xb8;
	[tilespmem:$0xC800] =	vst v63  }
0xe7: {  	_ =	swait.ge [sflag:s23], $0x2000  }
0xe8: {  	[sflag:s23] =	ssyncset.done $0x0  }
0xe9: {  	[sflag:s23] =	ssyncadd.s32 $0xFFFFE000  }
0xea: {  	[spmem:s2] =	stream.indirect.scatter.add.f32 [tilespmem:s22], [sflag:$0x1], $0x40, s0, s24, $0xb8;
	[tilespmem:$0xC800] =	vst v63  }
0xeb: {  	_ =	swait.ge [sflag:s23], $0x2000  }
0xec: {  	[sflag:s23] =	ssyncset.done $0x0  }
0xed: {  	[sflag:s23] =	ssyncadd.s32 $0xFFFFE000  }
0xee: {  	[spmem:s2] =	stream.indirect.scatter.add.f32 [tilespmem:s22], [sflag:$0x1], $0x40, s1, s24, $0xb8;
	[tilespmem:$0xC800] =	vst v63  }
0xef: {  	_ =	swait.ge [sflag:s23], $0x2000  }
0xf0: {  	[sflag:s23] =	ssyncset.done $0x0  }
0xf1: {  	[sflag:s23] =	ssyncadd.s32 $0xFFFFE000  }
0xf2: {  	[spmem:s2] =	stream.indirect.scatter.add.f32 [tilespmem:s22], [sflag:$0x1], $0x40, s4, s24, $0xb8;
	[tilespmem:$0xC800] =	vst v63  }
0xf3: {  	_ =	swait.ge [sflag:s23], $0x2000  }
0xf4: {  	[sflag:s23] =	ssyncset.done $0x0  }
0xf5: {  	[sflag:s23] =	ssyncadd.s32 $0xFFFFE000  }
0xf6: {  	[spmem:s2] =	stream.indirect.scatter.add.f32 [tilespmem:s22], [sflag:$0x1], $0x40, s5, s24, $0xb8;
	[tilespmem:$0xC800] =	vst v63  }
0xf7: {  	_ =	swait.ge [sflag:s23], $0x2000  }
0xf8: {  	[sflag:s23] =	ssyncset.done $0x0  }
0xf9: {  	[sflag:s23] =	ssyncadd.s32 $0xFFFFE000  }
0xfa: {  	[spmem:s2] =	stream.indirect.scatter.add.f32 [tilespmem:s22], [sflag:$0x1], $0x40, s7, s24, $0xb8;
	[tilespmem:$0xC800] =	vst v63  }
0xfb: {  	_ =	swait.ge [sflag:s23], $0x2000  }
0xfc: {  	[sflag:s23] =	ssyncset.done $0x0  }
0xfd: {  	[sflag:s23] =	ssyncadd.s32 $0xFFFFE000  }
0xfe: {  	[spmem:s2] =	stream.indirect.scatter.add.f32 [tilespmem:s22], [sflag:$0x1], $0x40, s8, s24, $0xb8;
	[tilespmem:$0xC800] =	vst v63  }
0xff: {  	_ =	swait.ge [sflag:s23], $0x2000  }
0x100: {  	[sflag:s23] =	ssyncset.done $0x0  }
0x101: {  	[sflag:s23] =	ssyncadd.s32 $0xFFFFE000  }
0x102: {  	[spmem:s2] =	stream.indirect.scatter.add.f32 [tilespmem:s22], [sflag:$0x1], $0x40, s9, s24, $0xb8;
	[tilespmem:$0xC800] =	vst v63  }
0x103: {  	_ =	swait.ge [sflag:s23], $0x2000  }
0x104: {  	[sflag:s23] =	ssyncset.done $0x0  }
0x105: {  	[sflag:s23] =	ssyncadd.s32 $0xFFFFE000  }
0x106: {  	[spmem:s2] =	stream.indirect.scatter.add.f32 [tilespmem:s22], [sflag:$0x1], $0x40, s10, s24, $0xb8;
	[tilespmem:$0xC800] =	vst v63  }
0x107: {  	_ =	swait.ge [sflag:s23], $0x2000  }
0x108: {  	[sflag:s23] =	ssyncset.done $0x0  }
0x109: {  	[sflag:s23] =	ssyncadd.s32 $0xFFFFE000  }
0x10a: {  	[bflag:$0x0] =	sbarrier.arrive $0xFFFF  }
0x10b: {  	[tilespmem:s22], [sflag:$0x1] =	stream.linear.gather [spmem:s6], $0x2000, $0x38;
	[tilespmem:$0xC800] =	vst v63  }
0x10c: {  	_ =	swait.ge [sflag:s23], $0x2000  }
0x10d: {  	[sflag:s23] =	ssyncset.done $0x0  }
0x10e: {  	s14 =	rddreg [dreg:$0xa];
	[sflag:s23] =	ssyncadd.s32 $0xFFFFE000  }
0x10f: {  	[hbm4b:s14+s3] =	stream.linear.scatter [tilespmem:s22], [sflag:$0x1], $0x2000, $0x38;
	[tilespmem:$0xC800] =	vst v63  }
0x110: {  	_ =	swait.ge [sflag:s23], $0x2000  }
0x111: {  	[sflag:s23] =	ssyncset.done $0x0  }
0x112: {  	s15 =	rddreg [dreg:$0xb];
	[sflag:s23] =	ssyncadd.s32 $0xFFFFE000  }
0x113: {  	[tilespmem:s22], [sflag:$0x1] =	stream.linear.gather [spmem:s15], $0x2000, $0x38;
	[tilespmem:$0xC800] =	vst v63  }
0x114: {  	_ =	swait.ge [sflag:s23], $0x2000  }
0x115: {  	[sflag:s23] =	ssyncset.done $0x0  }
0x116: {  	s13 =	rddreg [dreg:$0xc];
	[sflag:s23] =	ssyncadd.s32 $0xFFFFE000  }
0x117: {  	[hbm4b:s13+s3] =	stream.linear.scatter [tilespmem:s22], [sflag:$0x1], $0x2000, $0x38;
	[tilespmem:$0xC800] =	vst v63  }
0x118: {  	_ =	swait.ge [sflag:s23], $0x2000  }
0x119: {  	[sflag:s23] =	ssyncset.done $0x0  }
0x11a: {  	s14 =	rddreg [dreg:$0xd];
	[sflag:s23] =	ssyncadd.s32 $0xFFFFE000  }
0x11b: {  	[tilespmem:s22], [sflag:$0x1] =	stream.linear.gather [spmem:s14], $0x2000, $0x38;
	[tilespmem:$0xC800] =	vst v63  }
0x11c: {  	_ =	swait.ge [sflag:s23], $0x2000  }
0x11d: {  	[sflag:s23] =	ssyncset.done $0x0  }
0x11e: {  	[sflag:s23] =	ssyncadd.s32 $0xFFFFE000  }
0x11f: {  	[hbm4b:s16+s3] =	stream.linear.scatter [tilespmem:s22], [sflag:$0x1], $0x2000, $0x38;
	[tilespmem:$0xC800] =	vst v63  }
0x120: {  	_ =	swait.ge [sflag:s23], $0x2000  }
0x121: {  	[sflag:s23] =	ssyncset.done $0x0  }
0x122: {  	[sflag:s23] =	ssyncadd.s32 $0xFFFFE000  }
0x123: {  	[tilespmem:s22], [sflag:$0x1] =	stream.linear.gather [spmem:s17], $0x2000, $0x38;
	[tilespmem:$0xC800] =	vst v63  }
0x124: {  	_ =	swait.ge [sflag:s23], $0x2000  }
0x125: {  	[sflag:s23] =	ssyncset.done $0x0  }
0x126: {  	[sflag:s23] =	ssyncadd.s32 $0xFFFFE000  }
0x127: {  	[hbm4b:s18+s3] =	stream.linear.scatter [tilespmem:s22], [sflag:$0x1], $0x2000, $0x38;
	[tilespmem:$0xC800] =	vst v63  }
0x128: {  	_ =	swait.ge [sflag:s23], $0x2000  }
0x129: {  	[sflag:s23] =	ssyncset.done $0x0  }
0x12a: {  	[sflag:s23] =	ssyncadd.s32 $0xFFFFE000  }
0x12b: {  	[tilespmem:s22], [sflag:$0x1] =	stream.linear.gather [spmem:s19], $0x2000, $0x38;
	[tilespmem:$0xC800] =	vst v63  }
0x12c: {  	_ =	swait.ge [sflag:s23], $0x2000  }
0x12d: {  	[sflag:s23] =	ssyncset.done $0x0  }
0x12e: {  	[sflag:s23] =	ssyncadd.s32 $0xFFFFE000  }
0x12f: {  	[hbm4b:s20+s3] =	stream.linear.scatter [tilespmem:s22], [sflag:$0x1], $0x2000, $0x38;
	[tilespmem:$0xC800] =	vst v63  }
0x130: {  	_ =	swait.ge [sflag:s23], $0x2000  }
0x131: {  	s11 =	sadd.s32 $0x1, s11;
	s15 =	rddreg [dreg:$0x5]  }
0x132: {  	p0 =	sne.s32 s11, s15  }
.Ltmp1:
0x133: {  	_ = 	snop;
	(pc) =	sbr.rel @p0 .LBB2_1-.Ltmp1, $3  }
0x134: {  	_ =	sdelay $0x1  }
0x135: {  	[sflag:s23] =	ssyncset.done $0x0  }
0x136: {  	[sflag:s23] =	ssyncadd.s32 $0xFFFFE000  }
0x137: {  	_ =	sfence.sel $0x180000  }
0x138: {  	[bflag:$0x0] =	sbarrier.arrive $0xFFFF  }
0x139: {  	_ =	strace $0x90000047  }
0x13a: {  	s0 =	stileid.u32;
	[bflag:$0x2] =	sbarrier.arrive $0xFFFF  }
0x13b: {  	p0 =	sne.s32 s0, $0x0;
	s0 =	rddreg [dreg:$0x2]  }
0x13c: {  	s0 =	sadd.s32 @!p0 $0x100000, s0  }
0x13d: {  	[sflag:s0] =	ssyncadd.tile.s32 @!p0 $0x1;
	_ =	shalt  }
.Lfunc_end2:
_tile_overlayer_lowered:
.L_overlay_start_2:
0x13e: {  	(tag) =	ssettag $0x2  }
0x13f: {  	s0 =	rddreg [dreg:$0x0];
	s2 =	stileid.u32  }
0x140: {  	s1 =	rddreg [dreg:$0x1];
	p0 =	sne.s32 s2, $0x0  }
0x141: {  	s3 =	rddreg [dreg:$0x2];
	[bflag:$0x3] =	sbarrier.arrive $0xFFFF;
	s2 =	simm.s32 @!p0 $0x1C01  }
0x142: {  	[timem:s3], [sflag:s2] =	dma.local @!p0 [hbm:s0], s1  }
0x143: {  	s0 =	simm.s32 @!p0 $0x1  }
0x144: {  	_ =	swait.ge @!p0 [sflag:s0], s1  }
0x145: {  	s1 =	ssub.s32 @!p0 $0x0, s1;
	[sflag:s0] =	ssyncset.done @!p0 $0x0  }
0x146: {  	[sflag:s0] =	ssyncadd.s32 @!p0 s1  }
0x147: {  	[bflag:$0x3] =	sbarrier.arrive $0xFFFF  }
0x148: {  	_ =	shalt  }

</sc_bundles>
